<compile_context>
chip_gen: v7x
topology: tpu7x:2x2x1
jax: 0.10.2.dev20260603
libtpu: 0.0.44.dev20260713+nightly
codegen_flags: <defaults>
</compile_context>

<pallas_src>
import functools

import jax
import jax.numpy as jnp
from jax import lax
from jax.experimental import pallas as pl
from jax.experimental.pallas import tpu as pltpu
from jax.experimental.pallas import tpu_sc as plsc

N = 10000
E = 320000
D_IN = 128
D_H = 128
D_Z = 32

NC = 2
NS = 16
NW = NC * NS
EB = 128
NB_W = 80
NBLK = E // EB
NB_LAST = NBLK - (NW - 1) * NB_W
NP = 10240
RPT = 640

BR = 2000


def _worker_id():
    return lax.axis_index("s") * NC + lax.axis_index("c")


def _deg_sc(eib, deg_out, didx, ones_v, tmpd, acc, sem):
    c = lax.axis_index("c")
    s = lax.axis_index("s")
    w = _worker_id()
    off = pl.multiple_of(s * RPT, 8)

    def zfill(i, carry):
        tmpd[pl.ds(i * 16, 16)] = jnp.zeros((16,), jnp.float32)
        return carry
    lax.fori_loop(0, RPT // 16, zfill, 0)
    for j in range(EB // 16):
        ones_v[pl.ds(j * 16, 16)] = jnp.ones((16,), jnp.float32)
    pltpu.sync_copy(tmpd, acc.at[pl.ds(off, RPT)])
    plsc.subcore_barrier()

    nb = jnp.where(w == NW - 1, NB_LAST, NB_W)

    @pl.when(w < NW - 1)
    def _():
        pltpu.sync_copy(eib.at[1, pl.ds(w * NB_W, NB_W)], didx)

    @pl.when(w == NW - 1)
    def _():
        pltpu.sync_copy(eib.at[1, pl.ds((NW - 1) * NB_W, NB_LAST)],
                        didx.at[pl.ds(0, NB_LAST)])

    def fire(i, carry):
        pltpu.async_copy(ones_v, acc.at[didx.at[i]], sem, add=True)
        return carry
    lax.fori_loop(0, nb, fire, 0)

    def drain(i, carry):
        pltpu.make_async_copy(ones_v, acc.at[didx.at[0]], sem).wait()
        return carry
    lax.fori_loop(0, nb, drain, 0)
    plsc.subcore_barrier()

    pltpu.sync_copy(acc.at[pl.ds(off, RPT)], tmpd)
    pltpu.sync_copy(tmpd, deg_out.at[c, pl.ds(off, RPT)])


def _deg_call(eib):
    kfn = pl.kernel(
        _deg_sc,
        out_type=jax.ShapeDtypeStruct((NC, NP), jnp.float32),
        mesh=plsc.VectorSubcoreMesh(
            core_axis_name="c", subcore_axis_name="s",
            num_cores=NC, num_subcores=NS),
        scratch_types=[
            pltpu.VMEM((NB_W, EB), jnp.int32),
            pltpu.VMEM((EB,), jnp.float32),
            pltpu.VMEM((RPT,), jnp.float32),
            pltpu.VMEM_SHARED((NP,), jnp.float32),
            pltpu.SemaphoreType.DMA,
        ],
        compiler_params=pltpu.CompilerParams(use_tc_tiling_on_sc=False),
    )
    return kfn(eib)


NBUF = 5


def _prop_sc(D, MULT, ADD, eib, tbl, out, sidx, didx, rows, tmp,
             gsems, ssems, acc):
    c = lax.axis_index("c")
    s = lax.axis_index("s")
    w = _worker_id()
    off = pl.multiple_of(s * RPT, 8)

    def zrow(r, carry):
        for j in range(D // 16):
            rows[0][r, pl.ds(j * 16, 16)] = jnp.zeros((16,), jnp.float32)
        return carry
    lax.fori_loop(0, EB, zrow, 0)
    for q in range(RPT // EB):
        pltpu.sync_copy(rows[0], acc.at[pl.ds(off + q * EB, EB)])
    plsc.subcore_barrier()

    nb = jnp.where(w == NW - 1, NB_LAST, NB_W)

    @pl.when(w < NW - 1)
    def _():
        pltpu.sync_copy(eib.at[0, pl.ds(w * NB_W, NB_W)], sidx)
        pltpu.sync_copy(eib.at[1, pl.ds(w * NB_W, NB_W)], didx)

    @pl.when(w == NW - 1)
    def _():
        pltpu.sync_copy(eib.at[0, pl.ds((NW - 1) * NB_W, NB_LAST)],
                        sidx.at[pl.ds(0, NB_LAST)])
        pltpu.sync_copy(eib.at[1, pl.ds((NW - 1) * NB_W, NB_LAST)],
                        didx.at[pl.ds(0, NB_LAST)])

    if MULT != 1 or ADD != 0:
        def xform(r, carry):
            for j in range(EB // 16):
                v = sidx[r, pl.ds(j * 16, 16)]
                sidx[r, pl.ds(j * 16, 16)] = v * MULT + ADD
            return carry
        lax.fori_loop(0, NB_W, xform, 0)

    def g_start(i, j):
        pltpu.async_copy(tbl.at[sidx.at[i]], rows[j], gsems[j])

    def g_wait(i, j):
        pltpu.make_async_copy(tbl.at[sidx.at[i]], rows[j], gsems[j]).wait()

    def s_start(i, j):
        pltpu.async_copy(rows[j], acc.at[didx.at[i]], ssems[j], add=True)

    def s_wait(i, j):
        pltpu.make_async_copy(rows[j], acc.at[didx.at[i]], ssems[j]).wait()

    for j in range(NBUF):
        g_start(j, j)

    def body(k, carry):
        base = NBUF * k
        for j in range(NBUF):
            g_wait(base + j, j)
            s_start(base + j, j)
        for j in range(NBUF):
            s_wait(base + j, j)

            @pl.when(base + NBUF + j < nb)
            def _():
                g_start(base + NBUF + j, j)
        return carry
    lax.fori_loop(0, nb // NBUF, body, 0)
    plsc.subcore_barrier()

    CH = 320
    for q in range(RPT // CH):
        pltpu.sync_copy(acc.at[pl.ds(off + q * CH, CH)], tmp)
        pltpu.sync_copy(tmp, out.at[c, pl.ds(off + q * CH, CH), pl.ds(0, D)])


def _prop_call(eib, tbl, D, mult=1, add=0):
    kfn = pl.kernel(
        functools.partial(_prop_sc, D, mult, add),
        out_type=jax.ShapeDtypeStruct((NC, NP, EB), jnp.float32),
        mesh=plsc.VectorSubcoreMesh(
            core_axis_name="c", subcore_axis_name="s",
            num_cores=NC, num_subcores=NS),
        scratch_types=[
            pltpu.VMEM((NB_W, EB), jnp.int32),
            pltpu.VMEM((NB_W, EB), jnp.int32),
            [pltpu.VMEM((EB, D), jnp.float32) for _ in range(NBUF)],
            pltpu.VMEM((320, D), jnp.float32),
            [pltpu.SemaphoreType.DMA for _ in range(NBUF)],
            [pltpu.SemaphoreType.DMA for _ in range(NBUF)],
            pltpu.VMEM_SHARED((NP, D), jnp.float32),
        ],
        compiler_params=pltpu.CompilerParams(use_tc_tiling_on_sc=False),
    )
    return kfn(eib, tbl)


DQ = D_H // 2


def _enc1_tc(dinv_ref, x_ref, w1_ref, b1_ref, t1_ref, lib_ref):
    dinv = dinv_ref[...]
    x = x_ref[...]
    p = jnp.dot(x, w1_ref[...], preferred_element_type=jnp.float32) + b1_ref[...]
    t1_ref[...] = p * dinv
    lib_ref[...] = jnp.sum(x, axis=1, keepdims=True)


def _enc1_call(dinv, x, W1, b1):
    grid = N // BR
    return pl.pallas_call(
        _enc1_tc,
        grid=(grid,),
        in_specs=[
            pl.BlockSpec((BR, 1), lambda i: (i, 0)),
            pl.BlockSpec((BR, D_IN), lambda i: (i, 0)),
            pl.BlockSpec((D_IN, D_H), lambda i: (0, 0)),
            pl.BlockSpec((1, D_H), lambda i: (0, 0)),
        ],
        out_specs=[
            pl.BlockSpec((BR, D_H), lambda i: (i, 0)),
            pl.BlockSpec((BR, 1), lambda i: (i, 0)),
        ],
        out_shape=[
            jax.ShapeDtypeStruct((N, D_H), jnp.float32),
            jax.ShapeDtypeStruct((N, 1), jnp.float32),
        ],
    )(dinv, x, W1, b1)


def _enc2_tc(s1a_ref, s1b_ref, t1_ref, dinv_ref, wc_ref, bc_ref, t2_ref):
    dinv = dinv_ref[...]
    t1 = t1_ref[...]
    sa = s1a_ref[0][:, :DQ] + s1a_ref[1][:, :DQ]
    sb = s1b_ref[0][:, :DQ] + s1b_ref[1][:, :DQ]
    ha = (sa + t1[:, :DQ]) * dinv
    hb = (sb + t1[:, DQ:]) * dinv
    h = jnp.maximum(jnp.concatenate([ha, hb], axis=1), 0.0)
    p = jnp.dot(h, wc_ref[...], preferred_element_type=jnp.float32) + bc_ref[...]
    t2 = p * dinv
    t2_ref[...] = jnp.concatenate([t2, t2], axis=1)


def _enc2_call(s1a, s1b, t1, dinv, Wc, bc):
    grid = N // BR
    return pl.pallas_call(
        _enc2_tc,
        grid=(grid,),
        in_specs=[
            pl.BlockSpec((NC, BR, EB), lambda i: (0, i, 0)),
            pl.BlockSpec((NC, BR, EB), lambda i: (0, i, 0)),
            pl.BlockSpec((BR, D_H), lambda i: (i, 0)),
            pl.BlockSpec((BR, 1), lambda i: (i, 0)),
            pl.BlockSpec((D_H, 2 * D_Z), lambda i: (0, 0)),
            pl.BlockSpec((1, 2 * D_Z), lambda i: (0, 0)),
        ],
        out_specs=pl.BlockSpec((BR, D_H), lambda i: (i, 0)),
        out_shape=jax.ShapeDtypeStruct((N, D_H), jnp.float32),
    )(s1a, s1b, t1, dinv, Wc, bc)


def _dec_tc(s2_ref, t2_ref, dinv_ref, eps_ref, lib_ref, wnb_ref, wzi_ref,
            mask_ref, mu_ref, logstd_ref, z_ref, z2_ref, nb_ref, zi_ref):
    s2 = s2_ref[0][:, :2 * D_Z] + s2_ref[1][:, :2 * D_Z]
    g = (s2 + t2_ref[...][:, :2 * D_Z]) * dinv_ref[...]
    mu = g[:, :D_Z]
    logstd = g[:, D_Z:]
    z = mu + eps_ref[...] * jnp.exp(logstd)
    mu_ref[...] = mu
    logstd_ref[...] = logstd
    z_ref[...] = z
    z2_ref[...] = z
    wnb = wnb_ref[...] * mask_ref[...]
    wzi = wzi_ref[...] * mask_ref[...]
    nb_logits = jnp.dot(z, wnb, preferred_element_type=jnp.float32)
    m = jnp.max(nb_logits, axis=1, keepdims=True)
    ex = jnp.exp(nb_logits - m)
    nb_ref[...] = lib_ref[...] * ex / jnp.sum(ex, axis=1, keepdims=True)
    zi_ref[...] = jnp.dot(z, wzi, preferred_element_type=jnp.float32)


def _dec_call(s2, t2, dinv, eps, lib, W_nb, W_zi, mask):
    grid = N // BR
    return pl.pallas_call(
        _dec_tc,
        grid=(grid,),
        in_specs=[
            pl.BlockSpec((NC, BR, EB), lambda i: (0, i, 0)),
            pl.BlockSpec((BR, D_H), lambda i: (i, 0)),
            pl.BlockSpec((BR, 1), lambda i: (i, 0)),
            pl.BlockSpec((BR, D_Z), lambda i: (i, 0)),
            pl.BlockSpec((BR, 1), lambda i: (i, 0)),
            pl.BlockSpec((D_Z, D_IN), lambda i: (0, 0)),
            pl.BlockSpec((D_Z, D_IN), lambda i: (0, 0)),
            pl.BlockSpec((D_Z, D_IN), lambda i: (0, 0)),
        ],
        out_specs=[
            pl.BlockSpec((BR, D_Z), lambda i: (i, 0)),
            pl.BlockSpec((BR, D_Z), lambda i: (i, 0)),
            pl.BlockSpec((BR, D_Z), lambda i: (i, 0)),
            pl.BlockSpec((BR, D_Z), lambda i: (i, 0)),
            pl.BlockSpec((BR, D_IN), lambda i: (i, 0)),
            pl.BlockSpec((BR, D_IN), lambda i: (i, 0)),
        ],
        out_shape=[
            jax.ShapeDtypeStruct((N, D_Z), jnp.float32),
            jax.ShapeDtypeStruct((N, D_Z), jnp.float32),
            jax.ShapeDtypeStruct((N, D_Z), jnp.float32),
            jax.ShapeDtypeStruct((N, D_Z), jnp.float32),
            jax.ShapeDtypeStruct((N, D_IN), jnp.float32),
            jax.ShapeDtypeStruct((N, D_IN), jnp.float32),
        ],
    )(s2, t2, dinv, eps, lib, W_nb, W_zi, mask)


def _adj_tc(zr_ref, zc_ref, adj_ref):
    adj_ref[...] = lax.dot_general(
        zr_ref[...], zc_ref[...], (((1,), (1,)), ((), ())),
        preferred_element_type=jnp.float32)


def _adj_call(z, z2):
    BRR = 200
    return pl.pallas_call(
        _adj_tc,
        grid=(N // BRR,),
        in_specs=[
            pl.BlockSpec((BRR, D_Z), lambda i: (i, 0)),
            pl.BlockSpec((N, D_Z), lambda i: (0, 0)),
        ],
        out_specs=pl.BlockSpec((BRR, N), lambda i: (i, 0)),
        out_shape=jax.ShapeDtypeStruct((N, N), jnp.float32),
    )(z, z2)


def kernel(x, edge_index, W1, b1, W_mu, b_mu, W_logstd, b_logstd,
           W_nb, W_zi, mask, eps):
    eib = edge_index.reshape(2, NBLK, EB)

    deg = _deg_call(eib)
    dinv = lax.rsqrt(deg[0, :N] + deg[1, :N] + 1.0).reshape(N, 1)
    t1, lib = _enc1_call(dinv, x, W1, b1.reshape(1, D_H))
    t1v = t1.reshape(2 * N, DQ)
    s1a = _prop_call(eib, t1v, DQ, 2, 0)
    s1b = _prop_call(eib, t1v, DQ, 2, 1)
    Wc = jnp.concatenate([W_mu, W_logstd], axis=1)
    bc = jnp.concatenate([b_mu, b_logstd]).reshape(1, 2 * D_Z)
    t2 = _enc2_call(s1a, s1b, t1, dinv, Wc, bc)
    t2v = t2.reshape(2 * N, 2 * D_Z)
    s2 = _prop_call(eib, t2v, 2 * D_Z, 2, 0)
    mu, logstd, z, z2, nb_means, zi = _dec_call(
        s2, t2, dinv, eps, lib, W_nb, W_zi, mask)
    adj = _adj_call(z, z2)
    return (adj, nb_means, zi, mu, logstd)

# --- scband reference (transcript-rebuilt; emitter-appended) ---
"""Pipeline reference for scband-vgpgae-36962488549499 (READ-ONLY COPY).

The authoritative reference and input builder live on the scoring server;
editing this copy changes nothing except your own understanding.
"""

import jax, jax.numpy as jnp
import numpy as np

N = 10000
E = 320000
D_IN = 128
D_H = 128
D_Z = 32


def _gcn_conv(x, W, b, src, dst, n_nodes):
    # GCNConv with added self-loops and symmetric normalization
    h = x @ W + b
    deg = jax.ops.segment_sum(jnp.ones((src.shape[0],), dtype=h.dtype), dst, num_segments=n_nodes) + 1.0
    dinv = jax.lax.rsqrt(deg)
    norm = dinv[src] * dinv[dst]
    agg = jax.ops.segment_sum(h[src] * norm[:, None], dst, num_segments=n_nodes)
    return agg + h * (dinv * dinv)[:, None]


def setup_inputs(seed: int = 0) -> dict:
    key = jax.random.key(seed)
    ks = jax.random.split(key, 10)
    x = jax.random.uniform(ks[0], (N, D_IN), dtype=jnp.float32) + 1e-3  # nonneg gene expression so log(lib size) is finite
    edge_index = jax.random.randint(ks[1], (2, E), 0, N, dtype=jnp.int32)
    W1 = jax.random.normal(ks[2], (D_IN, D_H), dtype=jnp.float32) * 0.05
    b1 = jnp.zeros((D_H,), dtype=jnp.float32)
    W_mu = jax.random.normal(ks[3], (D_H, D_Z), dtype=jnp.float32) * 0.05
    b_mu = jnp.zeros((D_Z,), dtype=jnp.float32)
    W_logstd = jax.random.normal(ks[4], (D_H, D_Z), dtype=jnp.float32) * 0.05
    b_logstd = jnp.zeros((D_Z,), dtype=jnp.float32)
    W_nb = jax.random.normal(ks[5], (D_Z, D_IN), dtype=jnp.float32) * 0.05
    W_zi = jax.random.normal(ks[6], (D_Z, D_IN), dtype=jnp.float32) * 0.05
    mask = jnp.ones((D_Z, D_IN), dtype=jnp.float32)  # gene_expr_decoder_mask
    eps = jax.random.normal(ks[7], (N, D_Z), dtype=jnp.float32)  # fixed reparameterization noise
    return {"x": x, "edge_index": edge_index, "W1": W1, "b1": b1, "W_mu": W_mu, "b_mu": b_mu,
            "W_logstd": W_logstd, "b_logstd": b_logstd, "W_nb": W_nb, "W_zi": W_zi, "mask": mask, "eps": eps}


def reference(x, edge_index, W1, b1, W_mu, b_mu, W_logstd, b_logstd, W_nb, W_zi, mask, eps):
    src = edge_index[0]
    dst = edge_index[1]
    log_library_size = jnp.log(x.sum(axis=1))[:, None]
    h = jax.nn.relu(_gcn_conv(x, W1, b1, src, dst, N))
    mu = _gcn_conv(h, W_mu, b_mu, src, dst, N)
    logstd = _gcn_conv(h, W_logstd, b_logstd, src, dst, N)
    z = mu + eps * jnp.exp(logstd)  # reparameterize
    adj_recon_logits = z @ z.T  # DotProductGraphDecoder
    nb_logits = z @ (W_nb * mask)  # MaskedGeneExprDecoder
    nb_means = jnp.exp(log_library_size) * jax.nn.softmax(nb_logits, axis=-1)
    zi_prob_logits = z @ (W_zi * mask)
    return (adj_recon_logits, nb_means, zi_prob_logits, mu, logstd)

if __name__ == "__main__":
    import jax
    _d = setup_inputs()
    print(jax.jit(kernel)(*tuple(_d.values())))

</pallas_src>

<mosaic_0001>
#map = affine_map<(d0, d1) -> (0, 0, 0)>
#map1 = affine_map<(d0, d1) -> (0, 0)>
module attributes {stable_mosaic.version = 14 : i64} {
  func.func @_prop_sc(%arg0: i32, %arg1: i32, %arg2: memref<2x2500x128xi32, #tpu.memory_space<hbm>>, %arg3: memref<20000x64xf32, #tpu.memory_space<hbm>>, %arg4: memref<2x10240x128xf32, #tpu.memory_space<hbm>>, %arg5: memref<80x128xi32, #tpu.memory_space<vmem>>, %arg6: memref<80x128xi32, #tpu.memory_space<vmem>>, %arg7: memref<128x64xf32, #tpu.memory_space<vmem>>, %arg8: memref<128x64xf32, #tpu.memory_space<vmem>>, %arg9: memref<128x64xf32, #tpu.memory_space<vmem>>, %arg10: memref<128x64xf32, #tpu.memory_space<vmem>>, %arg11: memref<128x64xf32, #tpu.memory_space<vmem>>, %arg12: memref<320x64xf32, #tpu.memory_space<vmem>>, %arg13: memref<!tpu.dma_semaphore, #tpu.memory_space<semaphore_mem>>, %arg14: memref<!tpu.dma_semaphore, #tpu.memory_space<semaphore_mem>>, %arg15: memref<!tpu.dma_semaphore, #tpu.memory_space<semaphore_mem>>, %arg16: memref<!tpu.dma_semaphore, #tpu.memory_space<semaphore_mem>>, %arg17: memref<!tpu.dma_semaphore, #tpu.memory_space<semaphore_mem>>, %arg18: memref<!tpu.dma_semaphore, #tpu.memory_space<semaphore_mem>>, %arg19: memref<!tpu.dma_semaphore, #tpu.memory_space<semaphore_mem>>, %arg20: memref<!tpu.dma_semaphore, #tpu.memory_space<semaphore_mem>>, %arg21: memref<!tpu.dma_semaphore, #tpu.memory_space<semaphore_mem>>, %arg22: memref<!tpu.dma_semaphore, #tpu.memory_space<semaphore_mem>>, %arg23: memref<10240x64xf32, #tpu.memory_space<vmem_shared>>) attributes {dimension_semantics = [#tpu.dimension_semantics<core_parallel>, #tpu.dimension_semantics<subcore_parallel>], iteration_bounds = array<i64: 2, 16>, scalar_prefetch = 0 : i64, scratch_operands = 19 : i64, tpu.core_type = #tpu.core_type<sc_vector_subcore>, window_params = [{transform_indices = #map}, {transform_indices = #map1}, {transform_indices = #map}]} {
    %mul3A = arith.constant 2 : i32
    %mul3A_0 = arith.muli %arg1, %mul3A : i32
    %add3A = arith.addi %mul3A_0, %arg0 : i32
    %mul3A_1 = arith.constant 640 : i32
    %mul3A_2 = arith.muli %arg1, %mul3A_1 : i32
    %multiple_of3A = tpu.assume_multiple %mul3A_2, 8 : i32
    %scan3A = arith.constant 0 : i32
    %scan3A_3 = arith.constant 0 : i32
    %scan3A_4 = arith.constant 128 : i32
    %scan3A_5 = arith.addi %scan3A_3, %scan3A_4 : i32
    %scan3A_6 = arith.constant 1 : i32
    scf.for %scan3A_103 = %scan3A_3 to %scan3A_5 step %scan3A_6  : i32 {
      %broadcast_in_dim3A = arith.constant 0.000000e+00 : f32
      %broadcast_in_dim3A_104 = vector.broadcast %broadcast_in_dim3A : f32 to vector<16xf32>
      %swap3A = arith.index_cast %scan3A_103 : i32 to index
      %swap3A_105 = arith.constant 0 : index
      %swap3A_106 = tpu.vector_load %arg7[%swap3A, %swap3A_105] {strides = array<i32>} : memref<128x64xf32, #tpu.memory_space<vmem>>, vector<1x16xf32>,
      %swap3A_107 = vector.shape_cast %swap3A_106 : vector<1x16xf32> to vector<16xf32>
      %swap3A_108 = vector.shape_cast %broadcast_in_dim3A_104 : vector<16xf32> to vector<1x16xf32>
      tpu.vector_store %arg7[%swap3A, %swap3A_105], %swap3A_108 {strides = array<i32>} : memref<128x64xf32, #tpu.memory_space<vmem>>, vector<1x16xf32>,
      %broadcast_in_dim3A_109 = arith.constant 0.000000e+00 : f32
      %broadcast_in_dim3A_110 = vector.broadcast %broadcast_in_dim3A_109 : f32 to vector<16xf32>
      %swap3A_111 = arith.index_cast %scan3A_103 : i32 to index
      %swap3A_112 = arith.constant 16 : index
      %swap3A_113 = tpu.vector_load %arg7[%swap3A_111, %swap3A_112] {strides = array<i32>} : memref<128x64xf32, #tpu.memory_space<vmem>>, vector<1x16xf32>,
      %swap3A_114 = vector.shape_cast %swap3A_113 : vector<1x16xf32> to vector<16xf32>
      %swap3A_115 = vector.shape_cast %broadcast_in_dim3A_110 : vector<16xf32> to vector<1x16xf32>
      tpu.vector_store %arg7[%swap3A_111, %swap3A_112], %swap3A_115 {strides = array<i32>} : memref<128x64xf32, #tpu.memory_space<vmem>>, vector<1x16xf32>,
      %broadcast_in_dim3A_116 = arith.constant 0.000000e+00 : f32
      %broadcast_in_dim3A_117 = vector.broadcast %broadcast_in_dim3A_116 : f32 to vector<16xf32>
      %swap3A_118 = arith.index_cast %scan3A_103 : i32 to index
      %swap3A_119 = arith.constant 32 : index
      %swap3A_120 = tpu.vector_load %arg7[%swap3A_118, %swap3A_119] {strides = array<i32>} : memref<128x64xf32, #tpu.memory_space<vmem>>, vector<1x16xf32>,
      %swap3A_121 = vector.shape_cast %swap3A_120 : vector<1x16xf32> to vector<16xf32>
      %swap3A_122 = vector.shape_cast %broadcast_in_dim3A_117 : vector<16xf32> to vector<1x16xf32>
      tpu.vector_store %arg7[%swap3A_118, %swap3A_119], %swap3A_122 {strides = array<i32>} : memref<128x64xf32, #tpu.memory_space<vmem>>, vector<1x16xf32>,
      %broadcast_in_dim3A_123 = arith.constant 0.000000e+00 : f32
      %broadcast_in_dim3A_124 = vector.broadcast %broadcast_in_dim3A_123 : f32 to vector<16xf32>
      %swap3A_125 = arith.index_cast %scan3A_103 : i32 to index
      %swap3A_126 = arith.constant 48 : index
      %swap3A_127 = tpu.vector_load %arg7[%swap3A_125, %swap3A_126] {strides = array<i32>} : memref<128x64xf32, #tpu.memory_space<vmem>>, vector<1x16xf32>,
      %swap3A_128 = vector.shape_cast %swap3A_127 : vector<1x16xf32> to vector<16xf32>
      %swap3A_129 = vector.shape_cast %broadcast_in_dim3A_124 : vector<16xf32> to vector<1x16xf32>
      tpu.vector_store %arg7[%swap3A_125, %swap3A_126], %swap3A_129 {strides = array<i32>} : memref<128x64xf32, #tpu.memory_space<vmem>>, vector<1x16xf32>,
    }
    %scan3A_7 = arith.constant 128 : i32
    %add3A_8 = arith.constant 0 : i32
    %add3A_9 = arith.addi %multiple_of3A, %add3A_8 : i32
    "tpu.region"() ({
      %run_scoped3A = tpu.sem_alloc : memref<!tpu.dma_semaphore, #tpu.memory_space<semaphore_mem>>
      %dma_start3A_103 = arith.constant 0 : i32
      %dma_start3A_104 = tpu.memref_slice %arg23[%add3A_9, %dma_start3A_103] : memref<10240x64xf32, #tpu.memory_space<vmem_shared>> -> memref<128x64xf32, #tpu.memory_space<vmem_shared>>
      %dma_start3A_105 = arith.constant 0 : i32
      %dma_start3A_106 = tpu.memref_slice %arg23[%add3A_9, %dma_start3A_105] : memref<10240x64xf32, #tpu.memory_space<vmem_shared>> -> memref<128x64xf32, #tpu.memory_space<vmem_shared>>
      tpu.enqueue_dma source(%arg7 : memref<128x64xf32, #tpu.memory_space<vmem>>) target(%dma_start3A_106 : memref<128x64xf32, #tpu.memory_space<vmem_shared>>) target_semaphore(%run_scoped3A : memref<!tpu.dma_semaphore, #tpu.memory_space<semaphore_mem>>)
      %dma_wait3A = arith.constant 0 : i32
      %dma_wait3A_107 = tpu.memref_slice %arg23[%add3A_9, %dma_wait3A] : memref<10240x64xf32, #tpu.memory_space<vmem_shared>> -> memref<128x64xf32, #tpu.memory_space<vmem_shared>>
      %dma_wait3A_108 = arith.constant 0 : i32
      %dma_wait3A_109 = tpu.memref_slice %arg23[%add3A_9, %dma_wait3A_108] : memref<10240x64xf32, #tpu.memory_space<vmem_shared>> -> memref<128x64xf32, #tpu.memory_space<vmem_shared>>
      tpu.wait_dma2 semaphore(%run_scoped3A : memref<!tpu.dma_semaphore, #tpu.memory_space<semaphore_mem>>) src(%arg7 : memref<128x64xf32, #tpu.memory_space<vmem>>) dst(%dma_wait3A_109 : memref<128x64xf32, #tpu.memory_space<vmem_shared>>)
      tpu.yield
    }) : () -> ()
    %add3A_10 = arith.constant 128 : i32
    %add3A_11 = arith.addi %multiple_of3A, %add3A_10 : i32
    "tpu.region"() ({
      %run_scoped3A = tpu.sem_alloc : memref<!tpu.dma_semaphore, #tpu.memory_space<semaphore_mem>>
      %dma_start3A_103 = arith.constant 0 : i32
      %dma_start3A_104 = tpu.memref_slice %arg23[%add3A_11, %dma_start3A_103] : memref<10240x64xf32, #tpu.memory_space<vmem_shared>> -> memref<128x64xf32, #tpu.memory_space<vmem_shared>>
      %dma_start3A_105 = arith.constant 0 : i32
      %dma_start3A_106 = tpu.memref_slice %arg23[%add3A_11, %dma_start3A_105] : memref<10240x64xf32, #tpu.memory_space<vmem_shared>> -> memref<128x64xf32, #tpu.memory_space<vmem_shared>>
      tpu.enqueue_dma source(%arg7 : memref<128x64xf32, #tpu.memory_space<vmem>>) target(%dma_start3A_106 : memref<128x64xf32, #tpu.memory_space<vmem_shared>>) target_semaphore(%run_scoped3A : memref<!tpu.dma_semaphore, #tpu.memory_space<semaphore_mem>>)
      %dma_wait3A = arith.constant 0 : i32
      %dma_wait3A_107 = tpu.memref_slice %arg23[%add3A_11, %dma_wait3A] : memref<10240x64xf32, #tpu.memory_space<vmem_shared>> -> memref<128x64xf32, #tpu.memory_space<vmem_shared>>
      %dma_wait3A_108 = arith.constant 0 : i32
      %dma_wait3A_109 = tpu.memref_slice %arg23[%add3A_11, %dma_wait3A_108] : memref<10240x64xf32, #tpu.memory_space<vmem_shared>> -> memref<128x64xf32, #tpu.memory_space<vmem_shared>>
      tpu.wait_dma2 semaphore(%run_scoped3A : memref<!tpu.dma_semaphore, #tpu.memory_space<semaphore_mem>>) src(%arg7 : memref<128x64xf32, #tpu.memory_space<vmem>>) dst(%dma_wait3A_109 : memref<128x64xf32, #tpu.memory_space<vmem_shared>>)
      tpu.yield
    }) : () -> ()
    %add3A_12 = arith.constant 256 : i32
    %add3A_13 = arith.addi %multiple_of3A, %add3A_12 : i32
    "tpu.region"() ({
      %run_scoped3A = tpu.sem_alloc : memref<!tpu.dma_semaphore, #tpu.memory_space<semaphore_mem>>
      %dma_start3A_103 = arith.constant 0 : i32
      %dma_start3A_104 = tpu.memref_slice %arg23[%add3A_13, %dma_start3A_103] : memref<10240x64xf32, #tpu.memory_space<vmem_shared>> -> memref<128x64xf32, #tpu.memory_space<vmem_shared>>
      %dma_start3A_105 = arith.constant 0 : i32
      %dma_start3A_106 = tpu.memref_slice %arg23[%add3A_13, %dma_start3A_105] : memref<10240x64xf32, #tpu.memory_space<vmem_shared>> -> memref<128x64xf32, #tpu.memory_space<vmem_shared>>
      tpu.enqueue_dma source(%arg7 : memref<128x64xf32, #tpu.memory_space<vmem>>) target(%dma_start3A_106 : memref<128x64xf32, #tpu.memory_space<vmem_shared>>) target_semaphore(%run_scoped3A : memref<!tpu.dma_semaphore, #tpu.memory_space<semaphore_mem>>)
      %dma_wait3A = arith.constant 0 : i32
      %dma_wait3A_107 = tpu.memref_slice %arg23[%add3A_13, %dma_wait3A] : memref<10240x64xf32, #tpu.memory_space<vmem_shared>> -> memref<128x64xf32, #tpu.memory_space<vmem_shared>>
      %dma_wait3A_108 = arith.constant 0 : i32
      %dma_wait3A_109 = tpu.memref_slice %arg23[%add3A_13, %dma_wait3A_108] : memref<10240x64xf32, #tpu.memory_space<vmem_shared>> -> memref<128x64xf32, #tpu.memory_space<vmem_shared>>
      tpu.wait_dma2 semaphore(%run_scoped3A : memref<!tpu.dma_semaphore, #tpu.memory_space<semaphore_mem>>) src(%arg7 : memref<128x64xf32, #tpu.memory_space<vmem>>) dst(%dma_wait3A_109 : memref<128x64xf32, #tpu.memory_space<vmem_shared>>)
      tpu.yield
    }) : () -> ()
    %add3A_14 = arith.constant 384 : i32
    %add3A_15 = arith.addi %multiple_of3A, %add3A_14 : i32
    "tpu.region"() ({
      %run_scoped3A = tpu.sem_alloc : memref<!tpu.dma_semaphore, #tpu.memory_space<semaphore_mem>>
      %dma_start3A_103 = arith.constant 0 : i32
      %dma_start3A_104 = tpu.memref_slice %arg23[%add3A_15, %dma_start3A_103] : memref<10240x64xf32, #tpu.memory_space<vmem_shared>> -> memref<128x64xf32, #tpu.memory_space<vmem_shared>>
      %dma_start3A_105 = arith.constant 0 : i32
      %dma_start3A_106 = tpu.memref_slice %arg23[%add3A_15, %dma_start3A_105] : memref<10240x64xf32, #tpu.memory_space<vmem_shared>> -> memref<128x64xf32, #tpu.memory_space<vmem_shared>>
      tpu.enqueue_dma source(%arg7 : memref<128x64xf32, #tpu.memory_space<vmem>>) target(%dma_start3A_106 : memref<128x64xf32, #tpu.memory_space<vmem_shared>>) target_semaphore(%run_scoped3A : memref<!tpu.dma_semaphore, #tpu.memory_space<semaphore_mem>>)
      %dma_wait3A = arith.constant 0 : i32
      %dma_wait3A_107 = tpu.memref_slice %arg23[%add3A_15, %dma_wait3A] : memref<10240x64xf32, #tpu.memory_space<vmem_shared>> -> memref<128x64xf32, #tpu.memory_space<vmem_shared>>
      %dma_wait3A_108 = arith.constant 0 : i32
      %dma_wait3A_109 = tpu.memref_slice %arg23[%add3A_15, %dma_wait3A_108] : memref<10240x64xf32, #tpu.memory_space<vmem_shared>> -> memref<128x64xf32, #tpu.memory_space<vmem_shared>>
      tpu.wait_dma2 semaphore(%run_scoped3A : memref<!tpu.dma_semaphore, #tpu.memory_space<semaphore_mem>>) src(%arg7 : memref<128x64xf32, #tpu.memory_space<vmem>>) dst(%dma_wait3A_109 : memref<128x64xf32, #tpu.memory_space<vmem_shared>>)
      tpu.yield
    }) : () -> ()
    %add3A_16 = arith.constant 512 : i32
    %add3A_17 = arith.addi %multiple_of3A, %add3A_16 : i32
    "tpu.region"() ({
      %run_scoped3A = tpu.sem_alloc : memref<!tpu.dma_semaphore, #tpu.memory_space<semaphore_mem>>
      %dma_start3A_103 = arith.constant 0 : i32
      %dma_start3A_104 = tpu.memref_slice %arg23[%add3A_17, %dma_start3A_103] : memref<10240x64xf32, #tpu.memory_space<vmem_shared>> -> memref<128x64xf32, #tpu.memory_space<vmem_shared>>
      %dma_start3A_105 = arith.constant 0 : i32
      %dma_start3A_106 = tpu.memref_slice %arg23[%add3A_17, %dma_start3A_105] : memref<10240x64xf32, #tpu.memory_space<vmem_shared>> -> memref<128x64xf32, #tpu.memory_space<vmem_shared>>
      tpu.enqueue_dma source(%arg7 : memref<128x64xf32, #tpu.memory_space<vmem>>) target(%dma_start3A_106 : memref<128x64xf32, #tpu.memory_space<vmem_shared>>) target_semaphore(%run_scoped3A : memref<!tpu.dma_semaphore, #tpu.memory_space<semaphore_mem>>)
      %dma_wait3A = arith.constant 0 : i32
      %dma_wait3A_107 = tpu.memref_slice %arg23[%add3A_17, %dma_wait3A] : memref<10240x64xf32, #tpu.memory_space<vmem_shared>> -> memref<128x64xf32, #tpu.memory_space<vmem_shared>>
      %dma_wait3A_108 = arith.constant 0 : i32
      %dma_wait3A_109 = tpu.memref_slice %arg23[%add3A_17, %dma_wait3A_108] : memref<10240x64xf32, #tpu.memory_space<vmem_shared>> -> memref<128x64xf32, #tpu.memory_space<vmem_shared>>
      tpu.wait_dma2 semaphore(%run_scoped3A : memref<!tpu.dma_semaphore, #tpu.memory_space<semaphore_mem>>) src(%arg7 : memref<128x64xf32, #tpu.memory_space<vmem>>) dst(%dma_wait3A_109 : memref<128x64xf32, #tpu.memory_space<vmem_shared>>)
      tpu.yield
    }) : () -> ()
    %barrier3A = arith.constant 0 : index
    tpu.barrier barrier_id(%barrier3A)
    %eq3A = arith.constant 31 : i32
    %eq3A_18 = arith.cmpi eq, %add3A, %eq3A : i32
    %jit3A = arith.constant 20 : i32
    %jit3A_19 = arith.constant 80 : i32
    %select_n3A = arith.select %eq3A_18, %jit3A, %jit3A_19 : i32
    %lt3A = arith.constant 31 : i32
    %lt3A_20 = arith.cmpi slt, %add3A, %lt3A : i32
    %convert_element_type3A = arith.extui %lt3A_20 : i1 to i32
    %cond3A = arith.constant 0 : i32
    %cond3A_21 = arith.cmpi ne, %convert_element_type3A, %cond3A : i32
    scf.if %cond3A_21 {
      %mul3A_103 = arith.constant 80 : i32
      %mul3A_104 = arith.muli %add3A, %mul3A_103 : i32
      %run_scoped3A = arith.constant 0 : i32
      "tpu.region"() ({
        %run_scoped3A_108 = tpu.sem_alloc : memref<!tpu.dma_semaphore, #tpu.memory_space<semaphore_mem>>
        %dma_start3A_109 = arith.constant 0 : i32
        %dma_start3A_110 = tpu.memref_slice %arg2[%run_scoped3A, %mul3A_104, %dma_start3A_109] : memref<2x2500x128xi32, #tpu.memory_space<hbm>> -> memref<1x80x128xi32, #tpu.memory_space<hbm>>
        %dma_start3A_111 = tpu.memref_squeeze %dma_start3A_110 : memref<1x80x128xi32, #tpu.memory_space<hbm>> -> memref<80x128xi32, #tpu.memory_space<hbm>>
        %dma_start3A_112 = arith.constant 0 : i32
        %dma_start3A_113 = tpu.memref_slice %arg2[%run_scoped3A, %mul3A_104, %dma_start3A_112] : memref<2x2500x128xi32, #tpu.memory_space<hbm>> -> memref<1x80x128xi32, #tpu.memory_space<hbm>>
        %dma_start3A_114 = tpu.memref_squeeze %dma_start3A_113 : memref<1x80x128xi32, #tpu.memory_space<hbm>> -> memref<80x128xi32, #tpu.memory_space<hbm>>
        tpu.enqueue_dma source(%dma_start3A_114 : memref<80x128xi32, #tpu.memory_space<hbm>>) target(%arg5 : memref<80x128xi32, #tpu.memory_space<vmem>>) target_semaphore(%run_scoped3A_108 : memref<!tpu.dma_semaphore, #tpu.memory_space<semaphore_mem>>)
        %dma_wait3A = arith.constant 0 : i32
        %dma_wait3A_115 = tpu.memref_slice %arg2[%run_scoped3A, %mul3A_104, %dma_wait3A] : memref<2x2500x128xi32, #tpu.memory_space<hbm>> -> memref<1x80x128xi32, #tpu.memory_space<hbm>>
        %dma_wait3A_116 = tpu.memref_squeeze %dma_wait3A_115 : memref<1x80x128xi32, #tpu.memory_space<hbm>> -> memref<80x128xi32, #tpu.memory_space<hbm>>
        %dma_wait3A_117 = arith.constant 0 : i32
        %dma_wait3A_118 = tpu.memref_slice %arg2[%run_scoped3A, %mul3A_104, %dma_wait3A_117] : memref<2x2500x128xi32, #tpu.memory_space<hbm>> -> memref<1x80x128xi32, #tpu.memory_space<hbm>>
        %dma_wait3A_119 = tpu.memref_squeeze %dma_wait3A_118 : memref<1x80x128xi32, #tpu.memory_space<hbm>> -> memref<80x128xi32, #tpu.memory_space<hbm>>
        tpu.wait_dma2 semaphore(%run_scoped3A_108 : memref<!tpu.dma_semaphore, #tpu.memory_space<semaphore_mem>>) src(%dma_wait3A_119 : memref<80x128xi32, #tpu.memory_space<hbm>>) dst(%arg5 : memref<80x128xi32, #tpu.memory_space<vmem>>)
        tpu.yield
      }) : () -> ()
      %mul3A_105 = arith.constant 80 : i32
      %mul3A_106 = arith.muli %add3A, %mul3A_105 : i32
      %run_scoped3A_107 = arith.constant 1 : i32
      "tpu.region"() ({
        %run_scoped3A_108 = tpu.sem_alloc : memref<!tpu.dma_semaphore, #tpu.memory_space<semaphore_mem>>
        %dma_start3A_109 = arith.constant 0 : i32
        %dma_start3A_110 = tpu.memref_slice %arg2[%run_scoped3A_107, %mul3A_106, %dma_start3A_109] : memref<2x2500x128xi32, #tpu.memory_space<hbm>> -> memref<1x80x128xi32, #tpu.memory_space<hbm>>
        %dma_start3A_111 = tpu.memref_squeeze %dma_start3A_110 : memref<1x80x128xi32, #tpu.memory_space<hbm>> -> memref<80x128xi32, #tpu.memory_space<hbm>>
        %dma_start3A_112 = arith.constant 0 : i32
        %dma_start3A_113 = tpu.memref_slice %arg2[%run_scoped3A_107, %mul3A_106, %dma_start3A_112] : memref<2x2500x128xi32, #tpu.memory_space<hbm>> -> memref<1x80x128xi32, #tpu.memory_space<hbm>>
        %dma_start3A_114 = tpu.memref_squeeze %dma_start3A_113 : memref<1x80x128xi32, #tpu.memory_space<hbm>> -> memref<80x128xi32, #tpu.memory_space<hbm>>
        tpu.enqueue_dma source(%dma_start3A_114 : memref<80x128xi32, #tpu.memory_space<hbm>>) target(%arg6 : memref<80x128xi32, #tpu.memory_space<vmem>>) target_semaphore(%run_scoped3A_108 : memref<!tpu.dma_semaphore, #tpu.memory_space<semaphore_mem>>)
        %dma_wait3A = arith.constant 0 : i32
        %dma_wait3A_115 = tpu.memref_slice %arg2[%run_scoped3A_107, %mul3A_106, %dma_wait3A] : memref<2x2500x128xi32, #tpu.memory_space<hbm>> -> memref<1x80x128xi32, #tpu.memory_space<hbm>>
        %dma_wait3A_116 = tpu.memref_squeeze %dma_wait3A_115 : memref<1x80x128xi32, #tpu.memory_space<hbm>> -> memref<80x128xi32, #tpu.memory_space<hbm>>
        %dma_wait3A_117 = arith.constant 0 : i32
        %dma_wait3A_118 = tpu.memref_slice %arg2[%run_scoped3A_107, %mul3A_106, %dma_wait3A_117] : memref<2x2500x128xi32, #tpu.memory_space<hbm>> -> memref<1x80x128xi32, #tpu.memory_space<hbm>>
        %dma_wait3A_119 = tpu.memref_squeeze %dma_wait3A_118 : memref<1x80x128xi32, #tpu.memory_space<hbm>> -> memref<80x128xi32, #tpu.memory_space<hbm>>
        tpu.wait_dma2 semaphore(%run_scoped3A_108 : memref<!tpu.dma_semaphore, #tpu.memory_space<semaphore_mem>>) src(%dma_wait3A_119 : memref<80x128xi32, #tpu.memory_space<hbm>>) dst(%arg6 : memref<80x128xi32, #tpu.memory_space<vmem>>)
        tpu.yield
      }) : () -> ()
    } else {
    }
    %eq3A_22 = arith.constant 31 : i32
    %eq3A_23 = arith.cmpi eq, %add3A, %eq3A_22 : i32
    %convert_element_type3A_24 = arith.extui %eq3A_23 : i1 to i32
    %cond3A_25 = arith.constant 0 : i32
    %cond3A_26 = arith.cmpi ne, %convert_element_type3A_24, %cond3A_25 : i32
    scf.if %cond3A_26 {
      %run_scoped3A = arith.constant 0 : i32
      "tpu.region"() ({
        %run_scoped3A_104 = tpu.sem_alloc : memref<!tpu.dma_semaphore, #tpu.memory_space<semaphore_mem>>
        %dma_start3A_105 = arith.constant 0 : i32
        %dma_start3A_106 = arith.constant 0 : i32
        %dma_start3A_107 = tpu.memref_slice %arg5[%dma_start3A_105, %dma_start3A_106] : memref<80x128xi32, #tpu.memory_space<vmem>> -> memref<20x128xi32, #tpu.memory_space<vmem>>
        %dma_start3A_108 = arith.constant 2480 : i32
        %dma_start3A_109 = arith.constant 0 : i32
        %dma_start3A_110 = tpu.memref_slice %arg2[%run_scoped3A, %dma_start3A_108, %dma_start3A_109] : memref<2x2500x128xi32, #tpu.memory_space<hbm>> -> memref<1x20x128xi32, #tpu.memory_space<hbm>>
        %dma_start3A_111 = tpu.memref_squeeze %dma_start3A_110 : memref<1x20x128xi32, #tpu.memory_space<hbm>> -> memref<20x128xi32, #tpu.memory_space<hbm>>
        %dma_start3A_112 = arith.constant 0 : i32
        %dma_start3A_113 = arith.constant 0 : i32
        %dma_start3A_114 = tpu.memref_slice %arg5[%dma_start3A_112, %dma_start3A_113] : memref<80x128xi32, #tpu.memory_space<vmem>> -> memref<20x128xi32, #tpu.memory_space<vmem>>
        %dma_start3A_115 = arith.constant 2480 : i32
        %dma_start3A_116 = arith.constant 0 : i32
        %dma_start3A_117 = tpu.memref_slice %arg2[%run_scoped3A, %dma_start3A_115, %dma_start3A_116] : memref<2x2500x128xi32, #tpu.memory_space<hbm>> -> memref<1x20x128xi32, #tpu.memory_space<hbm>>
        %dma_start3A_118 = tpu.memref_squeeze %dma_start3A_117 : memref<1x20x128xi32, #tpu.memory_space<hbm>> -> memref<20x128xi32, #tpu.memory_space<hbm>>
        tpu.enqueue_dma source(%dma_start3A_118 : memref<20x128xi32, #tpu.memory_space<hbm>>) target(%dma_start3A_114 : memref<20x128xi32, #tpu.memory_space<vmem>>) target_semaphore(%run_scoped3A_104 : memref<!tpu.dma_semaphore, #tpu.memory_space<semaphore_mem>>)
        %dma_wait3A = arith.constant 0 : i32
        %dma_wait3A_119 = arith.constant 0 : i32
        %dma_wait3A_120 = tpu.memref_slice %arg5[%dma_wait3A, %dma_wait3A_119] : memref<80x128xi32, #tpu.memory_space<vmem>> -> memref<20x128xi32, #tpu.memory_space<vmem>>
        %dma_wait3A_121 = arith.constant 2480 : i32
        %dma_wait3A_122 = arith.constant 0 : i32
        %dma_wait3A_123 = tpu.memref_slice %arg2[%run_scoped3A, %dma_wait3A_121, %dma_wait3A_122] : memref<2x2500x128xi32, #tpu.memory_space<hbm>> -> memref<1x20x128xi32, #tpu.memory_space<hbm>>
        %dma_wait3A_124 = tpu.memref_squeeze %dma_wait3A_123 : memref<1x20x128xi32, #tpu.memory_space<hbm>> -> memref<20x128xi32, #tpu.memory_space<hbm>>
        %dma_wait3A_125 = arith.constant 0 : i32
        %dma_wait3A_126 = arith.constant 0 : i32
        %dma_wait3A_127 = tpu.memref_slice %arg5[%dma_wait3A_125, %dma_wait3A_126] : memref<80x128xi32, #tpu.memory_space<vmem>> -> memref<20x128xi32, #tpu.memory_space<vmem>>
        %dma_wait3A_128 = arith.constant 2480 : i32
        %dma_wait3A_129 = arith.constant 0 : i32
        %dma_wait3A_130 = tpu.memref_slice %arg2[%run_scoped3A, %dma_wait3A_128, %dma_wait3A_129] : memref<2x2500x128xi32, #tpu.memory_space<hbm>> -> memref<1x20x128xi32, #tpu.memory_space<hbm>>
        %dma_wait3A_131 = tpu.memref_squeeze %dma_wait3A_130 : memref<1x20x128xi32, #tpu.memory_space<hbm>> -> memref<20x128xi32, #tpu.memory_space<hbm>>
        tpu.wait_dma2 semaphore(%run_scoped3A_104 : memref<!tpu.dma_semaphore, #tpu.memory_space<semaphore_mem>>) src(%dma_wait3A_131 : memref<20x128xi32, #tpu.memory_space<hbm>>) dst(%dma_wait3A_127 : memref<20x128xi32, #tpu.memory_space<vmem>>)
        tpu.yield
      }) : () -> ()
      %run_scoped3A_103 = arith.constant 1 : i32
      "tpu.region"() ({
        %run_scoped3A_104 = tpu.sem_alloc : memref<!tpu.dma_semaphore, #tpu.memory_space<semaphore_mem>>
        %dma_start3A_105 = arith.constant 0 : i32
        %dma_start3A_106 = arith.constant 0 : i32
        %dma_start3A_107 = tpu.memref_slice %arg6[%dma_start3A_105, %dma_start3A_106] : memref<80x128xi32, #tpu.memory_space<vmem>> -> memref<20x128xi32, #tpu.memory_space<vmem>>
        %dma_start3A_108 = arith.constant 2480 : i32
        %dma_start3A_109 = arith.constant 0 : i32
        %dma_start3A_110 = tpu.memref_slice %arg2[%run_scoped3A_103, %dma_start3A_108, %dma_start3A_109] : memref<2x2500x128xi32, #tpu.memory_space<hbm>> -> memref<1x20x128xi32, #tpu.memory_space<hbm>>
        %dma_start3A_111 = tpu.memref_squeeze %dma_start3A_110 : memref<1x20x128xi32, #tpu.memory_space<hbm>> -> memref<20x128xi32, #tpu.memory_space<hbm>>
        %dma_start3A_112 = arith.constant 0 : i32
        %dma_start3A_113 = arith.constant 0 : i32
        %dma_start3A_114 = tpu.memref_slice %arg6[%dma_start3A_112, %dma_start3A_113] : memref<80x128xi32, #tpu.memory_space<vmem>> -> memref<20x128xi32, #tpu.memory_space<vmem>>
        %dma_start3A_115 = arith.constant 2480 : i32
        %dma_start3A_116 = arith.constant 0 : i32
        %dma_start3A_117 = tpu.memref_slice %arg2[%run_scoped3A_103, %dma_start3A_115, %dma_start3A_116] : memref<2x2500x128xi32, #tpu.memory_space<hbm>> -> memref<1x20x128xi32, #tpu.memory_space<hbm>>
        %dma_start3A_118 = tpu.memref_squeeze %dma_start3A_117 : memref<1x20x128xi32, #tpu.memory_space<hbm>> -> memref<20x128xi32, #tpu.memory_space<hbm>>
        tpu.enqueue_dma source(%dma_start3A_118 : memref<20x128xi32, #tpu.memory_space<hbm>>) target(%dma_start3A_114 : memref<20x128xi32, #tpu.memory_space<vmem>>) target_semaphore(%run_scoped3A_104 : memref<!tpu.dma_semaphore, #tpu.memory_space<semaphore_mem>>)
        %dma_wait3A = arith.constant 0 : i32
        %dma_wait3A_119 = arith.constant 0 : i32
        %dma_wait3A_120 = tpu.memref_slice %arg6[%dma_wait3A, %dma_wait3A_119] : memref<80x128xi32, #tpu.memory_space<vmem>> -> memref<20x128xi32, #tpu.memory_space<vmem>>
        %dma_wait3A_121 = arith.constant 2480 : i32
        %dma_wait3A_122 = arith.constant 0 : i32
        %dma_wait3A_123 = tpu.memref_slice %arg2[%run_scoped3A_103, %dma_wait3A_121, %dma_wait3A_122] : memref<2x2500x128xi32, #tpu.memory_space<hbm>> -> memref<1x20x128xi32, #tpu.memory_space<hbm>>
        %dma_wait3A_124 = tpu.memref_squeeze %dma_wait3A_123 : memref<1x20x128xi32, #tpu.memory_space<hbm>> -> memref<20x128xi32, #tpu.memory_space<hbm>>
        %dma_wait3A_125 = arith.constant 0 : i32
        %dma_wait3A_126 = arith.constant 0 : i32
        %dma_wait3A_127 = tpu.memref_slice %arg6[%dma_wait3A_125, %dma_wait3A_126] : memref<80x128xi32, #tpu.memory_space<vmem>> -> memref<20x128xi32, #tpu.memory_space<vmem>>
        %dma_wait3A_128 = arith.constant 2480 : i32
        %dma_wait3A_129 = arith.constant 0 : i32
        %dma_wait3A_130 = tpu.memref_slice %arg2[%run_scoped3A_103, %dma_wait3A_128, %dma_wait3A_129] : memref<2x2500x128xi32, #tpu.memory_space<hbm>> -> memref<1x20x128xi32, #tpu.memory_space<hbm>>
        %dma_wait3A_131 = tpu.memref_squeeze %dma_wait3A_130 : memref<1x20x128xi32, #tpu.memory_space<hbm>> -> memref<20x128xi32, #tpu.memory_space<hbm>>
        tpu.wait_dma2 semaphore(%run_scoped3A_104 : memref<!tpu.dma_semaphore, #tpu.memory_space<semaphore_mem>>) src(%dma_wait3A_131 : memref<20x128xi32, #tpu.memory_space<hbm>>) dst(%dma_wait3A_127 : memref<20x128xi32, #tpu.memory_space<vmem>>)
        tpu.yield
      }) : () -> ()
    } else {
    }
    %scan3A_27 = arith.constant 0 : i32
    %scan3A_28 = arith.constant 0 : i32
    %scan3A_29 = arith.constant 80 : i32
    %scan3A_30 = arith.addi %scan3A_28, %scan3A_29 : i32
    %scan3A_31 = arith.constant 1 : i32
    scf.for %scan3A_103 = %scan3A_28 to %scan3A_30 step %scan3A_31  : i32 {
      %get3A = arith.index_cast %scan3A_103 : i32 to index
      %get3A_104 = arith.constant 0 : index
      %get3A_105 = tpu.vector_load %arg5[%get3A, %get3A_104] {strides = array<i32>} : memref<80x128xi32, #tpu.memory_space<vmem>>, vector<1x16xi32>,
      %get3A_106 = vector.shape_cast %get3A_105 : vector<1x16xi32> to vector<16xi32>
      %mul3A_107 = arith.constant 2 : i32
      %mul3A_108 = vector.broadcast %mul3A_107 : i32 to vector<16xi32>
      %mul3A_109 = arith.muli %get3A_106, %mul3A_108 : vector<16xi32>
      %add3A_110 = arith.constant 0 : i32
      %add3A_111 = vector.broadcast %add3A_110 : i32 to vector<16xi32>
      %add3A_112 = arith.addi %mul3A_109, %add3A_111 : vector<16xi32>
      %swap3A = arith.index_cast %scan3A_103 : i32 to index
      %swap3A_113 = arith.constant 0 : index
      %swap3A_114 = tpu.vector_load %arg5[%swap3A, %swap3A_113] {strides = array<i32>} : memref<80x128xi32, #tpu.memory_space<vmem>>, vector<1x16xi32>,
      %swap3A_115 = vector.shape_cast %swap3A_114 : vector<1x16xi32> to vector<16xi32>
      %swap3A_116 = vector.shape_cast %add3A_112 : vector<16xi32> to vector<1x16xi32>
      tpu.vector_store %arg5[%swap3A, %swap3A_113], %swap3A_116 {strides = array<i32>} : memref<80x128xi32, #tpu.memory_space<vmem>>, vector<1x16xi32>,
      %get3A_117 = arith.index_cast %scan3A_103 : i32 to index
      %get3A_118 = arith.constant 16 : index
      %get3A_119 = tpu.vector_load %arg5[%get3A_117, %get3A_118] {strides = array<i32>} : memref<80x128xi32, #tpu.memory_space<vmem>>, vector<1x16xi32>,
      %get3A_120 = vector.shape_cast %get3A_119 : vector<1x16xi32> to vector<16xi32>
      %mul3A_121 = arith.constant 2 : i32
      %mul3A_122 = vector.broadcast %mul3A_121 : i32 to vector<16xi32>
      %mul3A_123 = arith.muli %get3A_120, %mul3A_122 : vector<16xi32>
      %add3A_124 = arith.constant 0 : i32
      %add3A_125 = vector.broadcast %add3A_124 : i32 to vector<16xi32>
      %add3A_126 = arith.addi %mul3A_123, %add3A_125 : vector<16xi32>
      %swap3A_127 = arith.index_cast %scan3A_103 : i32 to index
      %swap3A_128 = arith.constant 16 : index
      %swap3A_129 = tpu.vector_load %arg5[%swap3A_127, %swap3A_128] {strides = array<i32>} : memref<80x128xi32, #tpu.memory_space<vmem>>, vector<1x16xi32>,
      %swap3A_130 = vector.shape_cast %swap3A_129 : vector<1x16xi32> to vector<16xi32>
      %swap3A_131 = vector.shape_cast %add3A_126 : vector<16xi32> to vector<1x16xi32>
      tpu.vector_store %arg5[%swap3A_127, %swap3A_128], %swap3A_131 {strides = array<i32>} : memref<80x128xi32, #tpu.memory_space<vmem>>, vector<1x16xi32>,
      %get3A_132 = arith.index_cast %scan3A_103 : i32 to index
      %get3A_133 = arith.constant 32 : index
      %get3A_134 = tpu.vector_load %arg5[%get3A_132, %get3A_133] {strides = array<i32>} : memref<80x128xi32, #tpu.memory_space<vmem>>, vector<1x16xi32>,
      %get3A_135 = vector.shape_cast %get3A_134 : vector<1x16xi32> to vector<16xi32>
      %mul3A_136 = arith.constant 2 : i32
      %mul3A_137 = vector.broadcast %mul3A_136 : i32 to vector<16xi32>
      %mul3A_138 = arith.muli %get3A_135, %mul3A_137 : vector<16xi32>
      %add3A_139 = arith.constant 0 : i32
      %add3A_140 = vector.broadcast %add3A_139 : i32 to vector<16xi32>
      %add3A_141 = arith.addi %mul3A_138, %add3A_140 : vector<16xi32>
      %swap3A_142 = arith.index_cast %scan3A_103 : i32 to index
      %swap3A_143 = arith.constant 32 : index
      %swap3A_144 = tpu.vector_load %arg5[%swap3A_142, %swap3A_143] {strides = array<i32>} : memref<80x128xi32, #tpu.memory_space<vmem>>, vector<1x16xi32>,
      %swap3A_145 = vector.shape_cast %swap3A_144 : vector<1x16xi32> to vector<16xi32>
      %swap3A_146 = vector.shape_cast %add3A_141 : vector<16xi32> to vector<1x16xi32>
      tpu.vector_store %arg5[%swap3A_142, %swap3A_143], %swap3A_146 {strides = array<i32>} : memref<80x128xi32, #tpu.memory_space<vmem>>, vector<1x16xi32>,
      %get3A_147 = arith.index_cast %scan3A_103 : i32 to index
      %get3A_148 = arith.constant 48 : index
      %get3A_149 = tpu.vector_load %arg5[%get3A_147, %get3A_148] {strides = array<i32>} : memref<80x128xi32, #tpu.memory_space<vmem>>, vector<1x16xi32>,
      %get3A_150 = vector.shape_cast %get3A_149 : vector<1x16xi32> to vector<16xi32>
      %mul3A_151 = arith.constant 2 : i32
      %mul3A_152 = vector.broadcast %mul3A_151 : i32 to vector<16xi32>
      %mul3A_153 = arith.muli %get3A_150, %mul3A_152 : vector<16xi32>
      %add3A_154 = arith.constant 0 : i32
      %add3A_155 = vector.broadcast %add3A_154 : i32 to vector<16xi32>
      %add3A_156 = arith.addi %mul3A_153, %add3A_155 : vector<16xi32>
      %swap3A_157 = arith.index_cast %scan3A_103 : i32 to index
      %swap3A_158 = arith.constant 48 : index
      %swap3A_159 = tpu.vector_load %arg5[%swap3A_157, %swap3A_158] {strides = array<i32>} : memref<80x128xi32, #tpu.memory_space<vmem>>, vector<1x16xi32>,
      %swap3A_160 = vector.shape_cast %swap3A_159 : vector<1x16xi32> to vector<16xi32>
      %swap3A_161 = vector.shape_cast %add3A_156 : vector<16xi32> to vector<1x16xi32>
      tpu.vector_store %arg5[%swap3A_157, %swap3A_158], %swap3A_161 {strides = array<i32>} : memref<80x128xi32, #tpu.memory_space<vmem>>, vector<1x16xi32>,
      %get3A_162 = arith.index_cast %scan3A_103 : i32 to index
      %get3A_163 = arith.constant 64 : index
      %get3A_164 = tpu.vector_load %arg5[%get3A_162, %get3A_163] {strides = array<i32>} : memref<80x128xi32, #tpu.memory_space<vmem>>, vector<1x16xi32>,
      %get3A_165 = vector.shape_cast %get3A_164 : vector<1x16xi32> to vector<16xi32>
      %mul3A_166 = arith.constant 2 : i32
      %mul3A_167 = vector.broadcast %mul3A_166 : i32 to vector<16xi32>
      %mul3A_168 = arith.muli %get3A_165, %mul3A_167 : vector<16xi32>
      %add3A_169 = arith.constant 0 : i32
      %add3A_170 = vector.broadcast %add3A_169 : i32 to vector<16xi32>
      %add3A_171 = arith.addi %mul3A_168, %add3A_170 : vector<16xi32>
      %swap3A_172 = arith.index_cast %scan3A_103 : i32 to index
      %swap3A_173 = arith.constant 64 : index
      %swap3A_174 = tpu.vector_load %arg5[%swap3A_172, %swap3A_173] {strides = array<i32>} : memref<80x128xi32, #tpu.memory_space<vmem>>, vector<1x16xi32>,
      %swap3A_175 = vector.shape_cast %swap3A_174 : vector<1x16xi32> to vector<16xi32>
      %swap3A_176 = vector.shape_cast %add3A_171 : vector<16xi32> to vector<1x16xi32>
      tpu.vector_store %arg5[%swap3A_172, %swap3A_173], %swap3A_176 {strides = array<i32>} : memref<80x128xi32, #tpu.memory_space<vmem>>, vector<1x16xi32>,
      %get3A_177 = arith.index_cast %scan3A_103 : i32 to index
      %get3A_178 = arith.constant 80 : index
      %get3A_179 = tpu.vector_load %arg5[%get3A_177, %get3A_178] {strides = array<i32>} : memref<80x128xi32, #tpu.memory_space<vmem>>, vector<1x16xi32>,
      %get3A_180 = vector.shape_cast %get3A_179 : vector<1x16xi32> to vector<16xi32>
      %mul3A_181 = arith.constant 2 : i32
      %mul3A_182 = vector.broadcast %mul3A_181 : i32 to vector<16xi32>
      %mul3A_183 = arith.muli %get3A_180, %mul3A_182 : vector<16xi32>
      %add3A_184 = arith.constant 0 : i32
      %add3A_185 = vector.broadcast %add3A_184 : i32 to vector<16xi32>
      %add3A_186 = arith.addi %mul3A_183, %add3A_185 : vector<16xi32>
      %swap3A_187 = arith.index_cast %scan3A_103 : i32 to index
      %swap3A_188 = arith.constant 80 : index
      %swap3A_189 = tpu.vector_load %arg5[%swap3A_187, %swap3A_188] {strides = array<i32>} : memref<80x128xi32, #tpu.memory_space<vmem>>, vector<1x16xi32>,
      %swap3A_190 = vector.shape_cast %swap3A_189 : vector<1x16xi32> to vector<16xi32>
      %swap3A_191 = vector.shape_cast %add3A_186 : vector<16xi32> to vector<1x16xi32>
      tpu.vector_store %arg5[%swap3A_187, %swap3A_188], %swap3A_191 {strides = array<i32>} : memref<80x128xi32, #tpu.memory_space<vmem>>, vector<1x16xi32>,
      %get3A_192 = arith.index_cast %scan3A_103 : i32 to index
      %get3A_193 = arith.constant 96 : index
      %get3A_194 = tpu.vector_load %arg5[%get3A_192, %get3A_193] {strides = array<i32>} : memref<80x128xi32, #tpu.memory_space<vmem>>, vector<1x16xi32>,
      %get3A_195 = vector.shape_cast %get3A_194 : vector<1x16xi32> to vector<16xi32>
      %mul3A_196 = arith.constant 2 : i32
      %mul3A_197 = vector.broadcast %mul3A_196 : i32 to vector<16xi32>
      %mul3A_198 = arith.muli %get3A_195, %mul3A_197 : vector<16xi32>
      %add3A_199 = arith.constant 0 : i32
      %add3A_200 = vector.broadcast %add3A_199 : i32 to vector<16xi32>
      %add3A_201 = arith.addi %mul3A_198, %add3A_200 : vector<16xi32>
      %swap3A_202 = arith.index_cast %scan3A_103 : i32 to index
      %swap3A_203 = arith.constant 96 : index
      %swap3A_204 = tpu.vector_load %arg5[%swap3A_202, %swap3A_203] {strides = array<i32>} : memref<80x128xi32, #tpu.memory_space<vmem>>, vector<1x16xi32>,
      %swap3A_205 = vector.shape_cast %swap3A_204 : vector<1x16xi32> to vector<16xi32>
      %swap3A_206 = vector.shape_cast %add3A_201 : vector<16xi32> to vector<1x16xi32>
      tpu.vector_store %arg5[%swap3A_202, %swap3A_203], %swap3A_206 {strides = array<i32>} : memref<80x128xi32, #tpu.memory_space<vmem>>, vector<1x16xi32>,
      %get3A_207 = arith.index_cast %scan3A_103 : i32 to index
      %get3A_208 = arith.constant 112 : index
      %get3A_209 = tpu.vector_load %arg5[%get3A_207, %get3A_208] {strides = array<i32>} : memref<80x128xi32, #tpu.memory_space<vmem>>, vector<1x16xi32>,
      %get3A_210 = vector.shape_cast %get3A_209 : vector<1x16xi32> to vector<16xi32>
      %mul3A_211 = arith.constant 2 : i32
      %mul3A_212 = vector.broadcast %mul3A_211 : i32 to vector<16xi32>
      %mul3A_213 = arith.muli %get3A_210, %mul3A_212 : vector<16xi32>
      %add3A_214 = arith.constant 0 : i32
      %add3A_215 = vector.broadcast %add3A_214 : i32 to vector<16xi32>
      %add3A_216 = arith.addi %mul3A_213, %add3A_215 : vector<16xi32>
      %swap3A_217 = arith.index_cast %scan3A_103 : i32 to index
      %swap3A_218 = arith.constant 112 : index
      %swap3A_219 = tpu.vector_load %arg5[%swap3A_217, %swap3A_218] {strides = array<i32>} : memref<80x128xi32, #tpu.memory_space<vmem>>, vector<1x16xi32>,
      %swap3A_220 = vector.shape_cast %swap3A_219 : vector<1x16xi32> to vector<16xi32>
      %swap3A_221 = vector.shape_cast %add3A_216 : vector<16xi32> to vector<1x16xi32>
      tpu.vector_store %arg5[%swap3A_217, %swap3A_218], %swap3A_221 {strides = array<i32>} : memref<80x128xi32, #tpu.memory_space<vmem>>, vector<1x16xi32>,
    }
    %scan3A_32 = arith.constant 80 : i32
    %dma_start3A = arith.constant 0 : i32
    %dma_start3A_33 = arith.constant 0 : i32
    %dma_start3A_34 = tpu.memref_slice %arg5[%dma_start3A, %dma_start3A_33] : memref<80x128xi32, #tpu.memory_space<vmem>> -> memref<1x128xi32, #tpu.memory_space<vmem>>
    %dma_start3A_35 = tpu.memref_squeeze %dma_start3A_34 : memref<1x128xi32, #tpu.memory_space<vmem>> -> memref<128xi32, #tpu.memory_space<vmem>>
    %dma_start3A_36 = arith.constant 0 : i32
    %dma_start3A_37 = arith.constant 0 : i32
    %dma_start3A_38 = tpu.memref_slice %arg3[%dma_start3A_36, %dma_start3A_37] : memref<20000x64xf32, #tpu.memory_space<hbm>> -> memref<20000x64xf32, #tpu.memory_space<hbm>>
    tpu.enqueue_indirect_dma source(%dma_start3A_38 : memref<20000x64xf32, #tpu.memory_space<hbm>>) target(%arg7 : memref<128x64xf32, #tpu.memory_space<vmem>>) offsets(%dma_start3A_35 : memref<128xi32, #tpu.memory_space<vmem>>) semaphore(%arg13 : memref<!tpu.dma_semaphore, #tpu.memory_space<semaphore_mem>>)
    %dma_start3A_39 = arith.constant 1 : i32
    %dma_start3A_40 = arith.constant 0 : i32
    %dma_start3A_41 = tpu.memref_slice %arg5[%dma_start3A_39, %dma_start3A_40] : memref<80x128xi32, #tpu.memory_space<vmem>> -> memref<1x128xi32, #tpu.memory_space<vmem>>
    %dma_start3A_42 = tpu.memref_squeeze %dma_start3A_41 : memref<1x128xi32, #tpu.memory_space<vmem>> -> memref<128xi32, #tpu.memory_space<vmem>>
    %dma_start3A_43 = arith.constant 0 : i32
    %dma_start3A_44 = arith.constant 0 : i32
    %dma_start3A_45 = tpu.memref_slice %arg3[%dma_start3A_43, %dma_start3A_44] : memref<20000x64xf32, #tpu.memory_space<hbm>> -> memref<20000x64xf32, #tpu.memory_space<hbm>>
    tpu.enqueue_indirect_dma source(%dma_start3A_45 : memref<20000x64xf32, #tpu.memory_space<hbm>>) target(%arg8 : memref<128x64xf32, #tpu.memory_space<vmem>>) offsets(%dma_start3A_42 : memref<128xi32, #tpu.memory_space<vmem>>) semaphore(%arg14 : memref<!tpu.dma_semaphore, #tpu.memory_space<semaphore_mem>>)
    %dma_start3A_46 = arith.constant 2 : i32
    %dma_start3A_47 = arith.constant 0 : i32
    %dma_start3A_48 = tpu.memref_slice %arg5[%dma_start3A_46, %dma_start3A_47] : memref<80x128xi32, #tpu.memory_space<vmem>> -> memref<1x128xi32, #tpu.memory_space<vmem>>
    %dma_start3A_49 = tpu.memref_squeeze %dma_start3A_48 : memref<1x128xi32, #tpu.memory_space<vmem>> -> memref<128xi32, #tpu.memory_space<vmem>>
    %dma_start3A_50 = arith.constant 0 : i32
    %dma_start3A_51 = arith.constant 0 : i32
    %dma_start3A_52 = tpu.memref_slice %arg3[%dma_start3A_50, %dma_start3A_51] : memref<20000x64xf32, #tpu.memory_space<hbm>> -> memref<20000x64xf32, #tpu.memory_space<hbm>>
    tpu.enqueue_indirect_dma source(%dma_start3A_52 : memref<20000x64xf32, #tpu.memory_space<hbm>>) target(%arg9 : memref<128x64xf32, #tpu.memory_space<vmem>>) offsets(%dma_start3A_49 : memref<128xi32, #tpu.memory_space<vmem>>) semaphore(%arg15 : memref<!tpu.dma_semaphore, #tpu.memory_space<semaphore_mem>>)
    %dma_start3A_53 = arith.constant 3 : i32
    %dma_start3A_54 = arith.constant 0 : i32
    %dma_start3A_55 = tpu.memref_slice %arg5[%dma_start3A_53, %dma_start3A_54] : memref<80x128xi32, #tpu.memory_space<vmem>> -> memref<1x128xi32, #tpu.memory_space<vmem>>
    %dma_start3A_56 = tpu.memref_squeeze %dma_start3A_55 : memref<1x128xi32, #tpu.memory_space<vmem>> -> memref<128xi32, #tpu.memory_space<vmem>>
    %dma_start3A_57 = arith.constant 0 : i32
    %dma_start3A_58 = arith.constant 0 : i32
    %dma_start3A_59 = tpu.memref_slice %arg3[%dma_start3A_57, %dma_start3A_58] : memref<20000x64xf32, #tpu.memory_space<hbm>> -> memref<20000x64xf32, #tpu.memory_space<hbm>>
    tpu.enqueue_indirect_dma source(%dma_start3A_59 : memref<20000x64xf32, #tpu.memory_space<hbm>>) target(%arg10 : memref<128x64xf32, #tpu.memory_space<vmem>>) offsets(%dma_start3A_56 : memref<128xi32, #tpu.memory_space<vmem>>) semaphore(%arg16 : memref<!tpu.dma_semaphore, #tpu.memory_space<semaphore_mem>>)
    %dma_start3A_60 = arith.constant 4 : i32
    %dma_start3A_61 = arith.constant 0 : i32
    %dma_start3A_62 = tpu.memref_slice %arg5[%dma_start3A_60, %dma_start3A_61] : memref<80x128xi32, #tpu.memory_space<vmem>> -> memref<1x128xi32, #tpu.memory_space<vmem>>
    %dma_start3A_63 = tpu.memref_squeeze %dma_start3A_62 : memref<1x128xi32, #tpu.memory_space<vmem>> -> memref<128xi32, #tpu.memory_space<vmem>>
    %dma_start3A_64 = arith.constant 0 : i32
    %dma_start3A_65 = arith.constant 0 : i32
    %dma_start3A_66 = tpu.memref_slice %arg3[%dma_start3A_64, %dma_start3A_65] : memref<20000x64xf32, #tpu.memory_space<hbm>> -> memref<20000x64xf32, #tpu.memory_space<hbm>>
    tpu.enqueue_indirect_dma source(%dma_start3A_66 : memref<20000x64xf32, #tpu.memory_space<hbm>>) target(%arg11 : memref<128x64xf32, #tpu.memory_space<vmem>>) offsets(%dma_start3A_63 : memref<128xi32, #tpu.memory_space<vmem>>) semaphore(%arg17 : memref<!tpu.dma_semaphore, #tpu.memory_space<semaphore_mem>>)
    %jit3A_67 = arith.constant 5 : i32
    %div3A = arith.divsi %select_n3A, %jit3A_67 : i32
    %sign3A = arith.constant 0 : i32
    %sign3A_68 = arith.cmpi sgt, %select_n3A, %sign3A : i32
    %sign3A_69 = arith.extui %sign3A_68 : i1 to i32
    %sign3A_70 = arith.constant 0 : i32
    %sign3A_71 = arith.cmpi slt, %select_n3A, %sign3A_70 : i32
    %sign3A_72 = arith.extui %sign3A_71 : i1 to i32
    %sign3A_73 = arith.subi %sign3A_69, %sign3A_72 : i32
    %sign3A_74 = arith.constant 0 : i32
    %sign3A_75 = arith.cmpi sgt, %jit3A_67, %sign3A_74 : i32
    %sign3A_76 = arith.extui %sign3A_75 : i1 to i32
    %sign3A_77 = arith.constant 0 : i32
    %sign3A_78 = arith.cmpi slt, %jit3A_67, %sign3A_77 : i32
    %sign3A_79 = arith.extui %sign3A_78 : i1 to i32
    %sign3A_80 = arith.subi %sign3A_76, %sign3A_79 : i32
    %ne3A = arith.cmpi ne, %sign3A_73, %sign3A_80 : i32
    %rem3A = arith.remsi %select_n3A, %jit3A_67 : i32
    %ne3A_81 = arith.constant 0 : i32
    %ne3A_82 = arith.cmpi ne, %rem3A, %ne3A_81 : i32
    %and3A = arith.andi %ne3A, %ne3A_82 : i1
    %sub3A = arith.constant 1 : i32
    %sub3A_83 = arith.subi %div3A, %sub3A : i32
    %select_n3A_84 = arith.select %and3A, %sub3A_83, %div3A : i32
    %while3A = arith.constant 0 : i32
    %while3A_85 = arith.constant 0 : i32
    %while3A_86 = arith.subi %select_n3A_84, %while3A_85 : i32
    %while3A_87 = arith.addi %while3A_85, %while3A_86 : i32
    %while3A_88 = arith.constant 1 : i32
    %while3A_89 = arith.divsi %while3A_86, %while3A_88 : i32
    %while3A_90 = arith.muli %while3A_89, %while3A_88 : i32
    %while3A_91 = arith.addi %while3A_85, %while3A_90 : i32
    %while3A_92 = arith.constant 1 : i32
    scf.for %while3A_103 = %while3A_85 to %while3A_91 step %while3A_92  : i32 {
      %mul3A_104 = arith.constant 5 : i32
      %mul3A_105 = arith.muli %mul3A_104, %while3A_103 : i32
      %add3A_106 = arith.constant 0 : i32
      %add3A_107 = arith.addi %mul3A_105, %add3A_106 : i32
      %dma_wait3A = arith.constant 0 : i32
      %dma_wait3A_108 = tpu.memref_slice %arg5[%add3A_107, %dma_wait3A] : memref<80x128xi32, #tpu.memory_space<vmem>> -> memref<1x128xi32, #tpu.memory_space<vmem>>
      %dma_wait3A_109 = tpu.memref_squeeze %dma_wait3A_108 : memref<1x128xi32, #tpu.memory_space<vmem>> -> memref<128xi32, #tpu.memory_space<vmem>>
      %dma_wait3A_110 = arith.constant 0 : i32
      %dma_wait3A_111 = arith.constant 0 : i32
      %dma_wait3A_112 = tpu.memref_slice %arg3[%dma_wait3A_110, %dma_wait3A_111] : memref<20000x64xf32, #tpu.memory_space<hbm>> -> memref<20000x64xf32, #tpu.memory_space<hbm>>
      tpu.wait_indirect_dma semaphore(%arg13 : memref<!tpu.dma_semaphore, #tpu.memory_space<semaphore_mem>>) src(%dma_wait3A_112 : memref<20000x64xf32, #tpu.memory_space<hbm>>) dst(%arg7 : memref<128x64xf32, #tpu.memory_space<vmem>>)
      %add3A_113 = arith.constant 0 : i32
      %add3A_114 = arith.addi %mul3A_105, %add3A_113 : i32
      %dma_start3A_115 = arith.constant 0 : i32
      %dma_start3A_116 = tpu.memref_slice %arg6[%add3A_114, %dma_start3A_115] : memref<80x128xi32, #tpu.memory_space<vmem>> -> memref<1x128xi32, #tpu.memory_space<vmem>>
      %dma_start3A_117 = tpu.memref_squeeze %dma_start3A_116 : memref<1x128xi32, #tpu.memory_space<vmem>> -> memref<128xi32, #tpu.memory_space<vmem>>
      %dma_start3A_118 = arith.constant 0 : i32
      %dma_start3A_119 = arith.constant 0 : i32
      %dma_start3A_120 = tpu.memref_slice %arg23[%dma_start3A_118, %dma_start3A_119] : memref<10240x64xf32, #tpu.memory_space<vmem_shared>> -> memref<10240x64xf32, #tpu.memory_space<vmem_shared>>
      tpu.enqueue_indirect_dma source(%arg7 : memref<128x64xf32, #tpu.memory_space<vmem>>) target(%dma_start3A_120 : memref<10240x64xf32, #tpu.memory_space<vmem_shared>>) offsets(%dma_start3A_117 : memref<128xi32, #tpu.memory_space<vmem>>) semaphore(%arg18 : memref<!tpu.dma_semaphore, #tpu.memory_space<semaphore_mem>>) {add = true}
      %add3A_121 = arith.constant 1 : i32
      %add3A_122 = arith.addi %mul3A_105, %add3A_121 : i32
      %dma_wait3A_123 = arith.constant 0 : i32
      %dma_wait3A_124 = tpu.memref_slice %arg5[%add3A_122, %dma_wait3A_123] : memref<80x128xi32, #tpu.memory_space<vmem>> -> memref<1x128xi32, #tpu.memory_space<vmem>>
      %dma_wait3A_125 = tpu.memref_squeeze %dma_wait3A_124 : memref<1x128xi32, #tpu.memory_space<vmem>> -> memref<128xi32, #tpu.memory_space<vmem>>
      %dma_wait3A_126 = arith.constant 0 : i32
      %dma_wait3A_127 = arith.constant 0 : i32
      %dma_wait3A_128 = tpu.memref_slice %arg3[%dma_wait3A_126, %dma_wait3A_127] : memref<20000x64xf32, #tpu.memory_space<hbm>> -> memref<20000x64xf32, #tpu.memory_space<hbm>>
      tpu.wait_indirect_dma semaphore(%arg14 : memref<!tpu.dma_semaphore, #tpu.memory_space<semaphore_mem>>) src(%dma_wait3A_128 : memref<20000x64xf32, #tpu.memory_space<hbm>>) dst(%arg8 : memref<128x64xf32, #tpu.memory_space<vmem>>)
      %add3A_129 = arith.constant 1 : i32
      %add3A_130 = arith.addi %mul3A_105, %add3A_129 : i32
      %dma_start3A_131 = arith.constant 0 : i32
      %dma_start3A_132 = tpu.memref_slice %arg6[%add3A_130, %dma_start3A_131] : memref<80x128xi32, #tpu.memory_space<vmem>> -> memref<1x128xi32, #tpu.memory_space<vmem>>
      %dma_start3A_133 = tpu.memref_squeeze %dma_start3A_132 : memref<1x128xi32, #tpu.memory_space<vmem>> -> memref<128xi32, #tpu.memory_space<vmem>>
      %dma_start3A_134 = arith.constant 0 : i32
      %dma_start3A_135 = arith.constant 0 : i32
      %dma_start3A_136 = tpu.memref_slice %arg23[%dma_start3A_134, %dma_start3A_135] : memref<10240x64xf32, #tpu.memory_space<vmem_shared>> -> memref<10240x64xf32, #tpu.memory_space<vmem_shared>>
      tpu.enqueue_indirect_dma source(%arg8 : memref<128x64xf32, #tpu.memory_space<vmem>>) target(%dma_start3A_136 : memref<10240x64xf32, #tpu.memory_space<vmem_shared>>) offsets(%dma_start3A_133 : memref<128xi32, #tpu.memory_space<vmem>>) semaphore(%arg19 : memref<!tpu.dma_semaphore, #tpu.memory_space<semaphore_mem>>) {add = true}
      %add3A_137 = arith.constant 2 : i32
      %add3A_138 = arith.addi %mul3A_105, %add3A_137 : i32
      %dma_wait3A_139 = arith.constant 0 : i32
      %dma_wait3A_140 = tpu.memref_slice %arg5[%add3A_138, %dma_wait3A_139] : memref<80x128xi32, #tpu.memory_space<vmem>> -> memref<1x128xi32, #tpu.memory_space<vmem>>
      %dma_wait3A_141 = tpu.memref_squeeze %dma_wait3A_140 : memref<1x128xi32, #tpu.memory_space<vmem>> -> memref<128xi32, #tpu.memory_space<vmem>>
      %dma_wait3A_142 = arith.constant 0 : i32
      %dma_wait3A_143 = arith.constant 0 : i32
      %dma_wait3A_144 = tpu.memref_slice %arg3[%dma_wait3A_142, %dma_wait3A_143] : memref<20000x64xf32, #tpu.memory_space<hbm>> -> memref<20000x64xf32, #tpu.memory_space<hbm>>
      tpu.wait_indirect_dma semaphore(%arg15 : memref<!tpu.dma_semaphore, #tpu.memory_space<semaphore_mem>>) src(%dma_wait3A_144 : memref<20000x64xf32, #tpu.memory_space<hbm>>) dst(%arg9 : memref<128x64xf32, #tpu.memory_space<vmem>>)
      %add3A_145 = arith.constant 2 : i32
      %add3A_146 = arith.addi %mul3A_105, %add3A_145 : i32
      %dma_start3A_147 = arith.constant 0 : i32
      %dma_start3A_148 = tpu.memref_slice %arg6[%add3A_146, %dma_start3A_147] : memref<80x128xi32, #tpu.memory_space<vmem>> -> memref<1x128xi32, #tpu.memory_space<vmem>>
      %dma_start3A_149 = tpu.memref_squeeze %dma_start3A_148 : memref<1x128xi32, #tpu.memory_space<vmem>> -> memref<128xi32, #tpu.memory_space<vmem>>
      %dma_start3A_150 = arith.constant 0 : i32
      %dma_start3A_151 = arith.constant 0 : i32
      %dma_start3A_152 = tpu.memref_slice %arg23[%dma_start3A_150, %dma_start3A_151] : memref<10240x64xf32, #tpu.memory_space<vmem_shared>> -> memref<10240x64xf32, #tpu.memory_space<vmem_shared>>
      tpu.enqueue_indirect_dma source(%arg9 : memref<128x64xf32, #tpu.memory_space<vmem>>) target(%dma_start3A_152 : memref<10240x64xf32, #tpu.memory_space<vmem_shared>>) offsets(%dma_start3A_149 : memref<128xi32, #tpu.memory_space<vmem>>) semaphore(%arg20 : memref<!tpu.dma_semaphore, #tpu.memory_space<semaphore_mem>>) {add = true}
      %add3A_153 = arith.constant 3 : i32
      %add3A_154 = arith.addi %mul3A_105, %add3A_153 : i32
      %dma_wait3A_155 = arith.constant 0 : i32
      %dma_wait3A_156 = tpu.memref_slice %arg5[%add3A_154, %dma_wait3A_155] : memref<80x128xi32, #tpu.memory_space<vmem>> -> memref<1x128xi32, #tpu.memory_space<vmem>>
      %dma_wait3A_157 = tpu.memref_squeeze %dma_wait3A_156 : memref<1x128xi32, #tpu.memory_space<vmem>> -> memref<128xi32, #tpu.memory_space<vmem>>
      %dma_wait3A_158 = arith.constant 0 : i32
      %dma_wait3A_159 = arith.constant 0 : i32
      %dma_wait3A_160 = tpu.memref_slice %arg3[%dma_wait3A_158, %dma_wait3A_159] : memref<20000x64xf32, #tpu.memory_space<hbm>> -> memref<20000x64xf32, #tpu.memory_space<hbm>>
      tpu.wait_indirect_dma semaphore(%arg16 : memref<!tpu.dma_semaphore, #tpu.memory_space<semaphore_mem>>) src(%dma_wait3A_160 : memref<20000x64xf32, #tpu.memory_space<hbm>>) dst(%arg10 : memref<128x64xf32, #tpu.memory_space<vmem>>)
      %add3A_161 = arith.constant 3 : i32
      %add3A_162 = arith.addi %mul3A_105, %add3A_161 : i32
      %dma_start3A_163 = arith.constant 0 : i32
      %dma_start3A_164 = tpu.memref_slice %arg6[%add3A_162, %dma_start3A_163] : memref<80x128xi32, #tpu.memory_space<vmem>> -> memref<1x128xi32, #tpu.memory_space<vmem>>
      %dma_start3A_165 = tpu.memref_squeeze %dma_start3A_164 : memref<1x128xi32, #tpu.memory_space<vmem>> -> memref<128xi32, #tpu.memory_space<vmem>>
      %dma_start3A_166 = arith.constant 0 : i32
      %dma_start3A_167 = arith.constant 0 : i32
      %dma_start3A_168 = tpu.memref_slice %arg23[%dma_start3A_166, %dma_start3A_167] : memref<10240x64xf32, #tpu.memory_space<vmem_shared>> -> memref<10240x64xf32, #tpu.memory_space<vmem_shared>>
      tpu.enqueue_indirect_dma source(%arg10 : memref<128x64xf32, #tpu.memory_space<vmem>>) target(%dma_start3A_168 : memref<10240x64xf32, #tpu.memory_space<vmem_shared>>) offsets(%dma_start3A_165 : memref<128xi32, #tpu.memory_space<vmem>>) semaphore(%arg21 : memref<!tpu.dma_semaphore, #tpu.memory_space<semaphore_mem>>) {add = true}
      %add3A_169 = arith.constant 4 : i32
      %add3A_170 = arith.addi %mul3A_105, %add3A_169 : i32
      %dma_wait3A_171 = arith.constant 0 : i32
      %dma_wait3A_172 = tpu.memref_slice %arg5[%add3A_170, %dma_wait3A_171] : memref<80x128xi32, #tpu.memory_space<vmem>> -> memref<1x128xi32, #tpu.memory_space<vmem>>
      %dma_wait3A_173 = tpu.memref_squeeze %dma_wait3A_172 : memref<1x128xi32, #tpu.memory_space<vmem>> -> memref<128xi32, #tpu.memory_space<vmem>>
      %dma_wait3A_174 = arith.constant 0 : i32
      %dma_wait3A_175 = arith.constant 0 : i32
      %dma_wait3A_176 = tpu.memref_slice %arg3[%dma_wait3A_174, %dma_wait3A_175] : memref<20000x64xf32, #tpu.memory_space<hbm>> -> memref<20000x64xf32, #tpu.memory_space<hbm>>
      tpu.wait_indirect_dma semaphore(%arg17 : memref<!tpu.dma_semaphore, #tpu.memory_space<semaphore_mem>>) src(%dma_wait3A_176 : memref<20000x64xf32, #tpu.memory_space<hbm>>) dst(%arg11 : memref<128x64xf32, #tpu.memory_space<vmem>>)
      %add3A_177 = arith.constant 4 : i32
      %add3A_178 = arith.addi %mul3A_105, %add3A_177 : i32
      %dma_start3A_179 = arith.constant 0 : i32
      %dma_start3A_180 = tpu.memref_slice %arg6[%add3A_178, %dma_start3A_179] : memref<80x128xi32, #tpu.memory_space<vmem>> -> memref<1x128xi32, #tpu.memory_space<vmem>>
      %dma_start3A_181 = tpu.memref_squeeze %dma_start3A_180 : memref<1x128xi32, #tpu.memory_space<vmem>> -> memref<128xi32, #tpu.memory_space<vmem>>
      %dma_start3A_182 = arith.constant 0 : i32
      %dma_start3A_183 = arith.constant 0 : i32
      %dma_start3A_184 = tpu.memref_slice %arg23[%dma_start3A_182, %dma_start3A_183] : memref<10240x64xf32, #tpu.memory_space<vmem_shared>> -> memref<10240x64xf32, #tpu.memory_space<vmem_shared>>
      tpu.enqueue_indirect_dma source(%arg11 : memref<128x64xf32, #tpu.memory_space<vmem>>) target(%dma_start3A_184 : memref<10240x64xf32, #tpu.memory_space<vmem_shared>>) offsets(%dma_start3A_181 : memref<128xi32, #tpu.memory_space<vmem>>) semaphore(%arg22 : memref<!tpu.dma_semaphore, #tpu.memory_space<semaphore_mem>>) {add = true}
      %add3A_185 = arith.constant 0 : i32
      %add3A_186 = arith.addi %mul3A_105, %add3A_185 : i32
      %dma_wait3A_187 = arith.constant 0 : i32
      %dma_wait3A_188 = tpu.memref_slice %arg6[%add3A_186, %dma_wait3A_187] : memref<80x128xi32, #tpu.memory_space<vmem>> -> memref<1x128xi32, #tpu.memory_space<vmem>>
      %dma_wait3A_189 = tpu.memref_squeeze %dma_wait3A_188 : memref<1x128xi32, #tpu.memory_space<vmem>> -> memref<128xi32, #tpu.memory_space<vmem>>
      %dma_wait3A_190 = arith.constant 0 : i32
      %dma_wait3A_191 = arith.constant 0 : i32
      %dma_wait3A_192 = tpu.memref_slice %arg23[%dma_wait3A_190, %dma_wait3A_191] : memref<10240x64xf32, #tpu.memory_space<vmem_shared>> -> memref<10240x64xf32, #tpu.memory_space<vmem_shared>>
      tpu.wait_indirect_dma semaphore(%arg18 : memref<!tpu.dma_semaphore, #tpu.memory_space<semaphore_mem>>) src(%arg7 : memref<128x64xf32, #tpu.memory_space<vmem>>) dst(%dma_wait3A_192 : memref<10240x64xf32, #tpu.memory_space<vmem_shared>>)
      %add3A_193 = arith.constant 5 : i32
      %add3A_194 = arith.addi %mul3A_105, %add3A_193 : i32
      %add3A_195 = arith.constant 0 : i32
      %add3A_196 = arith.addi %add3A_194, %add3A_195 : i32
      %lt3A_197 = arith.cmpi slt, %add3A_196, %select_n3A : i32
      %convert_element_type3A_198 = arith.extui %lt3A_197 : i1 to i32
      %cond3A_199 = arith.constant 0 : i32
      %cond3A_200 = arith.cmpi ne, %convert_element_type3A_198, %cond3A_199 : i32
      scf.if %cond3A_200 {
        %add3A_265 = arith.constant 5 : i32
        %add3A_266 = arith.addi %mul3A_105, %add3A_265 : i32
        %add3A_267 = arith.constant 0 : i32
        %add3A_268 = arith.addi %add3A_266, %add3A_267 : i32
        %dma_start3A_269 = arith.constant 0 : i32
        %dma_start3A_270 = tpu.memref_slice %arg5[%add3A_268, %dma_start3A_269] : memref<80x128xi32, #tpu.memory_space<vmem>> -> memref<1x128xi32, #tpu.memory_space<vmem>>
        %dma_start3A_271 = tpu.memref_squeeze %dma_start3A_270 : memref<1x128xi32, #tpu.memory_space<vmem>> -> memref<128xi32, #tpu.memory_space<vmem>>
        %dma_start3A_272 = arith.constant 0 : i32
        %dma_start3A_273 = arith.constant 0 : i32
        %dma_start3A_274 = tpu.memref_slice %arg3[%dma_start3A_272, %dma_start3A_273] : memref<20000x64xf32, #tpu.memory_space<hbm>> -> memref<20000x64xf32, #tpu.memory_space<hbm>>
        tpu.enqueue_indirect_dma source(%dma_start3A_274 : memref<20000x64xf32, #tpu.memory_space<hbm>>) target(%arg7 : memref<128x64xf32, #tpu.memory_space<vmem>>) offsets(%dma_start3A_271 : memref<128xi32, #tpu.memory_space<vmem>>) semaphore(%arg13 : memref<!tpu.dma_semaphore, #tpu.memory_space<semaphore_mem>>)
      } else {
      }
      %add3A_201 = arith.constant 1 : i32
      %add3A_202 = arith.addi %mul3A_105, %add3A_201 : i32
      %dma_wait3A_203 = arith.constant 0 : i32
      %dma_wait3A_204 = tpu.memref_slice %arg6[%add3A_202, %dma_wait3A_203] : memref<80x128xi32, #tpu.memory_space<vmem>> -> memref<1x128xi32, #tpu.memory_space<vmem>>
      %dma_wait3A_205 = tpu.memref_squeeze %dma_wait3A_204 : memref<1x128xi32, #tpu.memory_space<vmem>> -> memref<128xi32, #tpu.memory_space<vmem>>
      %dma_wait3A_206 = arith.constant 0 : i32
      %dma_wait3A_207 = arith.constant 0 : i32
      %dma_wait3A_208 = tpu.memref_slice %arg23[%dma_wait3A_206, %dma_wait3A_207] : memref<10240x64xf32, #tpu.memory_space<vmem_shared>> -> memref<10240x64xf32, #tpu.memory_space<vmem_shared>>
      tpu.wait_indirect_dma semaphore(%arg19 : memref<!tpu.dma_semaphore, #tpu.memory_space<semaphore_mem>>) src(%arg8 : memref<128x64xf32, #tpu.memory_space<vmem>>) dst(%dma_wait3A_208 : memref<10240x64xf32, #tpu.memory_space<vmem_shared>>)
      %add3A_209 = arith.constant 5 : i32
      %add3A_210 = arith.addi %mul3A_105, %add3A_209 : i32
      %add3A_211 = arith.constant 1 : i32
      %add3A_212 = arith.addi %add3A_210, %add3A_211 : i32
      %lt3A_213 = arith.cmpi slt, %add3A_212, %select_n3A : i32
      %convert_element_type3A_214 = arith.extui %lt3A_213 : i1 to i32
      %cond3A_215 = arith.constant 0 : i32
      %cond3A_216 = arith.cmpi ne, %convert_element_type3A_214, %cond3A_215 : i32
      scf.if %cond3A_216 {
        %add3A_265 = arith.constant 5 : i32
        %add3A_266 = arith.addi %mul3A_105, %add3A_265 : i32
        %add3A_267 = arith.constant 1 : i32
        %add3A_268 = arith.addi %add3A_266, %add3A_267 : i32
        %dma_start3A_269 = arith.constant 0 : i32
        %dma_start3A_270 = tpu.memref_slice %arg5[%add3A_268, %dma_start3A_269] : memref<80x128xi32, #tpu.memory_space<vmem>> -> memref<1x128xi32, #tpu.memory_space<vmem>>
        %dma_start3A_271 = tpu.memref_squeeze %dma_start3A_270 : memref<1x128xi32, #tpu.memory_space<vmem>> -> memref<128xi32, #tpu.memory_space<vmem>>
        %dma_start3A_272 = arith.constant 0 : i32
        %dma_start3A_273 = arith.constant 0 : i32
        %dma_start3A_274 = tpu.memref_slice %arg3[%dma_start3A_272, %dma_start3A_273] : memref<20000x64xf32, #tpu.memory_space<hbm>> -> memref<20000x64xf32, #tpu.memory_space<hbm>>
        tpu.enqueue_indirect_dma source(%dma_start3A_274 : memref<20000x64xf32, #tpu.memory_space<hbm>>) target(%arg8 : memref<128x64xf32, #tpu.memory_space<vmem>>) offsets(%dma_start3A_271 : memref<128xi32, #tpu.memory_space<vmem>>) semaphore(%arg14 : memref<!tpu.dma_semaphore, #tpu.memory_space<semaphore_mem>>)
      } else {
      }
      %add3A_217 = arith.constant 2 : i32
      %add3A_218 = arith.addi %mul3A_105, %add3A_217 : i32
      %dma_wait3A_219 = arith.constant 0 : i32
      %dma_wait3A_220 = tpu.memref_slice %arg6[%add3A_218, %dma_wait3A_219] : memref<80x128xi32, #tpu.memory_space<vmem>> -> memref<1x128xi32, #tpu.memory_space<vmem>>
      %dma_wait3A_221 = tpu.memref_squeeze %dma_wait3A_220 : memref<1x128xi32, #tpu.memory_space<vmem>> -> memref<128xi32, #tpu.memory_space<vmem>>
      %dma_wait3A_222 = arith.constant 0 : i32
      %dma_wait3A_223 = arith.constant 0 : i32
      %dma_wait3A_224 = tpu.memref_slice %arg23[%dma_wait3A_222, %dma_wait3A_223] : memref<10240x64xf32, #tpu.memory_space<vmem_shared>> -> memref<10240x64xf32, #tpu.memory_space<vmem_shared>>
      tpu.wait_indirect_dma semaphore(%arg20 : memref<!tpu.dma_semaphore, #tpu.memory_space<semaphore_mem>>) src(%arg9 : memref<128x64xf32, #tpu.memory_space<vmem>>) dst(%dma_wait3A_224 : memref<10240x64xf32, #tpu.memory_space<vmem_shared>>)
      %add3A_225 = arith.constant 5 : i32
      %add3A_226 = arith.addi %mul3A_105, %add3A_225 : i32
      %add3A_227 = arith.constant 2 : i32
      %add3A_228 = arith.addi %add3A_226, %add3A_227 : i32
      %lt3A_229 = arith.cmpi slt, %add3A_228, %select_n3A : i32
      %convert_element_type3A_230 = arith.extui %lt3A_229 : i1 to i32
      %cond3A_231 = arith.constant 0 : i32
      %cond3A_232 = arith.cmpi ne, %convert_element_type3A_230, %cond3A_231 : i32
      scf.if %cond3A_232 {
        %add3A_265 = arith.constant 5 : i32
        %add3A_266 = arith.addi %mul3A_105, %add3A_265 : i32
        %add3A_267 = arith.constant 2 : i32
        %add3A_268 = arith.addi %add3A_266, %add3A_267 : i32
        %dma_start3A_269 = arith.constant 0 : i32
        %dma_start3A_270 = tpu.memref_slice %arg5[%add3A_268, %dma_start3A_269] : memref<80x128xi32, #tpu.memory_space<vmem>> -> memref<1x128xi32, #tpu.memory_space<vmem>>
        %dma_start3A_271 = tpu.memref_squeeze %dma_start3A_270 : memref<1x128xi32, #tpu.memory_space<vmem>> -> memref<128xi32, #tpu.memory_space<vmem>>
        %dma_start3A_272 = arith.constant 0 : i32
        %dma_start3A_273 = arith.constant 0 : i32
        %dma_start3A_274 = tpu.memref_slice %arg3[%dma_start3A_272, %dma_start3A_273] : memref<20000x64xf32, #tpu.memory_space<hbm>> -> memref<20000x64xf32, #tpu.memory_space<hbm>>
        tpu.enqueue_indirect_dma source(%dma_start3A_274 : memref<20000x64xf32, #tpu.memory_space<hbm>>) target(%arg9 : memref<128x64xf32, #tpu.memory_space<vmem>>) offsets(%dma_start3A_271 : memref<128xi32, #tpu.memory_space<vmem>>) semaphore(%arg15 : memref<!tpu.dma_semaphore, #tpu.memory_space<semaphore_mem>>)
      } else {
      }
      %add3A_233 = arith.constant 3 : i32
      %add3A_234 = arith.addi %mul3A_105, %add3A_233 : i32
      %dma_wait3A_235 = arith.constant 0 : i32
      %dma_wait3A_236 = tpu.memref_slice %arg6[%add3A_234, %dma_wait3A_235] : memref<80x128xi32, #tpu.memory_space<vmem>> -> memref<1x128xi32, #tpu.memory_space<vmem>>
      %dma_wait3A_237 = tpu.memref_squeeze %dma_wait3A_236 : memref<1x128xi32, #tpu.memory_space<vmem>> -> memref<128xi32, #tpu.memory_space<vmem>>
      %dma_wait3A_238 = arith.constant 0 : i32
      %dma_wait3A_239 = arith.constant 0 : i32
      %dma_wait3A_240 = tpu.memref_slice %arg23[%dma_wait3A_238, %dma_wait3A_239] : memref<10240x64xf32, #tpu.memory_space<vmem_shared>> -> memref<10240x64xf32, #tpu.memory_space<vmem_shared>>
      tpu.wait_indirect_dma semaphore(%arg21 : memref<!tpu.dma_semaphore, #tpu.memory_space<semaphore_mem>>) src(%arg10 : memref<128x64xf32, #tpu.memory_space<vmem>>) dst(%dma_wait3A_240 : memref<10240x64xf32, #tpu.memory_space<vmem_shared>>)
      %add3A_241 = arith.constant 5 : i32
      %add3A_242 = arith.addi %mul3A_105, %add3A_241 : i32
      %add3A_243 = arith.constant 3 : i32
      %add3A_244 = arith.addi %add3A_242, %add3A_243 : i32
      %lt3A_245 = arith.cmpi slt, %add3A_244, %select_n3A : i32
      %convert_element_type3A_246 = arith.extui %lt3A_245 : i1 to i32
      %cond3A_247 = arith.constant 0 : i32
      %cond3A_248 = arith.cmpi ne, %convert_element_type3A_246, %cond3A_247 : i32
      scf.if %cond3A_248 {
        %add3A_265 = arith.constant 5 : i32
        %add3A_266 = arith.addi %mul3A_105, %add3A_265 : i32
        %add3A_267 = arith.constant 3 : i32
        %add3A_268 = arith.addi %add3A_266, %add3A_267 : i32
        %dma_start3A_269 = arith.constant 0 : i32
        %dma_start3A_270 = tpu.memref_slice %arg5[%add3A_268, %dma_start3A_269] : memref<80x128xi32, #tpu.memory_space<vmem>> -> memref<1x128xi32, #tpu.memory_space<vmem>>
        %dma_start3A_271 = tpu.memref_squeeze %dma_start3A_270 : memref<1x128xi32, #tpu.memory_space<vmem>> -> memref<128xi32, #tpu.memory_space<vmem>>
        %dma_start3A_272 = arith.constant 0 : i32
        %dma_start3A_273 = arith.constant 0 : i32
        %dma_start3A_274 = tpu.memref_slice %arg3[%dma_start3A_272, %dma_start3A_273] : memref<20000x64xf32, #tpu.memory_space<hbm>> -> memref<20000x64xf32, #tpu.memory_space<hbm>>
        tpu.enqueue_indirect_dma source(%dma_start3A_274 : memref<20000x64xf32, #tpu.memory_space<hbm>>) target(%arg10 : memref<128x64xf32, #tpu.memory_space<vmem>>) offsets(%dma_start3A_271 : memref<128xi32, #tpu.memory_space<vmem>>) semaphore(%arg16 : memref<!tpu.dma_semaphore, #tpu.memory_space<semaphore_mem>>)
      } else {
      }
      %add3A_249 = arith.constant 4 : i32
      %add3A_250 = arith.addi %mul3A_105, %add3A_249 : i32
      %dma_wait3A_251 = arith.constant 0 : i32
      %dma_wait3A_252 = tpu.memref_slice %arg6[%add3A_250, %dma_wait3A_251] : memref<80x128xi32, #tpu.memory_space<vmem>> -> memref<1x128xi32, #tpu.memory_space<vmem>>
      %dma_wait3A_253 = tpu.memref_squeeze %dma_wait3A_252 : memref<1x128xi32, #tpu.memory_space<vmem>> -> memref<128xi32, #tpu.memory_space<vmem>>
      %dma_wait3A_254 = arith.constant 0 : i32
      %dma_wait3A_255 = arith.constant 0 : i32
      %dma_wait3A_256 = tpu.memref_slice %arg23[%dma_wait3A_254, %dma_wait3A_255] : memref<10240x64xf32, #tpu.memory_space<vmem_shared>> -> memref<10240x64xf32, #tpu.memory_space<vmem_shared>>
      tpu.wait_indirect_dma semaphore(%arg22 : memref<!tpu.dma_semaphore, #tpu.memory_space<semaphore_mem>>) src(%arg11 : memref<128x64xf32, #tpu.memory_space<vmem>>) dst(%dma_wait3A_256 : memref<10240x64xf32, #tpu.memory_space<vmem_shared>>)
      %add3A_257 = arith.constant 5 : i32
      %add3A_258 = arith.addi %mul3A_105, %add3A_257 : i32
      %add3A_259 = arith.constant 4 : i32
      %add3A_260 = arith.addi %add3A_258, %add3A_259 : i32
      %lt3A_261 = arith.cmpi slt, %add3A_260, %select_n3A : i32
      %convert_element_type3A_262 = arith.extui %lt3A_261 : i1 to i32
      %cond3A_263 = arith.constant 0 : i32
      %cond3A_264 = arith.cmpi ne, %convert_element_type3A_262, %cond3A_263 : i32
      scf.if %cond3A_264 {
        %add3A_265 = arith.constant 5 : i32
        %add3A_266 = arith.addi %mul3A_105, %add3A_265 : i32
        %add3A_267 = arith.constant 4 : i32
        %add3A_268 = arith.addi %add3A_266, %add3A_267 : i32
        %dma_start3A_269 = arith.constant 0 : i32
        %dma_start3A_270 = tpu.memref_slice %arg5[%add3A_268, %dma_start3A_269] : memref<80x128xi32, #tpu.memory_space<vmem>> -> memref<1x128xi32, #tpu.memory_space<vmem>>
        %dma_start3A_271 = tpu.memref_squeeze %dma_start3A_270 : memref<1x128xi32, #tpu.memory_space<vmem>> -> memref<128xi32, #tpu.memory_space<vmem>>
        %dma_start3A_272 = arith.constant 0 : i32
        %dma_start3A_273 = arith.constant 0 : i32
        %dma_start3A_274 = tpu.memref_slice %arg3[%dma_start3A_272, %dma_start3A_273] : memref<20000x64xf32, #tpu.memory_space<hbm>> -> memref<20000x64xf32, #tpu.memory_space<hbm>>
        tpu.enqueue_indirect_dma source(%dma_start3A_274 : memref<20000x64xf32, #tpu.memory_space<hbm>>) target(%arg11 : memref<128x64xf32, #tpu.memory_space<vmem>>) offsets(%dma_start3A_271 : memref<128xi32, #tpu.memory_space<vmem>>) semaphore(%arg17 : memref<!tpu.dma_semaphore, #tpu.memory_space<semaphore_mem>>)
      } else {
      }
    }
    %while3A_93 = arith.constant 1 : i32
    scf.for %while3A_103 = %while3A_91 to %while3A_87 step %while3A_93  : i32 {
      %mul3A_104 = arith.constant 5 : i32
      %mul3A_105 = arith.muli %mul3A_104, %while3A_103 : i32
      %add3A_106 = arith.constant 0 : i32
      %add3A_107 = arith.addi %mul3A_105, %add3A_106 : i32
      %dma_wait3A = arith.constant 0 : i32
      %dma_wait3A_108 = tpu.memref_slice %arg5[%add3A_107, %dma_wait3A] : memref<80x128xi32, #tpu.memory_space<vmem>> -> memref<1x128xi32, #tpu.memory_space<vmem>>
      %dma_wait3A_109 = tpu.memref_squeeze %dma_wait3A_108 : memref<1x128xi32, #tpu.memory_space<vmem>> -> memref<128xi32, #tpu.memory_space<vmem>>
      %dma_wait3A_110 = arith.constant 0 : i32
      %dma_wait3A_111 = arith.constant 0 : i32
      %dma_wait3A_112 = tpu.memref_slice %arg3[%dma_wait3A_110, %dma_wait3A_111] : memref<20000x64xf32, #tpu.memory_space<hbm>> -> memref<20000x64xf32, #tpu.memory_space<hbm>>
      tpu.wait_indirect_dma semaphore(%arg13 : memref<!tpu.dma_semaphore, #tpu.memory_space<semaphore_mem>>) src(%dma_wait3A_112 : memref<20000x64xf32, #tpu.memory_space<hbm>>) dst(%arg7 : memref<128x64xf32, #tpu.memory_space<vmem>>)
      %add3A_113 = arith.constant 0 : i32
      %add3A_114 = arith.addi %mul3A_105, %add3A_113 : i32
      %dma_start3A_115 = arith.constant 0 : i32
      %dma_start3A_116 = tpu.memref_slice %arg6[%add3A_114, %dma_start3A_115] : memref<80x128xi32, #tpu.memory_space<vmem>> -> memref<1x128xi32, #tpu.memory_space<vmem>>
      %dma_start3A_117 = tpu.memref_squeeze %dma_start3A_116 : memref<1x128xi32, #tpu.memory_space<vmem>> -> memref<128xi32, #tpu.memory_space<vmem>>
      %dma_start3A_118 = arith.constant 0 : i32
      %dma_start3A_119 = arith.constant 0 : i32
      %dma_start3A_120 = tpu.memref_slice %arg23[%dma_start3A_118, %dma_start3A_119] : memref<10240x64xf32, #tpu.memory_space<vmem_shared>> -> memref<10240x64xf32, #tpu.memory_space<vmem_shared>>
      tpu.enqueue_indirect_dma source(%arg7 : memref<128x64xf32, #tpu.memory_space<vmem>>) target(%dma_start3A_120 : memref<10240x64xf32, #tpu.memory_space<vmem_shared>>) offsets(%dma_start3A_117 : memref<128xi32, #tpu.memory_space<vmem>>) semaphore(%arg18 : memref<!tpu.dma_semaphore, #tpu.memory_space<semaphore_mem>>) {add = true}
      %add3A_121 = arith.constant 1 : i32
      %add3A_122 = arith.addi %mul3A_105, %add3A_121 : i32
      %dma_wait3A_123 = arith.constant 0 : i32
      %dma_wait3A_124 = tpu.memref_slice %arg5[%add3A_122, %dma_wait3A_123] : memref<80x128xi32, #tpu.memory_space<vmem>> -> memref<1x128xi32, #tpu.memory_space<vmem>>
      %dma_wait3A_125 = tpu.memref_squeeze %dma_wait3A_124 : memref<1x128xi32, #tpu.memory_space<vmem>> -> memref<128xi32, #tpu.memory_space<vmem>>
      %dma_wait3A_126 = arith.constant 0 : i32
      %dma_wait3A_127 = arith.constant 0 : i32
      %dma_wait3A_128 = tpu.memref_slice %arg3[%dma_wait3A_126, %dma_wait3A_127] : memref<20000x64xf32, #tpu.memory_space<hbm>> -> memref<20000x64xf32, #tpu.memory_space<hbm>>
      tpu.wait_indirect_dma semaphore(%arg14 : memref<!tpu.dma_semaphore, #tpu.memory_space<semaphore_mem>>) src(%dma_wait3A_128 : memref<20000x64xf32, #tpu.memory_space<hbm>>) dst(%arg8 : memref<128x64xf32, #tpu.memory_space<vmem>>)
      %add3A_129 = arith.constant 1 : i32
      %add3A_130 = arith.addi %mul3A_105, %add3A_129 : i32
      %dma_start3A_131 = arith.constant 0 : i32
      %dma_start3A_132 = tpu.memref_slice %arg6[%add3A_130, %dma_start3A_131] : memref<80x128xi32, #tpu.memory_space<vmem>> -> memref<1x128xi32, #tpu.memory_space<vmem>>
      %dma_start3A_133 = tpu.memref_squeeze %dma_start3A_132 : memref<1x128xi32, #tpu.memory_space<vmem>> -> memref<128xi32, #tpu.memory_space<vmem>>
      %dma_start3A_134 = arith.constant 0 : i32
      %dma_start3A_135 = arith.constant 0 : i32
      %dma_start3A_136 = tpu.memref_slice %arg23[%dma_start3A_134, %dma_start3A_135] : memref<10240x64xf32, #tpu.memory_space<vmem_shared>> -> memref<10240x64xf32, #tpu.memory_space<vmem_shared>>
      tpu.enqueue_indirect_dma source(%arg8 : memref<128x64xf32, #tpu.memory_space<vmem>>) target(%dma_start3A_136 : memref<10240x64xf32, #tpu.memory_space<vmem_shared>>) offsets(%dma_start3A_133 : memref<128xi32, #tpu.memory_space<vmem>>) semaphore(%arg19 : memref<!tpu.dma_semaphore, #tpu.memory_space<semaphore_mem>>) {add = true}
      %add3A_137 = arith.constant 2 : i32
      %add3A_138 = arith.addi %mul3A_105, %add3A_137 : i32
      %dma_wait3A_139 = arith.constant 0 : i32
      %dma_wait3A_140 = tpu.memref_slice %arg5[%add3A_138, %dma_wait3A_139] : memref<80x128xi32, #tpu.memory_space<vmem>> -> memref<1x128xi32, #tpu.memory_space<vmem>>
      %dma_wait3A_141 = tpu.memref_squeeze %dma_wait3A_140 : memref<1x128xi32, #tpu.memory_space<vmem>> -> memref<128xi32, #tpu.memory_space<vmem>>
      %dma_wait3A_142 = arith.constant 0 : i32
      %dma_wait3A_143 = arith.constant 0 : i32
      %dma_wait3A_144 = tpu.memref_slice %arg3[%dma_wait3A_142, %dma_wait3A_143] : memref<20000x64xf32, #tpu.memory_space<hbm>> -> memref<20000x64xf32, #tpu.memory_space<hbm>>
      tpu.wait_indirect_dma semaphore(%arg15 : memref<!tpu.dma_semaphore, #tpu.memory_space<semaphore_mem>>) src(%dma_wait3A_144 : memref<20000x64xf32, #tpu.memory_space<hbm>>) dst(%arg9 : memref<128x64xf32, #tpu.memory_space<vmem>>)
      %add3A_145 = arith.constant 2 : i32
      %add3A_146 = arith.addi %mul3A_105, %add3A_145 : i32
      %dma_start3A_147 = arith.constant 0 : i32
      %dma_start3A_148 = tpu.memref_slice %arg6[%add3A_146, %dma_start3A_147] : memref<80x128xi32, #tpu.memory_space<vmem>> -> memref<1x128xi32, #tpu.memory_space<vmem>>
      %dma_start3A_149 = tpu.memref_squeeze %dma_start3A_148 : memref<1x128xi32, #tpu.memory_space<vmem>> -> memref<128xi32, #tpu.memory_space<vmem>>
      %dma_start3A_150 = arith.constant 0 : i32
      %dma_start3A_151 = arith.constant 0 : i32
      %dma_start3A_152 = tpu.memref_slice %arg23[%dma_start3A_150, %dma_start3A_151] : memref<10240x64xf32, #tpu.memory_space<vmem_shared>> -> memref<10240x64xf32, #tpu.memory_space<vmem_shared>>
      tpu.enqueue_indirect_dma source(%arg9 : memref<128x64xf32, #tpu.memory_space<vmem>>) target(%dma_start3A_152 : memref<10240x64xf32, #tpu.memory_space<vmem_shared>>) offsets(%dma_start3A_149 : memref<128xi32, #tpu.memory_space<vmem>>) semaphore(%arg20 : memref<!tpu.dma_semaphore, #tpu.memory_space<semaphore_mem>>) {add = true}
      %add3A_153 = arith.constant 3 : i32
      %add3A_154 = arith.addi %mul3A_105, %add3A_153 : i32
      %dma_wait3A_155 = arith.constant 0 : i32
      %dma_wait3A_156 = tpu.memref_slice %arg5[%add3A_154, %dma_wait3A_155] : memref<80x128xi32, #tpu.memory_space<vmem>> -> memref<1x128xi32, #tpu.memory_space<vmem>>
      %dma_wait3A_157 = tpu.memref_squeeze %dma_wait3A_156 : memref<1x128xi32, #tpu.memory_space<vmem>> -> memref<128xi32, #tpu.memory_space<vmem>>
      %dma_wait3A_158 = arith.constant 0 : i32
      %dma_wait3A_159 = arith.constant 0 : i32
      %dma_wait3A_160 = tpu.memref_slice %arg3[%dma_wait3A_158, %dma_wait3A_159] : memref<20000x64xf32, #tpu.memory_space<hbm>> -> memref<20000x64xf32, #tpu.memory_space<hbm>>
      tpu.wait_indirect_dma semaphore(%arg16 : memref<!tpu.dma_semaphore, #tpu.memory_space<semaphore_mem>>) src(%dma_wait3A_160 : memref<20000x64xf32, #tpu.memory_space<hbm>>) dst(%arg10 : memref<128x64xf32, #tpu.memory_space<vmem>>)
      %add3A_161 = arith.constant 3 : i32
      %add3A_162 = arith.addi %mul3A_105, %add3A_161 : i32
      %dma_start3A_163 = arith.constant 0 : i32
      %dma_start3A_164 = tpu.memref_slice %arg6[%add3A_162, %dma_start3A_163] : memref<80x128xi32, #tpu.memory_space<vmem>> -> memref<1x128xi32, #tpu.memory_space<vmem>>
      %dma_start3A_165 = tpu.memref_squeeze %dma_start3A_164 : memref<1x128xi32, #tpu.memory_space<vmem>> -> memref<128xi32, #tpu.memory_space<vmem>>
      %dma_start3A_166 = arith.constant 0 : i32
      %dma_start3A_167 = arith.constant 0 : i32
      %dma_start3A_168 = tpu.memref_slice %arg23[%dma_start3A_166, %dma_start3A_167] : memref<10240x64xf32, #tpu.memory_space<vmem_shared>> -> memref<10240x64xf32, #tpu.memory_space<vmem_shared>>
      tpu.enqueue_indirect_dma source(%arg10 : memref<128x64xf32, #tpu.memory_space<vmem>>) target(%dma_start3A_168 : memref<10240x64xf32, #tpu.memory_space<vmem_shared>>) offsets(%dma_start3A_165 : memref<128xi32, #tpu.memory_space<vmem>>) semaphore(%arg21 : memref<!tpu.dma_semaphore, #tpu.memory_space<semaphore_mem>>) {add = true}
      %add3A_169 = arith.constant 4 : i32
      %add3A_170 = arith.addi %mul3A_105, %add3A_169 : i32
      %dma_wait3A_171 = arith.constant 0 : i32
      %dma_wait3A_172 = tpu.memref_slice %arg5[%add3A_170, %dma_wait3A_171] : memref<80x128xi32, #tpu.memory_space<vmem>> -> memref<1x128xi32, #tpu.memory_space<vmem>>
      %dma_wait3A_173 = tpu.memref_squeeze %dma_wait3A_172 : memref<1x128xi32, #tpu.memory_space<vmem>> -> memref<128xi32, #tpu.memory_space<vmem>>
      %dma_wait3A_174 = arith.constant 0 : i32
      %dma_wait3A_175 = arith.constant 0 : i32
      %dma_wait3A_176 = tpu.memref_slice %arg3[%dma_wait3A_174, %dma_wait3A_175] : memref<20000x64xf32, #tpu.memory_space<hbm>> -> memref<20000x64xf32, #tpu.memory_space<hbm>>
      tpu.wait_indirect_dma semaphore(%arg17 : memref<!tpu.dma_semaphore, #tpu.memory_space<semaphore_mem>>) src(%dma_wait3A_176 : memref<20000x64xf32, #tpu.memory_space<hbm>>) dst(%arg11 : memref<128x64xf32, #tpu.memory_space<vmem>>)
      %add3A_177 = arith.constant 4 : i32
      %add3A_178 = arith.addi %mul3A_105, %add3A_177 : i32
      %dma_start3A_179 = arith.constant 0 : i32
      %dma_start3A_180 = tpu.memref_slice %arg6[%add3A_178, %dma_start3A_179] : memref<80x128xi32, #tpu.memory_space<vmem>> -> memref<1x128xi32, #tpu.memory_space<vmem>>
      %dma_start3A_181 = tpu.memref_squeeze %dma_start3A_180 : memref<1x128xi32, #tpu.memory_space<vmem>> -> memref<128xi32, #tpu.memory_space<vmem>>
      %dma_start3A_182 = arith.constant 0 : i32
      %dma_start3A_183 = arith.constant 0 : i32
      %dma_start3A_184 = tpu.memref_slice %arg23[%dma_start3A_182, %dma_start3A_183] : memref<10240x64xf32, #tpu.memory_space<vmem_shared>> -> memref<10240x64xf32, #tpu.memory_space<vmem_shared>>
      tpu.enqueue_indirect_dma source(%arg11 : memref<128x64xf32, #tpu.memory_space<vmem>>) target(%dma_start3A_184 : memref<10240x64xf32, #tpu.memory_space<vmem_shared>>) offsets(%dma_start3A_181 : memref<128xi32, #tpu.memory_space<vmem>>) semaphore(%arg22 : memref<!tpu.dma_semaphore, #tpu.memory_space<semaphore_mem>>) {add = true}
      %add3A_185 = arith.constant 0 : i32
      %add3A_186 = arith.addi %mul3A_105, %add3A_185 : i32
      %dma_wait3A_187 = arith.constant 0 : i32
      %dma_wait3A_188 = tpu.memref_slice %arg6[%add3A_186, %dma_wait3A_187] : memref<80x128xi32, #tpu.memory_space<vmem>> -> memref<1x128xi32, #tpu.memory_space<vmem>>
      %dma_wait3A_189 = tpu.memref_squeeze %dma_wait3A_188 : memref<1x128xi32, #tpu.memory_space<vmem>> -> memref<128xi32, #tpu.memory_space<vmem>>
      %dma_wait3A_190 = arith.constant 0 : i32
      %dma_wait3A_191 = arith.constant 0 : i32
      %dma_wait3A_192 = tpu.memref_slice %arg23[%dma_wait3A_190, %dma_wait3A_191] : memref<10240x64xf32, #tpu.memory_space<vmem_shared>> -> memref<10240x64xf32, #tpu.memory_space<vmem_shared>>
      tpu.wait_indirect_dma semaphore(%arg18 : memref<!tpu.dma_semaphore, #tpu.memory_space<semaphore_mem>>) src(%arg7 : memref<128x64xf32, #tpu.memory_space<vmem>>) dst(%dma_wait3A_192 : memref<10240x64xf32, #tpu.memory_space<vmem_shared>>)
      %add3A_193 = arith.constant 5 : i32
      %add3A_194 = arith.addi %mul3A_105, %add3A_193 : i32
      %add3A_195 = arith.constant 0 : i32
      %add3A_196 = arith.addi %add3A_194, %add3A_195 : i32
      %lt3A_197 = arith.cmpi slt, %add3A_196, %select_n3A : i32
      %convert_element_type3A_198 = arith.extui %lt3A_197 : i1 to i32
      %cond3A_199 = arith.constant 0 : i32
      %cond3A_200 = arith.cmpi ne, %convert_element_type3A_198, %cond3A_199 : i32
      scf.if %cond3A_200 {
        %add3A_265 = arith.constant 5 : i32
        %add3A_266 = arith.addi %mul3A_105, %add3A_265 : i32
        %add3A_267 = arith.constant 0 : i32
        %add3A_268 = arith.addi %add3A_266, %add3A_267 : i32
        %dma_start3A_269 = arith.constant 0 : i32
        %dma_start3A_270 = tpu.memref_slice %arg5[%add3A_268, %dma_start3A_269] : memref<80x128xi32, #tpu.memory_space<vmem>> -> memref<1x128xi32, #tpu.memory_space<vmem>>
        %dma_start3A_271 = tpu.memref_squeeze %dma_start3A_270 : memref<1x128xi32, #tpu.memory_space<vmem>> -> memref<128xi32, #tpu.memory_space<vmem>>
        %dma_start3A_272 = arith.constant 0 : i32
        %dma_start3A_273 = arith.constant 0 : i32
        %dma_start3A_274 = tpu.memref_slice %arg3[%dma_start3A_272, %dma_start3A_273] : memref<20000x64xf32, #tpu.memory_space<hbm>> -> memref<20000x64xf32, #tpu.memory_space<hbm>>
        tpu.enqueue_indirect_dma source(%dma_start3A_274 : memref<20000x64xf32, #tpu.memory_space<hbm>>) target(%arg7 : memref<128x64xf32, #tpu.memory_space<vmem>>) offsets(%dma_start3A_271 : memref<128xi32, #tpu.memory_space<vmem>>) semaphore(%arg13 : memref<!tpu.dma_semaphore, #tpu.memory_space<semaphore_mem>>)
      } else {
      }
      %add3A_201 = arith.constant 1 : i32
      %add3A_202 = arith.addi %mul3A_105, %add3A_201 : i32
      %dma_wait3A_203 = arith.constant 0 : i32
      %dma_wait3A_204 = tpu.memref_slice %arg6[%add3A_202, %dma_wait3A_203] : memref<80x128xi32, #tpu.memory_space<vmem>> -> memref<1x128xi32, #tpu.memory_space<vmem>>
      %dma_wait3A_205 = tpu.memref_squeeze %dma_wait3A_204 : memref<1x128xi32, #tpu.memory_space<vmem>> -> memref<128xi32, #tpu.memory_space<vmem>>
      %dma_wait3A_206 = arith.constant 0 : i32
      %dma_wait3A_207 = arith.constant 0 : i32
      %dma_wait3A_208 = tpu.memref_slice %arg23[%dma_wait3A_206, %dma_wait3A_207] : memref<10240x64xf32, #tpu.memory_space<vmem_shared>> -> memref<10240x64xf32, #tpu.memory_space<vmem_shared>>
      tpu.wait_indirect_dma semaphore(%arg19 : memref<!tpu.dma_semaphore, #tpu.memory_space<semaphore_mem>>) src(%arg8 : memref<128x64xf32, #tpu.memory_space<vmem>>) dst(%dma_wait3A_208 : memref<10240x64xf32, #tpu.memory_space<vmem_shared>>)
      %add3A_209 = arith.constant 5 : i32
      %add3A_210 = arith.addi %mul3A_105, %add3A_209 : i32
      %add3A_211 = arith.constant 1 : i32
      %add3A_212 = arith.addi %add3A_210, %add3A_211 : i32
      %lt3A_213 = arith.cmpi slt, %add3A_212, %select_n3A : i32
      %convert_element_type3A_214 = arith.extui %lt3A_213 : i1 to i32
      %cond3A_215 = arith.constant 0 : i32
      %cond3A_216 = arith.cmpi ne, %convert_element_type3A_214, %cond3A_215 : i32
      scf.if %cond3A_216 {
        %add3A_265 = arith.constant 5 : i32
        %add3A_266 = arith.addi %mul3A_105, %add3A_265 : i32
        %add3A_267 = arith.constant 1 : i32
        %add3A_268 = arith.addi %add3A_266, %add3A_267 : i32
        %dma_start3A_269 = arith.constant 0 : i32
        %dma_start3A_270 = tpu.memref_slice %arg5[%add3A_268, %dma_start3A_269] : memref<80x128xi32, #tpu.memory_space<vmem>> -> memref<1x128xi32, #tpu.memory_space<vmem>>
        %dma_start3A_271 = tpu.memref_squeeze %dma_start3A_270 : memref<1x128xi32, #tpu.memory_space<vmem>> -> memref<128xi32, #tpu.memory_space<vmem>>
        %dma_start3A_272 = arith.constant 0 : i32
        %dma_start3A_273 = arith.constant 0 : i32
        %dma_start3A_274 = tpu.memref_slice %arg3[%dma_start3A_272, %dma_start3A_273] : memref<20000x64xf32, #tpu.memory_space<hbm>> -> memref<20000x64xf32, #tpu.memory_space<hbm>>
        tpu.enqueue_indirect_dma source(%dma_start3A_274 : memref<20000x64xf32, #tpu.memory_space<hbm>>) target(%arg8 : memref<128x64xf32, #tpu.memory_space<vmem>>) offsets(%dma_start3A_271 : memref<128xi32, #tpu.memory_space<vmem>>) semaphore(%arg14 : memref<!tpu.dma_semaphore, #tpu.memory_space<semaphore_mem>>)
      } else {
      }
      %add3A_217 = arith.constant 2 : i32
      %add3A_218 = arith.addi %mul3A_105, %add3A_217 : i32
      %dma_wait3A_219 = arith.constant 0 : i32
      %dma_wait3A_220 = tpu.memref_slice %arg6[%add3A_218, %dma_wait3A_219] : memref<80x128xi32, #tpu.memory_space<vmem>> -> memref<1x128xi32, #tpu.memory_space<vmem>>
      %dma_wait3A_221 = tpu.memref_squeeze %dma_wait3A_220 : memref<1x128xi32, #tpu.memory_space<vmem>> -> memref<128xi32, #tpu.memory_space<vmem>>
      %dma_wait3A_222 = arith.constant 0 : i32
      %dma_wait3A_223 = arith.constant 0 : i32
      %dma_wait3A_224 = tpu.memref_slice %arg23[%dma_wait3A_222, %dma_wait3A_223] : memref<10240x64xf32, #tpu.memory_space<vmem_shared>> -> memref<10240x64xf32, #tpu.memory_space<vmem_shared>>
      tpu.wait_indirect_dma semaphore(%arg20 : memref<!tpu.dma_semaphore, #tpu.memory_space<semaphore_mem>>) src(%arg9 : memref<128x64xf32, #tpu.memory_space<vmem>>) dst(%dma_wait3A_224 : memref<10240x64xf32, #tpu.memory_space<vmem_shared>>)
      %add3A_225 = arith.constant 5 : i32
      %add3A_226 = arith.addi %mul3A_105, %add3A_225 : i32
      %add3A_227 = arith.constant 2 : i32
      %add3A_228 = arith.addi %add3A_226, %add3A_227 : i32
      %lt3A_229 = arith.cmpi slt, %add3A_228, %select_n3A : i32
      %convert_element_type3A_230 = arith.extui %lt3A_229 : i1 to i32
      %cond3A_231 = arith.constant 0 : i32
      %cond3A_232 = arith.cmpi ne, %convert_element_type3A_230, %cond3A_231 : i32
      scf.if %cond3A_232 {
        %add3A_265 = arith.constant 5 : i32
        %add3A_266 = arith.addi %mul3A_105, %add3A_265 : i32
        %add3A_267 = arith.constant 2 : i32
        %add3A_268 = arith.addi %add3A_266, %add3A_267 : i32
        %dma_start3A_269 = arith.constant 0 : i32
        %dma_start3A_270 = tpu.memref_slice %arg5[%add3A_268, %dma_start3A_269] : memref<80x128xi32, #tpu.memory_space<vmem>> -> memref<1x128xi32, #tpu.memory_space<vmem>>
        %dma_start3A_271 = tpu.memref_squeeze %dma_start3A_270 : memref<1x128xi32, #tpu.memory_space<vmem>> -> memref<128xi32, #tpu.memory_space<vmem>>
        %dma_start3A_272 = arith.constant 0 : i32
        %dma_start3A_273 = arith.constant 0 : i32
        %dma_start3A_274 = tpu.memref_slice %arg3[%dma_start3A_272, %dma_start3A_273] : memref<20000x64xf32, #tpu.memory_space<hbm>> -> memref<20000x64xf32, #tpu.memory_space<hbm>>
        tpu.enqueue_indirect_dma source(%dma_start3A_274 : memref<20000x64xf32, #tpu.memory_space<hbm>>) target(%arg9 : memref<128x64xf32, #tpu.memory_space<vmem>>) offsets(%dma_start3A_271 : memref<128xi32, #tpu.memory_space<vmem>>) semaphore(%arg15 : memref<!tpu.dma_semaphore, #tpu.memory_space<semaphore_mem>>)
      } else {
      }
      %add3A_233 = arith.constant 3 : i32
      %add3A_234 = arith.addi %mul3A_105, %add3A_233 : i32
      %dma_wait3A_235 = arith.constant 0 : i32
      %dma_wait3A_236 = tpu.memref_slice %arg6[%add3A_234, %dma_wait3A_235] : memref<80x128xi32, #tpu.memory_space<vmem>> -> memref<1x128xi32, #tpu.memory_space<vmem>>
      %dma_wait3A_237 = tpu.memref_squeeze %dma_wait3A_236 : memref<1x128xi32, #tpu.memory_space<vmem>> -> memref<128xi32, #tpu.memory_space<vmem>>
      %dma_wait3A_238 = arith.constant 0 : i32
      %dma_wait3A_239 = arith.constant 0 : i32
      %dma_wait3A_240 = tpu.memref_slice %arg23[%dma_wait3A_238, %dma_wait3A_239] : memref<10240x64xf32, #tpu.memory_space<vmem_shared>> -> memref<10240x64xf32, #tpu.memory_space<vmem_shared>>
      tpu.wait_indirect_dma semaphore(%arg21 : memref<!tpu.dma_semaphore, #tpu.memory_space<semaphore_mem>>) src(%arg10 : memref<128x64xf32, #tpu.memory_space<vmem>>) dst(%dma_wait3A_240 : memref<10240x64xf32, #tpu.memory_space<vmem_shared>>)
      %add3A_241 = arith.constant 5 : i32
      %add3A_242 = arith.addi %mul3A_105, %add3A_241 : i32
      %add3A_243 = arith.constant 3 : i32
      %add3A_244 = arith.addi %add3A_242, %add3A_243 : i32
      %lt3A_245 = arith.cmpi slt, %add3A_244, %select_n3A : i32
      %convert_element_type3A_246 = arith.extui %lt3A_245 : i1 to i32
      %cond3A_247 = arith.constant 0 : i32
      %cond3A_248 = arith.cmpi ne, %convert_element_type3A_246, %cond3A_247 : i32
      scf.if %cond3A_248 {
        %add3A_265 = arith.constant 5 : i32
        %add3A_266 = arith.addi %mul3A_105, %add3A_265 : i32
        %add3A_267 = arith.constant 3 : i32
        %add3A_268 = arith.addi %add3A_266, %add3A_267 : i32
        %dma_start3A_269 = arith.constant 0 : i32
        %dma_start3A_270 = tpu.memref_slice %arg5[%add3A_268, %dma_start3A_269] : memref<80x128xi32, #tpu.memory_space<vmem>> -> memref<1x128xi32, #tpu.memory_space<vmem>>
        %dma_start3A_271 = tpu.memref_squeeze %dma_start3A_270 : memref<1x128xi32, #tpu.memory_space<vmem>> -> memref<128xi32, #tpu.memory_space<vmem>>
        %dma_start3A_272 = arith.constant 0 : i32
        %dma_start3A_273 = arith.constant 0 : i32
        %dma_start3A_274 = tpu.memref_slice %arg3[%dma_start3A_272, %dma_start3A_273] : memref<20000x64xf32, #tpu.memory_space<hbm>> -> memref<20000x64xf32, #tpu.memory_space<hbm>>
        tpu.enqueue_indirect_dma source(%dma_start3A_274 : memref<20000x64xf32, #tpu.memory_space<hbm>>) target(%arg10 : memref<128x64xf32, #tpu.memory_space<vmem>>) offsets(%dma_start3A_271 : memref<128xi32, #tpu.memory_space<vmem>>) semaphore(%arg16 : memref<!tpu.dma_semaphore, #tpu.memory_space<semaphore_mem>>)
      } else {
      }
      %add3A_249 = arith.constant 4 : i32
      %add3A_250 = arith.addi %mul3A_105, %add3A_249 : i32
      %dma_wait3A_251 = arith.constant 0 : i32
      %dma_wait3A_252 = tpu.memref_slice %arg6[%add3A_250, %dma_wait3A_251] : memref<80x128xi32, #tpu.memory_space<vmem>> -> memref<1x128xi32, #tpu.memory_space<vmem>>
      %dma_wait3A_253 = tpu.memref_squeeze %dma_wait3A_252 : memref<1x128xi32, #tpu.memory_space<vmem>> -> memref<128xi32, #tpu.memory_space<vmem>>
      %dma_wait3A_254 = arith.constant 0 : i32
      %dma_wait3A_255 = arith.constant 0 : i32
      %dma_wait3A_256 = tpu.memref_slice %arg23[%dma_wait3A_254, %dma_wait3A_255] : memref<10240x64xf32, #tpu.memory_space<vmem_shared>> -> memref<10240x64xf32, #tpu.memory_space<vmem_shared>>
      tpu.wait_indirect_dma semaphore(%arg22 : memref<!tpu.dma_semaphore, #tpu.memory_space<semaphore_mem>>) src(%arg11 : memref<128x64xf32, #tpu.memory_space<vmem>>) dst(%dma_wait3A_256 : memref<10240x64xf32, #tpu.memory_space<vmem_shared>>)
      %add3A_257 = arith.constant 5 : i32
      %add3A_258 = arith.addi %mul3A_105, %add3A_257 : i32
      %add3A_259 = arith.constant 4 : i32
      %add3A_260 = arith.addi %add3A_258, %add3A_259 : i32
      %lt3A_261 = arith.cmpi slt, %add3A_260, %select_n3A : i32
      %convert_element_type3A_262 = arith.extui %lt3A_261 : i1 to i32
      %cond3A_263 = arith.constant 0 : i32
      %cond3A_264 = arith.cmpi ne, %convert_element_type3A_262, %cond3A_263 : i32
      scf.if %cond3A_264 {
        %add3A_265 = arith.constant 5 : i32
        %add3A_266 = arith.addi %mul3A_105, %add3A_265 : i32
        %add3A_267 = arith.constant 4 : i32
        %add3A_268 = arith.addi %add3A_266, %add3A_267 : i32
        %dma_start3A_269 = arith.constant 0 : i32
        %dma_start3A_270 = tpu.memref_slice %arg5[%add3A_268, %dma_start3A_269] : memref<80x128xi32, #tpu.memory_space<vmem>> -> memref<1x128xi32, #tpu.memory_space<vmem>>
        %dma_start3A_271 = tpu.memref_squeeze %dma_start3A_270 : memref<1x128xi32, #tpu.memory_space<vmem>> -> memref<128xi32, #tpu.memory_space<vmem>>
        %dma_start3A_272 = arith.constant 0 : i32
        %dma_start3A_273 = arith.constant 0 : i32
        %dma_start3A_274 = tpu.memref_slice %arg3[%dma_start3A_272, %dma_start3A_273] : memref<20000x64xf32, #tpu.memory_space<hbm>> -> memref<20000x64xf32, #tpu.memory_space<hbm>>
        tpu.enqueue_indirect_dma source(%dma_start3A_274 : memref<20000x64xf32, #tpu.memory_space<hbm>>) target(%arg11 : memref<128x64xf32, #tpu.memory_space<vmem>>) offsets(%dma_start3A_271 : memref<128xi32, #tpu.memory_space<vmem>>) semaphore(%arg17 : memref<!tpu.dma_semaphore, #tpu.memory_space<semaphore_mem>>)
      } else {
      }
    }
    %barrier3A_94 = arith.constant 0 : index
    tpu.barrier barrier_id(%barrier3A_94)
    %add3A_95 = arith.constant 0 : i32
    %add3A_96 = arith.addi %multiple_of3A, %add3A_95 : i32
    "tpu.region"() ({
      %run_scoped3A = tpu.sem_alloc : memref<!tpu.dma_semaphore, #tpu.memory_space<semaphore_mem>>
      %dma_start3A_103 = arith.constant 0 : i32
      %dma_start3A_104 = tpu.memref_slice %arg23[%add3A_96, %dma_start3A_103] : memref<10240x64xf32, #tpu.memory_space<vmem_shared>> -> memref<320x64xf32, #tpu.memory_space<vmem_shared>>
      %dma_start3A_105 = arith.constant 0 : i32
      %dma_start3A_106 = tpu.memref_slice %arg23[%add3A_96, %dma_start3A_105] : memref<10240x64xf32, #tpu.memory_space<vmem_shared>> -> memref<320x64xf32, #tpu.memory_space<vmem_shared>>
      tpu.enqueue_dma source(%dma_start3A_106 : memref<320x64xf32, #tpu.memory_space<vmem_shared>>) target(%arg12 : memref<320x64xf32, #tpu.memory_space<vmem>>) target_semaphore(%run_scoped3A : memref<!tpu.dma_semaphore, #tpu.memory_space<semaphore_mem>>)
      %dma_wait3A = arith.constant 0 : i32
      %dma_wait3A_107 = tpu.memref_slice %arg23[%add3A_96, %dma_wait3A] : memref<10240x64xf32, #tpu.memory_space<vmem_shared>> -> memref<320x64xf32, #tpu.memory_space<vmem_shared>>
      %dma_wait3A_108 = arith.constant 0 : i32
      %dma_wait3A_109 = tpu.memref_slice %arg23[%add3A_96, %dma_wait3A_108] : memref<10240x64xf32, #tpu.memory_space<vmem_shared>> -> memref<320x64xf32, #tpu.memory_space<vmem_shared>>
      tpu.wait_dma2 semaphore(%run_scoped3A : memref<!tpu.dma_semaphore, #tpu.memory_space<semaphore_mem>>) src(%dma_wait3A_109 : memref<320x64xf32, #tpu.memory_space<vmem_shared>>) dst(%arg12 : memref<320x64xf32, #tpu.memory_space<vmem>>)
      tpu.yield
    }) : () -> ()
    %add3A_97 = arith.constant 0 : i32
    %add3A_98 = arith.addi %multiple_of3A, %add3A_97 : i32
    "tpu.region"() ({
      %run_scoped3A = tpu.sem_alloc : memref<!tpu.dma_semaphore, #tpu.memory_space<semaphore_mem>>
      %dma_start3A_103 = arith.constant 0 : i32
      %dma_start3A_104 = tpu.memref_slice %arg4[%arg0, %add3A_98, %dma_start3A_103] : memref<2x10240x128xf32, #tpu.memory_space<hbm>> -> memref<1x320x64xf32, #tpu.memory_space<hbm>>
      %dma_start3A_105 = tpu.memref_squeeze %dma_start3A_104 : memref<1x320x64xf32, #tpu.memory_space<hbm>> -> memref<320x64xf32, #tpu.memory_space<hbm>>
      %dma_start3A_106 = arith.constant 0 : i32
      %dma_start3A_107 = tpu.memref_slice %arg4[%arg0, %add3A_98, %dma_start3A_106] : memref<2x10240x128xf32, #tpu.memory_space<hbm>> -> memref<1x320x64xf32, #tpu.memory_space<hbm>>
      %dma_start3A_108 = tpu.memref_squeeze %dma_start3A_107 : memref<1x320x64xf32, #tpu.memory_space<hbm>> -> memref<320x64xf32, #tpu.memory_space<hbm>>
      tpu.enqueue_dma source(%arg12 : memref<320x64xf32, #tpu.memory_space<vmem>>) target(%dma_start3A_108 : memref<320x64xf32, #tpu.memory_space<hbm>>) target_semaphore(%run_scoped3A : memref<!tpu.dma_semaphore, #tpu.memory_space<semaphore_mem>>)
      %dma_wait3A = arith.constant 0 : i32
      %dma_wait3A_109 = tpu.memref_slice %arg4[%arg0, %add3A_98, %dma_wait3A] : memref<2x10240x128xf32, #tpu.memory_space<hbm>> -> memref<1x320x64xf32, #tpu.memory_space<hbm>>
      %dma_wait3A_110 = tpu.memref_squeeze %dma_wait3A_109 : memref<1x320x64xf32, #tpu.memory_space<hbm>> -> memref<320x64xf32, #tpu.memory_space<hbm>>
      %dma_wait3A_111 = arith.constant 0 : i32
      %dma_wait3A_112 = tpu.memref_slice %arg4[%arg0, %add3A_98, %dma_wait3A_111] : memref<2x10240x128xf32, #tpu.memory_space<hbm>> -> memref<1x320x64xf32, #tpu.memory_space<hbm>>
      %dma_wait3A_113 = tpu.memref_squeeze %dma_wait3A_112 : memref<1x320x64xf32, #tpu.memory_space<hbm>> -> memref<320x64xf32, #tpu.memory_space<hbm>>
      tpu.wait_dma2 semaphore(%run_scoped3A : memref<!tpu.dma_semaphore, #tpu.memory_space<semaphore_mem>>) src(%arg12 : memref<320x64xf32, #tpu.memory_space<vmem>>) dst(%dma_wait3A_113 : memref<320x64xf32, #tpu.memory_space<hbm>>)
      tpu.yield
    }) : () -> ()
    %add3A_99 = arith.constant 320 : i32
    %add3A_100 = arith.addi %multiple_of3A, %add3A_99 : i32
    "tpu.region"() ({
      %run_scoped3A = tpu.sem_alloc : memref<!tpu.dma_semaphore, #tpu.memory_space<semaphore_mem>>
      %dma_start3A_103 = arith.constant 0 : i32
      %dma_start3A_104 = tpu.memref_slice %arg23[%add3A_100, %dma_start3A_103] : memref<10240x64xf32, #tpu.memory_space<vmem_shared>> -> memref<320x64xf32, #tpu.memory_space<vmem_shared>>
      %dma_start3A_105 = arith.constant 0 : i32
      %dma_start3A_106 = tpu.memref_slice %arg23[%add3A_100, %dma_start3A_105] : memref<10240x64xf32, #tpu.memory_space<vmem_shared>> -> memref<320x64xf32, #tpu.memory_space<vmem_shared>>
      tpu.enqueue_dma source(%dma_start3A_106 : memref<320x64xf32, #tpu.memory_space<vmem_shared>>) target(%arg12 : memref<320x64xf32, #tpu.memory_space<vmem>>) target_semaphore(%run_scoped3A : memref<!tpu.dma_semaphore, #tpu.memory_space<semaphore_mem>>)
      %dma_wait3A = arith.constant 0 : i32
      %dma_wait3A_107 = tpu.memref_slice %arg23[%add3A_100, %dma_wait3A] : memref<10240x64xf32, #tpu.memory_space<vmem_shared>> -> memref<320x64xf32, #tpu.memory_space<vmem_shared>>
      %dma_wait3A_108 = arith.constant 0 : i32
      %dma_wait3A_109 = tpu.memref_slice %arg23[%add3A_100, %dma_wait3A_108] : memref<10240x64xf32, #tpu.memory_space<vmem_shared>> -> memref<320x64xf32, #tpu.memory_space<vmem_shared>>
      tpu.wait_dma2 semaphore(%run_scoped3A : memref<!tpu.dma_semaphore, #tpu.memory_space<semaphore_mem>>) src(%dma_wait3A_109 : memref<320x64xf32, #tpu.memory_space<vmem_shared>>) dst(%arg12 : memref<320x64xf32, #tpu.memory_space<vmem>>)
      tpu.yield
    }) : () -> ()
    %add3A_101 = arith.constant 320 : i32
    %add3A_102 = arith.addi %multiple_of3A, %add3A_101 : i32
    "tpu.region"() ({
      %run_scoped3A = tpu.sem_alloc : memref<!tpu.dma_semaphore, #tpu.memory_space<semaphore_mem>>
      %dma_start3A_103 = arith.constant 0 : i32
      %dma_start3A_104 = tpu.memref_slice %arg4[%arg0, %add3A_102, %dma_start3A_103] : memref<2x10240x128xf32, #tpu.memory_space<hbm>> -> memref<1x320x64xf32, #tpu.memory_space<hbm>>
      %dma_start3A_105 = tpu.memref_squeeze %dma_start3A_104 : memref<1x320x64xf32, #tpu.memory_space<hbm>> -> memref<320x64xf32, #tpu.memory_space<hbm>>
      %dma_start3A_106 = arith.constant 0 : i32
      %dma_start3A_107 = tpu.memref_slice %arg4[%arg0, %add3A_102, %dma_start3A_106] : memref<2x10240x128xf32, #tpu.memory_space<hbm>> -> memref<1x320x64xf32, #tpu.memory_space<hbm>>
      %dma_start3A_108 = tpu.memref_squeeze %dma_start3A_107 : memref<1x320x64xf32, #tpu.memory_space<hbm>> -> memref<320x64xf32, #tpu.memory_space<hbm>>
      tpu.enqueue_dma source(%arg12 : memref<320x64xf32, #tpu.memory_space<vmem>>) target(%dma_start3A_108 : memref<320x64xf32, #tpu.memory_space<hbm>>) target_semaphore(%run_scoped3A : memref<!tpu.dma_semaphore, #tpu.memory_space<semaphore_mem>>)
      %dma_wait3A = arith.constant 0 : i32
      %dma_wait3A_109 = tpu.memref_slice %arg4[%arg0, %add3A_102, %dma_wait3A] : memref<2x10240x128xf32, #tpu.memory_space<hbm>> -> memref<1x320x64xf32, #tpu.memory_space<hbm>>
      %dma_wait3A_110 = tpu.memref_squeeze %dma_wait3A_109 : memref<1x320x64xf32, #tpu.memory_space<hbm>> -> memref<320x64xf32, #tpu.memory_space<hbm>>
      %dma_wait3A_111 = arith.constant 0 : i32
      %dma_wait3A_112 = tpu.memref_slice %arg4[%arg0, %add3A_102, %dma_wait3A_111] : memref<2x10240x128xf32, #tpu.memory_space<hbm>> -> memref<1x320x64xf32, #tpu.memory_space<hbm>>
      %dma_wait3A_113 = tpu.memref_squeeze %dma_wait3A_112 : memref<1x320x64xf32, #tpu.memory_space<hbm>> -> memref<320x64xf32, #tpu.memory_space<hbm>>
      tpu.wait_dma2 semaphore(%run_scoped3A : memref<!tpu.dma_semaphore, #tpu.memory_space<semaphore_mem>>) src(%arg12 : memref<320x64xf32, #tpu.memory_space<vmem>>) dst(%dma_wait3A_113 : memref<320x64xf32, #tpu.memory_space<hbm>>)
      tpu.yield
    }) : () -> ()
    return
  }
}

#map = affine_map<(d0, d1) -> (0, 0, 0)>
#map1 = affine_map<(d0, d1) -> (0, 0)>
module attributes {stable_mosaic.version = 14 : i64} {
  func.func @_prop_sc(%arg0: i32, %arg1: i32, %arg2: memref<2x2500x128xi32, #tpu.memory_space<hbm>>, %arg3: memref<20000x64xf32, #tpu.memory_space<hbm>>, %arg4: memref<2x10240x128xf32, #tpu.memory_space<hbm>>, %arg5: memref<80x128xi32, #tpu.memory_space<vmem>>, %arg6: memref<80x128xi32, #tpu.memory_space<vmem>>, %arg7: memref<128x64xf32, #tpu.memory_space<vmem>>, %arg8: memref<128x64xf32, #tpu.memory_space<vmem>>, %arg9: memref<128x64xf32, #tpu.memory_space<vmem>>, %arg10: memref<128x64xf32, #tpu.memory_space<vmem>>, %arg11: memref<128x64xf32, #tpu.memory_space<vmem>>, %arg12: memref<320x64xf32, #tpu.memory_space<vmem>>, %arg13: memref<!tpu.dma_semaphore, #tpu.memory_space<semaphore_mem>>, %arg14: memref<!tpu.dma_semaphore, #tpu.memory_space<semaphore_mem>>, %arg15: memref<!tpu.dma_semaphore, #tpu.memory_space<semaphore_mem>>, %arg16: memref<!tpu.dma_semaphore, #tpu.memory_space<semaphore_mem>>, %arg17: memref<!tpu.dma_semaphore, #tpu.memory_space<semaphore_mem>>, %arg18: memref<!tpu.dma_semaphore, #tpu.memory_space<semaphore_mem>>, %arg19: memref<!tpu.dma_semaphore, #tpu.memory_space<semaphore_mem>>, %arg20: memref<!tpu.dma_semaphore, #tpu.memory_space<semaphore_mem>>, %arg21: memref<!tpu.dma_semaphore, #tpu.memory_space<semaphore_mem>>, %arg22: memref<!tpu.dma_semaphore, #tpu.memory_space<semaphore_mem>>, %arg23: memref<10240x64xf32, #tpu.memory_space<vmem_shared>>) attributes {dimension_semantics = [#tpu.dimension_semantics<core_parallel>, #tpu.dimension_semantics<subcore_parallel>], iteration_bounds = array<i64: 2, 16>, scalar_prefetch = 0 : i64, scratch_operands = 19 : i64, tpu.core_type = #tpu.core_type<sc_vector_subcore>, window_params = [{transform_indices = #map}, {transform_indices = #map1}, {transform_indices = #map}]} {
    %mul3A = arith.constant 2 : i32
    %mul3A_0 = arith.muli %arg1, %mul3A : i32
    %add3A = arith.addi %mul3A_0, %arg0 : i32
    %mul3A_1 = arith.constant 640 : i32
    %mul3A_2 = arith.muli %arg1, %mul3A_1 : i32
    %multiple_of3A = tpu.assume_multiple %mul3A_2, 8 : i32
    %scan3A = arith.constant 0 : i32
    %scan3A_3 = arith.constant 0 : i32
    %scan3A_4 = arith.constant 128 : i32
    %scan3A_5 = arith.addi %scan3A_3, %scan3A_4 : i32
    %scan3A_6 = arith.constant 1 : i32
    scf.for %scan3A_103 = %scan3A_3 to %scan3A_5 step %scan3A_6  : i32 {
      %broadcast_in_dim3A = arith.constant 0.000000e+00 : f32
      %broadcast_in_dim3A_104 = vector.broadcast %broadcast_in_dim3A : f32 to vector<16xf32>
      %swap3A = arith.index_cast %scan3A_103 : i32 to index
      %swap3A_105 = arith.constant 0 : index
      %swap3A_106 = tpu.vector_load %arg7[%swap3A, %swap3A_105] {strides = array<i32>} : memref<128x64xf32, #tpu.memory_space<vmem>>, vector<1x16xf32>,
      %swap3A_107 = vector.shape_cast %swap3A_106 : vector<1x16xf32> to vector<16xf32>
      %swap3A_108 = vector.shape_cast %broadcast_in_dim3A_104 : vector<16xf32> to vector<1x16xf32>
      tpu.vector_store %arg7[%swap3A, %swap3A_105], %swap3A_108 {strides = array<i32>} : memref<128x64xf32, #tpu.memory_space<vmem>>, vector<1x16xf32>,
      %broadcast_in_dim3A_109 = arith.constant 0.000000e+00 : f32
      %broadcast_in_dim3A_110 = vector.broadcast %broadcast_in_dim3A_109 : f32 to vector<16xf32>
      %swap3A_111 = arith.index_cast %scan3A_103 : i32 to index
      %swap3A_112 = arith.constant 16 : index
      %swap3A_113 = tpu.vector_load %arg7[%swap3A_111, %swap3A_112] {strides = array<i32>} : memref<128x64xf32, #tpu.memory_space<vmem>>, vector<1x16xf32>,
      %swap3A_114 = vector.shape_cast %swap3A_113 : vector<1x16xf32> to vector<16xf32>
      %swap3A_115 = vector.shape_cast %broadcast_in_dim3A_110 : vector<16xf32> to vector<1x16xf32>
      tpu.vector_store %arg7[%swap3A_111, %swap3A_112], %swap3A_115 {strides = array<i32>} : memref<128x64xf32, #tpu.memory_space<vmem>>, vector<1x16xf32>,
      %broadcast_in_dim3A_116 = arith.constant 0.000000e+00 : f32
      %broadcast_in_dim3A_117 = vector.broadcast %broadcast_in_dim3A_116 : f32 to vector<16xf32>
      %swap3A_118 = arith.index_cast %scan3A_103 : i32 to index
      %swap3A_119 = arith.constant 32 : index
      %swap3A_120 = tpu.vector_load %arg7[%swap3A_118, %swap3A_119] {strides = array<i32>} : memref<128x64xf32, #tpu.memory_space<vmem>>, vector<1x16xf32>,
      %swap3A_121 = vector.shape_cast %swap3A_120 : vector<1x16xf32> to vector<16xf32>
      %swap3A_122 = vector.shape_cast %broadcast_in_dim3A_117 : vector<16xf32> to vector<1x16xf32>
      tpu.vector_store %arg7[%swap3A_118, %swap3A_119], %swap3A_122 {strides = array<i32>} : memref<128x64xf32, #tpu.memory_space<vmem>>, vector<1x16xf32>,
      %broadcast_in_dim3A_123 = arith.constant 0.000000e+00 : f32
      %broadcast_in_dim3A_124 = vector.broadcast %broadcast_in_dim3A_123 : f32 to vector<16xf32>
      %swap3A_125 = arith.index_cast %scan3A_103 : i32 to index
      %swap3A_126 = arith.constant 48 : index
      %swap3A_127 = tpu.vector_load %arg7[%swap3A_125, %swap3A_126] {strides = array<i32>} : memref<128x64xf32, #tpu.memory_space<vmem>>, vector<1x16xf32>,
      %swap3A_128 = vector.shape_cast %swap3A_127 : vector<1x16xf32> to vector<16xf32>
      %swap3A_129 = vector.shape_cast %broadcast_in_dim3A_124 : vector<16xf32> to vector<1x16xf32>
      tpu.vector_store %arg7[%swap3A_125, %swap3A_126], %swap3A_129 {strides = array<i32>} : memref<128x64xf32, #tpu.memory_space<vmem>>, vector<1x16xf32>,
    }
    %scan3A_7 = arith.constant 128 : i32
    %add3A_8 = arith.constant 0 : i32
    %add3A_9 = arith.addi %multiple_of3A, %add3A_8 : i32
    "tpu.region"() ({
      %run_scoped3A = tpu.sem_alloc : memref<!tpu.dma_semaphore, #tpu.memory_space<semaphore_mem>>
      %dma_start3A_103 = arith.constant 0 : i32
      %dma_start3A_104 = tpu.memref_slice %arg23[%add3A_9, %dma_start3A_103] : memref<10240x64xf32, #tpu.memory_space<vmem_shared>> -> memref<128x64xf32, #tpu.memory_space<vmem_shared>>
      %dma_start3A_105 = arith.constant 0 : i32
      %dma_start3A_106 = tpu.memref_slice %arg23[%add3A_9, %dma_start3A_105] : memref<10240x64xf32, #tpu.memory_space<vmem_shared>> -> memref<128x64xf32, #tpu.memory_space<vmem_shared>>
      tpu.enqueue_dma source(%arg7 : memref<128x64xf32, #tpu.memory_space<vmem>>) target(%dma_start3A_106 : memref<128x64xf32, #tpu.memory_space<vmem_shared>>) target_semaphore(%run_scoped3A : memref<!tpu.dma_semaphore, #tpu.memory_space<semaphore_mem>>)
      %dma_wait3A = arith.constant 0 : i32
      %dma_wait3A_107 = tpu.memref_slice %arg23[%add3A_9, %dma_wait3A] : memref<10240x64xf32, #tpu.memory_space<vmem_shared>> -> memref<128x64xf32, #tpu.memory_space<vmem_shared>>
      %dma_wait3A_108 = arith.constant 0 : i32
      %dma_wait3A_109 = tpu.memref_slice %arg23[%add3A_9, %dma_wait3A_108] : memref<10240x64xf32, #tpu.memory_space<vmem_shared>> -> memref<128x64xf32, #tpu.memory_space<vmem_shared>>
      tpu.wait_dma2 semaphore(%run_scoped3A : memref<!tpu.dma_semaphore, #tpu.memory_space<semaphore_mem>>) src(%arg7 : memref<128x64xf32, #tpu.memory_space<vmem>>) dst(%dma_wait3A_109 : memref<128x64xf32, #tpu.memory_space<vmem_shared>>)
      tpu.yield
    }) : () -> ()
    %add3A_10 = arith.constant 128 : i32
    %add3A_11 = arith.addi %multiple_of3A, %add3A_10 : i32
    "tpu.region"() ({
      %run_scoped3A = tpu.sem_alloc : memref<!tpu.dma_semaphore, #tpu.memory_space<semaphore_mem>>
      %dma_start3A_103 = arith.constant 0 : i32
      %dma_start3A_104 = tpu.memref_slice %arg23[%add3A_11, %dma_start3A_103] : memref<10240x64xf32, #tpu.memory_space<vmem_shared>> -> memref<128x64xf32, #tpu.memory_space<vmem_shared>>
      %dma_start3A_105 = arith.constant 0 : i32
      %dma_start3A_106 = tpu.memref_slice %arg23[%add3A_11, %dma_start3A_105] : memref<10240x64xf32, #tpu.memory_space<vmem_shared>> -> memref<128x64xf32, #tpu.memory_space<vmem_shared>>
      tpu.enqueue_dma source(%arg7 : memref<128x64xf32, #tpu.memory_space<vmem>>) target(%dma_start3A_106 : memref<128x64xf32, #tpu.memory_space<vmem_shared>>) target_semaphore(%run_scoped3A : memref<!tpu.dma_semaphore, #tpu.memory_space<semaphore_mem>>)
      %dma_wait3A = arith.constant 0 : i32
      %dma_wait3A_107 = tpu.memref_slice %arg23[%add3A_11, %dma_wait3A] : memref<10240x64xf32, #tpu.memory_space<vmem_shared>> -> memref<128x64xf32, #tpu.memory_space<vmem_shared>>
      %dma_wait3A_108 = arith.constant 0 : i32
      %dma_wait3A_109 = tpu.memref_slice %arg23[%add3A_11, %dma_wait3A_108] : memref<10240x64xf32, #tpu.memory_space<vmem_shared>> -> memref<128x64xf32, #tpu.memory_space<vmem_shared>>
      tpu.wait_dma2 semaphore(%run_scoped3A : memref<!tpu.dma_semaphore, #tpu.memory_space<semaphore_mem>>) src(%arg7 : memref<128x64xf32, #tpu.memory_space<vmem>>) dst(%dma_wait3A_109 : memref<128x64xf32, #tpu.memory_space<vmem_shared>>)
      tpu.yield
    }) : () -> ()
    %add3A_12 = arith.constant 256 : i32
    %add3A_13 = arith.addi %multiple_of3A, %add3A_12 : i32
    "tpu.region"() ({
      %run_scoped3A = tpu.sem_alloc : memref<!tpu.dma_semaphore, #tpu.memory_space<semaphore_mem>>
      %dma_start3A_103 = arith.constant 0 : i32
      %dma_start3A_104 = tpu.memref_slice %arg23[%add3A_13, %dma_start3A_103] : memref<10240x64xf32, #tpu.memory_space<vmem_shared>> -> memref<128x64xf32, #tpu.memory_space<vmem_shared>>
      %dma_start3A_105 = arith.constant 0 : i32
      %dma_start3A_106 = tpu.memref_slice %arg23[%add3A_13, %dma_start3A_105] : memref<10240x64xf32, #tpu.memory_space<vmem_shared>> -> memref<128x64xf32, #tpu.memory_space<vmem_shared>>
      tpu.enqueue_dma source(%arg7 : memref<128x64xf32, #tpu.memory_space<vmem>>) target(%dma_start3A_106 : memref<128x64xf32, #tpu.memory_space<vmem_shared>>) target_semaphore(%run_scoped3A : memref<!tpu.dma_semaphore, #tpu.memory_space<semaphore_mem>>)
      %dma_wait3A = arith.constant 0 : i32
      %dma_wait3A_107 = tpu.memref_slice %arg23[%add3A_13, %dma_wait3A] : memref<10240x64xf32, #tpu.memory_space<vmem_shared>> -> memref<128x64xf32, #tpu.memory_space<vmem_shared>>
      %dma_wait3A_108 = arith.constant 0 : i32
      %dma_wait3A_109 = tpu.memref_slice %arg23[%add3A_13, %dma_wait3A_108] : memref<10240x64xf32, #tpu.memory_space<vmem_shared>> -> memref<128x64xf32, #tpu.memory_space<vmem_shared>>
      tpu.wait_dma2 semaphore(%run_scoped3A : memref<!tpu.dma_semaphore, #tpu.memory_space<semaphore_mem>>) src(%arg7 : memref<128x64xf32, #tpu.memory_space<vmem>>) dst(%dma_wait3A_109 : memref<128x64xf32, #tpu.memory_space<vmem_shared>>)
      tpu.yield
    }) : () -> ()
    %add3A_14 = arith.constant 384 : i32
    %add3A_15 = arith.addi %multiple_of3A, %add3A_14 : i32
    "tpu.region"() ({
      %run_scoped3A = tpu.sem_alloc : memref<!tpu.dma_semaphore, #tpu.memory_space<semaphore_mem>>
      %dma_start3A_103 = arith.constant 0 : i32
      %dma_start3A_104 = tpu.memref_slice %arg23[%add3A_15, %dma_start3A_103] : memref<10240x64xf32, #tpu.memory_space<vmem_shared>> -> memref<128x64xf32, #tpu.memory_space<vmem_shared>>
      %dma_start3A_105 = arith.constant 0 : i32
      %dma_start3A_106 = tpu.memref_slice %arg23[%add3A_15, %dma_start3A_105] : memref<10240x64xf32, #tpu.memory_space<vmem_shared>> -> memref<128x64xf32, #tpu.memory_space<vmem_shared>>
      tpu.enqueue_dma source(%arg7 : memref<128x64xf32, #tpu.memory_space<vmem>>) target(%dma_start3A_106 : memref<128x64xf32, #tpu.memory_space<vmem_shared>>) target_semaphore(%run_scoped3A : memref<!tpu.dma_semaphore, #tpu.memory_space<semaphore_mem>>)
      %dma_wait3A = arith.constant 0 : i32
      %dma_wait3A_107 = tpu.memref_slice %arg23[%add3A_15, %dma_wait3A] : memref<10240x64xf32, #tpu.memory_space<vmem_shared>> -> memref<128x64xf32, #tpu.memory_space<vmem_shared>>
      %dma_wait3A_108 = arith.constant 0 : i32
      %dma_wait3A_109 = tpu.memref_slice %arg23[%add3A_15, %dma_wait3A_108] : memref<10240x64xf32, #tpu.memory_space<vmem_shared>> -> memref<128x64xf32, #tpu.memory_space<vmem_shared>>
      tpu.wait_dma2 semaphore(%run_scoped3A : memref<!tpu.dma_semaphore, #tpu.memory_space<semaphore_mem>>) src(%arg7 : memref<128x64xf32, #tpu.memory_space<vmem>>) dst(%dma_wait3A_109 : memref<128x64xf32, #tpu.memory_space<vmem_shared>>)
      tpu.yield
    }) : () -> ()
    %add3A_16 = arith.constant 512 : i32
    %add3A_17 = arith.addi %multiple_of3A, %add3A_16 : i32
    "tpu.region"() ({
      %run_scoped3A = tpu.sem_alloc : memref<!tpu.dma_semaphore, #tpu.memory_space<semaphore_mem>>
      %dma_start3A_103 = arith.constant 0 : i32
      %dma_start3A_104 = tpu.memref_slice %arg23[%add3A_17, %dma_start3A_103] : memref<10240x64xf32, #tpu.memory_space<vmem_shared>> -> memref<128x64xf32, #tpu.memory_space<vmem_shared>>
      %dma_start3A_105 = arith.constant 0 : i32
      %dma_start3A_106 = tpu.memref_slice %arg23[%add3A_17, %dma_start3A_105] : memref<10240x64xf32, #tpu.memory_space<vmem_shared>> -> memref<128x64xf32, #tpu.memory_space<vmem_shared>>
      tpu.enqueue_dma source(%arg7 : memref<128x64xf32, #tpu.memory_space<vmem>>) target(%dma_start3A_106 : memref<128x64xf32, #tpu.memory_space<vmem_shared>>) target_semaphore(%run_scoped3A : memref<!tpu.dma_semaphore, #tpu.memory_space<semaphore_mem>>)
      %dma_wait3A = arith.constant 0 : i32
      %dma_wait3A_107 = tpu.memref_slice %arg23[%add3A_17, %dma_wait3A] : memref<10240x64xf32, #tpu.memory_space<vmem_shared>> -> memref<128x64xf32, #tpu.memory_space<vmem_shared>>
      %dma_wait3A_108 = arith.constant 0 : i32
      %dma_wait3A_109 = tpu.memref_slice %arg23[%add3A_17, %dma_wait3A_108] : memref<10240x64xf32, #tpu.memory_space<vmem_shared>> -> memref<128x64xf32, #tpu.memory_space<vmem_shared>>
      tpu.wait_dma2 semaphore(%run_scoped3A : memref<!tpu.dma_semaphore, #tpu.memory_space<semaphore_mem>>) src(%arg7 : memref<128x64xf32, #tpu.memory_space<vmem>>) dst(%dma_wait3A_109 : memref<128x64xf32, #tpu.memory_space<vmem_shared>>)
      tpu.yield
    }) : () -> ()
    %barrier3A = arith.constant 0 : index
    tpu.barrier barrier_id(%barrier3A)
    %eq3A = arith.constant 31 : i32
    %eq3A_18 = arith.cmpi eq, %add3A, %eq3A : i32
    %jit3A = arith.constant 20 : i32
    %jit3A_19 = arith.constant 80 : i32
    %select_n3A = arith.select %eq3A_18, %jit3A, %jit3A_19 : i32
    %lt3A = arith.constant 31 : i32
    %lt3A_20 = arith.cmpi slt, %add3A, %lt3A : i32
    %convert_element_type3A = arith.extui %lt3A_20 : i1 to i32
    %cond3A = arith.constant 0 : i32
    %cond3A_21 = arith.cmpi ne, %convert_element_type3A, %cond3A : i32
    scf.if %cond3A_21 {
      %mul3A_103 = arith.constant 80 : i32
      %mul3A_104 = arith.muli %add3A, %mul3A_103 : i32
      %run_scoped3A = arith.constant 0 : i32
      "tpu.region"() ({
        %run_scoped3A_108 = tpu.sem_alloc : memref<!tpu.dma_semaphore, #tpu.memory_space<semaphore_mem>>
        %dma_start3A_109 = arith.constant 0 : i32
        %dma_start3A_110 = tpu.memref_slice %arg2[%run_scoped3A, %mul3A_104, %dma_start3A_109] : memref<2x2500x128xi32, #tpu.memory_space<hbm>> -> memref<1x80x128xi32, #tpu.memory_space<hbm>>
        %dma_start3A_111 = tpu.memref_squeeze %dma_start3A_110 : memref<1x80x128xi32, #tpu.memory_space<hbm>> -> memref<80x128xi32, #tpu.memory_space<hbm>>
        %dma_start3A_112 = arith.constant 0 : i32
        %dma_start3A_113 = tpu.memref_slice %arg2[%run_scoped3A, %mul3A_104, %dma_start3A_112] : memref<2x2500x128xi32, #tpu.memory_space<hbm>> -> memref<1x80x128xi32, #tpu.memory_space<hbm>>
        %dma_start3A_114 = tpu.memref_squeeze %dma_start3A_113 : memref<1x80x128xi32, #tpu.memory_space<hbm>> -> memref<80x128xi32, #tpu.memory_space<hbm>>
        tpu.enqueue_dma source(%dma_start3A_114 : memref<80x128xi32, #tpu.memory_space<hbm>>) target(%arg5 : memref<80x128xi32, #tpu.memory_space<vmem>>) target_semaphore(%run_scoped3A_108 : memref<!tpu.dma_semaphore, #tpu.memory_space<semaphore_mem>>)
        %dma_wait3A = arith.constant 0 : i32
        %dma_wait3A_115 = tpu.memref_slice %arg2[%run_scoped3A, %mul3A_104, %dma_wait3A] : memref<2x2500x128xi32, #tpu.memory_space<hbm>> -> memref<1x80x128xi32, #tpu.memory_space<hbm>>
        %dma_wait3A_116 = tpu.memref_squeeze %dma_wait3A_115 : memref<1x80x128xi32, #tpu.memory_space<hbm>> -> memref<80x128xi32, #tpu.memory_space<hbm>>
        %dma_wait3A_117 = arith.constant 0 : i32
        %dma_wait3A_118 = tpu.memref_slice %arg2[%run_scoped3A, %mul3A_104, %dma_wait3A_117] : memref<2x2500x128xi32, #tpu.memory_space<hbm>> -> memref<1x80x128xi32, #tpu.memory_space<hbm>>
        %dma_wait3A_119 = tpu.memref_squeeze %dma_wait3A_118 : memref<1x80x128xi32, #tpu.memory_space<hbm>> -> memref<80x128xi32, #tpu.memory_space<hbm>>
        tpu.wait_dma2 semaphore(%run_scoped3A_108 : memref<!tpu.dma_semaphore, #tpu.memory_space<semaphore_mem>>) src(%dma_wait3A_119 : memref<80x128xi32, #tpu.memory_space<hbm>>) dst(%arg5 : memref<80x128xi32, #tpu.memory_space<vmem>>)
        tpu.yield
      }) : () -> ()
      %mul3A_105 = arith.constant 80 : i32
      %mul3A_106 = arith.muli %add3A, %mul3A_105 : i32
      %run_scoped3A_107 = arith.constant 1 : i32
      "tpu.region"() ({
        %run_scoped3A_108 = tpu.sem_alloc : memref<!tpu.dma_semaphore, #tpu.memory_space<semaphore_mem>>
        %dma_start3A_109 = arith.constant 0 : i32
        %dma_start3A_110 = tpu.memref_slice %arg2[%run_scoped3A_107, %mul3A_106, %dma_start3A_109] : memref<2x2500x128xi32, #tpu.memory_space<hbm>> -> memref<1x80x128xi32, #tpu.memory_space<hbm>>
        %dma_start3A_111 = tpu.memref_squeeze %dma_start3A_110 : memref<1x80x128xi32, #tpu.memory_space<hbm>> -> memref<80x128xi32, #tpu.memory_space<hbm>>
        %dma_start3A_112 = arith.constant 0 : i32
        %dma_start3A_113 = tpu.memref_slice %arg2[%run_scoped3A_107, %mul3A_106, %dma_start3A_112] : memref<2x2500x128xi32, #tpu.memory_space<hbm>> -> memref<1x80x128xi32, #tpu.memory_space<hbm>>
        %dma_start3A_114 = tpu.memref_squeeze %dma_start3A_113 : memref<1x80x128xi32, #tpu.memory_space<hbm>> -> memref<80x128xi32, #tpu.memory_space<hbm>>
        tpu.enqueue_dma source(%dma_start3A_114 : memref<80x128xi32, #tpu.memory_space<hbm>>) target(%arg6 : memref<80x128xi32, #tpu.memory_space<vmem>>) target_semaphore(%run_scoped3A_108 : memref<!tpu.dma_semaphore, #tpu.memory_space<semaphore_mem>>)
        %dma_wait3A = arith.constant 0 : i32
        %dma_wait3A_115 = tpu.memref_slice %arg2[%run_scoped3A_107, %mul3A_106, %dma_wait3A] : memref<2x2500x128xi32, #tpu.memory_space<hbm>> -> memref<1x80x128xi32, #tpu.memory_space<hbm>>
        %dma_wait3A_116 = tpu.memref_squeeze %dma_wait3A_115 : memref<1x80x128xi32, #tpu.memory_space<hbm>> -> memref<80x128xi32, #tpu.memory_space<hbm>>
        %dma_wait3A_117 = arith.constant 0 : i32
        %dma_wait3A_118 = tpu.memref_slice %arg2[%run_scoped3A_107, %mul3A_106, %dma_wait3A_117] : memref<2x2500x128xi32, #tpu.memory_space<hbm>> -> memref<1x80x128xi32, #tpu.memory_space<hbm>>
        %dma_wait3A_119 = tpu.memref_squeeze %dma_wait3A_118 : memref<1x80x128xi32, #tpu.memory_space<hbm>> -> memref<80x128xi32, #tpu.memory_space<hbm>>
        tpu.wait_dma2 semaphore(%run_scoped3A_108 : memref<!tpu.dma_semaphore, #tpu.memory_space<semaphore_mem>>) src(%dma_wait3A_119 : memref<80x128xi32, #tpu.memory_space<hbm>>) dst(%arg6 : memref<80x128xi32, #tpu.memory_space<vmem>>)
        tpu.yield
      }) : () -> ()
    } else {
    }
    %eq3A_22 = arith.constant 31 : i32
    %eq3A_23 = arith.cmpi eq, %add3A, %eq3A_22 : i32
    %convert_element_type3A_24 = arith.extui %eq3A_23 : i1 to i32
    %cond3A_25 = arith.constant 0 : i32
    %cond3A_26 = arith.cmpi ne, %convert_element_type3A_24, %cond3A_25 : i32
    scf.if %cond3A_26 {
      %run_scoped3A = arith.constant 0 : i32
      "tpu.region"() ({
        %run_scoped3A_104 = tpu.sem_alloc : memref<!tpu.dma_semaphore, #tpu.memory_space<semaphore_mem>>
        %dma_start3A_105 = arith.constant 0 : i32
        %dma_start3A_106 = arith.constant 0 : i32
        %dma_start3A_107 = tpu.memref_slice %arg5[%dma_start3A_105, %dma_start3A_106] : memref<80x128xi32, #tpu.memory_space<vmem>> -> memref<20x128xi32, #tpu.memory_space<vmem>>
        %dma_start3A_108 = arith.constant 2480 : i32
        %dma_start3A_109 = arith.constant 0 : i32
        %dma_start3A_110 = tpu.memref_slice %arg2[%run_scoped3A, %dma_start3A_108, %dma_start3A_109] : memref<2x2500x128xi32, #tpu.memory_space<hbm>> -> memref<1x20x128xi32, #tpu.memory_space<hbm>>
        %dma_start3A_111 = tpu.memref_squeeze %dma_start3A_110 : memref<1x20x128xi32, #tpu.memory_space<hbm>> -> memref<20x128xi32, #tpu.memory_space<hbm>>
        %dma_start3A_112 = arith.constant 0 : i32
        %dma_start3A_113 = arith.constant 0 : i32
        %dma_start3A_114 = tpu.memref_slice %arg5[%dma_start3A_112, %dma_start3A_113] : memref<80x128xi32, #tpu.memory_space<vmem>> -> memref<20x128xi32, #tpu.memory_space<vmem>>
        %dma_start3A_115 = arith.constant 2480 : i32
        %dma_start3A_116 = arith.constant 0 : i32
        %dma_start3A_117 = tpu.memref_slice %arg2[%run_scoped3A, %dma_start3A_115, %dma_start3A_116] : memref<2x2500x128xi32, #tpu.memory_space<hbm>> -> memref<1x20x128xi32, #tpu.memory_space<hbm>>
        %dma_start3A_118 = tpu.memref_squeeze %dma_start3A_117 : memref<1x20x128xi32, #tpu.memory_space<hbm>> -> memref<20x128xi32, #tpu.memory_space<hbm>>
        tpu.enqueue_dma source(%dma_start3A_118 : memref<20x128xi32, #tpu.memory_space<hbm>>) target(%dma_start3A_114 : memref<20x128xi32, #tpu.memory_space<vmem>>) target_semaphore(%run_scoped3A_104 : memref<!tpu.dma_semaphore, #tpu.memory_space<semaphore_mem>>)
        %dma_wait3A = arith.constant 0 : i32
        %dma_wait3A_119 = arith.constant 0 : i32
        %dma_wait3A_120 = tpu.memref_slice %arg5[%dma_wait3A, %dma_wait3A_119] : memref<80x128xi32, #tpu.memory_space<vmem>> -> memref<20x128xi32, #tpu.memory_space<vmem>>
        %dma_wait3A_121 = arith.constant 2480 : i32
        %dma_wait3A_122 = arith.constant 0 : i32
        %dma_wait3A_123 = tpu.memref_slice %arg2[%run_scoped3A, %dma_wait3A_121, %dma_wait3A_122] : memref<2x2500x128xi32, #tpu.memory_space<hbm>> -> memref<1x20x128xi32, #tpu.memory_space<hbm>>
        %dma_wait3A_124 = tpu.memref_squeeze %dma_wait3A_123 : memref<1x20x128xi32, #tpu.memory_space<hbm>> -> memref<20x128xi32, #tpu.memory_space<hbm>>
        %dma_wait3A_125 = arith.constant 0 : i32
        %dma_wait3A_126 = arith.constant 0 : i32
        %dma_wait3A_127 = tpu.memref_slice %arg5[%dma_wait3A_125, %dma_wait3A_126] : memref<80x128xi32, #tpu.memory_space<vmem>> -> memref<20x128xi32, #tpu.memory_space<vmem>>
        %dma_wait3A_128 = arith.constant 2480 : i32
        %dma_wait3A_129 = arith.constant 0 : i32
        %dma_wait3A_130 = tpu.memref_slice %arg2[%run_scoped3A, %dma_wait3A_128, %dma_wait3A_129] : memref<2x2500x128xi32, #tpu.memory_space<hbm>> -> memref<1x20x128xi32, #tpu.memory_space<hbm>>
        %dma_wait3A_131 = tpu.memref_squeeze %dma_wait3A_130 : memref<1x20x128xi32, #tpu.memory_space<hbm>> -> memref<20x128xi32, #tpu.memory_space<hbm>>
        tpu.wait_dma2 semaphore(%run_scoped3A_104 : memref<!tpu.dma_semaphore, #tpu.memory_space<semaphore_mem>>) src(%dma_wait3A_131 : memref<20x128xi32, #tpu.memory_space<hbm>>) dst(%dma_wait3A_127 : memref<20x128xi32, #tpu.memory_space<vmem>>)
        tpu.yield
      }) : () -> ()
      %run_scoped3A_103 = arith.constant 1 : i32
      "tpu.region"() ({
        %run_scoped3A_104 = tpu.sem_alloc : memref<!tpu.dma_semaphore, #tpu.memory_space<semaphore_mem>>
        %dma_start3A_105 = arith.constant 0 : i32
        %dma_start3A_106 = arith.constant 0 : i32
        %dma_start3A_107 = tpu.memref_slice %arg6[%dma_start3A_105, %dma_start3A_106] : memref<80x128xi32, #tpu.memory_space<vmem>> -> memref<20x128xi32, #tpu.memory_space<vmem>>
        %dma_start3A_108 = arith.constant 2480 : i32
        %dma_start3A_109 = arith.constant 0 : i32
        %dma_start3A_110 = tpu.memref_slice %arg2[%run_scoped3A_103, %dma_start3A_108, %dma_start3A_109] : memref<2x2500x128xi32, #tpu.memory_space<hbm>> -> memref<1x20x128xi32, #tpu.memory_space<hbm>>
        %dma_start3A_111 = tpu.memref_squeeze %dma_start3A_110 : memref<1x20x128xi32, #tpu.memory_space<hbm>> -> memref<20x128xi32, #tpu.memory_space<hbm>>
        %dma_start3A_112 = arith.constant 0 : i32
        %dma_start3A_113 = arith.constant 0 : i32
        %dma_start3A_114 = tpu.memref_slice %arg6[%dma_start3A_112, %dma_start3A_113] : memref<80x128xi32, #tpu.memory_space<vmem>> -> memref<20x128xi32, #tpu.memory_space<vmem>>
        %dma_start3A_115 = arith.constant 2480 : i32
        %dma_start3A_116 = arith.constant 0 : i32
        %dma_start3A_117 = tpu.memref_slice %arg2[%run_scoped3A_103, %dma_start3A_115, %dma_start3A_116] : memref<2x2500x128xi32, #tpu.memory_space<hbm>> -> memref<1x20x128xi32, #tpu.memory_space<hbm>>
        %dma_start3A_118 = tpu.memref_squeeze %dma_start3A_117 : memref<1x20x128xi32, #tpu.memory_space<hbm>> -> memref<20x128xi32, #tpu.memory_space<hbm>>
        tpu.enqueue_dma source(%dma_start3A_118 : memref<20x128xi32, #tpu.memory_space<hbm>>) target(%dma_start3A_114 : memref<20x128xi32, #tpu.memory_space<vmem>>) target_semaphore(%run_scoped3A_104 : memref<!tpu.dma_semaphore, #tpu.memory_space<semaphore_mem>>)
        %dma_wait3A = arith.constant 0 : i32
        %dma_wait3A_119 = arith.constant 0 : i32
        %dma_wait3A_120 = tpu.memref_slice %arg6[%dma_wait3A, %dma_wait3A_119] : memref<80x128xi32, #tpu.memory_space<vmem>> -> memref<20x128xi32, #tpu.memory_space<vmem>>
        %dma_wait3A_121 = arith.constant 2480 : i32
        %dma_wait3A_122 = arith.constant 0 : i32
        %dma_wait3A_123 = tpu.memref_slice %arg2[%run_scoped3A_103, %dma_wait3A_121, %dma_wait3A_122] : memref<2x2500x128xi32, #tpu.memory_space<hbm>> -> memref<1x20x128xi32, #tpu.memory_space<hbm>>
        %dma_wait3A_124 = tpu.memref_squeeze %dma_wait3A_123 : memref<1x20x128xi32, #tpu.memory_space<hbm>> -> memref<20x128xi32, #tpu.memory_space<hbm>>
        %dma_wait3A_125 = arith.constant 0 : i32
        %dma_wait3A_126 = arith.constant 0 : i32
        %dma_wait3A_127 = tpu.memref_slice %arg6[%dma_wait3A_125, %dma_wait3A_126] : memref<80x128xi32, #tpu.memory_space<vmem>> -> memref<20x128xi32, #tpu.memory_space<vmem>>
        %dma_wait3A_128 = arith.constant 2480 : i32
        %dma_wait3A_129 = arith.constant 0 : i32
        %dma_wait3A_130 = tpu.memref_slice %arg2[%run_scoped3A_103, %dma_wait3A_128, %dma_wait3A_129] : memref<2x2500x128xi32, #tpu.memory_space<hbm>> -> memref<1x20x128xi32, #tpu.memory_space<hbm>>
        %dma_wait3A_131 = tpu.memref_squeeze %dma_wait3A_130 : memref<1x20x128xi32, #tpu.memory_space<hbm>> -> memref<20x128xi32, #tpu.memory_space<hbm>>
        tpu.wait_dma2 semaphore(%run_scoped3A_104 : memref<!tpu.dma_semaphore, #tpu.memory_space<semaphore_mem>>) src(%dma_wait3A_131 : memref<20x128xi32, #tpu.memory_space<hbm>>) dst(%dma_wait3A_127 : memref<20x128xi32, #tpu.memory_space<vmem>>)
        tpu.yield
      }) : () -> ()
    } else {
    }
    %scan3A_27 = arith.constant 0 : i32
    %scan3A_28 = arith.constant 0 : i32
    %scan3A_29 = arith.constant 80 : i32
    %scan3A_30 = arith.addi %scan3A_28, %scan3A_29 : i32
    %scan3A_31 = arith.constant 1 : i32
    scf.for %scan3A_103 = %scan3A_28 to %scan3A_30 step %scan3A_31  : i32 {
      %get3A = arith.index_cast %scan3A_103 : i32 to index
      %get3A_104 = arith.constant 0 : index
      %get3A_105 = tpu.vector_load %arg5[%get3A, %get3A_104] {strides = array<i32>} : memref<80x128xi32, #tpu.memory_space<vmem>>, vector<1x16xi32>,
      %get3A_106 = vector.shape_cast %get3A_105 : vector<1x16xi32> to vector<16xi32>
      %mul3A_107 = arith.constant 2 : i32
      %mul3A_108 = vector.broadcast %mul3A_107 : i32 to vector<16xi32>
      %mul3A_109 = arith.muli %get3A_106, %mul3A_108 : vector<16xi32>
      %add3A_110 = arith.constant 1 : i32
      %add3A_111 = vector.broadcast %add3A_110 : i32 to vector<16xi32>
      %add3A_112 = arith.addi %mul3A_109, %add3A_111 : vector<16xi32>
      %swap3A = arith.index_cast %scan3A_103 : i32 to index
      %swap3A_113 = arith.constant 0 : index
      %swap3A_114 = tpu.vector_load %arg5[%swap3A, %swap3A_113] {strides = array<i32>} : memref<80x128xi32, #tpu.memory_space<vmem>>, vector<1x16xi32>,
      %swap3A_115 = vector.shape_cast %swap3A_114 : vector<1x16xi32> to vector<16xi32>
      %swap3A_116 = vector.shape_cast %add3A_112 : vector<16xi32> to vector<1x16xi32>
      tpu.vector_store %arg5[%swap3A, %swap3A_113], %swap3A_116 {strides = array<i32>} : memref<80x128xi32, #tpu.memory_space<vmem>>, vector<1x16xi32>,
      %get3A_117 = arith.index_cast %scan3A_103 : i32 to index
      %get3A_118 = arith.constant 16 : index
      %get3A_119 = tpu.vector_load %arg5[%get3A_117, %get3A_118] {strides = array<i32>} : memref<80x128xi32, #tpu.memory_space<vmem>>, vector<1x16xi32>,
      %get3A_120 = vector.shape_cast %get3A_119 : vector<1x16xi32> to vector<16xi32>
      %mul3A_121 = arith.constant 2 : i32
      %mul3A_122 = vector.broadcast %mul3A_121 : i32 to vector<16xi32>
      %mul3A_123 = arith.muli %get3A_120, %mul3A_122 : vector<16xi32>
      %add3A_124 = arith.constant 1 : i32
      %add3A_125 = vector.broadcast %add3A_124 : i32 to vector<16xi32>
      %add3A_126 = arith.addi %mul3A_123, %add3A_125 : vector<16xi32>
      %swap3A_127 = arith.index_cast %scan3A_103 : i32 to index
      %swap3A_128 = arith.constant 16 : index
      %swap3A_129 = tpu.vector_load %arg5[%swap3A_127, %swap3A_128] {strides = array<i32>} : memref<80x128xi32, #tpu.memory_space<vmem>>, vector<1x16xi32>,
      %swap3A_130 = vector.shape_cast %swap3A_129 : vector<1x16xi32> to vector<16xi32>
      %swap3A_131 = vector.shape_cast %add3A_126 : vector<16xi32> to vector<1x16xi32>
      tpu.vector_store %arg5[%swap3A_127, %swap3A_128], %swap3A_131 {strides = array<i32>} : memref<80x128xi32, #tpu.memory_space<vmem>>, vector<1x16xi32>,
      %get3A_132 = arith.index_cast %scan3A_103 : i32 to index
      %get3A_133 = arith.constant 32 : index
      %get3A_134 = tpu.vector_load %arg5[%get3A_132, %get3A_133] {strides = array<i32>} : memref<80x128xi32, #tpu.memory_space<vmem>>, vector<1x16xi32>,
      %get3A_135 = vector.shape_cast %get3A_134 : vector<1x16xi32> to vector<16xi32>
      %mul3A_136 = arith.constant 2 : i32
      %mul3A_137 = vector.broadcast %mul3A_136 : i32 to vector<16xi32>
      %mul3A_138 = arith.muli %get3A_135, %mul3A_137 : vector<16xi32>
      %add3A_139 = arith.constant 1 : i32
      %add3A_140 = vector.broadcast %add3A_139 : i32 to vector<16xi32>
      %add3A_141 = arith.addi %mul3A_138, %add3A_140 : vector<16xi32>
      %swap3A_142 = arith.index_cast %scan3A_103 : i32 to index
      %swap3A_143 = arith.constant 32 : index
      %swap3A_144 = tpu.vector_load %arg5[%swap3A_142, %swap3A_143] {strides = array<i32>} : memref<80x128xi32, #tpu.memory_space<vmem>>, vector<1x16xi32>,
      %swap3A_145 = vector.shape_cast %swap3A_144 : vector<1x16xi32> to vector<16xi32>
      %swap3A_146 = vector.shape_cast %add3A_141 : vector<16xi32> to vector<1x16xi32>
      tpu.vector_store %arg5[%swap3A_142, %swap3A_143], %swap3A_146 {strides = array<i32>} : memref<80x128xi32, #tpu.memory_space<vmem>>, vector<1x16xi32>,
      %get3A_147 = arith.index_cast %scan3A_103 : i32 to index
      %get3A_148 = arith.constant 48 : index
      %get3A_149 = tpu.vector_load %arg5[%get3A_147, %get3A_148] {strides = array<i32>} : memref<80x128xi32, #tpu.memory_space<vmem>>, vector<1x16xi32>,
      %get3A_150 = vector.shape_cast %get3A_149 : vector<1x16xi32> to vector<16xi32>
      %mul3A_151 = arith.constant 2 : i32
      %mul3A_152 = vector.broadcast %mul3A_151 : i32 to vector<16xi32>
      %mul3A_153 = arith.muli %get3A_150, %mul3A_152 : vector<16xi32>
      %add3A_154 = arith.constant 1 : i32
      %add3A_155 = vector.broadcast %add3A_154 : i32 to vector<16xi32>
      %add3A_156 = arith.addi %mul3A_153, %add3A_155 : vector<16xi32>
      %swap3A_157 = arith.index_cast %scan3A_103 : i32 to index
      %swap3A_158 = arith.constant 48 : index
      %swap3A_159 = tpu.vector_load %arg5[%swap3A_157, %swap3A_158] {strides = array<i32>} : memref<80x128xi32, #tpu.memory_space<vmem>>, vector<1x16xi32>,
      %swap3A_160 = vector.shape_cast %swap3A_159 : vector<1x16xi32> to vector<16xi32>
      %swap3A_161 = vector.shape_cast %add3A_156 : vector<16xi32> to vector<1x16xi32>
      tpu.vector_store %arg5[%swap3A_157, %swap3A_158], %swap3A_161 {strides = array<i32>} : memref<80x128xi32, #tpu.memory_space<vmem>>, vector<1x16xi32>,
      %get3A_162 = arith.index_cast %scan3A_103 : i32 to index
      %get3A_163 = arith.constant 64 : index
      %get3A_164 = tpu.vector_load %arg5[%get3A_162, %get3A_163] {strides = array<i32>} : memref<80x128xi32, #tpu.memory_space<vmem>>, vector<1x16xi32>,
      %get3A_165 = vector.shape_cast %get3A_164 : vector<1x16xi32> to vector<16xi32>
      %mul3A_166 = arith.constant 2 : i32
      %mul3A_167 = vector.broadcast %mul3A_166 : i32 to vector<16xi32>
      %mul3A_168 = arith.muli %get3A_165, %mul3A_167 : vector<16xi32>
      %add3A_169 = arith.constant 1 : i32
      %add3A_170 = vector.broadcast %add3A_169 : i32 to vector<16xi32>
      %add3A_171 = arith.addi %mul3A_168, %add3A_170 : vector<16xi32>
      %swap3A_172 = arith.index_cast %scan3A_103 : i32 to index
      %swap3A_173 = arith.constant 64 : index
      %swap3A_174 = tpu.vector_load %arg5[%swap3A_172, %swap3A_173] {strides = array<i32>} : memref<80x128xi32, #tpu.memory_space<vmem>>, vector<1x16xi32>,
      %swap3A_175 = vector.shape_cast %swap3A_174 : vector<1x16xi32> to vector<16xi32>
      %swap3A_176 = vector.shape_cast %add3A_171 : vector<16xi32> to vector<1x16xi32>
      tpu.vector_store %arg5[%swap3A_172, %swap3A_173], %swap3A_176 {strides = array<i32>} : memref<80x128xi32, #tpu.memory_space<vmem>>, vector<1x16xi32>,
      %get3A_177 = arith.index_cast %scan3A_103 : i32 to index
      %get3A_178 = arith.constant 80 : index
      %get3A_179 = tpu.vector_load %arg5[%get3A_177, %get3A_178] {strides = array<i32>} : memref<80x128xi32, #tpu.memory_space<vmem>>, vector<1x16xi32>,
      %get3A_180 = vector.shape_cast %get3A_179 : vector<1x16xi32> to vector<16xi32>
      %mul3A_181 = arith.constant 2 : i32
      %mul3A_182 = vector.broadcast %mul3A_181 : i32 to vector<16xi32>
      %mul3A_183 = arith.muli %get3A_180, %mul3A_182 : vector<16xi32>
      %add3A_184 = arith.constant 1 : i32
      %add3A_185 = vector.broadcast %add3A_184 : i32 to vector<16xi32>
      %add3A_186 = arith.addi %mul3A_183, %add3A_185 : vector<16xi32>
      %swap3A_187 = arith.index_cast %scan3A_103 : i32 to index
      %swap3A_188 = arith.constant 80 : index
      %swap3A_189 = tpu.vector_load %arg5[%swap3A_187, %swap3A_188] {strides = array<i32>} : memref<80x128xi32, #tpu.memory_space<vmem>>, vector<1x16xi32>,
      %swap3A_190 = vector.shape_cast %swap3A_189 : vector<1x16xi32> to vector<16xi32>
      %swap3A_191 = vector.shape_cast %add3A_186 : vector<16xi32> to vector<1x16xi32>
      tpu.vector_store %arg5[%swap3A_187, %swap3A_188], %swap3A_191 {strides = array<i32>} : memref<80x128xi32, #tpu.memory_space<vmem>>, vector<1x16xi32>,
      %get3A_192 = arith.index_cast %scan3A_103 : i32 to index
      %get3A_193 = arith.constant 96 : index
      %get3A_194 = tpu.vector_load %arg5[%get3A_192, %get3A_193] {strides = array<i32>} : memref<80x128xi32, #tpu.memory_space<vmem>>, vector<1x16xi32>,
      %get3A_195 = vector.shape_cast %get3A_194 : vector<1x16xi32> to vector<16xi32>
      %mul3A_196 = arith.constant 2 : i32
      %mul3A_197 = vector.broadcast %mul3A_196 : i32 to vector<16xi32>
      %mul3A_198 = arith.muli %get3A_195, %mul3A_197 : vector<16xi32>
      %add3A_199 = arith.constant 1 : i32
      %add3A_200 = vector.broadcast %add3A_199 : i32 to vector<16xi32>
      %add3A_201 = arith.addi %mul3A_198, %add3A_200 : vector<16xi32>
      %swap3A_202 = arith.index_cast %scan3A_103 : i32 to index
      %swap3A_203 = arith.constant 96 : index
      %swap3A_204 = tpu.vector_load %arg5[%swap3A_202, %swap3A_203] {strides = array<i32>} : memref<80x128xi32, #tpu.memory_space<vmem>>, vector<1x16xi32>,
      %swap3A_205 = vector.shape_cast %swap3A_204 : vector<1x16xi32> to vector<16xi32>
      %swap3A_206 = vector.shape_cast %add3A_201 : vector<16xi32> to vector<1x16xi32>
      tpu.vector_store %arg5[%swap3A_202, %swap3A_203], %swap3A_206 {strides = array<i32>} : memref<80x128xi32, #tpu.memory_space<vmem>>, vector<1x16xi32>,
      %get3A_207 = arith.index_cast %scan3A_103 : i32 to index
      %get3A_208 = arith.constant 112 : index
      %get3A_209 = tpu.vector_load %arg5[%get3A_207, %get3A_208] {strides = array<i32>} : memref<80x128xi32, #tpu.memory_space<vmem>>, vector<1x16xi32>,
      %get3A_210 = vector.shape_cast %get3A_209 : vector<1x16xi32> to vector<16xi32>
      %mul3A_211 = arith.constant 2 : i32
      %mul3A_212 = vector.broadcast %mul3A_211 : i32 to vector<16xi32>
      %mul3A_213 = arith.muli %get3A_210, %mul3A_212 : vector<16xi32>
      %add3A_214 = arith.constant 1 : i32
      %add3A_215 = vector.broadcast %add3A_214 : i32 to vector<16xi32>
      %add3A_216 = arith.addi %mul3A_213, %add3A_215 : vector<16xi32>
      %swap3A_217 = arith.index_cast %scan3A_103 : i32 to index
      %swap3A_218 = arith.constant 112 : index
      %swap3A_219 = tpu.vector_load %arg5[%swap3A_217, %swap3A_218] {strides = array<i32>} : memref<80x128xi32, #tpu.memory_space<vmem>>, vector<1x16xi32>,
      %swap3A_220 = vector.shape_cast %swap3A_219 : vector<1x16xi32> to vector<16xi32>
      %swap3A_221 = vector.shape_cast %add3A_216 : vector<16xi32> to vector<1x16xi32>
      tpu.vector_store %arg5[%swap3A_217, %swap3A_218], %swap3A_221 {strides = array<i32>} : memref<80x128xi32, #tpu.memory_space<vmem>>, vector<1x16xi32>,
    }
    %scan3A_32 = arith.constant 80 : i32
    %dma_start3A = arith.constant 0 : i32
    %dma_start3A_33 = arith.constant 0 : i32
    %dma_start3A_34 = tpu.memref_slice %arg5[%dma_start3A, %dma_start3A_33] : memref<80x128xi32, #tpu.memory_space<vmem>> -> memref<1x128xi32, #tpu.memory_space<vmem>>
    %dma_start3A_35 = tpu.memref_squeeze %dma_start3A_34 : memref<1x128xi32, #tpu.memory_space<vmem>> -> memref<128xi32, #tpu.memory_space<vmem>>
    %dma_start3A_36 = arith.constant 0 : i32
    %dma_start3A_37 = arith.constant 0 : i32
    %dma_start3A_38 = tpu.memref_slice %arg3[%dma_start3A_36, %dma_start3A_37] : memref<20000x64xf32, #tpu.memory_space<hbm>> -> memref<20000x64xf32, #tpu.memory_space<hbm>>
    tpu.enqueue_indirect_dma source(%dma_start3A_38 : memref<20000x64xf32, #tpu.memory_space<hbm>>) target(%arg7 : memref<128x64xf32, #tpu.memory_space<vmem>>) offsets(%dma_start3A_35 : memref<128xi32, #tpu.memory_space<vmem>>) semaphore(%arg13 : memref<!tpu.dma_semaphore, #tpu.memory_space<semaphore_mem>>)
    %dma_start3A_39 = arith.constant 1 : i32
    %dma_start3A_40 = arith.constant 0 : i32
    %dma_start3A_41 = tpu.memref_slice %arg5[%dma_start3A_39, %dma_start3A_40] : memref<80x128xi32, #tpu.memory_space<vmem>> -> memref<1x128xi32, #tpu.memory_space<vmem>>
    %dma_start3A_42 = tpu.memref_squeeze %dma_start3A_41 : memref<1x128xi32, #tpu.memory_space<vmem>> -> memref<128xi32, #tpu.memory_space<vmem>>
    %dma_start3A_43 = arith.constant 0 : i32
    %dma_start3A_44 = arith.constant 0 : i32
    %dma_start3A_45 = tpu.memref_slice %arg3[%dma_start3A_43, %dma_start3A_44] : memref<20000x64xf32, #tpu.memory_space<hbm>> -> memref<20000x64xf32, #tpu.memory_space<hbm>>
    tpu.enqueue_indirect_dma source(%dma_start3A_45 : memref<20000x64xf32, #tpu.memory_space<hbm>>) target(%arg8 : memref<128x64xf32, #tpu.memory_space<vmem>>) offsets(%dma_start3A_42 : memref<128xi32, #tpu.memory_space<vmem>>) semaphore(%arg14 : memref<!tpu.dma_semaphore, #tpu.memory_space<semaphore_mem>>)
    %dma_start3A_46 = arith.constant 2 : i32
    %dma_start3A_47 = arith.constant 0 : i32
    %dma_start3A_48 = tpu.memref_slice %arg5[%dma_start3A_46, %dma_start3A_47] : memref<80x128xi32, #tpu.memory_space<vmem>> -> memref<1x128xi32, #tpu.memory_space<vmem>>
    %dma_start3A_49 = tpu.memref_squeeze %dma_start3A_48 : memref<1x128xi32, #tpu.memory_space<vmem>> -> memref<128xi32, #tpu.memory_space<vmem>>
    %dma_start3A_50 = arith.constant 0 : i32
    %dma_start3A_51 = arith.constant 0 : i32
    %dma_start3A_52 = tpu.memref_slice %arg3[%dma_start3A_50, %dma_start3A_51] : memref<20000x64xf32, #tpu.memory_space<hbm>> -> memref<20000x64xf32, #tpu.memory_space<hbm>>
    tpu.enqueue_indirect_dma source(%dma_start3A_52 : memref<20000x64xf32, #tpu.memory_space<hbm>>) target(%arg9 : memref<128x64xf32, #tpu.memory_space<vmem>>) offsets(%dma_start3A_49 : memref<128xi32, #tpu.memory_space<vmem>>) semaphore(%arg15 : memref<!tpu.dma_semaphore, #tpu.memory_space<semaphore_mem>>)
    %dma_start3A_53 = arith.constant 3 : i32
    %dma_start3A_54 = arith.constant 0 : i32
    %dma_start3A_55 = tpu.memref_slice %arg5[%dma_start3A_53, %dma_start3A_54] : memref<80x128xi32, #tpu.memory_space<vmem>> -> memref<1x128xi32, #tpu.memory_space<vmem>>
    %dma_start3A_56 = tpu.memref_squeeze %dma_start3A_55 : memref<1x128xi32, #tpu.memory_space<vmem>> -> memref<128xi32, #tpu.memory_space<vmem>>
    %dma_start3A_57 = arith.constant 0 : i32
    %dma_start3A_58 = arith.constant 0 : i32
    %dma_start3A_59 = tpu.memref_slice %arg3[%dma_start3A_57, %dma_start3A_58] : memref<20000x64xf32, #tpu.memory_space<hbm>> -> memref<20000x64xf32, #tpu.memory_space<hbm>>
    tpu.enqueue_indirect_dma source(%dma_start3A_59 : memref<20000x64xf32, #tpu.memory_space<hbm>>) target(%arg10 : memref<128x64xf32, #tpu.memory_space<vmem>>) offsets(%dma_start3A_56 : memref<128xi32, #tpu.memory_space<vmem>>) semaphore(%arg16 : memref<!tpu.dma_semaphore, #tpu.memory_space<semaphore_mem>>)
    %dma_start3A_60 = arith.constant 4 : i32
    %dma_start3A_61 = arith.constant 0 : i32
    %dma_start3A_62 = tpu.memref_slice %arg5[%dma_start3A_60, %dma_start3A_61] : memref<80x128xi32, #tpu.memory_space<vmem>> -> memref<1x128xi32, #tpu.memory_space<vmem>>
    %dma_start3A_63 = tpu.memref_squeeze %dma_start3A_62 : memref<1x128xi32, #tpu.memory_space<vmem>> -> memref<128xi32, #tpu.memory_space<vmem>>
    %dma_start3A_64 = arith.constant 0 : i32
    %dma_start3A_65 = arith.constant 0 : i32
    %dma_start3A_66 = tpu.memref_slice %arg3[%dma_start3A_64, %dma_start3A_65] : memref<20000x64xf32, #tpu.memory_space<hbm>> -> memref<20000x64xf32, #tpu.memory_space<hbm>>
    tpu.enqueue_indirect_dma source(%dma_start3A_66 : memref<20000x64xf32, #tpu.memory_space<hbm>>) target(%arg11 : memref<128x64xf32, #tpu.memory_space<vmem>>) offsets(%dma_start3A_63 : memref<128xi32, #tpu.memory_space<vmem>>) semaphore(%arg17 : memref<!tpu.dma_semaphore, #tpu.memory_space<semaphore_mem>>)
    %jit3A_67 = arith.constant 5 : i32
    %div3A = arith.divsi %select_n3A, %jit3A_67 : i32
    %sign3A = arith.constant 0 : i32
    %sign3A_68 = arith.cmpi sgt, %select_n3A, %sign3A : i32
    %sign3A_69 = arith.extui %sign3A_68 : i1 to i32
    %sign3A_70 = arith.constant 0 : i32
    %sign3A_71 = arith.cmpi slt, %select_n3A, %sign3A_70 : i32
    %sign3A_72 = arith.extui %sign3A_71 : i1 to i32
    %sign3A_73 = arith.subi %sign3A_69, %sign3A_72 : i32
    %sign3A_74 = arith.constant 0 : i32
    %sign3A_75 = arith.cmpi sgt, %jit3A_67, %sign3A_74 : i32
    %sign3A_76 = arith.extui %sign3A_75 : i1 to i32
    %sign3A_77 = arith.constant 0 : i32
    %sign3A_78 = arith.cmpi slt, %jit3A_67, %sign3A_77 : i32
    %sign3A_79 = arith.extui %sign3A_78 : i1 to i32
    %sign3A_80 = arith.subi %sign3A_76, %sign3A_79 : i32
    %ne3A = arith.cmpi ne, %sign3A_73, %sign3A_80 : i32
    %rem3A = arith.remsi %select_n3A, %jit3A_67 : i32
    %ne3A_81 = arith.constant 0 : i32
    %ne3A_82 = arith.cmpi ne, %rem3A, %ne3A_81 : i32
    %and3A = arith.andi %ne3A, %ne3A_82 : i1
    %sub3A = arith.constant 1 : i32
    %sub3A_83 = arith.subi %div3A, %sub3A : i32
    %select_n3A_84 = arith.select %and3A, %sub3A_83, %div3A : i32
    %while3A = arith.constant 0 : i32
    %while3A_85 = arith.constant 0 : i32
    %while3A_86 = arith.subi %select_n3A_84, %while3A_85 : i32
    %while3A_87 = arith.addi %while3A_85, %while3A_86 : i32
    %while3A_88 = arith.constant 1 : i32
    %while3A_89 = arith.divsi %while3A_86, %while3A_88 : i32
    %while3A_90 = arith.muli %while3A_89, %while3A_88 : i32
    %while3A_91 = arith.addi %while3A_85, %while3A_90 : i32
    %while3A_92 = arith.constant 1 : i32
    scf.for %while3A_103 = %while3A_85 to %while3A_91 step %while3A_92  : i32 {
      %mul3A_104 = arith.constant 5 : i32
      %mul3A_105 = arith.muli %mul3A_104, %while3A_103 : i32
      %add3A_106 = arith.constant 0 : i32
      %add3A_107 = arith.addi %mul3A_105, %add3A_106 : i32
      %dma_wait3A = arith.constant 0 : i32
      %dma_wait3A_108 = tpu.memref_slice %arg5[%add3A_107, %dma_wait3A] : memref<80x128xi32, #tpu.memory_space<vmem>> -> memref<1x128xi32, #tpu.memory_space<vmem>>
      %dma_wait3A_109 = tpu.memref_squeeze %dma_wait3A_108 : memref<1x128xi32, #tpu.memory_space<vmem>> -> memref<128xi32, #tpu.memory_space<vmem>>
      %dma_wait3A_110 = arith.constant 0 : i32
      %dma_wait3A_111 = arith.constant 0 : i32
      %dma_wait3A_112 = tpu.memref_slice %arg3[%dma_wait3A_110, %dma_wait3A_111] : memref<20000x64xf32, #tpu.memory_space<hbm>> -> memref<20000x64xf32, #tpu.memory_space<hbm>>
      tpu.wait_indirect_dma semaphore(%arg13 : memref<!tpu.dma_semaphore, #tpu.memory_space<semaphore_mem>>) src(%dma_wait3A_112 : memref<20000x64xf32, #tpu.memory_space<hbm>>) dst(%arg7 : memref<128x64xf32, #tpu.memory_space<vmem>>)
      %add3A_113 = arith.constant 0 : i32
      %add3A_114 = arith.addi %mul3A_105, %add3A_113 : i32
      %dma_start3A_115 = arith.constant 0 : i32
      %dma_start3A_116 = tpu.memref_slice %arg6[%add3A_114, %dma_start3A_115] : memref<80x128xi32, #tpu.memory_space<vmem>> -> memref<1x128xi32, #tpu.memory_space<vmem>>
      %dma_start3A_117 = tpu.memref_squeeze %dma_start3A_116 : memref<1x128xi32, #tpu.memory_space<vmem>> -> memref<128xi32, #tpu.memory_space<vmem>>
      %dma_start3A_118 = arith.constant 0 : i32
      %dma_start3A_119 = arith.constant 0 : i32
      %dma_start3A_120 = tpu.memref_slice %arg23[%dma_start3A_118, %dma_start3A_119] : memref<10240x64xf32, #tpu.memory_space<vmem_shared>> -> memref<10240x64xf32, #tpu.memory_space<vmem_shared>>
      tpu.enqueue_indirect_dma source(%arg7 : memref<128x64xf32, #tpu.memory_space<vmem>>) target(%dma_start3A_120 : memref<10240x64xf32, #tpu.memory_space<vmem_shared>>) offsets(%dma_start3A_117 : memref<128xi32, #tpu.memory_space<vmem>>) semaphore(%arg18 : memref<!tpu.dma_semaphore, #tpu.memory_space<semaphore_mem>>) {add = true}
      %add3A_121 = arith.constant 1 : i32
      %add3A_122 = arith.addi %mul3A_105, %add3A_121 : i32
      %dma_wait3A_123 = arith.constant 0 : i32
      %dma_wait3A_124 = tpu.memref_slice %arg5[%add3A_122, %dma_wait3A_123] : memref<80x128xi32, #tpu.memory_space<vmem>> -> memref<1x128xi32, #tpu.memory_space<vmem>>
      %dma_wait3A_125 = tpu.memref_squeeze %dma_wait3A_124 : memref<1x128xi32, #tpu.memory_space<vmem>> -> memref<128xi32, #tpu.memory_space<vmem>>
      %dma_wait3A_126 = arith.constant 0 : i32
      %dma_wait3A_127 = arith.constant 0 : i32
      %dma_wait3A_128 = tpu.memref_slice %arg3[%dma_wait3A_126, %dma_wait3A_127] : memref<20000x64xf32, #tpu.memory_space<hbm>> -> memref<20000x64xf32, #tpu.memory_space<hbm>>
      tpu.wait_indirect_dma semaphore(%arg14 : memref<!tpu.dma_semaphore, #tpu.memory_space<semaphore_mem>>) src(%dma_wait3A_128 : memref<20000x64xf32, #tpu.memory_space<hbm>>) dst(%arg8 : memref<128x64xf32, #tpu.memory_space<vmem>>)
      %add3A_129 = arith.constant 1 : i32
      %add3A_130 = arith.addi %mul3A_105, %add3A_129 : i32
      %dma_start3A_131 = arith.constant 0 : i32
      %dma_start3A_132 = tpu.memref_slice %arg6[%add3A_130, %dma_start3A_131] : memref<80x128xi32, #tpu.memory_space<vmem>> -> memref<1x128xi32, #tpu.memory_space<vmem>>
      %dma_start3A_133 = tpu.memref_squeeze %dma_start3A_132 : memref<1x128xi32, #tpu.memory_space<vmem>> -> memref<128xi32, #tpu.memory_space<vmem>>
      %dma_start3A_134 = arith.constant 0 : i32
      %dma_start3A_135 = arith.constant 0 : i32
      %dma_start3A_136 = tpu.memref_slice %arg23[%dma_start3A_134, %dma_start3A_135] : memref<10240x64xf32, #tpu.memory_space<vmem_shared>> -> memref<10240x64xf32, #tpu.memory_space<vmem_shared>>
      tpu.enqueue_indirect_dma source(%arg8 : memref<128x64xf32, #tpu.memory_space<vmem>>) target(%dma_start3A_136 : memref<10240x64xf32, #tpu.memory_space<vmem_shared>>) offsets(%dma_start3A_133 : memref<128xi32, #tpu.memory_space<vmem>>) semaphore(%arg19 : memref<!tpu.dma_semaphore, #tpu.memory_space<semaphore_mem>>) {add = true}
      %add3A_137 = arith.constant 2 : i32
      %add3A_138 = arith.addi %mul3A_105, %add3A_137 : i32
      %dma_wait3A_139 = arith.constant 0 : i32
      %dma_wait3A_140 = tpu.memref_slice %arg5[%add3A_138, %dma_wait3A_139] : memref<80x128xi32, #tpu.memory_space<vmem>> -> memref<1x128xi32, #tpu.memory_space<vmem>>
      %dma_wait3A_141 = tpu.memref_squeeze %dma_wait3A_140 : memref<1x128xi32, #tpu.memory_space<vmem>> -> memref<128xi32, #tpu.memory_space<vmem>>
      %dma_wait3A_142 = arith.constant 0 : i32
      %dma_wait3A_143 = arith.constant 0 : i32
      %dma_wait3A_144 = tpu.memref_slice %arg3[%dma_wait3A_142, %dma_wait3A_143] : memref<20000x64xf32, #tpu.memory_space<hbm>> -> memref<20000x64xf32, #tpu.memory_space<hbm>>
      tpu.wait_indirect_dma semaphore(%arg15 : memref<!tpu.dma_semaphore, #tpu.memory_space<semaphore_mem>>) src(%dma_wait3A_144 : memref<20000x64xf32, #tpu.memory_space<hbm>>) dst(%arg9 : memref<128x64xf32, #tpu.memory_space<vmem>>)
      %add3A_145 = arith.constant 2 : i32
      %add3A_146 = arith.addi %mul3A_105, %add3A_145 : i32
      %dma_start3A_147 = arith.constant 0 : i32
      %dma_start3A_148 = tpu.memref_slice %arg6[%add3A_146, %dma_start3A_147] : memref<80x128xi32, #tpu.memory_space<vmem>> -> memref<1x128xi32, #tpu.memory_space<vmem>>
      %dma_start3A_149 = tpu.memref_squeeze %dma_start3A_148 : memref<1x128xi32, #tpu.memory_space<vmem>> -> memref<128xi32, #tpu.memory_space<vmem>>
      %dma_start3A_150 = arith.constant 0 : i32
      %dma_start3A_151 = arith.constant 0 : i32
      %dma_start3A_152 = tpu.memref_slice %arg23[%dma_start3A_150, %dma_start3A_151] : memref<10240x64xf32, #tpu.memory_space<vmem_shared>> -> memref<10240x64xf32, #tpu.memory_space<vmem_shared>>
      tpu.enqueue_indirect_dma source(%arg9 : memref<128x64xf32, #tpu.memory_space<vmem>>) target(%dma_start3A_152 : memref<10240x64xf32, #tpu.memory_space<vmem_shared>>) offsets(%dma_start3A_149 : memref<128xi32, #tpu.memory_space<vmem>>) semaphore(%arg20 : memref<!tpu.dma_semaphore, #tpu.memory_space<semaphore_mem>>) {add = true}
      %add3A_153 = arith.constant 3 : i32
      %add3A_154 = arith.addi %mul3A_105, %add3A_153 : i32
      %dma_wait3A_155 = arith.constant 0 : i32
      %dma_wait3A_156 = tpu.memref_slice %arg5[%add3A_154, %dma_wait3A_155] : memref<80x128xi32, #tpu.memory_space<vmem>> -> memref<1x128xi32, #tpu.memory_space<vmem>>
      %dma_wait3A_157 = tpu.memref_squeeze %dma_wait3A_156 : memref<1x128xi32, #tpu.memory_space<vmem>> -> memref<128xi32, #tpu.memory_space<vmem>>
      %dma_wait3A_158 = arith.constant 0 : i32
      %dma_wait3A_159 = arith.constant 0 : i32
      %dma_wait3A_160 = tpu.memref_slice %arg3[%dma_wait3A_158, %dma_wait3A_159] : memref<20000x64xf32, #tpu.memory_space<hbm>> -> memref<20000x64xf32, #tpu.memory_space<hbm>>
      tpu.wait_indirect_dma semaphore(%arg16 : memref<!tpu.dma_semaphore, #tpu.memory_space<semaphore_mem>>) src(%dma_wait3A_160 : memref<20000x64xf32, #tpu.memory_space<hbm>>) dst(%arg10 : memref<128x64xf32, #tpu.memory_space<vmem>>)
      %add3A_161 = arith.constant 3 : i32
      %add3A_162 = arith.addi %mul3A_105, %add3A_161 : i32
      %dma_start3A_163 = arith.constant 0 : i32
      %dma_start3A_164 = tpu.memref_slice %arg6[%add3A_162, %dma_start3A_163] : memref<80x128xi32, #tpu.memory_space<vmem>> -> memref<1x128xi32, #tpu.memory_space<vmem>>
      %dma_start3A_165 = tpu.memref_squeeze %dma_start3A_164 : memref<1x128xi32, #tpu.memory_space<vmem>> -> memref<128xi32, #tpu.memory_space<vmem>>
      %dma_start3A_166 = arith.constant 0 : i32
      %dma_start3A_167 = arith.constant 0 : i32
      %dma_start3A_168 = tpu.memref_slice %arg23[%dma_start3A_166, %dma_start3A_167] : memref<10240x64xf32, #tpu.memory_space<vmem_shared>> -> memref<10240x64xf32, #tpu.memory_space<vmem_shared>>
      tpu.enqueue_indirect_dma source(%arg10 : memref<128x64xf32, #tpu.memory_space<vmem>>) target(%dma_start3A_168 : memref<10240x64xf32, #tpu.memory_space<vmem_shared>>) offsets(%dma_start3A_165 : memref<128xi32, #tpu.memory_space<vmem>>) semaphore(%arg21 : memref<!tpu.dma_semaphore, #tpu.memory_space<semaphore_mem>>) {add = true}
      %add3A_169 = arith.constant 4 : i32
      %add3A_170 = arith.addi %mul3A_105, %add3A_169 : i32
      %dma_wait3A_171 = arith.constant 0 : i32
      %dma_wait3A_172 = tpu.memref_slice %arg5[%add3A_170, %dma_wait3A_171] : memref<80x128xi32, #tpu.memory_space<vmem>> -> memref<1x128xi32, #tpu.memory_space<vmem>>
      %dma_wait3A_173 = tpu.memref_squeeze %dma_wait3A_172 : memref<1x128xi32, #tpu.memory_space<vmem>> -> memref<128xi32, #tpu.memory_space<vmem>>
      %dma_wait3A_174 = arith.constant 0 : i32
      %dma_wait3A_175 = arith.constant 0 : i32
      %dma_wait3A_176 = tpu.memref_slice %arg3[%dma_wait3A_174, %dma_wait3A_175] : memref<20000x64xf32, #tpu.memory_space<hbm>> -> memref<20000x64xf32, #tpu.memory_space<hbm>>
      tpu.wait_indirect_dma semaphore(%arg17 : memref<!tpu.dma_semaphore, #tpu.memory_space<semaphore_mem>>) src(%dma_wait3A_176 : memref<20000x64xf32, #tpu.memory_space<hbm>>) dst(%arg11 : memref<128x64xf32, #tpu.memory_space<vmem>>)
      %add3A_177 = arith.constant 4 : i32
      %add3A_178 = arith.addi %mul3A_105, %add3A_177 : i32
      %dma_start3A_179 = arith.constant 0 : i32
      %dma_start3A_180 = tpu.memref_slice %arg6[%add3A_178, %dma_start3A_179] : memref<80x128xi32, #tpu.memory_space<vmem>> -> memref<1x128xi32, #tpu.memory_space<vmem>>
      %dma_start3A_181 = tpu.memref_squeeze %dma_start3A_180 : memref<1x128xi32, #tpu.memory_space<vmem>> -> memref<128xi32, #tpu.memory_space<vmem>>
      %dma_start3A_182 = arith.constant 0 : i32
      %dma_start3A_183 = arith.constant 0 : i32
      %dma_start3A_184 = tpu.memref_slice %arg23[%dma_start3A_182, %dma_start3A_183] : memref<10240x64xf32, #tpu.memory_space<vmem_shared>> -> memref<10240x64xf32, #tpu.memory_space<vmem_shared>>
      tpu.enqueue_indirect_dma source(%arg11 : memref<128x64xf32, #tpu.memory_space<vmem>>) target(%dma_start3A_184 : memref<10240x64xf32, #tpu.memory_space<vmem_shared>>) offsets(%dma_start3A_181 : memref<128xi32, #tpu.memory_space<vmem>>) semaphore(%arg22 : memref<!tpu.dma_semaphore, #tpu.memory_space<semaphore_mem>>) {add = true}
      %add3A_185 = arith.constant 0 : i32
      %add3A_186 = arith.addi %mul3A_105, %add3A_185 : i32
      %dma_wait3A_187 = arith.constant 0 : i32
      %dma_wait3A_188 = tpu.memref_slice %arg6[%add3A_186, %dma_wait3A_187] : memref<80x128xi32, #tpu.memory_space<vmem>> -> memref<1x128xi32, #tpu.memory_space<vmem>>
      %dma_wait3A_189 = tpu.memref_squeeze %dma_wait3A_188 : memref<1x128xi32, #tpu.memory_space<vmem>> -> memref<128xi32, #tpu.memory_space<vmem>>
      %dma_wait3A_190 = arith.constant 0 : i32
      %dma_wait3A_191 = arith.constant 0 : i32
      %dma_wait3A_192 = tpu.memref_slice %arg23[%dma_wait3A_190, %dma_wait3A_191] : memref<10240x64xf32, #tpu.memory_space<vmem_shared>> -> memref<10240x64xf32, #tpu.memory_space<vmem_shared>>
      tpu.wait_indirect_dma semaphore(%arg18 : memref<!tpu.dma_semaphore, #tpu.memory_space<semaphore_mem>>) src(%arg7 : memref<128x64xf32, #tpu.memory_space<vmem>>) dst(%dma_wait3A_192 : memref<10240x64xf32, #tpu.memory_space<vmem_shared>>)
      %add3A_193 = arith.constant 5 : i32
      %add3A_194 = arith.addi %mul3A_105, %add3A_193 : i32
      %add3A_195 = arith.constant 0 : i32
      %add3A_196 = arith.addi %add3A_194, %add3A_195 : i32
      %lt3A_197 = arith.cmpi slt, %add3A_196, %select_n3A : i32
      %convert_element_type3A_198 = arith.extui %lt3A_197 : i1 to i32
      %cond3A_199 = arith.constant 0 : i32
      %cond3A_200 = arith.cmpi ne, %convert_element_type3A_198, %cond3A_199 : i32
      scf.if %cond3A_200 {
        %add3A_265 = arith.constant 5 : i32
        %add3A_266 = arith.addi %mul3A_105, %add3A_265 : i32
        %add3A_267 = arith.constant 0 : i32
        %add3A_268 = arith.addi %add3A_266, %add3A_267 : i32
        %dma_start3A_269 = arith.constant 0 : i32
        %dma_start3A_270 = tpu.memref_slice %arg5[%add3A_268, %dma_start3A_269] : memref<80x128xi32, #tpu.memory_space<vmem>> -> memref<1x128xi32, #tpu.memory_space<vmem>>
        %dma_start3A_271 = tpu.memref_squeeze %dma_start3A_270 : memref<1x128xi32, #tpu.memory_space<vmem>> -> memref<128xi32, #tpu.memory_space<vmem>>
        %dma_start3A_272 = arith.constant 0 : i32
        %dma_start3A_273 = arith.constant 0 : i32
        %dma_start3A_274 = tpu.memref_slice %arg3[%dma_start3A_272, %dma_start3A_273] : memref<20000x64xf32, #tpu.memory_space<hbm>> -> memref<20000x64xf32, #tpu.memory_space<hbm>>
        tpu.enqueue_indirect_dma source(%dma_start3A_274 : memref<20000x64xf32, #tpu.memory_space<hbm>>) target(%arg7 : memref<128x64xf32, #tpu.memory_space<vmem>>) offsets(%dma_start3A_271 : memref<128xi32, #tpu.memory_space<vmem>>) semaphore(%arg13 : memref<!tpu.dma_semaphore, #tpu.memory_space<semaphore_mem>>)
      } else {
      }
      %add3A_201 = arith.constant 1 : i32
      %add3A_202 = arith.addi %mul3A_105, %add3A_201 : i32
      %dma_wait3A_203 = arith.constant 0 : i32
      %dma_wait3A_204 = tpu.memref_slice %arg6[%add3A_202, %dma_wait3A_203] : memref<80x128xi32, #tpu.memory_space<vmem>> -> memref<1x128xi32, #tpu.memory_space<vmem>>
      %dma_wait3A_205 = tpu.memref_squeeze %dma_wait3A_204 : memref<1x128xi32, #tpu.memory_space<vmem>> -> memref<128xi32, #tpu.memory_space<vmem>>
      %dma_wait3A_206 = arith.constant 0 : i32
      %dma_wait3A_207 = arith.constant 0 : i32
      %dma_wait3A_208 = tpu.memref_slice %arg23[%dma_wait3A_206, %dma_wait3A_207] : memref<10240x64xf32, #tpu.memory_space<vmem_shared>> -> memref<10240x64xf32, #tpu.memory_space<vmem_shared>>
      tpu.wait_indirect_dma semaphore(%arg19 : memref<!tpu.dma_semaphore, #tpu.memory_space<semaphore_mem>>) src(%arg8 : memref<128x64xf32, #tpu.memory_space<vmem>>) dst(%dma_wait3A_208 : memref<10240x64xf32, #tpu.memory_space<vmem_shared>>)
      %add3A_209 = arith.constant 5 : i32
      %add3A_210 = arith.addi %mul3A_105, %add3A_209 : i32
      %add3A_211 = arith.constant 1 : i32
      %add3A_212 = arith.addi %add3A_210, %add3A_211 : i32
      %lt3A_213 = arith.cmpi slt, %add3A_212, %select_n3A : i32
      %convert_element_type3A_214 = arith.extui %lt3A_213 : i1 to i32
      %cond3A_215 = arith.constant 0 : i32
      %cond3A_216 = arith.cmpi ne, %convert_element_type3A_214, %cond3A_215 : i32
      scf.if %cond3A_216 {
        %add3A_265 = arith.constant 5 : i32
        %add3A_266 = arith.addi %mul3A_105, %add3A_265 : i32
        %add3A_267 = arith.constant 1 : i32
        %add3A_268 = arith.addi %add3A_266, %add3A_267 : i32
        %dma_start3A_269 = arith.constant 0 : i32
        %dma_start3A_270 = tpu.memref_slice %arg5[%add3A_268, %dma_start3A_269] : memref<80x128xi32, #tpu.memory_space<vmem>> -> memref<1x128xi32, #tpu.memory_space<vmem>>
        %dma_start3A_271 = tpu.memref_squeeze %dma_start3A_270 : memref<1x128xi32, #tpu.memory_space<vmem>> -> memref<128xi32, #tpu.memory_space<vmem>>
        %dma_start3A_272 = arith.constant 0 : i32
        %dma_start3A_273 = arith.constant 0 : i32
        %dma_start3A_274 = tpu.memref_slice %arg3[%dma_start3A_272, %dma_start3A_273] : memref<20000x64xf32, #tpu.memory_space<hbm>> -> memref<20000x64xf32, #tpu.memory_space<hbm>>
        tpu.enqueue_indirect_dma source(%dma_start3A_274 : memref<20000x64xf32, #tpu.memory_space<hbm>>) target(%arg8 : memref<128x64xf32, #tpu.memory_space<vmem>>) offsets(%dma_start3A_271 : memref<128xi32, #tpu.memory_space<vmem>>) semaphore(%arg14 : memref<!tpu.dma_semaphore, #tpu.memory_space<semaphore_mem>>)
      } else {
      }
      %add3A_217 = arith.constant 2 : i32
      %add3A_218 = arith.addi %mul3A_105, %add3A_217 : i32
      %dma_wait3A_219 = arith.constant 0 : i32
      %dma_wait3A_220 = tpu.memref_slice %arg6[%add3A_218, %dma_wait3A_219] : memref<80x128xi32, #tpu.memory_space<vmem>> -> memref<1x128xi32, #tpu.memory_space<vmem>>
      %dma_wait3A_221 = tpu.memref_squeeze %dma_wait3A_220 : memref<1x128xi32, #tpu.memory_space<vmem>> -> memref<128xi32, #tpu.memory_space<vmem>>
      %dma_wait3A_222 = arith.constant 0 : i32
      %dma_wait3A_223 = arith.constant 0 : i32
      %dma_wait3A_224 = tpu.memref_slice %arg23[%dma_wait3A_222, %dma_wait3A_223] : memref<10240x64xf32, #tpu.memory_space<vmem_shared>> -> memref<10240x64xf32, #tpu.memory_space<vmem_shared>>
      tpu.wait_indirect_dma semaphore(%arg20 : memref<!tpu.dma_semaphore, #tpu.memory_space<semaphore_mem>>) src(%arg9 : memref<128x64xf32, #tpu.memory_space<vmem>>) dst(%dma_wait3A_224 : memref<10240x64xf32, #tpu.memory_space<vmem_shared>>)
      %add3A_225 = arith.constant 5 : i32
      %add3A_226 = arith.addi %mul3A_105, %add3A_225 : i32
      %add3A_227 = arith.constant 2 : i32
      %add3A_228 = arith.addi %add3A_226, %add3A_227 : i32
      %lt3A_229 = arith.cmpi slt, %add3A_228, %select_n3A : i32
      %convert_element_type3A_230 = arith.extui %lt3A_229 : i1 to i32
      %cond3A_231 = arith.constant 0 : i32
      %cond3A_232 = arith.cmpi ne, %convert_element_type3A_230, %cond3A_231 : i32
      scf.if %cond3A_232 {
        %add3A_265 = arith.constant 5 : i32
        %add3A_266 = arith.addi %mul3A_105, %add3A_265 : i32
        %add3A_267 = arith.constant 2 : i32
        %add3A_268 = arith.addi %add3A_266, %add3A_267 : i32
        %dma_start3A_269 = arith.constant 0 : i32
        %dma_start3A_270 = tpu.memref_slice %arg5[%add3A_268, %dma_start3A_269] : memref<80x128xi32, #tpu.memory_space<vmem>> -> memref<1x128xi32, #tpu.memory_space<vmem>>
        %dma_start3A_271 = tpu.memref_squeeze %dma_start3A_270 : memref<1x128xi32, #tpu.memory_space<vmem>> -> memref<128xi32, #tpu.memory_space<vmem>>
        %dma_start3A_272 = arith.constant 0 : i32
        %dma_start3A_273 = arith.constant 0 : i32
        %dma_start3A_274 = tpu.memref_slice %arg3[%dma_start3A_272, %dma_start3A_273] : memref<20000x64xf32, #tpu.memory_space<hbm>> -> memref<20000x64xf32, #tpu.memory_space<hbm>>
        tpu.enqueue_indirect_dma source(%dma_start3A_274 : memref<20000x64xf32, #tpu.memory_space<hbm>>) target(%arg9 : memref<128x64xf32, #tpu.memory_space<vmem>>) offsets(%dma_start3A_271 : memref<128xi32, #tpu.memory_space<vmem>>) semaphore(%arg15 : memref<!tpu.dma_semaphore, #tpu.memory_space<semaphore_mem>>)
      } else {
      }
      %add3A_233 = arith.constant 3 : i32
      %add3A_234 = arith.addi %mul3A_105, %add3A_233 : i32
      %dma_wait3A_235 = arith.constant 0 : i32
      %dma_wait3A_236 = tpu.memref_slice %arg6[%add3A_234, %dma_wait3A_235] : memref<80x128xi32, #tpu.memory_space<vmem>> -> memref<1x128xi32, #tpu.memory_space<vmem>>
      %dma_wait3A_237 = tpu.memref_squeeze %dma_wait3A_236 : memref<1x128xi32, #tpu.memory_space<vmem>> -> memref<128xi32, #tpu.memory_space<vmem>>
      %dma_wait3A_238 = arith.constant 0 : i32
      %dma_wait3A_239 = arith.constant 0 : i32
      %dma_wait3A_240 = tpu.memref_slice %arg23[%dma_wait3A_238, %dma_wait3A_239] : memref<10240x64xf32, #tpu.memory_space<vmem_shared>> -> memref<10240x64xf32, #tpu.memory_space<vmem_shared>>
      tpu.wait_indirect_dma semaphore(%arg21 : memref<!tpu.dma_semaphore, #tpu.memory_space<semaphore_mem>>) src(%arg10 : memref<128x64xf32, #tpu.memory_space<vmem>>) dst(%dma_wait3A_240 : memref<10240x64xf32, #tpu.memory_space<vmem_shared>>)
      %add3A_241 = arith.constant 5 : i32
      %add3A_242 = arith.addi %mul3A_105, %add3A_241 : i32
      %add3A_243 = arith.constant 3 : i32
      %add3A_244 = arith.addi %add3A_242, %add3A_243 : i32
      %lt3A_245 = arith.cmpi slt, %add3A_244, %select_n3A : i32
      %convert_element_type3A_246 = arith.extui %lt3A_245 : i1 to i32
      %cond3A_247 = arith.constant 0 : i32
      %cond3A_248 = arith.cmpi ne, %convert_element_type3A_246, %cond3A_247 : i32
      scf.if %cond3A_248 {
        %add3A_265 = arith.constant 5 : i32
        %add3A_266 = arith.addi %mul3A_105, %add3A_265 : i32
        %add3A_267 = arith.constant 3 : i32
        %add3A_268 = arith.addi %add3A_266, %add3A_267 : i32
        %dma_start3A_269 = arith.constant 0 : i32
        %dma_start3A_270 = tpu.memref_slice %arg5[%add3A_268, %dma_start3A_269] : memref<80x128xi32, #tpu.memory_space<vmem>> -> memref<1x128xi32, #tpu.memory_space<vmem>>
        %dma_start3A_271 = tpu.memref_squeeze %dma_start3A_270 : memref<1x128xi32, #tpu.memory_space<vmem>> -> memref<128xi32, #tpu.memory_space<vmem>>
        %dma_start3A_272 = arith.constant 0 : i32
        %dma_start3A_273 = arith.constant 0 : i32
        %dma_start3A_274 = tpu.memref_slice %arg3[%dma_start3A_272, %dma_start3A_273] : memref<20000x64xf32, #tpu.memory_space<hbm>> -> memref<20000x64xf32, #tpu.memory_space<hbm>>
        tpu.enqueue_indirect_dma source(%dma_start3A_274 : memref<20000x64xf32, #tpu.memory_space<hbm>>) target(%arg10 : memref<128x64xf32, #tpu.memory_space<vmem>>) offsets(%dma_start3A_271 : memref<128xi32, #tpu.memory_space<vmem>>) semaphore(%arg16 : memref<!tpu.dma_semaphore, #tpu.memory_space<semaphore_mem>>)
      } else {
      }
      %add3A_249 = arith.constant 4 : i32
      %add3A_250 = arith.addi %mul3A_105, %add3A_249 : i32
      %dma_wait3A_251 = arith.constant 0 : i32
      %dma_wait3A_252 = tpu.memref_slice %arg6[%add3A_250, %dma_wait3A_251] : memref<80x128xi32, #tpu.memory_space<vmem>> -> memref<1x128xi32, #tpu.memory_space<vmem>>
      %dma_wait3A_253 = tpu.memref_squeeze %dma_wait3A_252 : memref<1x128xi32, #tpu.memory_space<vmem>> -> memref<128xi32, #tpu.memory_space<vmem>>
      %dma_wait3A_254 = arith.constant 0 : i32
      %dma_wait3A_255 = arith.constant 0 : i32
      %dma_wait3A_256 = tpu.memref_slice %arg23[%dma_wait3A_254, %dma_wait3A_255] : memref<10240x64xf32, #tpu.memory_space<vmem_shared>> -> memref<10240x64xf32, #tpu.memory_space<vmem_shared>>
      tpu.wait_indirect_dma semaphore(%arg22 : memref<!tpu.dma_semaphore, #tpu.memory_space<semaphore_mem>>) src(%arg11 : memref<128x64xf32, #tpu.memory_space<vmem>>) dst(%dma_wait3A_256 : memref<10240x64xf32, #tpu.memory_space<vmem_shared>>)
      %add3A_257 = arith.constant 5 : i32
      %add3A_258 = arith.addi %mul3A_105, %add3A_257 : i32
      %add3A_259 = arith.constant 4 : i32
      %add3A_260 = arith.addi %add3A_258, %add3A_259 : i32
      %lt3A_261 = arith.cmpi slt, %add3A_260, %select_n3A : i32
      %convert_element_type3A_262 = arith.extui %lt3A_261 : i1 to i32
      %cond3A_263 = arith.constant 0 : i32
      %cond3A_264 = arith.cmpi ne, %convert_element_type3A_262, %cond3A_263 : i32
      scf.if %cond3A_264 {
        %add3A_265 = arith.constant 5 : i32
        %add3A_266 = arith.addi %mul3A_105, %add3A_265 : i32
        %add3A_267 = arith.constant 4 : i32
        %add3A_268 = arith.addi %add3A_266, %add3A_267 : i32
        %dma_start3A_269 = arith.constant 0 : i32
        %dma_start3A_270 = tpu.memref_slice %arg5[%add3A_268, %dma_start3A_269] : memref<80x128xi32, #tpu.memory_space<vmem>> -> memref<1x128xi32, #tpu.memory_space<vmem>>
        %dma_start3A_271 = tpu.memref_squeeze %dma_start3A_270 : memref<1x128xi32, #tpu.memory_space<vmem>> -> memref<128xi32, #tpu.memory_space<vmem>>
        %dma_start3A_272 = arith.constant 0 : i32
        %dma_start3A_273 = arith.constant 0 : i32
        %dma_start3A_274 = tpu.memref_slice %arg3[%dma_start3A_272, %dma_start3A_273] : memref<20000x64xf32, #tpu.memory_space<hbm>> -> memref<20000x64xf32, #tpu.memory_space<hbm>>
        tpu.enqueue_indirect_dma source(%dma_start3A_274 : memref<20000x64xf32, #tpu.memory_space<hbm>>) target(%arg11 : memref<128x64xf32, #tpu.memory_space<vmem>>) offsets(%dma_start3A_271 : memref<128xi32, #tpu.memory_space<vmem>>) semaphore(%arg17 : memref<!tpu.dma_semaphore, #tpu.memory_space<semaphore_mem>>)
      } else {
      }
    }
    %while3A_93 = arith.constant 1 : i32
    scf.for %while3A_103 = %while3A_91 to %while3A_87 step %while3A_93  : i32 {
      %mul3A_104 = arith.constant 5 : i32
      %mul3A_105 = arith.muli %mul3A_104, %while3A_103 : i32
      %add3A_106 = arith.constant 0 : i32
      %add3A_107 = arith.addi %mul3A_105, %add3A_106 : i32
      %dma_wait3A = arith.constant 0 : i32
      %dma_wait3A_108 = tpu.memref_slice %arg5[%add3A_107, %dma_wait3A] : memref<80x128xi32, #tpu.memory_space<vmem>> -> memref<1x128xi32, #tpu.memory_space<vmem>>
      %dma_wait3A_109 = tpu.memref_squeeze %dma_wait3A_108 : memref<1x128xi32, #tpu.memory_space<vmem>> -> memref<128xi32, #tpu.memory_space<vmem>>
      %dma_wait3A_110 = arith.constant 0 : i32
      %dma_wait3A_111 = arith.constant 0 : i32
      %dma_wait3A_112 = tpu.memref_slice %arg3[%dma_wait3A_110, %dma_wait3A_111] : memref<20000x64xf32, #tpu.memory_space<hbm>> -> memref<20000x64xf32, #tpu.memory_space<hbm>>
      tpu.wait_indirect_dma semaphore(%arg13 : memref<!tpu.dma_semaphore, #tpu.memory_space<semaphore_mem>>) src(%dma_wait3A_112 : memref<20000x64xf32, #tpu.memory_space<hbm>>) dst(%arg7 : memref<128x64xf32, #tpu.memory_space<vmem>>)
      %add3A_113 = arith.constant 0 : i32
      %add3A_114 = arith.addi %mul3A_105, %add3A_113 : i32
      %dma_start3A_115 = arith.constant 0 : i32
      %dma_start3A_116 = tpu.memref_slice %arg6[%add3A_114, %dma_start3A_115] : memref<80x128xi32, #tpu.memory_space<vmem>> -> memref<1x128xi32, #tpu.memory_space<vmem>>
      %dma_start3A_117 = tpu.memref_squeeze %dma_start3A_116 : memref<1x128xi32, #tpu.memory_space<vmem>> -> memref<128xi32, #tpu.memory_space<vmem>>
      %dma_start3A_118 = arith.constant 0 : i32
      %dma_start3A_119 = arith.constant 0 : i32
      %dma_start3A_120 = tpu.memref_slice %arg23[%dma_start3A_118, %dma_start3A_119] : memref<10240x64xf32, #tpu.memory_space<vmem_shared>> -> memref<10240x64xf32, #tpu.memory_space<vmem_shared>>
      tpu.enqueue_indirect_dma source(%arg7 : memref<128x64xf32, #tpu.memory_space<vmem>>) target(%dma_start3A_120 : memref<10240x64xf32, #tpu.memory_space<vmem_shared>>) offsets(%dma_start3A_117 : memref<128xi32, #tpu.memory_space<vmem>>) semaphore(%arg18 : memref<!tpu.dma_semaphore, #tpu.memory_space<semaphore_mem>>) {add = true}
      %add3A_121 = arith.constant 1 : i32
      %add3A_122 = arith.addi %mul3A_105, %add3A_121 : i32
      %dma_wait3A_123 = arith.constant 0 : i32
      %dma_wait3A_124 = tpu.memref_slice %arg5[%add3A_122, %dma_wait3A_123] : memref<80x128xi32, #tpu.memory_space<vmem>> -> memref<1x128xi32, #tpu.memory_space<vmem>>
      %dma_wait3A_125 = tpu.memref_squeeze %dma_wait3A_124 : memref<1x128xi32, #tpu.memory_space<vmem>> -> memref<128xi32, #tpu.memory_space<vmem>>
      %dma_wait3A_126 = arith.constant 0 : i32
      %dma_wait3A_127 = arith.constant 0 : i32
      %dma_wait3A_128 = tpu.memref_slice %arg3[%dma_wait3A_126, %dma_wait3A_127] : memref<20000x64xf32, #tpu.memory_space<hbm>> -> memref<20000x64xf32, #tpu.memory_space<hbm>>
      tpu.wait_indirect_dma semaphore(%arg14 : memref<!tpu.dma_semaphore, #tpu.memory_space<semaphore_mem>>) src(%dma_wait3A_128 : memref<20000x64xf32, #tpu.memory_space<hbm>>) dst(%arg8 : memref<128x64xf32, #tpu.memory_space<vmem>>)
      %add3A_129 = arith.constant 1 : i32
      %add3A_130 = arith.addi %mul3A_105, %add3A_129 : i32
      %dma_start3A_131 = arith.constant 0 : i32
      %dma_start3A_132 = tpu.memref_slice %arg6[%add3A_130, %dma_start3A_131] : memref<80x128xi32, #tpu.memory_space<vmem>> -> memref<1x128xi32, #tpu.memory_space<vmem>>
      %dma_start3A_133 = tpu.memref_squeeze %dma_start3A_132 : memref<1x128xi32, #tpu.memory_space<vmem>> -> memref<128xi32, #tpu.memory_space<vmem>>
      %dma_start3A_134 = arith.constant 0 : i32
      %dma_start3A_135 = arith.constant 0 : i32
      %dma_start3A_136 = tpu.memref_slice %arg23[%dma_start3A_134, %dma_start3A_135] : memref<10240x64xf32, #tpu.memory_space<vmem_shared>> -> memref<10240x64xf32, #tpu.memory_space<vmem_shared>>
      tpu.enqueue_indirect_dma source(%arg8 : memref<128x64xf32, #tpu.memory_space<vmem>>) target(%dma_start3A_136 : memref<10240x64xf32, #tpu.memory_space<vmem_shared>>) offsets(%dma_start3A_133 : memref<128xi32, #tpu.memory_space<vmem>>) semaphore(%arg19 : memref<!tpu.dma_semaphore, #tpu.memory_space<semaphore_mem>>) {add = true}
      %add3A_137 = arith.constant 2 : i32
      %add3A_138 = arith.addi %mul3A_105, %add3A_137 : i32
      %dma_wait3A_139 = arith.constant 0 : i32
      %dma_wait3A_140 = tpu.memref_slice %arg5[%add3A_138, %dma_wait3A_139] : memref<80x128xi32, #tpu.memory_space<vmem>> -> memref<1x128xi32, #tpu.memory_space<vmem>>
      %dma_wait3A_141 = tpu.memref_squeeze %dma_wait3A_140 : memref<1x128xi32, #tpu.memory_space<vmem>> -> memref<128xi32, #tpu.memory_space<vmem>>
      %dma_wait3A_142 = arith.constant 0 : i32
      %dma_wait3A_143 = arith.constant 0 : i32
      %dma_wait3A_144 = tpu.memref_slice %arg3[%dma_wait3A_142, %dma_wait3A_143] : memref<20000x64xf32, #tpu.memory_space<hbm>> -> memref<20000x64xf32, #tpu.memory_space<hbm>>
      tpu.wait_indirect_dma semaphore(%arg15 : memref<!tpu.dma_semaphore, #tpu.memory_space<semaphore_mem>>) src(%dma_wait3A_144 : memref<20000x64xf32, #tpu.memory_space<hbm>>) dst(%arg9 : memref<128x64xf32, #tpu.memory_space<vmem>>)
      %add3A_145 = arith.constant 2 : i32
      %add3A_146 = arith.addi %mul3A_105, %add3A_145 : i32
      %dma_start3A_147 = arith.constant 0 : i32
      %dma_start3A_148 = tpu.memref_slice %arg6[%add3A_146, %dma_start3A_147] : memref<80x128xi32, #tpu.memory_space<vmem>> -> memref<1x128xi32, #tpu.memory_space<vmem>>
      %dma_start3A_149 = tpu.memref_squeeze %dma_start3A_148 : memref<1x128xi32, #tpu.memory_space<vmem>> -> memref<128xi32, #tpu.memory_space<vmem>>
      %dma_start3A_150 = arith.constant 0 : i32
      %dma_start3A_151 = arith.constant 0 : i32
      %dma_start3A_152 = tpu.memref_slice %arg23[%dma_start3A_150, %dma_start3A_151] : memref<10240x64xf32, #tpu.memory_space<vmem_shared>> -> memref<10240x64xf32, #tpu.memory_space<vmem_shared>>
      tpu.enqueue_indirect_dma source(%arg9 : memref<128x64xf32, #tpu.memory_space<vmem>>) target(%dma_start3A_152 : memref<10240x64xf32, #tpu.memory_space<vmem_shared>>) offsets(%dma_start3A_149 : memref<128xi32, #tpu.memory_space<vmem>>) semaphore(%arg20 : memref<!tpu.dma_semaphore, #tpu.memory_space<semaphore_mem>>) {add = true}
      %add3A_153 = arith.constant 3 : i32
      %add3A_154 = arith.addi %mul3A_105, %add3A_153 : i32
      %dma_wait3A_155 = arith.constant 0 : i32
      %dma_wait3A_156 = tpu.memref_slice %arg5[%add3A_154, %dma_wait3A_155] : memref<80x128xi32, #tpu.memory_space<vmem>> -> memref<1x128xi32, #tpu.memory_space<vmem>>
      %dma_wait3A_157 = tpu.memref_squeeze %dma_wait3A_156 : memref<1x128xi32, #tpu.memory_space<vmem>> -> memref<128xi32, #tpu.memory_space<vmem>>
      %dma_wait3A_158 = arith.constant 0 : i32
      %dma_wait3A_159 = arith.constant 0 : i32
      %dma_wait3A_160 = tpu.memref_slice %arg3[%dma_wait3A_158, %dma_wait3A_159] : memref<20000x64xf32, #tpu.memory_space<hbm>> -> memref<20000x64xf32, #tpu.memory_space<hbm>>
      tpu.wait_indirect_dma semaphore(%arg16 : memref<!tpu.dma_semaphore, #tpu.memory_space<semaphore_mem>>) src(%dma_wait3A_160 : memref<20000x64xf32, #tpu.memory_space<hbm>>) dst(%arg10 : memref<128x64xf32, #tpu.memory_space<vmem>>)
      %add3A_161 = arith.constant 3 : i32
      %add3A_162 = arith.addi %mul3A_105, %add3A_161 : i32
      %dma_start3A_163 = arith.constant 0 : i32
      %dma_start3A_164 = tpu.memref_slice %arg6[%add3A_162, %dma_start3A_163] : memref<80x128xi32, #tpu.memory_space<vmem>> -> memref<1x128xi32, #tpu.memory_space<vmem>>
      %dma_start3A_165 = tpu.memref_squeeze %dma_start3A_164 : memref<1x128xi32, #tpu.memory_space<vmem>> -> memref<128xi32, #tpu.memory_space<vmem>>
      %dma_start3A_166 = arith.constant 0 : i32
      %dma_start3A_167 = arith.constant 0 : i32
      %dma_start3A_168 = tpu.memref_slice %arg23[%dma_start3A_166, %dma_start3A_167] : memref<10240x64xf32, #tpu.memory_space<vmem_shared>> -> memref<10240x64xf32, #tpu.memory_space<vmem_shared>>
      tpu.enqueue_indirect_dma source(%arg10 : memref<128x64xf32, #tpu.memory_space<vmem>>) target(%dma_start3A_168 : memref<10240x64xf32, #tpu.memory_space<vmem_shared>>) offsets(%dma_start3A_165 : memref<128xi32, #tpu.memory_space<vmem>>) semaphore(%arg21 : memref<!tpu.dma_semaphore, #tpu.memory_space<semaphore_mem>>) {add = true}
      %add3A_169 = arith.constant 4 : i32
      %add3A_170 = arith.addi %mul3A_105, %add3A_169 : i32
      %dma_wait3A_171 = arith.constant 0 : i32
      %dma_wait3A_172 = tpu.memref_slice %arg5[%add3A_170, %dma_wait3A_171] : memref<80x128xi32, #tpu.memory_space<vmem>> -> memref<1x128xi32, #tpu.memory_space<vmem>>
      %dma_wait3A_173 = tpu.memref_squeeze %dma_wait3A_172 : memref<1x128xi32, #tpu.memory_space<vmem>> -> memref<128xi32, #tpu.memory_space<vmem>>
      %dma_wait3A_174 = arith.constant 0 : i32
      %dma_wait3A_175 = arith.constant 0 : i32
      %dma_wait3A_176 = tpu.memref_slice %arg3[%dma_wait3A_174, %dma_wait3A_175] : memref<20000x64xf32, #tpu.memory_space<hbm>> -> memref<20000x64xf32, #tpu.memory_space<hbm>>
      tpu.wait_indirect_dma semaphore(%arg17 : memref<!tpu.dma_semaphore, #tpu.memory_space<semaphore_mem>>) src(%dma_wait3A_176 : memref<20000x64xf32, #tpu.memory_space<hbm>>) dst(%arg11 : memref<128x64xf32, #tpu.memory_space<vmem>>)
      %add3A_177 = arith.constant 4 : i32
      %add3A_178 = arith.addi %mul3A_105, %add3A_177 : i32
      %dma_start3A_179 = arith.constant 0 : i32
      %dma_start3A_180 = tpu.memref_slice %arg6[%add3A_178, %dma_start3A_179] : memref<80x128xi32, #tpu.memory_space<vmem>> -> memref<1x128xi32, #tpu.memory_space<vmem>>
      %dma_start3A_181 = tpu.memref_squeeze %dma_start3A_180 : memref<1x128xi32, #tpu.memory_space<vmem>> -> memref<128xi32, #tpu.memory_space<vmem>>
      %dma_start3A_182 = arith.constant 0 : i32
      %dma_start3A_183 = arith.constant 0 : i32
      %dma_start3A_184 = tpu.memref_slice %arg23[%dma_start3A_182, %dma_start3A_183] : memref<10240x64xf32, #tpu.memory_space<vmem_shared>> -> memref<10240x64xf32, #tpu.memory_space<vmem_shared>>
      tpu.enqueue_indirect_dma source(%arg11 : memref<128x64xf32, #tpu.memory_space<vmem>>) target(%dma_start3A_184 : memref<10240x64xf32, #tpu.memory_space<vmem_shared>>) offsets(%dma_start3A_181 : memref<128xi32, #tpu.memory_space<vmem>>) semaphore(%arg22 : memref<!tpu.dma_semaphore, #tpu.memory_space<semaphore_mem>>) {add = true}
      %add3A_185 = arith.constant 0 : i32
      %add3A_186 = arith.addi %mul3A_105, %add3A_185 : i32
      %dma_wait3A_187 = arith.constant 0 : i32
      %dma_wait3A_188 = tpu.memref_slice %arg6[%add3A_186, %dma_wait3A_187] : memref<80x128xi32, #tpu.memory_space<vmem>> -> memref<1x128xi32, #tpu.memory_space<vmem>>
      %dma_wait3A_189 = tpu.memref_squeeze %dma_wait3A_188 : memref<1x128xi32, #tpu.memory_space<vmem>> -> memref<128xi32, #tpu.memory_space<vmem>>
      %dma_wait3A_190 = arith.constant 0 : i32
      %dma_wait3A_191 = arith.constant 0 : i32
      %dma_wait3A_192 = tpu.memref_slice %arg23[%dma_wait3A_190, %dma_wait3A_191] : memref<10240x64xf32, #tpu.memory_space<vmem_shared>> -> memref<10240x64xf32, #tpu.memory_space<vmem_shared>>
      tpu.wait_indirect_dma semaphore(%arg18 : memref<!tpu.dma_semaphore, #tpu.memory_space<semaphore_mem>>) src(%arg7 : memref<128x64xf32, #tpu.memory_space<vmem>>) dst(%dma_wait3A_192 : memref<10240x64xf32, #tpu.memory_space<vmem_shared>>)
      %add3A_193 = arith.constant 5 : i32
      %add3A_194 = arith.addi %mul3A_105, %add3A_193 : i32
      %add3A_195 = arith.constant 0 : i32
      %add3A_196 = arith.addi %add3A_194, %add3A_195 : i32
      %lt3A_197 = arith.cmpi slt, %add3A_196, %select_n3A : i32
      %convert_element_type3A_198 = arith.extui %lt3A_197 : i1 to i32
      %cond3A_199 = arith.constant 0 : i32
      %cond3A_200 = arith.cmpi ne, %convert_element_type3A_198, %cond3A_199 : i32
      scf.if %cond3A_200 {
        %add3A_265 = arith.constant 5 : i32
        %add3A_266 = arith.addi %mul3A_105, %add3A_265 : i32
        %add3A_267 = arith.constant 0 : i32
        %add3A_268 = arith.addi %add3A_266, %add3A_267 : i32
        %dma_start3A_269 = arith.constant 0 : i32
        %dma_start3A_270 = tpu.memref_slice %arg5[%add3A_268, %dma_start3A_269] : memref<80x128xi32, #tpu.memory_space<vmem>> -> memref<1x128xi32, #tpu.memory_space<vmem>>
        %dma_start3A_271 = tpu.memref_squeeze %dma_start3A_270 : memref<1x128xi32, #tpu.memory_space<vmem>> -> memref<128xi32, #tpu.memory_space<vmem>>
        %dma_start3A_272 = arith.constant 0 : i32
        %dma_start3A_273 = arith.constant 0 : i32
        %dma_start3A_274 = tpu.memref_slice %arg3[%dma_start3A_272, %dma_start3A_273] : memref<20000x64xf32, #tpu.memory_space<hbm>> -> memref<20000x64xf32, #tpu.memory_space<hbm>>
        tpu.enqueue_indirect_dma source(%dma_start3A_274 : memref<20000x64xf32, #tpu.memory_space<hbm>>) target(%arg7 : memref<128x64xf32, #tpu.memory_space<vmem>>) offsets(%dma_start3A_271 : memref<128xi32, #tpu.memory_space<vmem>>) semaphore(%arg13 : memref<!tpu.dma_semaphore, #tpu.memory_space<semaphore_mem>>)
      } else {
      }
      %add3A_201 = arith.constant 1 : i32
      %add3A_202 = arith.addi %mul3A_105, %add3A_201 : i32
      %dma_wait3A_203 = arith.constant 0 : i32
      %dma_wait3A_204 = tpu.memref_slice %arg6[%add3A_202, %dma_wait3A_203] : memref<80x128xi32, #tpu.memory_space<vmem>> -> memref<1x128xi32, #tpu.memory_space<vmem>>
      %dma_wait3A_205 = tpu.memref_squeeze %dma_wait3A_204 : memref<1x128xi32, #tpu.memory_space<vmem>> -> memref<128xi32, #tpu.memory_space<vmem>>
      %dma_wait3A_206 = arith.constant 0 : i32
      %dma_wait3A_207 = arith.constant 0 : i32
      %dma_wait3A_208 = tpu.memref_slice %arg23[%dma_wait3A_206, %dma_wait3A_207] : memref<10240x64xf32, #tpu.memory_space<vmem_shared>> -> memref<10240x64xf32, #tpu.memory_space<vmem_shared>>
      tpu.wait_indirect_dma semaphore(%arg19 : memref<!tpu.dma_semaphore, #tpu.memory_space<semaphore_mem>>) src(%arg8 : memref<128x64xf32, #tpu.memory_space<vmem>>) dst(%dma_wait3A_208 : memref<10240x64xf32, #tpu.memory_space<vmem_shared>>)
      %add3A_209 = arith.constant 5 : i32
      %add3A_210 = arith.addi %mul3A_105, %add3A_209 : i32
      %add3A_211 = arith.constant 1 : i32
      %add3A_212 = arith.addi %add3A_210, %add3A_211 : i32
      %lt3A_213 = arith.cmpi slt, %add3A_212, %select_n3A : i32
      %convert_element_type3A_214 = arith.extui %lt3A_213 : i1 to i32
      %cond3A_215 = arith.constant 0 : i32
      %cond3A_216 = arith.cmpi ne, %convert_element_type3A_214, %cond3A_215 : i32
      scf.if %cond3A_216 {
        %add3A_265 = arith.constant 5 : i32
        %add3A_266 = arith.addi %mul3A_105, %add3A_265 : i32
        %add3A_267 = arith.constant 1 : i32
        %add3A_268 = arith.addi %add3A_266, %add3A_267 : i32
        %dma_start3A_269 = arith.constant 0 : i32
        %dma_start3A_270 = tpu.memref_slice %arg5[%add3A_268, %dma_start3A_269] : memref<80x128xi32, #tpu.memory_space<vmem>> -> memref<1x128xi32, #tpu.memory_space<vmem>>
        %dma_start3A_271 = tpu.memref_squeeze %dma_start3A_270 : memref<1x128xi32, #tpu.memory_space<vmem>> -> memref<128xi32, #tpu.memory_space<vmem>>
        %dma_start3A_272 = arith.constant 0 : i32
        %dma_start3A_273 = arith.constant 0 : i32
        %dma_start3A_274 = tpu.memref_slice %arg3[%dma_start3A_272, %dma_start3A_273] : memref<20000x64xf32, #tpu.memory_space<hbm>> -> memref<20000x64xf32, #tpu.memory_space<hbm>>
        tpu.enqueue_indirect_dma source(%dma_start3A_274 : memref<20000x64xf32, #tpu.memory_space<hbm>>) target(%arg8 : memref<128x64xf32, #tpu.memory_space<vmem>>) offsets(%dma_start3A_271 : memref<128xi32, #tpu.memory_space<vmem>>) semaphore(%arg14 : memref<!tpu.dma_semaphore, #tpu.memory_space<semaphore_mem>>)
      } else {
      }
      %add3A_217 = arith.constant 2 : i32
      %add3A_218 = arith.addi %mul3A_105, %add3A_217 : i32
      %dma_wait3A_219 = arith.constant 0 : i32
      %dma_wait3A_220 = tpu.memref_slice %arg6[%add3A_218, %dma_wait3A_219] : memref<80x128xi32, #tpu.memory_space<vmem>> -> memref<1x128xi32, #tpu.memory_space<vmem>>
      %dma_wait3A_221 = tpu.memref_squeeze %dma_wait3A_220 : memref<1x128xi32, #tpu.memory_space<vmem>> -> memref<128xi32, #tpu.memory_space<vmem>>
      %dma_wait3A_222 = arith.constant 0 : i32
      %dma_wait3A_223 = arith.constant 0 : i32
      %dma_wait3A_224 = tpu.memref_slice %arg23[%dma_wait3A_222, %dma_wait3A_223] : memref<10240x64xf32, #tpu.memory_space<vmem_shared>> -> memref<10240x64xf32, #tpu.memory_space<vmem_shared>>
      tpu.wait_indirect_dma semaphore(%arg20 : memref<!tpu.dma_semaphore, #tpu.memory_space<semaphore_mem>>) src(%arg9 : memref<128x64xf32, #tpu.memory_space<vmem>>) dst(%dma_wait3A_224 : memref<10240x64xf32, #tpu.memory_space<vmem_shared>>)
      %add3A_225 = arith.constant 5 : i32
      %add3A_226 = arith.addi %mul3A_105, %add3A_225 : i32
      %add3A_227 = arith.constant 2 : i32
      %add3A_228 = arith.addi %add3A_226, %add3A_227 : i32
      %lt3A_229 = arith.cmpi slt, %add3A_228, %select_n3A : i32
      %convert_element_type3A_230 = arith.extui %lt3A_229 : i1 to i32
      %cond3A_231 = arith.constant 0 : i32
      %cond3A_232 = arith.cmpi ne, %convert_element_type3A_230, %cond3A_231 : i32
      scf.if %cond3A_232 {
        %add3A_265 = arith.constant 5 : i32
        %add3A_266 = arith.addi %mul3A_105, %add3A_265 : i32
        %add3A_267 = arith.constant 2 : i32
        %add3A_268 = arith.addi %add3A_266, %add3A_267 : i32
        %dma_start3A_269 = arith.constant 0 : i32
        %dma_start3A_270 = tpu.memref_slice %arg5[%add3A_268, %dma_start3A_269] : memref<80x128xi32, #tpu.memory_space<vmem>> -> memref<1x128xi32, #tpu.memory_space<vmem>>
        %dma_start3A_271 = tpu.memref_squeeze %dma_start3A_270 : memref<1x128xi32, #tpu.memory_space<vmem>> -> memref<128xi32, #tpu.memory_space<vmem>>
        %dma_start3A_272 = arith.constant 0 : i32
        %dma_start3A_273 = arith.constant 0 : i32
        %dma_start3A_274 = tpu.memref_slice %arg3[%dma_start3A_272, %dma_start3A_273] : memref<20000x64xf32, #tpu.memory_space<hbm>> -> memref<20000x64xf32, #tpu.memory_space<hbm>>
        tpu.enqueue_indirect_dma source(%dma_start3A_274 : memref<20000x64xf32, #tpu.memory_space<hbm>>) target(%arg9 : memref<128x64xf32, #tpu.memory_space<vmem>>) offsets(%dma_start3A_271 : memref<128xi32, #tpu.memory_space<vmem>>) semaphore(%arg15 : memref<!tpu.dma_semaphore, #tpu.memory_space<semaphore_mem>>)
      } else {
      }
      %add3A_233 = arith.constant 3 : i32
      %add3A_234 = arith.addi %mul3A_105, %add3A_233 : i32
      %dma_wait3A_235 = arith.constant 0 : i32
      %dma_wait3A_236 = tpu.memref_slice %arg6[%add3A_234, %dma_wait3A_235] : memref<80x128xi32, #tpu.memory_space<vmem>> -> memref<1x128xi32, #tpu.memory_space<vmem>>
      %dma_wait3A_237 = tpu.memref_squeeze %dma_wait3A_236 : memref<1x128xi32, #tpu.memory_space<vmem>> -> memref<128xi32, #tpu.memory_space<vmem>>
      %dma_wait3A_238 = arith.constant 0 : i32
      %dma_wait3A_239 = arith.constant 0 : i32
      %dma_wait3A_240 = tpu.memref_slice %arg23[%dma_wait3A_238, %dma_wait3A_239] : memref<10240x64xf32, #tpu.memory_space<vmem_shared>> -> memref<10240x64xf32, #tpu.memory_space<vmem_shared>>
      tpu.wait_indirect_dma semaphore(%arg21 : memref<!tpu.dma_semaphore, #tpu.memory_space<semaphore_mem>>) src(%arg10 : memref<128x64xf32, #tpu.memory_space<vmem>>) dst(%dma_wait3A_240 : memref<10240x64xf32, #tpu.memory_space<vmem_shared>>)
      %add3A_241 = arith.constant 5 : i32
      %add3A_242 = arith.addi %mul3A_105, %add3A_241 : i32
      %add3A_243 = arith.constant 3 : i32
      %add3A_244 = arith.addi %add3A_242, %add3A_243 : i32
      %lt3A_245 = arith.cmpi slt, %add3A_244, %select_n3A : i32
      %convert_element_type3A_246 = arith.extui %lt3A_245 : i1 to i32
      %cond3A_247 = arith.constant 0 : i32
      %cond3A_248 = arith.cmpi ne, %convert_element_type3A_246, %cond3A_247 : i32
      scf.if %cond3A_248 {
        %add3A_265 = arith.constant 5 : i32
        %add3A_266 = arith.addi %mul3A_105, %add3A_265 : i32
        %add3A_267 = arith.constant 3 : i32
        %add3A_268 = arith.addi %add3A_266, %add3A_267 : i32
        %dma_start3A_269 = arith.constant 0 : i32
        %dma_start3A_270 = tpu.memref_slice %arg5[%add3A_268, %dma_start3A_269] : memref<80x128xi32, #tpu.memory_space<vmem>> -> memref<1x128xi32, #tpu.memory_space<vmem>>
        %dma_start3A_271 = tpu.memref_squeeze %dma_start3A_270 : memref<1x128xi32, #tpu.memory_space<vmem>> -> memref<128xi32, #tpu.memory_space<vmem>>
        %dma_start3A_272 = arith.constant 0 : i32
        %dma_start3A_273 = arith.constant 0 : i32
        %dma_start3A_274 = tpu.memref_slice %arg3[%dma_start3A_272, %dma_start3A_273] : memref<20000x64xf32, #tpu.memory_space<hbm>> -> memref<20000x64xf32, #tpu.memory_space<hbm>>
        tpu.enqueue_indirect_dma source(%dma_start3A_274 : memref<20000x64xf32, #tpu.memory_space<hbm>>) target(%arg10 : memref<128x64xf32, #tpu.memory_space<vmem>>) offsets(%dma_start3A_271 : memref<128xi32, #tpu.memory_space<vmem>>) semaphore(%arg16 : memref<!tpu.dma_semaphore, #tpu.memory_space<semaphore_mem>>)
      } else {
      }
      %add3A_249 = arith.constant 4 : i32
      %add3A_250 = arith.addi %mul3A_105, %add3A_249 : i32
      %dma_wait3A_251 = arith.constant 0 : i32
      %dma_wait3A_252 = tpu.memref_slice %arg6[%add3A_250, %dma_wait3A_251] : memref<80x128xi32, #tpu.memory_space<vmem>> -> memref<1x128xi32, #tpu.memory_space<vmem>>
      %dma_wait3A_253 = tpu.memref_squeeze %dma_wait3A_252 : memref<1x128xi32, #tpu.memory_space<vmem>> -> memref<128xi32, #tpu.memory_space<vmem>>
      %dma_wait3A_254 = arith.constant 0 : i32
      %dma_wait3A_255 = arith.constant 0 : i32
      %dma_wait3A_256 = tpu.memref_slice %arg23[%dma_wait3A_254, %dma_wait3A_255] : memref<10240x64xf32, #tpu.memory_space<vmem_shared>> -> memref<10240x64xf32, #tpu.memory_space<vmem_shared>>
      tpu.wait_indirect_dma semaphore(%arg22 : memref<!tpu.dma_semaphore, #tpu.memory_space<semaphore_mem>>) src(%arg11 : memref<128x64xf32, #tpu.memory_space<vmem>>) dst(%dma_wait3A_256 : memref<10240x64xf32, #tpu.memory_space<vmem_shared>>)
      %add3A_257 = arith.constant 5 : i32
      %add3A_258 = arith.addi %mul3A_105, %add3A_257 : i32
      %add3A_259 = arith.constant 4 : i32
      %add3A_260 = arith.addi %add3A_258, %add3A_259 : i32
      %lt3A_261 = arith.cmpi slt, %add3A_260, %select_n3A : i32
      %convert_element_type3A_262 = arith.extui %lt3A_261 : i1 to i32
      %cond3A_263 = arith.constant 0 : i32
      %cond3A_264 = arith.cmpi ne, %convert_element_type3A_262, %cond3A_263 : i32
      scf.if %cond3A_264 {
        %add3A_265 = arith.constant 5 : i32
        %add3A_266 = arith.addi %mul3A_105, %add3A_265 : i32
        %add3A_267 = arith.constant 4 : i32
        %add3A_268 = arith.addi %add3A_266, %add3A_267 : i32
        %dma_start3A_269 = arith.constant 0 : i32
        %dma_start3A_270 = tpu.memref_slice %arg5[%add3A_268, %dma_start3A_269] : memref<80x128xi32, #tpu.memory_space<vmem>> -> memref<1x128xi32, #tpu.memory_space<vmem>>
        %dma_start3A_271 = tpu.memref_squeeze %dma_start3A_270 : memref<1x128xi32, #tpu.memory_space<vmem>> -> memref<128xi32, #tpu.memory_space<vmem>>
        %dma_start3A_272 = arith.constant 0 : i32
        %dma_start3A_273 = arith.constant 0 : i32
        %dma_start3A_274 = tpu.memref_slice %arg3[%dma_start3A_272, %dma_start3A_273] : memref<20000x64xf32, #tpu.memory_space<hbm>> -> memref<20000x64xf32, #tpu.memory_space<hbm>>
        tpu.enqueue_indirect_dma source(%dma_start3A_274 : memref<20000x64xf32, #tpu.memory_space<hbm>>) target(%arg11 : memref<128x64xf32, #tpu.memory_space<vmem>>) offsets(%dma_start3A_271 : memref<128xi32, #tpu.memory_space<vmem>>) semaphore(%arg17 : memref<!tpu.dma_semaphore, #tpu.memory_space<semaphore_mem>>)
      } else {
      }
    }
    %barrier3A_94 = arith.constant 0 : index
    tpu.barrier barrier_id(%barrier3A_94)
    %add3A_95 = arith.constant 0 : i32
    %add3A_96 = arith.addi %multiple_of3A, %add3A_95 : i32
    "tpu.region"() ({
      %run_scoped3A = tpu.sem_alloc : memref<!tpu.dma_semaphore, #tpu.memory_space<semaphore_mem>>
      %dma_start3A_103 = arith.constant 0 : i32
      %dma_start3A_104 = tpu.memref_slice %arg23[%add3A_96, %dma_start3A_103] : memref<10240x64xf32, #tpu.memory_space<vmem_shared>> -> memref<320x64xf32, #tpu.memory_space<vmem_shared>>
      %dma_start3A_105 = arith.constant 0 : i32
      %dma_start3A_106 = tpu.memref_slice %arg23[%add3A_96, %dma_start3A_105] : memref<10240x64xf32, #tpu.memory_space<vmem_shared>> -> memref<320x64xf32, #tpu.memory_space<vmem_shared>>
      tpu.enqueue_dma source(%dma_start3A_106 : memref<320x64xf32, #tpu.memory_space<vmem_shared>>) target(%arg12 : memref<320x64xf32, #tpu.memory_space<vmem>>) target_semaphore(%run_scoped3A : memref<!tpu.dma_semaphore, #tpu.memory_space<semaphore_mem>>)
      %dma_wait3A = arith.constant 0 : i32
      %dma_wait3A_107 = tpu.memref_slice %arg23[%add3A_96, %dma_wait3A] : memref<10240x64xf32, #tpu.memory_space<vmem_shared>> -> memref<320x64xf32, #tpu.memory_space<vmem_shared>>
      %dma_wait3A_108 = arith.constant 0 : i32
      %dma_wait3A_109 = tpu.memref_slice %arg23[%add3A_96, %dma_wait3A_108] : memref<10240x64xf32, #tpu.memory_space<vmem_shared>> -> memref<320x64xf32, #tpu.memory_space<vmem_shared>>
      tpu.wait_dma2 semaphore(%run_scoped3A : memref<!tpu.dma_semaphore, #tpu.memory_space<semaphore_mem>>) src(%dma_wait3A_109 : memref<320x64xf32, #tpu.memory_space<vmem_shared>>) dst(%arg12 : memref<320x64xf32, #tpu.memory_space<vmem>>)
      tpu.yield
    }) : () -> ()
    %add3A_97 = arith.constant 0 : i32
    %add3A_98 = arith.addi %multiple_of3A, %add3A_97 : i32
    "tpu.region"() ({
      %run_scoped3A = tpu.sem_alloc : memref<!tpu.dma_semaphore, #tpu.memory_space<semaphore_mem>>
      %dma_start3A_103 = arith.constant 0 : i32
      %dma_start3A_104 = tpu.memref_slice %arg4[%arg0, %add3A_98, %dma_start3A_103] : memref<2x10240x128xf32, #tpu.memory_space<hbm>> -> memref<1x320x64xf32, #tpu.memory_space<hbm>>
      %dma_start3A_105 = tpu.memref_squeeze %dma_start3A_104 : memref<1x320x64xf32, #tpu.memory_space<hbm>> -> memref<320x64xf32, #tpu.memory_space<hbm>>
      %dma_start3A_106 = arith.constant 0 : i32
      %dma_start3A_107 = tpu.memref_slice %arg4[%arg0, %add3A_98, %dma_start3A_106] : memref<2x10240x128xf32, #tpu.memory_space<hbm>> -> memref<1x320x64xf32, #tpu.memory_space<hbm>>
      %dma_start3A_108 = tpu.memref_squeeze %dma_start3A_107 : memref<1x320x64xf32, #tpu.memory_space<hbm>> -> memref<320x64xf32, #tpu.memory_space<hbm>>
      tpu.enqueue_dma source(%arg12 : memref<320x64xf32, #tpu.memory_space<vmem>>) target(%dma_start3A_108 : memref<320x64xf32, #tpu.memory_space<hbm>>) target_semaphore(%run_scoped3A : memref<!tpu.dma_semaphore, #tpu.memory_space<semaphore_mem>>)
      %dma_wait3A = arith.constant 0 : i32
      %dma_wait3A_109 = tpu.memref_slice %arg4[%arg0, %add3A_98, %dma_wait3A] : memref<2x10240x128xf32, #tpu.memory_space<hbm>> -> memref<1x320x64xf32, #tpu.memory_space<hbm>>
      %dma_wait3A_110 = tpu.memref_squeeze %dma_wait3A_109 : memref<1x320x64xf32, #tpu.memory_space<hbm>> -> memref<320x64xf32, #tpu.memory_space<hbm>>
      %dma_wait3A_111 = arith.constant 0 : i32
      %dma_wait3A_112 = tpu.memref_slice %arg4[%arg0, %add3A_98, %dma_wait3A_111] : memref<2x10240x128xf32, #tpu.memory_space<hbm>> -> memref<1x320x64xf32, #tpu.memory_space<hbm>>
      %dma_wait3A_113 = tpu.memref_squeeze %dma_wait3A_112 : memref<1x320x64xf32, #tpu.memory_space<hbm>> -> memref<320x64xf32, #tpu.memory_space<hbm>>
      tpu.wait_dma2 semaphore(%run_scoped3A : memref<!tpu.dma_semaphore, #tpu.memory_space<semaphore_mem>>) src(%arg12 : memref<320x64xf32, #tpu.memory_space<vmem>>) dst(%dma_wait3A_113 : memref<320x64xf32, #tpu.memory_space<hbm>>)
      tpu.yield
    }) : () -> ()
    %add3A_99 = arith.constant 320 : i32
    %add3A_100 = arith.addi %multiple_of3A, %add3A_99 : i32
    "tpu.region"() ({
      %run_scoped3A = tpu.sem_alloc : memref<!tpu.dma_semaphore, #tpu.memory_space<semaphore_mem>>
      %dma_start3A_103 = arith.constant 0 : i32
      %dma_start3A_104 = tpu.memref_slice %arg23[%add3A_100, %dma_start3A_103] : memref<10240x64xf32, #tpu.memory_space<vmem_shared>> -> memref<320x64xf32, #tpu.memory_space<vmem_shared>>
      %dma_start3A_105 = arith.constant 0 : i32
      %dma_start3A_106 = tpu.memref_slice %arg23[%add3A_100, %dma_start3A_105] : memref<10240x64xf32, #tpu.memory_space<vmem_shared>> -> memref<320x64xf32, #tpu.memory_space<vmem_shared>>
      tpu.enqueue_dma source(%dma_start3A_106 : memref<320x64xf32, #tpu.memory_space<vmem_shared>>) target(%arg12 : memref<320x64xf32, #tpu.memory_space<vmem>>) target_semaphore(%run_scoped3A : memref<!tpu.dma_semaphore, #tpu.memory_space<semaphore_mem>>)
      %dma_wait3A = arith.constant 0 : i32
      %dma_wait3A_107 = tpu.memref_slice %arg23[%add3A_100, %dma_wait3A] : memref<10240x64xf32, #tpu.memory_space<vmem_shared>> -> memref<320x64xf32, #tpu.memory_space<vmem_shared>>
      %dma_wait3A_108 = arith.constant 0 : i32
      %dma_wait3A_109 = tpu.memref_slice %arg23[%add3A_100, %dma_wait3A_108] : memref<10240x64xf32, #tpu.memory_space<vmem_shared>> -> memref<320x64xf32, #tpu.memory_space<vmem_shared>>
      tpu.wait_dma2 semaphore(%run_scoped3A : memref<!tpu.dma_semaphore, #tpu.memory_space<semaphore_mem>>) src(%dma_wait3A_109 : memref<320x64xf32, #tpu.memory_space<vmem_shared>>) dst(%arg12 : memref<320x64xf32, #tpu.memory_space<vmem>>)
      tpu.yield
    }) : () -> ()
    %add3A_101 = arith.constant 320 : i32
    %add3A_102 = arith.addi %multiple_of3A, %add3A_101 : i32
    "tpu.region"() ({
      %run_scoped3A = tpu.sem_alloc : memref<!tpu.dma_semaphore, #tpu.memory_space<semaphore_mem>>
      %dma_start3A_103 = arith.constant 0 : i32
      %dma_start3A_104 = tpu.memref_slice %arg4[%arg0, %add3A_102, %dma_start3A_103] : memref<2x10240x128xf32, #tpu.memory_space<hbm>> -> memref<1x320x64xf32, #tpu.memory_space<hbm>>
      %dma_start3A_105 = tpu.memref_squeeze %dma_start3A_104 : memref<1x320x64xf32, #tpu.memory_space<hbm>> -> memref<320x64xf32, #tpu.memory_space<hbm>>
      %dma_start3A_106 = arith.constant 0 : i32
      %dma_start3A_107 = tpu.memref_slice %arg4[%arg0, %add3A_102, %dma_start3A_106] : memref<2x10240x128xf32, #tpu.memory_space<hbm>> -> memref<1x320x64xf32, #tpu.memory_space<hbm>>
      %dma_start3A_108 = tpu.memref_squeeze %dma_start3A_107 : memref<1x320x64xf32, #tpu.memory_space<hbm>> -> memref<320x64xf32, #tpu.memory_space<hbm>>
      tpu.enqueue_dma source(%arg12 : memref<320x64xf32, #tpu.memory_space<vmem>>) target(%dma_start3A_108 : memref<320x64xf32, #tpu.memory_space<hbm>>) target_semaphore(%run_scoped3A : memref<!tpu.dma_semaphore, #tpu.memory_space<semaphore_mem>>)
      %dma_wait3A = arith.constant 0 : i32
      %dma_wait3A_109 = tpu.memref_slice %arg4[%arg0, %add3A_102, %dma_wait3A] : memref<2x10240x128xf32, #tpu.memory_space<hbm>> -> memref<1x320x64xf32, #tpu.memory_space<hbm>>
      %dma_wait3A_110 = tpu.memref_squeeze %dma_wait3A_109 : memref<1x320x64xf32, #tpu.memory_space<hbm>> -> memref<320x64xf32, #tpu.memory_space<hbm>>
      %dma_wait3A_111 = arith.constant 0 : i32
      %dma_wait3A_112 = tpu.memref_slice %arg4[%arg0, %add3A_102, %dma_wait3A_111] : memref<2x10240x128xf32, #tpu.memory_space<hbm>> -> memref<1x320x64xf32, #tpu.memory_space<hbm>>
      %dma_wait3A_113 = tpu.memref_squeeze %dma_wait3A_112 : memref<1x320x64xf32, #tpu.memory_space<hbm>> -> memref<320x64xf32, #tpu.memory_space<hbm>>
      tpu.wait_dma2 semaphore(%run_scoped3A : memref<!tpu.dma_semaphore, #tpu.memory_space<semaphore_mem>>) src(%arg12 : memref<320x64xf32, #tpu.memory_space<vmem>>) dst(%dma_wait3A_113 : memref<320x64xf32, #tpu.memory_space<hbm>>)
      tpu.yield
    }) : () -> ()
    return
  }
}

#map = affine_map<(d0, d1) -> (0, 0, 0)>
#map1 = affine_map<(d0, d1) -> (0, 0)>
module attributes {stable_mosaic.version = 14 : i64} {
  func.func @_deg_sc(%arg0: i32, %arg1: i32, %arg2: memref<2x2500x128xi32, #tpu.memory_space<hbm>>, %arg3: memref<2x10240xf32, #tpu.memory_space<hbm>>, %arg4: memref<80x128xi32, #tpu.memory_space<vmem>>, %arg5: memref<128xf32, #tpu.memory_space<vmem>>, %arg6: memref<640xf32, #tpu.memory_space<vmem>>, %arg7: memref<10240xf32, #tpu.memory_space<vmem_shared>>, %arg8: memref<!tpu.dma_semaphore, #tpu.memory_space<semaphore_mem>>) attributes {dimension_semantics = [#tpu.dimension_semantics<core_parallel>, #tpu.dimension_semantics<subcore_parallel>], iteration_bounds = array<i64: 2, 16>, scalar_prefetch = 0 : i64, scratch_operands = 5 : i64, tpu.core_type = #tpu.core_type<sc_vector_subcore>, window_params = [{transform_indices = #map}, {transform_indices = #map1}]} {
    %mul3A = arith.constant 2 : i32
    %mul3A_0 = arith.muli %arg1, %mul3A : i32
    %add3A = arith.addi %mul3A_0, %arg0 : i32
    %mul3A_1 = arith.constant 640 : i32
    %mul3A_2 = arith.muli %arg1, %mul3A_1 : i32
    %multiple_of3A = tpu.assume_multiple %mul3A_2, 8 : i32
    %scan3A = arith.constant 0 : i32
    %scan3A_3 = arith.constant 0 : i32
    %scan3A_4 = arith.constant 40 : i32
    %scan3A_5 = arith.addi %scan3A_3, %scan3A_4 : i32
    %scan3A_6 = arith.constant 1 : i32
    scf.for %scan3A_83 = %scan3A_3 to %scan3A_5 step %scan3A_6  : i32 {
      %broadcast_in_dim3A_84 = arith.constant 0.000000e+00 : f32
      %broadcast_in_dim3A_85 = vector.broadcast %broadcast_in_dim3A_84 : f32 to vector<16xf32>
      %mul3A_86 = arith.constant 16 : i32
      %mul3A_87 = arith.muli %scan3A_83, %mul3A_86 : i32
      %swap3A_88 = arith.index_cast %mul3A_87 : i32 to index
      %swap3A_89 = tpu.vector_load %arg6[%swap3A_88] {strides = array<i32>} : memref<640xf32, #tpu.memory_space<vmem>>, vector<16xf32>,
      %swap3A_90 = vector.shape_cast %swap3A_89 : vector<16xf32> to vector<16xf32>
      %swap3A_91 = vector.shape_cast %broadcast_in_dim3A_85 : vector<16xf32> to vector<16xf32>
      tpu.vector_store %arg6[%swap3A_88], %swap3A_91 {strides = array<i32>} : memref<640xf32, #tpu.memory_space<vmem>>, vector<16xf32>,
    }
    %scan3A_7 = arith.constant 40 : i32
    %broadcast_in_dim3A = arith.constant 1.000000e+00 : f32
    %broadcast_in_dim3A_8 = vector.broadcast %broadcast_in_dim3A : f32 to vector<16xf32>
    %swap3A = arith.constant 0 : index
    %swap3A_9 = tpu.vector_load %arg5[%swap3A] {strides = array<i32>} : memref<128xf32, #tpu.memory_space<vmem>>, vector<16xf32>,
    %swap3A_10 = vector.shape_cast %swap3A_9 : vector<16xf32> to vector<16xf32>
    %swap3A_11 = vector.shape_cast %broadcast_in_dim3A_8 : vector<16xf32> to vector<16xf32>
    tpu.vector_store %arg5[%swap3A], %swap3A_11 {strides = array<i32>} : memref<128xf32, #tpu.memory_space<vmem>>, vector<16xf32>,
    %broadcast_in_dim3A_12 = arith.constant 1.000000e+00 : f32
    %broadcast_in_dim3A_13 = vector.broadcast %broadcast_in_dim3A_12 : f32 to vector<16xf32>
    %swap3A_14 = arith.constant 16 : index
    %swap3A_15 = tpu.vector_load %arg5[%swap3A_14] {strides = array<i32>} : memref<128xf32, #tpu.memory_space<vmem>>, vector<16xf32>,
    %swap3A_16 = vector.shape_cast %swap3A_15 : vector<16xf32> to vector<16xf32>
    %swap3A_17 = vector.shape_cast %broadcast_in_dim3A_13 : vector<16xf32> to vector<16xf32>
    tpu.vector_store %arg5[%swap3A_14], %swap3A_17 {strides = array<i32>} : memref<128xf32, #tpu.memory_space<vmem>>, vector<16xf32>,
    %broadcast_in_dim3A_18 = arith.constant 1.000000e+00 : f32
    %broadcast_in_dim3A_19 = vector.broadcast %broadcast_in_dim3A_18 : f32 to vector<16xf32>
    %swap3A_20 = arith.constant 32 : index
    %swap3A_21 = tpu.vector_load %arg5[%swap3A_20] {strides = array<i32>} : memref<128xf32, #tpu.memory_space<vmem>>, vector<16xf32>,
    %swap3A_22 = vector.shape_cast %swap3A_21 : vector<16xf32> to vector<16xf32>
    %swap3A_23 = vector.shape_cast %broadcast_in_dim3A_19 : vector<16xf32> to vector<16xf32>
    tpu.vector_store %arg5[%swap3A_20], %swap3A_23 {strides = array<i32>} : memref<128xf32, #tpu.memory_space<vmem>>, vector<16xf32>,
    %broadcast_in_dim3A_24 = arith.constant 1.000000e+00 : f32
    %broadcast_in_dim3A_25 = vector.broadcast %broadcast_in_dim3A_24 : f32 to vector<16xf32>
    %swap3A_26 = arith.constant 48 : index
    %swap3A_27 = tpu.vector_load %arg5[%swap3A_26] {strides = array<i32>} : memref<128xf32, #tpu.memory_space<vmem>>, vector<16xf32>,
    %swap3A_28 = vector.shape_cast %swap3A_27 : vector<16xf32> to vector<16xf32>
    %swap3A_29 = vector.shape_cast %broadcast_in_dim3A_25 : vector<16xf32> to vector<16xf32>
    tpu.vector_store %arg5[%swap3A_26], %swap3A_29 {strides = array<i32>} : memref<128xf32, #tpu.memory_space<vmem>>, vector<16xf32>,
    %broadcast_in_dim3A_30 = arith.constant 1.000000e+00 : f32
    %broadcast_in_dim3A_31 = vector.broadcast %broadcast_in_dim3A_30 : f32 to vector<16xf32>
    %swap3A_32 = arith.constant 64 : index
    %swap3A_33 = tpu.vector_load %arg5[%swap3A_32] {strides = array<i32>} : memref<128xf32, #tpu.memory_space<vmem>>, vector<16xf32>,
    %swap3A_34 = vector.shape_cast %swap3A_33 : vector<16xf32> to vector<16xf32>
    %swap3A_35 = vector.shape_cast %broadcast_in_dim3A_31 : vector<16xf32> to vector<16xf32>
    tpu.vector_store %arg5[%swap3A_32], %swap3A_35 {strides = array<i32>} : memref<128xf32, #tpu.memory_space<vmem>>, vector<16xf32>,
    %broadcast_in_dim3A_36 = arith.constant 1.000000e+00 : f32
    %broadcast_in_dim3A_37 = vector.broadcast %broadcast_in_dim3A_36 : f32 to vector<16xf32>
    %swap3A_38 = arith.constant 80 : index
    %swap3A_39 = tpu.vector_load %arg5[%swap3A_38] {strides = array<i32>} : memref<128xf32, #tpu.memory_space<vmem>>, vector<16xf32>,
    %swap3A_40 = vector.shape_cast %swap3A_39 : vector<16xf32> to vector<16xf32>
    %swap3A_41 = vector.shape_cast %broadcast_in_dim3A_37 : vector<16xf32> to vector<16xf32>
    tpu.vector_store %arg5[%swap3A_38], %swap3A_41 {strides = array<i32>} : memref<128xf32, #tpu.memory_space<vmem>>, vector<16xf32>,
    %broadcast_in_dim3A_42 = arith.constant 1.000000e+00 : f32
    %broadcast_in_dim3A_43 = vector.broadcast %broadcast_in_dim3A_42 : f32 to vector<16xf32>
    %swap3A_44 = arith.constant 96 : index
    %swap3A_45 = tpu.vector_load %arg5[%swap3A_44] {strides = array<i32>} : memref<128xf32, #tpu.memory_space<vmem>>, vector<16xf32>,
    %swap3A_46 = vector.shape_cast %swap3A_45 : vector<16xf32> to vector<16xf32>
    %swap3A_47 = vector.shape_cast %broadcast_in_dim3A_43 : vector<16xf32> to vector<16xf32>
    tpu.vector_store %arg5[%swap3A_44], %swap3A_47 {strides = array<i32>} : memref<128xf32, #tpu.memory_space<vmem>>, vector<16xf32>,
    %broadcast_in_dim3A_48 = arith.constant 1.000000e+00 : f32
    %broadcast_in_dim3A_49 = vector.broadcast %broadcast_in_dim3A_48 : f32 to vector<16xf32>
    %swap3A_50 = arith.constant 112 : index
    %swap3A_51 = tpu.vector_load %arg5[%swap3A_50] {strides = array<i32>} : memref<128xf32, #tpu.memory_space<vmem>>, vector<16xf32>,
    %swap3A_52 = vector.shape_cast %swap3A_51 : vector<16xf32> to vector<16xf32>
    %swap3A_53 = vector.shape_cast %broadcast_in_dim3A_49 : vector<16xf32> to vector<16xf32>
    tpu.vector_store %arg5[%swap3A_50], %swap3A_53 {strides = array<i32>} : memref<128xf32, #tpu.memory_space<vmem>>, vector<16xf32>,
    "tpu.region"() ({
      %run_scoped3A = tpu.sem_alloc : memref<!tpu.dma_semaphore, #tpu.memory_space<semaphore_mem>>
      %dma_start3A = tpu.memref_slice %arg7[%multiple_of3A] : memref<10240xf32, #tpu.memory_space<vmem_shared>> -> memref<640xf32, #tpu.memory_space<vmem_shared>>
      %dma_start3A_83 = tpu.memref_slice %arg7[%multiple_of3A] : memref<10240xf32, #tpu.memory_space<vmem_shared>> -> memref<640xf32, #tpu.memory_space<vmem_shared>>
      tpu.enqueue_dma source(%arg6 : memref<640xf32, #tpu.memory_space<vmem>>) target(%dma_start3A_83 : memref<640xf32, #tpu.memory_space<vmem_shared>>) target_semaphore(%run_scoped3A : memref<!tpu.dma_semaphore, #tpu.memory_space<semaphore_mem>>)
      %dma_wait3A = tpu.memref_slice %arg7[%multiple_of3A] : memref<10240xf32, #tpu.memory_space<vmem_shared>> -> memref<640xf32, #tpu.memory_space<vmem_shared>>
      %dma_wait3A_84 = tpu.memref_slice %arg7[%multiple_of3A] : memref<10240xf32, #tpu.memory_space<vmem_shared>> -> memref<640xf32, #tpu.memory_space<vmem_shared>>
      tpu.wait_dma2 semaphore(%run_scoped3A : memref<!tpu.dma_semaphore, #tpu.memory_space<semaphore_mem>>) src(%arg6 : memref<640xf32, #tpu.memory_space<vmem>>) dst(%dma_wait3A_84 : memref<640xf32, #tpu.memory_space<vmem_shared>>)
      tpu.yield
    }) : () -> ()
    %barrier3A = arith.constant 0 : index
    tpu.barrier barrier_id(%barrier3A)
    %eq3A = arith.constant 31 : i32
    %eq3A_54 = arith.cmpi eq, %add3A, %eq3A : i32
    %jit3A = arith.constant 20 : i32
    %jit3A_55 = arith.constant 80 : i32
    %select_n3A = arith.select %eq3A_54, %jit3A, %jit3A_55 : i32
    %lt3A = arith.constant 31 : i32
    %lt3A_56 = arith.cmpi slt, %add3A, %lt3A : i32
    %convert_element_type3A = arith.extui %lt3A_56 : i1 to i32
    %cond3A = arith.constant 0 : i32
    %cond3A_57 = arith.cmpi ne, %convert_element_type3A, %cond3A : i32
    scf.if %cond3A_57 {
      %mul3A_83 = arith.constant 80 : i32
      %mul3A_84 = arith.muli %add3A, %mul3A_83 : i32
      %run_scoped3A = arith.constant 1 : i32
      "tpu.region"() ({
        %run_scoped3A_85 = tpu.sem_alloc : memref<!tpu.dma_semaphore, #tpu.memory_space<semaphore_mem>>
        %dma_start3A = arith.constant 0 : i32
        %dma_start3A_86 = tpu.memref_slice %arg2[%run_scoped3A, %mul3A_84, %dma_start3A] : memref<2x2500x128xi32, #tpu.memory_space<hbm>> -> memref<1x80x128xi32, #tpu.memory_space<hbm>>
        %dma_start3A_87 = tpu.memref_squeeze %dma_start3A_86 : memref<1x80x128xi32, #tpu.memory_space<hbm>> -> memref<80x128xi32, #tpu.memory_space<hbm>>
        %dma_start3A_88 = arith.constant 0 : i32
        %dma_start3A_89 = tpu.memref_slice %arg2[%run_scoped3A, %mul3A_84, %dma_start3A_88] : memref<2x2500x128xi32, #tpu.memory_space<hbm>> -> memref<1x80x128xi32, #tpu.memory_space<hbm>>
        %dma_start3A_90 = tpu.memref_squeeze %dma_start3A_89 : memref<1x80x128xi32, #tpu.memory_space<hbm>> -> memref<80x128xi32, #tpu.memory_space<hbm>>
        tpu.enqueue_dma source(%dma_start3A_90 : memref<80x128xi32, #tpu.memory_space<hbm>>) target(%arg4 : memref<80x128xi32, #tpu.memory_space<vmem>>) target_semaphore(%run_scoped3A_85 : memref<!tpu.dma_semaphore, #tpu.memory_space<semaphore_mem>>)
        %dma_wait3A = arith.constant 0 : i32
        %dma_wait3A_91 = tpu.memref_slice %arg2[%run_scoped3A, %mul3A_84, %dma_wait3A] : memref<2x2500x128xi32, #tpu.memory_space<hbm>> -> memref<1x80x128xi32, #tpu.memory_space<hbm>>
        %dma_wait3A_92 = tpu.memref_squeeze %dma_wait3A_91 : memref<1x80x128xi32, #tpu.memory_space<hbm>> -> memref<80x128xi32, #tpu.memory_space<hbm>>
        %dma_wait3A_93 = arith.constant 0 : i32
        %dma_wait3A_94 = tpu.memref_slice %arg2[%run_scoped3A, %mul3A_84, %dma_wait3A_93] : memref<2x2500x128xi32, #tpu.memory_space<hbm>> -> memref<1x80x128xi32, #tpu.memory_space<hbm>>
        %dma_wait3A_95 = tpu.memref_squeeze %dma_wait3A_94 : memref<1x80x128xi32, #tpu.memory_space<hbm>> -> memref<80x128xi32, #tpu.memory_space<hbm>>
        tpu.wait_dma2 semaphore(%run_scoped3A_85 : memref<!tpu.dma_semaphore, #tpu.memory_space<semaphore_mem>>) src(%dma_wait3A_95 : memref<80x128xi32, #tpu.memory_space<hbm>>) dst(%arg4 : memref<80x128xi32, #tpu.memory_space<vmem>>)
        tpu.yield
      }) : () -> ()
    } else {
    }
    %eq3A_58 = arith.constant 31 : i32
    %eq3A_59 = arith.cmpi eq, %add3A, %eq3A_58 : i32
    %convert_element_type3A_60 = arith.extui %eq3A_59 : i1 to i32
    %cond3A_61 = arith.constant 0 : i32
    %cond3A_62 = arith.cmpi ne, %convert_element_type3A_60, %cond3A_61 : i32
    scf.if %cond3A_62 {
      %run_scoped3A = arith.constant 1 : i32
      "tpu.region"() ({
        %run_scoped3A_83 = tpu.sem_alloc : memref<!tpu.dma_semaphore, #tpu.memory_space<semaphore_mem>>
        %dma_start3A = arith.constant 0 : i32
        %dma_start3A_84 = arith.constant 0 : i32
        %dma_start3A_85 = tpu.memref_slice %arg4[%dma_start3A, %dma_start3A_84] : memref<80x128xi32, #tpu.memory_space<vmem>> -> memref<20x128xi32, #tpu.memory_space<vmem>>
        %dma_start3A_86 = arith.constant 2480 : i32
        %dma_start3A_87 = arith.constant 0 : i32
        %dma_start3A_88 = tpu.memref_slice %arg2[%run_scoped3A, %dma_start3A_86, %dma_start3A_87] : memref<2x2500x128xi32, #tpu.memory_space<hbm>> -> memref<1x20x128xi32, #tpu.memory_space<hbm>>
        %dma_start3A_89 = tpu.memref_squeeze %dma_start3A_88 : memref<1x20x128xi32, #tpu.memory_space<hbm>> -> memref<20x128xi32, #tpu.memory_space<hbm>>
        %dma_start3A_90 = arith.constant 0 : i32
        %dma_start3A_91 = arith.constant 0 : i32
        %dma_start3A_92 = tpu.memref_slice %arg4[%dma_start3A_90, %dma_start3A_91] : memref<80x128xi32, #tpu.memory_space<vmem>> -> memref<20x128xi32, #tpu.memory_space<vmem>>
        %dma_start3A_93 = arith.constant 2480 : i32
        %dma_start3A_94 = arith.constant 0 : i32
        %dma_start3A_95 = tpu.memref_slice %arg2[%run_scoped3A, %dma_start3A_93, %dma_start3A_94] : memref<2x2500x128xi32, #tpu.memory_space<hbm>> -> memref<1x20x128xi32, #tpu.memory_space<hbm>>
        %dma_start3A_96 = tpu.memref_squeeze %dma_start3A_95 : memref<1x20x128xi32, #tpu.memory_space<hbm>> -> memref<20x128xi32, #tpu.memory_space<hbm>>
        tpu.enqueue_dma source(%dma_start3A_96 : memref<20x128xi32, #tpu.memory_space<hbm>>) target(%dma_start3A_92 : memref<20x128xi32, #tpu.memory_space<vmem>>) target_semaphore(%run_scoped3A_83 : memref<!tpu.dma_semaphore, #tpu.memory_space<semaphore_mem>>)
        %dma_wait3A = arith.constant 0 : i32
        %dma_wait3A_97 = arith.constant 0 : i32
        %dma_wait3A_98 = tpu.memref_slice %arg4[%dma_wait3A, %dma_wait3A_97] : memref<80x128xi32, #tpu.memory_space<vmem>> -> memref<20x128xi32, #tpu.memory_space<vmem>>
        %dma_wait3A_99 = arith.constant 2480 : i32
        %dma_wait3A_100 = arith.constant 0 : i32
        %dma_wait3A_101 = tpu.memref_slice %arg2[%run_scoped3A, %dma_wait3A_99, %dma_wait3A_100] : memref<2x2500x128xi32, #tpu.memory_space<hbm>> -> memref<1x20x128xi32, #tpu.memory_space<hbm>>
        %dma_wait3A_102 = tpu.memref_squeeze %dma_wait3A_101 : memref<1x20x128xi32, #tpu.memory_space<hbm>> -> memref<20x128xi32, #tpu.memory_space<hbm>>
        %dma_wait3A_103 = arith.constant 0 : i32
        %dma_wait3A_104 = arith.constant 0 : i32
        %dma_wait3A_105 = tpu.memref_slice %arg4[%dma_wait3A_103, %dma_wait3A_104] : memref<80x128xi32, #tpu.memory_space<vmem>> -> memref<20x128xi32, #tpu.memory_space<vmem>>
        %dma_wait3A_106 = arith.constant 2480 : i32
        %dma_wait3A_107 = arith.constant 0 : i32
        %dma_wait3A_108 = tpu.memref_slice %arg2[%run_scoped3A, %dma_wait3A_106, %dma_wait3A_107] : memref<2x2500x128xi32, #tpu.memory_space<hbm>> -> memref<1x20x128xi32, #tpu.memory_space<hbm>>
        %dma_wait3A_109 = tpu.memref_squeeze %dma_wait3A_108 : memref<1x20x128xi32, #tpu.memory_space<hbm>> -> memref<20x128xi32, #tpu.memory_space<hbm>>
        tpu.wait_dma2 semaphore(%run_scoped3A_83 : memref<!tpu.dma_semaphore, #tpu.memory_space<semaphore_mem>>) src(%dma_wait3A_109 : memref<20x128xi32, #tpu.memory_space<hbm>>) dst(%dma_wait3A_105 : memref<20x128xi32, #tpu.memory_space<vmem>>)
        tpu.yield
      }) : () -> ()
    } else {
    }
    %while3A = arith.constant 0 : i32
    %while3A_63 = arith.constant 0 : i32
    %while3A_64 = arith.subi %select_n3A, %while3A_63 : i32
    %while3A_65 = arith.addi %while3A_63, %while3A_64 : i32
    %while3A_66 = arith.constant 1 : i32
    %while3A_67 = arith.divsi %while3A_64, %while3A_66 : i32
    %while3A_68 = arith.muli %while3A_67, %while3A_66 : i32
    %while3A_69 = arith.addi %while3A_63, %while3A_68 : i32
    %while3A_70 = arith.constant 1 : i32
    scf.for %while3A_83 = %while3A_63 to %while3A_69 step %while3A_70  : i32 {
      %dma_start3A = arith.constant 0 : i32
      %dma_start3A_84 = tpu.memref_slice %arg4[%while3A_83, %dma_start3A] : memref<80x128xi32, #tpu.memory_space<vmem>> -> memref<1x128xi32, #tpu.memory_space<vmem>>
      %dma_start3A_85 = tpu.memref_squeeze %dma_start3A_84 : memref<1x128xi32, #tpu.memory_space<vmem>> -> memref<128xi32, #tpu.memory_space<vmem>>
      %dma_start3A_86 = arith.constant 0 : i32
      %dma_start3A_87 = tpu.memref_slice %arg7[%dma_start3A_86] : memref<10240xf32, #tpu.memory_space<vmem_shared>> -> memref<10240xf32, #tpu.memory_space<vmem_shared>>
      tpu.enqueue_indirect_dma source(%arg5 : memref<128xf32, #tpu.memory_space<vmem>>) target(%dma_start3A_87 : memref<10240xf32, #tpu.memory_space<vmem_shared>>) offsets(%dma_start3A_85 : memref<128xi32, #tpu.memory_space<vmem>>) semaphore(%arg8 : memref<!tpu.dma_semaphore, #tpu.memory_space<semaphore_mem>>) {add = true}
    }
    %while3A_71 = arith.constant 1 : i32
    scf.for %while3A_83 = %while3A_69 to %while3A_65 step %while3A_71  : i32 {
      %dma_start3A = arith.constant 0 : i32
      %dma_start3A_84 = tpu.memref_slice %arg4[%while3A_83, %dma_start3A] : memref<80x128xi32, #tpu.memory_space<vmem>> -> memref<1x128xi32, #tpu.memory_space<vmem>>
      %dma_start3A_85 = tpu.memref_squeeze %dma_start3A_84 : memref<1x128xi32, #tpu.memory_space<vmem>> -> memref<128xi32, #tpu.memory_space<vmem>>
      %dma_start3A_86 = arith.constant 0 : i32
      %dma_start3A_87 = tpu.memref_slice %arg7[%dma_start3A_86] : memref<10240xf32, #tpu.memory_space<vmem_shared>> -> memref<10240xf32, #tpu.memory_space<vmem_shared>>
      tpu.enqueue_indirect_dma source(%arg5 : memref<128xf32, #tpu.memory_space<vmem>>) target(%dma_start3A_87 : memref<10240xf32, #tpu.memory_space<vmem_shared>>) offsets(%dma_start3A_85 : memref<128xi32, #tpu.memory_space<vmem>>) semaphore(%arg8 : memref<!tpu.dma_semaphore, #tpu.memory_space<semaphore_mem>>) {add = true}
    }
    %while3A_72 = arith.constant 0 : i32
    %while3A_73 = arith.constant 0 : i32
    %while3A_74 = arith.subi %select_n3A, %while3A_73 : i32
    %while3A_75 = arith.addi %while3A_73, %while3A_74 : i32
    %while3A_76 = arith.constant 1 : i32
    %while3A_77 = arith.divsi %while3A_74, %while3A_76 : i32
    %while3A_78 = arith.muli %while3A_77, %while3A_76 : i32
    %while3A_79 = arith.addi %while3A_73, %while3A_78 : i32
    %while3A_80 = arith.constant 1 : i32
    scf.for %while3A_83 = %while3A_73 to %while3A_79 step %while3A_80  : i32 {
      %dma_wait3A = arith.constant 0 : i32
      %dma_wait3A_84 = arith.constant 0 : i32
      %dma_wait3A_85 = tpu.memref_slice %arg4[%dma_wait3A, %dma_wait3A_84] : memref<80x128xi32, #tpu.memory_space<vmem>> -> memref<1x128xi32, #tpu.memory_space<vmem>>
      %dma_wait3A_86 = tpu.memref_squeeze %dma_wait3A_85 : memref<1x128xi32, #tpu.memory_space<vmem>> -> memref<128xi32, #tpu.memory_space<vmem>>
      %dma_wait3A_87 = arith.constant 0 : i32
      %dma_wait3A_88 = tpu.memref_slice %arg7[%dma_wait3A_87] : memref<10240xf32, #tpu.memory_space<vmem_shared>> -> memref<10240xf32, #tpu.memory_space<vmem_shared>>
      tpu.wait_indirect_dma semaphore(%arg8 : memref<!tpu.dma_semaphore, #tpu.memory_space<semaphore_mem>>) src(%arg5 : memref<128xf32, #tpu.memory_space<vmem>>) dst(%dma_wait3A_88 : memref<10240xf32, #tpu.memory_space<vmem_shared>>)
    }
    %while3A_81 = arith.constant 1 : i32
    scf.for %while3A_83 = %while3A_79 to %while3A_75 step %while3A_81  : i32 {
      %dma_wait3A = arith.constant 0 : i32
      %dma_wait3A_84 = arith.constant 0 : i32
      %dma_wait3A_85 = tpu.memref_slice %arg4[%dma_wait3A, %dma_wait3A_84] : memref<80x128xi32, #tpu.memory_space<vmem>> -> memref<1x128xi32, #tpu.memory_space<vmem>>
      %dma_wait3A_86 = tpu.memref_squeeze %dma_wait3A_85 : memref<1x128xi32, #tpu.memory_space<vmem>> -> memref<128xi32, #tpu.memory_space<vmem>>
      %dma_wait3A_87 = arith.constant 0 : i32
      %dma_wait3A_88 = tpu.memref_slice %arg7[%dma_wait3A_87] : memref<10240xf32, #tpu.memory_space<vmem_shared>> -> memref<10240xf32, #tpu.memory_space<vmem_shared>>
      tpu.wait_indirect_dma semaphore(%arg8 : memref<!tpu.dma_semaphore, #tpu.memory_space<semaphore_mem>>) src(%arg5 : memref<128xf32, #tpu.memory_space<vmem>>) dst(%dma_wait3A_88 : memref<10240xf32, #tpu.memory_space<vmem_shared>>)
    }
    %barrier3A_82 = arith.constant 0 : index
    tpu.barrier barrier_id(%barrier3A_82)
    "tpu.region"() ({
      %run_scoped3A = tpu.sem_alloc : memref<!tpu.dma_semaphore, #tpu.memory_space<semaphore_mem>>
      %dma_start3A = tpu.memref_slice %arg7[%multiple_of3A] : memref<10240xf32, #tpu.memory_space<vmem_shared>> -> memref<640xf32, #tpu.memory_space<vmem_shared>>
      %dma_start3A_83 = tpu.memref_slice %arg7[%multiple_of3A] : memref<10240xf32, #tpu.memory_space<vmem_shared>> -> memref<640xf32, #tpu.memory_space<vmem_shared>>
      tpu.enqueue_dma source(%dma_start3A_83 : memref<640xf32, #tpu.memory_space<vmem_shared>>) target(%arg6 : memref<640xf32, #tpu.memory_space<vmem>>) target_semaphore(%run_scoped3A : memref<!tpu.dma_semaphore, #tpu.memory_space<semaphore_mem>>)
      %dma_wait3A = tpu.memref_slice %arg7[%multiple_of3A] : memref<10240xf32, #tpu.memory_space<vmem_shared>> -> memref<640xf32, #tpu.memory_space<vmem_shared>>
      %dma_wait3A_84 = tpu.memref_slice %arg7[%multiple_of3A] : memref<10240xf32, #tpu.memory_space<vmem_shared>> -> memref<640xf32, #tpu.memory_space<vmem_shared>>
      tpu.wait_dma2 semaphore(%run_scoped3A : memref<!tpu.dma_semaphore, #tpu.memory_space<semaphore_mem>>) src(%dma_wait3A_84 : memref<640xf32, #tpu.memory_space<vmem_shared>>) dst(%arg6 : memref<640xf32, #tpu.memory_space<vmem>>)
      tpu.yield
    }) : () -> ()
    "tpu.region"() ({
      %run_scoped3A = tpu.sem_alloc : memref<!tpu.dma_semaphore, #tpu.memory_space<semaphore_mem>>
      %dma_start3A = tpu.memref_slice %arg3[%arg0, %multiple_of3A] : memref<2x10240xf32, #tpu.memory_space<hbm>> -> memref<1x640xf32, #tpu.memory_space<hbm>>
      %dma_start3A_83 = tpu.memref_squeeze %dma_start3A : memref<1x640xf32, #tpu.memory_space<hbm>> -> memref<640xf32, #tpu.memory_space<hbm>>
      %dma_start3A_84 = tpu.memref_slice %arg3[%arg0, %multiple_of3A] : memref<2x10240xf32, #tpu.memory_space<hbm>> -> memref<1x640xf32, #tpu.memory_space<hbm>>
      %dma_start3A_85 = tpu.memref_squeeze %dma_start3A_84 : memref<1x640xf32, #tpu.memory_space<hbm>> -> memref<640xf32, #tpu.memory_space<hbm>>
      tpu.enqueue_dma source(%arg6 : memref<640xf32, #tpu.memory_space<vmem>>) target(%dma_start3A_85 : memref<640xf32, #tpu.memory_space<hbm>>) target_semaphore(%run_scoped3A : memref<!tpu.dma_semaphore, #tpu.memory_space<semaphore_mem>>)
      %dma_wait3A = tpu.memref_slice %arg3[%arg0, %multiple_of3A] : memref<2x10240xf32, #tpu.memory_space<hbm>> -> memref<1x640xf32, #tpu.memory_space<hbm>>
      %dma_wait3A_86 = tpu.memref_squeeze %dma_wait3A : memref<1x640xf32, #tpu.memory_space<hbm>> -> memref<640xf32, #tpu.memory_space<hbm>>
      %dma_wait3A_87 = tpu.memref_slice %arg3[%arg0, %multiple_of3A] : memref<2x10240xf32, #tpu.memory_space<hbm>> -> memref<1x640xf32, #tpu.memory_space<hbm>>
      %dma_wait3A_88 = tpu.memref_squeeze %dma_wait3A_87 : memref<1x640xf32, #tpu.memory_space<hbm>> -> memref<640xf32, #tpu.memory_space<hbm>>
      tpu.wait_dma2 semaphore(%run_scoped3A : memref<!tpu.dma_semaphore, #tpu.memory_space<semaphore_mem>>) src(%arg6 : memref<640xf32, #tpu.memory_space<vmem>>) dst(%dma_wait3A_88 : memref<640xf32, #tpu.memory_space<hbm>>)
      tpu.yield
    }) : () -> ()
    return
  }
}

#map = affine_map<(d0, d1) -> (0, 0, 0)>
#map1 = affine_map<(d0, d1) -> (0, 0)>
module attributes {stable_mosaic.version = 14 : i64} {
  func.func @_prop_sc(%arg0: i32, %arg1: i32, %arg2: memref<2x2500x128xi32, #tpu.memory_space<hbm>>, %arg3: memref<20000x64xf32, #tpu.memory_space<hbm>>, %arg4: memref<2x10240x128xf32, #tpu.memory_space<hbm>>, %arg5: memref<80x128xi32, #tpu.memory_space<vmem>>, %arg6: memref<80x128xi32, #tpu.memory_space<vmem>>, %arg7: memref<128x64xf32, #tpu.memory_space<vmem>>, %arg8: memref<128x64xf32, #tpu.memory_space<vmem>>, %arg9: memref<128x64xf32, #tpu.memory_space<vmem>>, %arg10: memref<128x64xf32, #tpu.memory_space<vmem>>, %arg11: memref<128x64xf32, #tpu.memory_space<vmem>>, %arg12: memref<320x64xf32, #tpu.memory_space<vmem>>, %arg13: memref<!tpu.dma_semaphore, #tpu.memory_space<semaphore_mem>>, %arg14: memref<!tpu.dma_semaphore, #tpu.memory_space<semaphore_mem>>, %arg15: memref<!tpu.dma_semaphore, #tpu.memory_space<semaphore_mem>>, %arg16: memref<!tpu.dma_semaphore, #tpu.memory_space<semaphore_mem>>, %arg17: memref<!tpu.dma_semaphore, #tpu.memory_space<semaphore_mem>>, %arg18: memref<!tpu.dma_semaphore, #tpu.memory_space<semaphore_mem>>, %arg19: memref<!tpu.dma_semaphore, #tpu.memory_space<semaphore_mem>>, %arg20: memref<!tpu.dma_semaphore, #tpu.memory_space<semaphore_mem>>, %arg21: memref<!tpu.dma_semaphore, #tpu.memory_space<semaphore_mem>>, %arg22: memref<!tpu.dma_semaphore, #tpu.memory_space<semaphore_mem>>, %arg23: memref<10240x64xf32, #tpu.memory_space<vmem_shared>>) attributes {dimension_semantics = [#tpu.dimension_semantics<core_parallel>, #tpu.dimension_semantics<subcore_parallel>], iteration_bounds = array<i64: 2, 16>, scalar_prefetch = 0 : i64, scratch_operands = 19 : i64, tpu.core_type = #tpu.core_type<sc_vector_subcore>, window_params = [{transform_indices = #map}, {transform_indices = #map1}, {transform_indices = #map}]} {
    %mul3A = arith.constant 2 : i32
    %mul3A_0 = arith.muli %arg1, %mul3A : i32
    %add3A = arith.addi %mul3A_0, %arg0 : i32
    %mul3A_1 = arith.constant 640 : i32
    %mul3A_2 = arith.muli %arg1, %mul3A_1 : i32
    %multiple_of3A = tpu.assume_multiple %mul3A_2, 8 : i32
    %scan3A = arith.constant 0 : i32
    %scan3A_3 = arith.constant 0 : i32
    %scan3A_4 = arith.constant 128 : i32
    %scan3A_5 = arith.addi %scan3A_3, %scan3A_4 : i32
    %scan3A_6 = arith.constant 1 : i32
    scf.for %scan3A_103 = %scan3A_3 to %scan3A_5 step %scan3A_6  : i32 {
      %broadcast_in_dim3A = arith.constant 0.000000e+00 : f32
      %broadcast_in_dim3A_104 = vector.broadcast %broadcast_in_dim3A : f32 to vector<16xf32>
      %swap3A = arith.index_cast %scan3A_103 : i32 to index
      %swap3A_105 = arith.constant 0 : index
      %swap3A_106 = tpu.vector_load %arg7[%swap3A, %swap3A_105] {strides = array<i32>} : memref<128x64xf32, #tpu.memory_space<vmem>>, vector<1x16xf32>,
      %swap3A_107 = vector.shape_cast %swap3A_106 : vector<1x16xf32> to vector<16xf32>
      %swap3A_108 = vector.shape_cast %broadcast_in_dim3A_104 : vector<16xf32> to vector<1x16xf32>
      tpu.vector_store %arg7[%swap3A, %swap3A_105], %swap3A_108 {strides = array<i32>} : memref<128x64xf32, #tpu.memory_space<vmem>>, vector<1x16xf32>,
      %broadcast_in_dim3A_109 = arith.constant 0.000000e+00 : f32
      %broadcast_in_dim3A_110 = vector.broadcast %broadcast_in_dim3A_109 : f32 to vector<16xf32>
      %swap3A_111 = arith.index_cast %scan3A_103 : i32 to index
      %swap3A_112 = arith.constant 16 : index
      %swap3A_113 = tpu.vector_load %arg7[%swap3A_111, %swap3A_112] {strides = array<i32>} : memref<128x64xf32, #tpu.memory_space<vmem>>, vector<1x16xf32>,
      %swap3A_114 = vector.shape_cast %swap3A_113 : vector<1x16xf32> to vector<16xf32>
      %swap3A_115 = vector.shape_cast %broadcast_in_dim3A_110 : vector<16xf32> to vector<1x16xf32>
      tpu.vector_store %arg7[%swap3A_111, %swap3A_112], %swap3A_115 {strides = array<i32>} : memref<128x64xf32, #tpu.memory_space<vmem>>, vector<1x16xf32>,
      %broadcast_in_dim3A_116 = arith.constant 0.000000e+00 : f32
      %broadcast_in_dim3A_117 = vector.broadcast %broadcast_in_dim3A_116 : f32 to vector<16xf32>
      %swap3A_118 = arith.index_cast %scan3A_103 : i32 to index
      %swap3A_119 = arith.constant 32 : index
      %swap3A_120 = tpu.vector_load %arg7[%swap3A_118, %swap3A_119] {strides = array<i32>} : memref<128x64xf32, #tpu.memory_space<vmem>>, vector<1x16xf32>,
      %swap3A_121 = vector.shape_cast %swap3A_120 : vector<1x16xf32> to vector<16xf32>
      %swap3A_122 = vector.shape_cast %broadcast_in_dim3A_117 : vector<16xf32> to vector<1x16xf32>
      tpu.vector_store %arg7[%swap3A_118, %swap3A_119], %swap3A_122 {strides = array<i32>} : memref<128x64xf32, #tpu.memory_space<vmem>>, vector<1x16xf32>,
      %broadcast_in_dim3A_123 = arith.constant 0.000000e+00 : f32
      %broadcast_in_dim3A_124 = vector.broadcast %broadcast_in_dim3A_123 : f32 to vector<16xf32>
      %swap3A_125 = arith.index_cast %scan3A_103 : i32 to index
      %swap3A_126 = arith.constant 48 : index
      %swap3A_127 = tpu.vector_load %arg7[%swap3A_125, %swap3A_126] {strides = array<i32>} : memref<128x64xf32, #tpu.memory_space<vmem>>, vector<1x16xf32>,
      %swap3A_128 = vector.shape_cast %swap3A_127 : vector<1x16xf32> to vector<16xf32>
      %swap3A_129 = vector.shape_cast %broadcast_in_dim3A_124 : vector<16xf32> to vector<1x16xf32>
      tpu.vector_store %arg7[%swap3A_125, %swap3A_126], %swap3A_129 {strides = array<i32>} : memref<128x64xf32, #tpu.memory_space<vmem>>, vector<1x16xf32>,
    }
    %scan3A_7 = arith.constant 128 : i32
    %add3A_8 = arith.constant 0 : i32
    %add3A_9 = arith.addi %multiple_of3A, %add3A_8 : i32
    "tpu.region"() ({
      %run_scoped3A = tpu.sem_alloc : memref<!tpu.dma_semaphore, #tpu.memory_space<semaphore_mem>>
      %dma_start3A_103 = arith.constant 0 : i32
      %dma_start3A_104 = tpu.memref_slice %arg23[%add3A_9, %dma_start3A_103] : memref<10240x64xf32, #tpu.memory_space<vmem_shared>> -> memref<128x64xf32, #tpu.memory_space<vmem_shared>>
      %dma_start3A_105 = arith.constant 0 : i32
      %dma_start3A_106 = tpu.memref_slice %arg23[%add3A_9, %dma_start3A_105] : memref<10240x64xf32, #tpu.memory_space<vmem_shared>> -> memref<128x64xf32, #tpu.memory_space<vmem_shared>>
      tpu.enqueue_dma source(%arg7 : memref<128x64xf32, #tpu.memory_space<vmem>>) target(%dma_start3A_106 : memref<128x64xf32, #tpu.memory_space<vmem_shared>>) target_semaphore(%run_scoped3A : memref<!tpu.dma_semaphore, #tpu.memory_space<semaphore_mem>>)
      %dma_wait3A = arith.constant 0 : i32
      %dma_wait3A_107 = tpu.memref_slice %arg23[%add3A_9, %dma_wait3A] : memref<10240x64xf32, #tpu.memory_space<vmem_shared>> -> memref<128x64xf32, #tpu.memory_space<vmem_shared>>
      %dma_wait3A_108 = arith.constant 0 : i32
      %dma_wait3A_109 = tpu.memref_slice %arg23[%add3A_9, %dma_wait3A_108] : memref<10240x64xf32, #tpu.memory_space<vmem_shared>> -> memref<128x64xf32, #tpu.memory_space<vmem_shared>>
      tpu.wait_dma2 semaphore(%run_scoped3A : memref<!tpu.dma_semaphore, #tpu.memory_space<semaphore_mem>>) src(%arg7 : memref<128x64xf32, #tpu.memory_space<vmem>>) dst(%dma_wait3A_109 : memref<128x64xf32, #tpu.memory_space<vmem_shared>>)
      tpu.yield
    }) : () -> ()
    %add3A_10 = arith.constant 128 : i32
    %add3A_11 = arith.addi %multiple_of3A, %add3A_10 : i32
    "tpu.region"() ({
      %run_scoped3A = tpu.sem_alloc : memref<!tpu.dma_semaphore, #tpu.memory_space<semaphore_mem>>
      %dma_start3A_103 = arith.constant 0 : i32
      %dma_start3A_104 = tpu.memref_slice %arg23[%add3A_11, %dma_start3A_103] : memref<10240x64xf32, #tpu.memory_space<vmem_shared>> -> memref<128x64xf32, #tpu.memory_space<vmem_shared>>
      %dma_start3A_105 = arith.constant 0 : i32
      %dma_start3A_106 = tpu.memref_slice %arg23[%add3A_11, %dma_start3A_105] : memref<10240x64xf32, #tpu.memory_space<vmem_shared>> -> memref<128x64xf32, #tpu.memory_space<vmem_shared>>
      tpu.enqueue_dma source(%arg7 : memref<128x64xf32, #tpu.memory_space<vmem>>) target(%dma_start3A_106 : memref<128x64xf32, #tpu.memory_space<vmem_shared>>) target_semaphore(%run_scoped3A : memref<!tpu.dma_semaphore, #tpu.memory_space<semaphore_mem>>)
      %dma_wait3A = arith.constant 0 : i32
      %dma_wait3A_107 = tpu.memref_slice %arg23[%add3A_11, %dma_wait3A] : memref<10240x64xf32, #tpu.memory_space<vmem_shared>> -> memref<128x64xf32, #tpu.memory_space<vmem_shared>>
      %dma_wait3A_108 = arith.constant 0 : i32
      %dma_wait3A_109 = tpu.memref_slice %arg23[%add3A_11, %dma_wait3A_108] : memref<10240x64xf32, #tpu.memory_space<vmem_shared>> -> memref<128x64xf32, #tpu.memory_space<vmem_shared>>
      tpu.wait_dma2 semaphore(%run_scoped3A : memref<!tpu.dma_semaphore, #tpu.memory_space<semaphore_mem>>) src(%arg7 : memref<128x64xf32, #tpu.memory_space<vmem>>) dst(%dma_wait3A_109 : memref<128x64xf32, #tpu.memory_space<vmem_shared>>)
      tpu.yield
    }) : () -> ()
    %add3A_12 = arith.constant 256 : i32
    %add3A_13 = arith.addi %multiple_of3A, %add3A_12 : i32
    "tpu.region"() ({
      %run_scoped3A = tpu.sem_alloc : memref<!tpu.dma_semaphore, #tpu.memory_space<semaphore_mem>>
      %dma_start3A_103 = arith.constant 0 : i32
      %dma_start3A_104 = tpu.memref_slice %arg23[%add3A_13, %dma_start3A_103] : memref<10240x64xf32, #tpu.memory_space<vmem_shared>> -> memref<128x64xf32, #tpu.memory_space<vmem_shared>>
      %dma_start3A_105 = arith.constant 0 : i32
      %dma_start3A_106 = tpu.memref_slice %arg23[%add3A_13, %dma_start3A_105] : memref<10240x64xf32, #tpu.memory_space<vmem_shared>> -> memref<128x64xf32, #tpu.memory_space<vmem_shared>>
      tpu.enqueue_dma source(%arg7 : memref<128x64xf32, #tpu.memory_space<vmem>>) target(%dma_start3A_106 : memref<128x64xf32, #tpu.memory_space<vmem_shared>>) target_semaphore(%run_scoped3A : memref<!tpu.dma_semaphore, #tpu.memory_space<semaphore_mem>>)
      %dma_wait3A = arith.constant 0 : i32
      %dma_wait3A_107 = tpu.memref_slice %arg23[%add3A_13, %dma_wait3A] : memref<10240x64xf32, #tpu.memory_space<vmem_shared>> -> memref<128x64xf32, #tpu.memory_space<vmem_shared>>
      %dma_wait3A_108 = arith.constant 0 : i32
      %dma_wait3A_109 = tpu.memref_slice %arg23[%add3A_13, %dma_wait3A_108] : memref<10240x64xf32, #tpu.memory_space<vmem_shared>> -> memref<128x64xf32, #tpu.memory_space<vmem_shared>>
      tpu.wait_dma2 semaphore(%run_scoped3A : memref<!tpu.dma_semaphore, #tpu.memory_space<semaphore_mem>>) src(%arg7 : memref<128x64xf32, #tpu.memory_space<vmem>>) dst(%dma_wait3A_109 : memref<128x64xf32, #tpu.memory_space<vmem_shared>>)
      tpu.yield
    }) : () -> ()
    %add3A_14 = arith.constant 384 : i32
    %add3A_15 = arith.addi %multiple_of3A, %add3A_14 : i32
    "tpu.region"() ({
      %run_scoped3A = tpu.sem_alloc : memref<!tpu.dma_semaphore, #tpu.memory_space<semaphore_mem>>
      %dma_start3A_103 = arith.constant 0 : i32
      %dma_start3A_104 = tpu.memref_slice %arg23[%add3A_15, %dma_start3A_103] : memref<10240x64xf32, #tpu.memory_space<vmem_shared>> -> memref<128x64xf32, #tpu.memory_space<vmem_shared>>
      %dma_start3A_105 = arith.constant 0 : i32
      %dma_start3A_106 = tpu.memref_slice %arg23[%add3A_15, %dma_start3A_105] : memref<10240x64xf32, #tpu.memory_space<vmem_shared>> -> memref<128x64xf32, #tpu.memory_space<vmem_shared>>
      tpu.enqueue_dma source(%arg7 : memref<128x64xf32, #tpu.memory_space<vmem>>) target(%dma_start3A_106 : memref<128x64xf32, #tpu.memory_space<vmem_shared>>) target_semaphore(%run_scoped3A : memref<!tpu.dma_semaphore, #tpu.memory_space<semaphore_mem>>)
      %dma_wait3A = arith.constant 0 : i32
      %dma_wait3A_107 = tpu.memref_slice %arg23[%add3A_15, %dma_wait3A] : memref<10240x64xf32, #tpu.memory_space<vmem_shared>> -> memref<128x64xf32, #tpu.memory_space<vmem_shared>>
      %dma_wait3A_108 = arith.constant 0 : i32
      %dma_wait3A_109 = tpu.memref_slice %arg23[%add3A_15, %dma_wait3A_108] : memref<10240x64xf32, #tpu.memory_space<vmem_shared>> -> memref<128x64xf32, #tpu.memory_space<vmem_shared>>
      tpu.wait_dma2 semaphore(%run_scoped3A : memref<!tpu.dma_semaphore, #tpu.memory_space<semaphore_mem>>) src(%arg7 : memref<128x64xf32, #tpu.memory_space<vmem>>) dst(%dma_wait3A_109 : memref<128x64xf32, #tpu.memory_space<vmem_shared>>)
      tpu.yield
    }) : () -> ()
    %add3A_16 = arith.constant 512 : i32
    %add3A_17 = arith.addi %multiple_of3A, %add3A_16 : i32
    "tpu.region"() ({
      %run_scoped3A = tpu.sem_alloc : memref<!tpu.dma_semaphore, #tpu.memory_space<semaphore_mem>>
      %dma_start3A_103 = arith.constant 0 : i32
      %dma_start3A_104 = tpu.memref_slice %arg23[%add3A_17, %dma_start3A_103] : memref<10240x64xf32, #tpu.memory_space<vmem_shared>> -> memref<128x64xf32, #tpu.memory_space<vmem_shared>>
      %dma_start3A_105 = arith.constant 0 : i32
      %dma_start3A_106 = tpu.memref_slice %arg23[%add3A_17, %dma_start3A_105] : memref<10240x64xf32, #tpu.memory_space<vmem_shared>> -> memref<128x64xf32, #tpu.memory_space<vmem_shared>>
      tpu.enqueue_dma source(%arg7 : memref<128x64xf32, #tpu.memory_space<vmem>>) target(%dma_start3A_106 : memref<128x64xf32, #tpu.memory_space<vmem_shared>>) target_semaphore(%run_scoped3A : memref<!tpu.dma_semaphore, #tpu.memory_space<semaphore_mem>>)
      %dma_wait3A = arith.constant 0 : i32
      %dma_wait3A_107 = tpu.memref_slice %arg23[%add3A_17, %dma_wait3A] : memref<10240x64xf32, #tpu.memory_space<vmem_shared>> -> memref<128x64xf32, #tpu.memory_space<vmem_shared>>
      %dma_wait3A_108 = arith.constant 0 : i32
      %dma_wait3A_109 = tpu.memref_slice %arg23[%add3A_17, %dma_wait3A_108] : memref<10240x64xf32, #tpu.memory_space<vmem_shared>> -> memref<128x64xf32, #tpu.memory_space<vmem_shared>>
      tpu.wait_dma2 semaphore(%run_scoped3A : memref<!tpu.dma_semaphore, #tpu.memory_space<semaphore_mem>>) src(%arg7 : memref<128x64xf32, #tpu.memory_space<vmem>>) dst(%dma_wait3A_109 : memref<128x64xf32, #tpu.memory_space<vmem_shared>>)
      tpu.yield
    }) : () -> ()
    %barrier3A = arith.constant 0 : index
    tpu.barrier barrier_id(%barrier3A)
    %eq3A = arith.constant 31 : i32
    %eq3A_18 = arith.cmpi eq, %add3A, %eq3A : i32
    %jit3A = arith.constant 20 : i32
    %jit3A_19 = arith.constant 80 : i32
    %select_n3A = arith.select %eq3A_18, %jit3A, %jit3A_19 : i32
    %lt3A = arith.constant 31 : i32
    %lt3A_20 = arith.cmpi slt, %add3A, %lt3A : i32
    %convert_element_type3A = arith.extui %lt3A_20 : i1 to i32
    %cond3A = arith.constant 0 : i32
    %cond3A_21 = arith.cmpi ne, %convert_element_type3A, %cond3A : i32
    scf.if %cond3A_21 {
      %mul3A_103 = arith.constant 80 : i32
      %mul3A_104 = arith.muli %add3A, %mul3A_103 : i32
      %run_scoped3A = arith.constant 0 : i32
      "tpu.region"() ({
        %run_scoped3A_108 = tpu.sem_alloc : memref<!tpu.dma_semaphore, #tpu.memory_space<semaphore_mem>>
        %dma_start3A_109 = arith.constant 0 : i32
        %dma_start3A_110 = tpu.memref_slice %arg2[%run_scoped3A, %mul3A_104, %dma_start3A_109] : memref<2x2500x128xi32, #tpu.memory_space<hbm>> -> memref<1x80x128xi32, #tpu.memory_space<hbm>>
        %dma_start3A_111 = tpu.memref_squeeze %dma_start3A_110 : memref<1x80x128xi32, #tpu.memory_space<hbm>> -> memref<80x128xi32, #tpu.memory_space<hbm>>
        %dma_start3A_112 = arith.constant 0 : i32
        %dma_start3A_113 = tpu.memref_slice %arg2[%run_scoped3A, %mul3A_104, %dma_start3A_112] : memref<2x2500x128xi32, #tpu.memory_space<hbm>> -> memref<1x80x128xi32, #tpu.memory_space<hbm>>
        %dma_start3A_114 = tpu.memref_squeeze %dma_start3A_113 : memref<1x80x128xi32, #tpu.memory_space<hbm>> -> memref<80x128xi32, #tpu.memory_space<hbm>>
        tpu.enqueue_dma source(%dma_start3A_114 : memref<80x128xi32, #tpu.memory_space<hbm>>) target(%arg5 : memref<80x128xi32, #tpu.memory_space<vmem>>) target_semaphore(%run_scoped3A_108 : memref<!tpu.dma_semaphore, #tpu.memory_space<semaphore_mem>>)
        %dma_wait3A = arith.constant 0 : i32
        %dma_wait3A_115 = tpu.memref_slice %arg2[%run_scoped3A, %mul3A_104, %dma_wait3A] : memref<2x2500x128xi32, #tpu.memory_space<hbm>> -> memref<1x80x128xi32, #tpu.memory_space<hbm>>
        %dma_wait3A_116 = tpu.memref_squeeze %dma_wait3A_115 : memref<1x80x128xi32, #tpu.memory_space<hbm>> -> memref<80x128xi32, #tpu.memory_space<hbm>>
        %dma_wait3A_117 = arith.constant 0 : i32
        %dma_wait3A_118 = tpu.memref_slice %arg2[%run_scoped3A, %mul3A_104, %dma_wait3A_117] : memref<2x2500x128xi32, #tpu.memory_space<hbm>> -> memref<1x80x128xi32, #tpu.memory_space<hbm>>
        %dma_wait3A_119 = tpu.memref_squeeze %dma_wait3A_118 : memref<1x80x128xi32, #tpu.memory_space<hbm>> -> memref<80x128xi32, #tpu.memory_space<hbm>>
        tpu.wait_dma2 semaphore(%run_scoped3A_108 : memref<!tpu.dma_semaphore, #tpu.memory_space<semaphore_mem>>) src(%dma_wait3A_119 : memref<80x128xi32, #tpu.memory_space<hbm>>) dst(%arg5 : memref<80x128xi32, #tpu.memory_space<vmem>>)
        tpu.yield
      }) : () -> ()
      %mul3A_105 = arith.constant 80 : i32
      %mul3A_106 = arith.muli %add3A, %mul3A_105 : i32
      %run_scoped3A_107 = arith.constant 1 : i32
      "tpu.region"() ({
        %run_scoped3A_108 = tpu.sem_alloc : memref<!tpu.dma_semaphore, #tpu.memory_space<semaphore_mem>>
        %dma_start3A_109 = arith.constant 0 : i32
        %dma_start3A_110 = tpu.memref_slice %arg2[%run_scoped3A_107, %mul3A_106, %dma_start3A_109] : memref<2x2500x128xi32, #tpu.memory_space<hbm>> -> memref<1x80x128xi32, #tpu.memory_space<hbm>>
        %dma_start3A_111 = tpu.memref_squeeze %dma_start3A_110 : memref<1x80x128xi32, #tpu.memory_space<hbm>> -> memref<80x128xi32, #tpu.memory_space<hbm>>
        %dma_start3A_112 = arith.constant 0 : i32
        %dma_start3A_113 = tpu.memref_slice %arg2[%run_scoped3A_107, %mul3A_106, %dma_start3A_112] : memref<2x2500x128xi32, #tpu.memory_space<hbm>> -> memref<1x80x128xi32, #tpu.memory_space<hbm>>
        %dma_start3A_114 = tpu.memref_squeeze %dma_start3A_113 : memref<1x80x128xi32, #tpu.memory_space<hbm>> -> memref<80x128xi32, #tpu.memory_space<hbm>>
        tpu.enqueue_dma source(%dma_start3A_114 : memref<80x128xi32, #tpu.memory_space<hbm>>) target(%arg6 : memref<80x128xi32, #tpu.memory_space<vmem>>) target_semaphore(%run_scoped3A_108 : memref<!tpu.dma_semaphore, #tpu.memory_space<semaphore_mem>>)
        %dma_wait3A = arith.constant 0 : i32
        %dma_wait3A_115 = tpu.memref_slice %arg2[%run_scoped3A_107, %mul3A_106, %dma_wait3A] : memref<2x2500x128xi32, #tpu.memory_space<hbm>> -> memref<1x80x128xi32, #tpu.memory_space<hbm>>
        %dma_wait3A_116 = tpu.memref_squeeze %dma_wait3A_115 : memref<1x80x128xi32, #tpu.memory_space<hbm>> -> memref<80x128xi32, #tpu.memory_space<hbm>>
        %dma_wait3A_117 = arith.constant 0 : i32
        %dma_wait3A_118 = tpu.memref_slice %arg2[%run_scoped3A_107, %mul3A_106, %dma_wait3A_117] : memref<2x2500x128xi32, #tpu.memory_space<hbm>> -> memref<1x80x128xi32, #tpu.memory_space<hbm>>
        %dma_wait3A_119 = tpu.memref_squeeze %dma_wait3A_118 : memref<1x80x128xi32, #tpu.memory_space<hbm>> -> memref<80x128xi32, #tpu.memory_space<hbm>>
        tpu.wait_dma2 semaphore(%run_scoped3A_108 : memref<!tpu.dma_semaphore, #tpu.memory_space<semaphore_mem>>) src(%dma_wait3A_119 : memref<80x128xi32, #tpu.memory_space<hbm>>) dst(%arg6 : memref<80x128xi32, #tpu.memory_space<vmem>>)
        tpu.yield
      }) : () -> ()
    } else {
    }
    %eq3A_22 = arith.constant 31 : i32
    %eq3A_23 = arith.cmpi eq, %add3A, %eq3A_22 : i32
    %convert_element_type3A_24 = arith.extui %eq3A_23 : i1 to i32
    %cond3A_25 = arith.constant 0 : i32
    %cond3A_26 = arith.cmpi ne, %convert_element_type3A_24, %cond3A_25 : i32
    scf.if %cond3A_26 {
      %run_scoped3A = arith.constant 0 : i32
      "tpu.region"() ({
        %run_scoped3A_104 = tpu.sem_alloc : memref<!tpu.dma_semaphore, #tpu.memory_space<semaphore_mem>>
        %dma_start3A_105 = arith.constant 0 : i32
        %dma_start3A_106 = arith.constant 0 : i32
        %dma_start3A_107 = tpu.memref_slice %arg5[%dma_start3A_105, %dma_start3A_106] : memref<80x128xi32, #tpu.memory_space<vmem>> -> memref<20x128xi32, #tpu.memory_space<vmem>>
        %dma_start3A_108 = arith.constant 2480 : i32
        %dma_start3A_109 = arith.constant 0 : i32
        %dma_start3A_110 = tpu.memref_slice %arg2[%run_scoped3A, %dma_start3A_108, %dma_start3A_109] : memref<2x2500x128xi32, #tpu.memory_space<hbm>> -> memref<1x20x128xi32, #tpu.memory_space<hbm>>
        %dma_start3A_111 = tpu.memref_squeeze %dma_start3A_110 : memref<1x20x128xi32, #tpu.memory_space<hbm>> -> memref<20x128xi32, #tpu.memory_space<hbm>>
        %dma_start3A_112 = arith.constant 0 : i32
        %dma_start3A_113 = arith.constant 0 : i32
        %dma_start3A_114 = tpu.memref_slice %arg5[%dma_start3A_112, %dma_start3A_113] : memref<80x128xi32, #tpu.memory_space<vmem>> -> memref<20x128xi32, #tpu.memory_space<vmem>>
        %dma_start3A_115 = arith.constant 2480 : i32
        %dma_start3A_116 = arith.constant 0 : i32
        %dma_start3A_117 = tpu.memref_slice %arg2[%run_scoped3A, %dma_start3A_115, %dma_start3A_116] : memref<2x2500x128xi32, #tpu.memory_space<hbm>> -> memref<1x20x128xi32, #tpu.memory_space<hbm>>
        %dma_start3A_118 = tpu.memref_squeeze %dma_start3A_117 : memref<1x20x128xi32, #tpu.memory_space<hbm>> -> memref<20x128xi32, #tpu.memory_space<hbm>>
        tpu.enqueue_dma source(%dma_start3A_118 : memref<20x128xi32, #tpu.memory_space<hbm>>) target(%dma_start3A_114 : memref<20x128xi32, #tpu.memory_space<vmem>>) target_semaphore(%run_scoped3A_104 : memref<!tpu.dma_semaphore, #tpu.memory_space<semaphore_mem>>)
        %dma_wait3A = arith.constant 0 : i32
        %dma_wait3A_119 = arith.constant 0 : i32
        %dma_wait3A_120 = tpu.memref_slice %arg5[%dma_wait3A, %dma_wait3A_119] : memref<80x128xi32, #tpu.memory_space<vmem>> -> memref<20x128xi32, #tpu.memory_space<vmem>>
        %dma_wait3A_121 = arith.constant 2480 : i32
        %dma_wait3A_122 = arith.constant 0 : i32
        %dma_wait3A_123 = tpu.memref_slice %arg2[%run_scoped3A, %dma_wait3A_121, %dma_wait3A_122] : memref<2x2500x128xi32, #tpu.memory_space<hbm>> -> memref<1x20x128xi32, #tpu.memory_space<hbm>>
        %dma_wait3A_124 = tpu.memref_squeeze %dma_wait3A_123 : memref<1x20x128xi32, #tpu.memory_space<hbm>> -> memref<20x128xi32, #tpu.memory_space<hbm>>
        %dma_wait3A_125 = arith.constant 0 : i32
        %dma_wait3A_126 = arith.constant 0 : i32
        %dma_wait3A_127 = tpu.memref_slice %arg5[%dma_wait3A_125, %dma_wait3A_126] : memref<80x128xi32, #tpu.memory_space<vmem>> -> memref<20x128xi32, #tpu.memory_space<vmem>>
        %dma_wait3A_128 = arith.constant 2480 : i32
        %dma_wait3A_129 = arith.constant 0 : i32
        %dma_wait3A_130 = tpu.memref_slice %arg2[%run_scoped3A, %dma_wait3A_128, %dma_wait3A_129] : memref<2x2500x128xi32, #tpu.memory_space<hbm>> -> memref<1x20x128xi32, #tpu.memory_space<hbm>>
        %dma_wait3A_131 = tpu.memref_squeeze %dma_wait3A_130 : memref<1x20x128xi32, #tpu.memory_space<hbm>> -> memref<20x128xi32, #tpu.memory_space<hbm>>
        tpu.wait_dma2 semaphore(%run_scoped3A_104 : memref<!tpu.dma_semaphore, #tpu.memory_space<semaphore_mem>>) src(%dma_wait3A_131 : memref<20x128xi32, #tpu.memory_space<hbm>>) dst(%dma_wait3A_127 : memref<20x128xi32, #tpu.memory_space<vmem>>)
        tpu.yield
      }) : () -> ()
      %run_scoped3A_103 = arith.constant 1 : i32
      "tpu.region"() ({
        %run_scoped3A_104 = tpu.sem_alloc : memref<!tpu.dma_semaphore, #tpu.memory_space<semaphore_mem>>
        %dma_start3A_105 = arith.constant 0 : i32
        %dma_start3A_106 = arith.constant 0 : i32
        %dma_start3A_107 = tpu.memref_slice %arg6[%dma_start3A_105, %dma_start3A_106] : memref<80x128xi32, #tpu.memory_space<vmem>> -> memref<20x128xi32, #tpu.memory_space<vmem>>
        %dma_start3A_108 = arith.constant 2480 : i32
        %dma_start3A_109 = arith.constant 0 : i32
        %dma_start3A_110 = tpu.memref_slice %arg2[%run_scoped3A_103, %dma_start3A_108, %dma_start3A_109] : memref<2x2500x128xi32, #tpu.memory_space<hbm>> -> memref<1x20x128xi32, #tpu.memory_space<hbm>>
        %dma_start3A_111 = tpu.memref_squeeze %dma_start3A_110 : memref<1x20x128xi32, #tpu.memory_space<hbm>> -> memref<20x128xi32, #tpu.memory_space<hbm>>
        %dma_start3A_112 = arith.constant 0 : i32
        %dma_start3A_113 = arith.constant 0 : i32
        %dma_start3A_114 = tpu.memref_slice %arg6[%dma_start3A_112, %dma_start3A_113] : memref<80x128xi32, #tpu.memory_space<vmem>> -> memref<20x128xi32, #tpu.memory_space<vmem>>
        %dma_start3A_115 = arith.constant 2480 : i32
        %dma_start3A_116 = arith.constant 0 : i32
        %dma_start3A_117 = tpu.memref_slice %arg2[%run_scoped3A_103, %dma_start3A_115, %dma_start3A_116] : memref<2x2500x128xi32, #tpu.memory_space<hbm>> -> memref<1x20x128xi32, #tpu.memory_space<hbm>>
        %dma_start3A_118 = tpu.memref_squeeze %dma_start3A_117 : memref<1x20x128xi32, #tpu.memory_space<hbm>> -> memref<20x128xi32, #tpu.memory_space<hbm>>
        tpu.enqueue_dma source(%dma_start3A_118 : memref<20x128xi32, #tpu.memory_space<hbm>>) target(%dma_start3A_114 : memref<20x128xi32, #tpu.memory_space<vmem>>) target_semaphore(%run_scoped3A_104 : memref<!tpu.dma_semaphore, #tpu.memory_space<semaphore_mem>>)
        %dma_wait3A = arith.constant 0 : i32
        %dma_wait3A_119 = arith.constant 0 : i32
        %dma_wait3A_120 = tpu.memref_slice %arg6[%dma_wait3A, %dma_wait3A_119] : memref<80x128xi32, #tpu.memory_space<vmem>> -> memref<20x128xi32, #tpu.memory_space<vmem>>
        %dma_wait3A_121 = arith.constant 2480 : i32
        %dma_wait3A_122 = arith.constant 0 : i32
        %dma_wait3A_123 = tpu.memref_slice %arg2[%run_scoped3A_103, %dma_wait3A_121, %dma_wait3A_122] : memref<2x2500x128xi32, #tpu.memory_space<hbm>> -> memref<1x20x128xi32, #tpu.memory_space<hbm>>
        %dma_wait3A_124 = tpu.memref_squeeze %dma_wait3A_123 : memref<1x20x128xi32, #tpu.memory_space<hbm>> -> memref<20x128xi32, #tpu.memory_space<hbm>>
        %dma_wait3A_125 = arith.constant 0 : i32
        %dma_wait3A_126 = arith.constant 0 : i32
        %dma_wait3A_127 = tpu.memref_slice %arg6[%dma_wait3A_125, %dma_wait3A_126] : memref<80x128xi32, #tpu.memory_space<vmem>> -> memref<20x128xi32, #tpu.memory_space<vmem>>
        %dma_wait3A_128 = arith.constant 2480 : i32
        %dma_wait3A_129 = arith.constant 0 : i32
        %dma_wait3A_130 = tpu.memref_slice %arg2[%run_scoped3A_103, %dma_wait3A_128, %dma_wait3A_129] : memref<2x2500x128xi32, #tpu.memory_space<hbm>> -> memref<1x20x128xi32, #tpu.memory_space<hbm>>
        %dma_wait3A_131 = tpu.memref_squeeze %dma_wait3A_130 : memref<1x20x128xi32, #tpu.memory_space<hbm>> -> memref<20x128xi32, #tpu.memory_space<hbm>>
        tpu.wait_dma2 semaphore(%run_scoped3A_104 : memref<!tpu.dma_semaphore, #tpu.memory_space<semaphore_mem>>) src(%dma_wait3A_131 : memref<20x128xi32, #tpu.memory_space<hbm>>) dst(%dma_wait3A_127 : memref<20x128xi32, #tpu.memory_space<vmem>>)
        tpu.yield
      }) : () -> ()
    } else {
    }
    %scan3A_27 = arith.constant 0 : i32
    %scan3A_28 = arith.constant 0 : i32
    %scan3A_29 = arith.constant 80 : i32
    %scan3A_30 = arith.addi %scan3A_28, %scan3A_29 : i32
    %scan3A_31 = arith.constant 1 : i32
    scf.for %scan3A_103 = %scan3A_28 to %scan3A_30 step %scan3A_31  : i32 {
      %get3A = arith.index_cast %scan3A_103 : i32 to index
      %get3A_104 = arith.constant 0 : index
      %get3A_105 = tpu.vector_load %arg5[%get3A, %get3A_104] {strides = array<i32>} : memref<80x128xi32, #tpu.memory_space<vmem>>, vector<1x16xi32>,
      %get3A_106 = vector.shape_cast %get3A_105 : vector<1x16xi32> to vector<16xi32>
      %mul3A_107 = arith.constant 2 : i32
      %mul3A_108 = vector.broadcast %mul3A_107 : i32 to vector<16xi32>
      %mul3A_109 = arith.muli %get3A_106, %mul3A_108 : vector<16xi32>
      %add3A_110 = arith.constant 0 : i32
      %add3A_111 = vector.broadcast %add3A_110 : i32 to vector<16xi32>
      %add3A_112 = arith.addi %mul3A_109, %add3A_111 : vector<16xi32>
      %swap3A = arith.index_cast %scan3A_103 : i32 to index
      %swap3A_113 = arith.constant 0 : index
      %swap3A_114 = tpu.vector_load %arg5[%swap3A, %swap3A_113] {strides = array<i32>} : memref<80x128xi32, #tpu.memory_space<vmem>>, vector<1x16xi32>,
      %swap3A_115 = vector.shape_cast %swap3A_114 : vector<1x16xi32> to vector<16xi32>
      %swap3A_116 = vector.shape_cast %add3A_112 : vector<16xi32> to vector<1x16xi32>
      tpu.vector_store %arg5[%swap3A, %swap3A_113], %swap3A_116 {strides = array<i32>} : memref<80x128xi32, #tpu.memory_space<vmem>>, vector<1x16xi32>,
      %get3A_117 = arith.index_cast %scan3A_103 : i32 to index
      %get3A_118 = arith.constant 16 : index
      %get3A_119 = tpu.vector_load %arg5[%get3A_117, %get3A_118] {strides = array<i32>} : memref<80x128xi32, #tpu.memory_space<vmem>>, vector<1x16xi32>,
      %get3A_120 = vector.shape_cast %get3A_119 : vector<1x16xi32> to vector<16xi32>
      %mul3A_121 = arith.constant 2 : i32
      %mul3A_122 = vector.broadcast %mul3A_121 : i32 to vector<16xi32>
      %mul3A_123 = arith.muli %get3A_120, %mul3A_122 : vector<16xi32>
      %add3A_124 = arith.constant 0 : i32
      %add3A_125 = vector.broadcast %add3A_124 : i32 to vector<16xi32>
      %add3A_126 = arith.addi %mul3A_123, %add3A_125 : vector<16xi32>
      %swap3A_127 = arith.index_cast %scan3A_103 : i32 to index
      %swap3A_128 = arith.constant 16 : index
      %swap3A_129 = tpu.vector_load %arg5[%swap3A_127, %swap3A_128] {strides = array<i32>} : memref<80x128xi32, #tpu.memory_space<vmem>>, vector<1x16xi32>,
      %swap3A_130 = vector.shape_cast %swap3A_129 : vector<1x16xi32> to vector<16xi32>
      %swap3A_131 = vector.shape_cast %add3A_126 : vector<16xi32> to vector<1x16xi32>
      tpu.vector_store %arg5[%swap3A_127, %swap3A_128], %swap3A_131 {strides = array<i32>} : memref<80x128xi32, #tpu.memory_space<vmem>>, vector<1x16xi32>,
      %get3A_132 = arith.index_cast %scan3A_103 : i32 to index
      %get3A_133 = arith.constant 32 : index
      %get3A_134 = tpu.vector_load %arg5[%get3A_132, %get3A_133] {strides = array<i32>} : memref<80x128xi32, #tpu.memory_space<vmem>>, vector<1x16xi32>,
      %get3A_135 = vector.shape_cast %get3A_134 : vector<1x16xi32> to vector<16xi32>
      %mul3A_136 = arith.constant 2 : i32
      %mul3A_137 = vector.broadcast %mul3A_136 : i32 to vector<16xi32>
      %mul3A_138 = arith.muli %get3A_135, %mul3A_137 : vector<16xi32>
      %add3A_139 = arith.constant 0 : i32
      %add3A_140 = vector.broadcast %add3A_139 : i32 to vector<16xi32>
      %add3A_141 = arith.addi %mul3A_138, %add3A_140 : vector<16xi32>
      %swap3A_142 = arith.index_cast %scan3A_103 : i32 to index
      %swap3A_143 = arith.constant 32 : index
      %swap3A_144 = tpu.vector_load %arg5[%swap3A_142, %swap3A_143] {strides = array<i32>} : memref<80x128xi32, #tpu.memory_space<vmem>>, vector<1x16xi32>,
      %swap3A_145 = vector.shape_cast %swap3A_144 : vector<1x16xi32> to vector<16xi32>
      %swap3A_146 = vector.shape_cast %add3A_141 : vector<16xi32> to vector<1x16xi32>
      tpu.vector_store %arg5[%swap3A_142, %swap3A_143], %swap3A_146 {strides = array<i32>} : memref<80x128xi32, #tpu.memory_space<vmem>>, vector<1x16xi32>,
      %get3A_147 = arith.index_cast %scan3A_103 : i32 to index
      %get3A_148 = arith.constant 48 : index
      %get3A_149 = tpu.vector_load %arg5[%get3A_147, %get3A_148] {strides = array<i32>} : memref<80x128xi32, #tpu.memory_space<vmem>>, vector<1x16xi32>,
      %get3A_150 = vector.shape_cast %get3A_149 : vector<1x16xi32> to vector<16xi32>
      %mul3A_151 = arith.constant 2 : i32
      %mul3A_152 = vector.broadcast %mul3A_151 : i32 to vector<16xi32>
      %mul3A_153 = arith.muli %get3A_150, %mul3A_152 : vector<16xi32>
      %add3A_154 = arith.constant 0 : i32
      %add3A_155 = vector.broadcast %add3A_154 : i32 to vector<16xi32>
      %add3A_156 = arith.addi %mul3A_153, %add3A_155 : vector<16xi32>
      %swap3A_157 = arith.index_cast %scan3A_103 : i32 to index
      %swap3A_158 = arith.constant 48 : index
      %swap3A_159 = tpu.vector_load %arg5[%swap3A_157, %swap3A_158] {strides = array<i32>} : memref<80x128xi32, #tpu.memory_space<vmem>>, vector<1x16xi32>,
      %swap3A_160 = vector.shape_cast %swap3A_159 : vector<1x16xi32> to vector<16xi32>
      %swap3A_161 = vector.shape_cast %add3A_156 : vector<16xi32> to vector<1x16xi32>
      tpu.vector_store %arg5[%swap3A_157, %swap3A_158], %swap3A_161 {strides = array<i32>} : memref<80x128xi32, #tpu.memory_space<vmem>>, vector<1x16xi32>,
      %get3A_162 = arith.index_cast %scan3A_103 : i32 to index
      %get3A_163 = arith.constant 64 : index
      %get3A_164 = tpu.vector_load %arg5[%get3A_162, %get3A_163] {strides = array<i32>} : memref<80x128xi32, #tpu.memory_space<vmem>>, vector<1x16xi32>,
      %get3A_165 = vector.shape_cast %get3A_164 : vector<1x16xi32> to vector<16xi32>
      %mul3A_166 = arith.constant 2 : i32
      %mul3A_167 = vector.broadcast %mul3A_166 : i32 to vector<16xi32>
      %mul3A_168 = arith.muli %get3A_165, %mul3A_167 : vector<16xi32>
      %add3A_169 = arith.constant 0 : i32
      %add3A_170 = vector.broadcast %add3A_169 : i32 to vector<16xi32>
      %add3A_171 = arith.addi %mul3A_168, %add3A_170 : vector<16xi32>
      %swap3A_172 = arith.index_cast %scan3A_103 : i32 to index
      %swap3A_173 = arith.constant 64 : index
      %swap3A_174 = tpu.vector_load %arg5[%swap3A_172, %swap3A_173] {strides = array<i32>} : memref<80x128xi32, #tpu.memory_space<vmem>>, vector<1x16xi32>,
      %swap3A_175 = vector.shape_cast %swap3A_174 : vector<1x16xi32> to vector<16xi32>
      %swap3A_176 = vector.shape_cast %add3A_171 : vector<16xi32> to vector<1x16xi32>
      tpu.vector_store %arg5[%swap3A_172, %swap3A_173], %swap3A_176 {strides = array<i32>} : memref<80x128xi32, #tpu.memory_space<vmem>>, vector<1x16xi32>,
      %get3A_177 = arith.index_cast %scan3A_103 : i32 to index
      %get3A_178 = arith.constant 80 : index
      %get3A_179 = tpu.vector_load %arg5[%get3A_177, %get3A_178] {strides = array<i32>} : memref<80x128xi32, #tpu.memory_space<vmem>>, vector<1x16xi32>,
      %get3A_180 = vector.shape_cast %get3A_179 : vector<1x16xi32> to vector<16xi32>
      %mul3A_181 = arith.constant 2 : i32
      %mul3A_182 = vector.broadcast %mul3A_181 : i32 to vector<16xi32>
      %mul3A_183 = arith.muli %get3A_180, %mul3A_182 : vector<16xi32>
      %add3A_184 = arith.constant 0 : i32
      %add3A_185 = vector.broadcast %add3A_184 : i32 to vector<16xi32>
      %add3A_186 = arith.addi %mul3A_183, %add3A_185 : vector<16xi32>
      %swap3A_187 = arith.index_cast %scan3A_103 : i32 to index
      %swap3A_188 = arith.constant 80 : index
      %swap3A_189 = tpu.vector_load %arg5[%swap3A_187, %swap3A_188] {strides = array<i32>} : memref<80x128xi32, #tpu.memory_space<vmem>>, vector<1x16xi32>,
      %swap3A_190 = vector.shape_cast %swap3A_189 : vector<1x16xi32> to vector<16xi32>
      %swap3A_191 = vector.shape_cast %add3A_186 : vector<16xi32> to vector<1x16xi32>
      tpu.vector_store %arg5[%swap3A_187, %swap3A_188], %swap3A_191 {strides = array<i32>} : memref<80x128xi32, #tpu.memory_space<vmem>>, vector<1x16xi32>,
      %get3A_192 = arith.index_cast %scan3A_103 : i32 to index
      %get3A_193 = arith.constant 96 : index
      %get3A_194 = tpu.vector_load %arg5[%get3A_192, %get3A_193] {strides = array<i32>} : memref<80x128xi32, #tpu.memory_space<vmem>>, vector<1x16xi32>,
      %get3A_195 = vector.shape_cast %get3A_194 : vector<1x16xi32> to vector<16xi32>
      %mul3A_196 = arith.constant 2 : i32
      %mul3A_197 = vector.broadcast %mul3A_196 : i32 to vector<16xi32>
      %mul3A_198 = arith.muli %get3A_195, %mul3A_197 : vector<16xi32>
      %add3A_199 = arith.constant 0 : i32
      %add3A_200 = vector.broadcast %add3A_199 : i32 to vector<16xi32>
      %add3A_201 = arith.addi %mul3A_198, %add3A_200 : vector<16xi32>
      %swap3A_202 = arith.index_cast %scan3A_103 : i32 to index
      %swap3A_203 = arith.constant 96 : index
      %swap3A_204 = tpu.vector_load %arg5[%swap3A_202, %swap3A_203] {strides = array<i32>} : memref<80x128xi32, #tpu.memory_space<vmem>>, vector<1x16xi32>,
      %swap3A_205 = vector.shape_cast %swap3A_204 : vector<1x16xi32> to vector<16xi32>
      %swap3A_206 = vector.shape_cast %add3A_201 : vector<16xi32> to vector<1x16xi32>
      tpu.vector_store %arg5[%swap3A_202, %swap3A_203], %swap3A_206 {strides = array<i32>} : memref<80x128xi32, #tpu.memory_space<vmem>>, vector<1x16xi32>,
      %get3A_207 = arith.index_cast %scan3A_103 : i32 to index
      %get3A_208 = arith.constant 112 : index
      %get3A_209 = tpu.vector_load %arg5[%get3A_207, %get3A_208] {strides = array<i32>} : memref<80x128xi32, #tpu.memory_space<vmem>>, vector<1x16xi32>,
      %get3A_210 = vector.shape_cast %get3A_209 : vector<1x16xi32> to vector<16xi32>
      %mul3A_211 = arith.constant 2 : i32
      %mul3A_212 = vector.broadcast %mul3A_211 : i32 to vector<16xi32>
      %mul3A_213 = arith.muli %get3A_210, %mul3A_212 : vector<16xi32>
      %add3A_214 = arith.constant 0 : i32
      %add3A_215 = vector.broadcast %add3A_214 : i32 to vector<16xi32>
      %add3A_216 = arith.addi %mul3A_213, %add3A_215 : vector<16xi32>
      %swap3A_217 = arith.index_cast %scan3A_103 : i32 to index
      %swap3A_218 = arith.constant 112 : index
      %swap3A_219 = tpu.vector_load %arg5[%swap3A_217, %swap3A_218] {strides = array<i32>} : memref<80x128xi32, #tpu.memory_space<vmem>>, vector<1x16xi32>,
      %swap3A_220 = vector.shape_cast %swap3A_219 : vector<1x16xi32> to vector<16xi32>
      %swap3A_221 = vector.shape_cast %add3A_216 : vector<16xi32> to vector<1x16xi32>
      tpu.vector_store %arg5[%swap3A_217, %swap3A_218], %swap3A_221 {strides = array<i32>} : memref<80x128xi32, #tpu.memory_space<vmem>>, vector<1x16xi32>,
    }
    %scan3A_32 = arith.constant 80 : i32
    %dma_start3A = arith.constant 0 : i32
    %dma_start3A_33 = arith.constant 0 : i32
    %dma_start3A_34 = tpu.memref_slice %arg5[%dma_start3A, %dma_start3A_33] : memref<80x128xi32, #tpu.memory_space<vmem>> -> memref<1x128xi32, #tpu.memory_space<vmem>>
    %dma_start3A_35 = tpu.memref_squeeze %dma_start3A_34 : memref<1x128xi32, #tpu.memory_space<vmem>> -> memref<128xi32, #tpu.memory_space<vmem>>
    %dma_start3A_36 = arith.constant 0 : i32
    %dma_start3A_37 = arith.constant 0 : i32
    %dma_start3A_38 = tpu.memref_slice %arg3[%dma_start3A_36, %dma_start3A_37] : memref<20000x64xf32, #tpu.memory_space<hbm>> -> memref<20000x64xf32, #tpu.memory_space<hbm>>
    tpu.enqueue_indirect_dma source(%dma_start3A_38 : memref<20000x64xf32, #tpu.memory_space<hbm>>) target(%arg7 : memref<128x64xf32, #tpu.memory_space<vmem>>) offsets(%dma_start3A_35 : memref<128xi32, #tpu.memory_space<vmem>>) semaphore(%arg13 : memref<!tpu.dma_semaphore, #tpu.memory_space<semaphore_mem>>)
    %dma_start3A_39 = arith.constant 1 : i32
    %dma_start3A_40 = arith.constant 0 : i32
    %dma_start3A_41 = tpu.memref_slice %arg5[%dma_start3A_39, %dma_start3A_40] : memref<80x128xi32, #tpu.memory_space<vmem>> -> memref<1x128xi32, #tpu.memory_space<vmem>>
    %dma_start3A_42 = tpu.memref_squeeze %dma_start3A_41 : memref<1x128xi32, #tpu.memory_space<vmem>> -> memref<128xi32, #tpu.memory_space<vmem>>
    %dma_start3A_43 = arith.constant 0 : i32
    %dma_start3A_44 = arith.constant 0 : i32
    %dma_start3A_45 = tpu.memref_slice %arg3[%dma_start3A_43, %dma_start3A_44] : memref<20000x64xf32, #tpu.memory_space<hbm>> -> memref<20000x64xf32, #tpu.memory_space<hbm>>
    tpu.enqueue_indirect_dma source(%dma_start3A_45 : memref<20000x64xf32, #tpu.memory_space<hbm>>) target(%arg8 : memref<128x64xf32, #tpu.memory_space<vmem>>) offsets(%dma_start3A_42 : memref<128xi32, #tpu.memory_space<vmem>>) semaphore(%arg14 : memref<!tpu.dma_semaphore, #tpu.memory_space<semaphore_mem>>)
    %dma_start3A_46 = arith.constant 2 : i32
    %dma_start3A_47 = arith.constant 0 : i32
    %dma_start3A_48 = tpu.memref_slice %arg5[%dma_start3A_46, %dma_start3A_47] : memref<80x128xi32, #tpu.memory_space<vmem>> -> memref<1x128xi32, #tpu.memory_space<vmem>>
    %dma_start3A_49 = tpu.memref_squeeze %dma_start3A_48 : memref<1x128xi32, #tpu.memory_space<vmem>> -> memref<128xi32, #tpu.memory_space<vmem>>
    %dma_start3A_50 = arith.constant 0 : i32
    %dma_start3A_51 = arith.constant 0 : i32
    %dma_start3A_52 = tpu.memref_slice %arg3[%dma_start3A_50, %dma_start3A_51] : memref<20000x64xf32, #tpu.memory_space<hbm>> -> memref<20000x64xf32, #tpu.memory_space<hbm>>
    tpu.enqueue_indirect_dma source(%dma_start3A_52 : memref<20000x64xf32, #tpu.memory_space<hbm>>) target(%arg9 : memref<128x64xf32, #tpu.memory_space<vmem>>) offsets(%dma_start3A_49 : memref<128xi32, #tpu.memory_space<vmem>>) semaphore(%arg15 : memref<!tpu.dma_semaphore, #tpu.memory_space<semaphore_mem>>)
    %dma_start3A_53 = arith.constant 3 : i32
    %dma_start3A_54 = arith.constant 0 : i32
    %dma_start3A_55 = tpu.memref_slice %arg5[%dma_start3A_53, %dma_start3A_54] : memref<80x128xi32, #tpu.memory_space<vmem>> -> memref<1x128xi32, #tpu.memory_space<vmem>>
    %dma_start3A_56 = tpu.memref_squeeze %dma_start3A_55 : memref<1x128xi32, #tpu.memory_space<vmem>> -> memref<128xi32, #tpu.memory_space<vmem>>
    %dma_start3A_57 = arith.constant 0 : i32
    %dma_start3A_58 = arith.constant 0 : i32
    %dma_start3A_59 = tpu.memref_slice %arg3[%dma_start3A_57, %dma_start3A_58] : memref<20000x64xf32, #tpu.memory_space<hbm>> -> memref<20000x64xf32, #tpu.memory_space<hbm>>
    tpu.enqueue_indirect_dma source(%dma_start3A_59 : memref<20000x64xf32, #tpu.memory_space<hbm>>) target(%arg10 : memref<128x64xf32, #tpu.memory_space<vmem>>) offsets(%dma_start3A_56 : memref<128xi32, #tpu.memory_space<vmem>>) semaphore(%arg16 : memref<!tpu.dma_semaphore, #tpu.memory_space<semaphore_mem>>)
    %dma_start3A_60 = arith.constant 4 : i32
    %dma_start3A_61 = arith.constant 0 : i32
    %dma_start3A_62 = tpu.memref_slice %arg5[%dma_start3A_60, %dma_start3A_61] : memref<80x128xi32, #tpu.memory_space<vmem>> -> memref<1x128xi32, #tpu.memory_space<vmem>>
    %dma_start3A_63 = tpu.memref_squeeze %dma_start3A_62 : memref<1x128xi32, #tpu.memory_space<vmem>> -> memref<128xi32, #tpu.memory_space<vmem>>
    %dma_start3A_64 = arith.constant 0 : i32
    %dma_start3A_65 = arith.constant 0 : i32
    %dma_start3A_66 = tpu.memref_slice %arg3[%dma_start3A_64, %dma_start3A_65] : memref<20000x64xf32, #tpu.memory_space<hbm>> -> memref<20000x64xf32, #tpu.memory_space<hbm>>
    tpu.enqueue_indirect_dma source(%dma_start3A_66 : memref<20000x64xf32, #tpu.memory_space<hbm>>) target(%arg11 : memref<128x64xf32, #tpu.memory_space<vmem>>) offsets(%dma_start3A_63 : memref<128xi32, #tpu.memory_space<vmem>>) semaphore(%arg17 : memref<!tpu.dma_semaphore, #tpu.memory_space<semaphore_mem>>)
    %jit3A_67 = arith.constant 5 : i32
    %div3A = arith.divsi %select_n3A, %jit3A_67 : i32
    %sign3A = arith.constant 0 : i32
    %sign3A_68 = arith.cmpi sgt, %select_n3A, %sign3A : i32
    %sign3A_69 = arith.extui %sign3A_68 : i1 to i32
    %sign3A_70 = arith.constant 0 : i32
    %sign3A_71 = arith.cmpi slt, %select_n3A, %sign3A_70 : i32
    %sign3A_72 = arith.extui %sign3A_71 : i1 to i32
    %sign3A_73 = arith.subi %sign3A_69, %sign3A_72 : i32
    %sign3A_74 = arith.constant 0 : i32
    %sign3A_75 = arith.cmpi sgt, %jit3A_67, %sign3A_74 : i32
    %sign3A_76 = arith.extui %sign3A_75 : i1 to i32
    %sign3A_77 = arith.constant 0 : i32
    %sign3A_78 = arith.cmpi slt, %jit3A_67, %sign3A_77 : i32
    %sign3A_79 = arith.extui %sign3A_78 : i1 to i32
    %sign3A_80 = arith.subi %sign3A_76, %sign3A_79 : i32
    %ne3A = arith.cmpi ne, %sign3A_73, %sign3A_80 : i32
    %rem3A = arith.remsi %select_n3A, %jit3A_67 : i32
    %ne3A_81 = arith.constant 0 : i32
    %ne3A_82 = arith.cmpi ne, %rem3A, %ne3A_81 : i32
    %and3A = arith.andi %ne3A, %ne3A_82 : i1
    %sub3A = arith.constant 1 : i32
    %sub3A_83 = arith.subi %div3A, %sub3A : i32
    %select_n3A_84 = arith.select %and3A, %sub3A_83, %div3A : i32
    %while3A = arith.constant 0 : i32
    %while3A_85 = arith.constant 0 : i32
    %while3A_86 = arith.subi %select_n3A_84, %while3A_85 : i32
    %while3A_87 = arith.addi %while3A_85, %while3A_86 : i32
    %while3A_88 = arith.constant 1 : i32
    %while3A_89 = arith.divsi %while3A_86, %while3A_88 : i32
    %while3A_90 = arith.muli %while3A_89, %while3A_88 : i32
    %while3A_91 = arith.addi %while3A_85, %while3A_90 : i32
    %while3A_92 = arith.constant 1 : i32
    scf.for %while3A_103 = %while3A_85 to %while3A_91 step %while3A_92  : i32 {
      %mul3A_104 = arith.constant 5 : i32
      %mul3A_105 = arith.muli %mul3A_104, %while3A_103 : i32
      %add3A_106 = arith.constant 0 : i32
      %add3A_107 = arith.addi %mul3A_105, %add3A_106 : i32
      %dma_wait3A = arith.constant 0 : i32
      %dma_wait3A_108 = tpu.memref_slice %arg5[%add3A_107, %dma_wait3A] : memref<80x128xi32, #tpu.memory_space<vmem>> -> memref<1x128xi32, #tpu.memory_space<vmem>>
      %dma_wait3A_109 = tpu.memref_squeeze %dma_wait3A_108 : memref<1x128xi32, #tpu.memory_space<vmem>> -> memref<128xi32, #tpu.memory_space<vmem>>
      %dma_wait3A_110 = arith.constant 0 : i32
      %dma_wait3A_111 = arith.constant 0 : i32
      %dma_wait3A_112 = tpu.memref_slice %arg3[%dma_wait3A_110, %dma_wait3A_111] : memref<20000x64xf32, #tpu.memory_space<hbm>> -> memref<20000x64xf32, #tpu.memory_space<hbm>>
      tpu.wait_indirect_dma semaphore(%arg13 : memref<!tpu.dma_semaphore, #tpu.memory_space<semaphore_mem>>) src(%dma_wait3A_112 : memref<20000x64xf32, #tpu.memory_space<hbm>>) dst(%arg7 : memref<128x64xf32, #tpu.memory_space<vmem>>)
      %add3A_113 = arith.constant 0 : i32
      %add3A_114 = arith.addi %mul3A_105, %add3A_113 : i32
      %dma_start3A_115 = arith.constant 0 : i32
      %dma_start3A_116 = tpu.memref_slice %arg6[%add3A_114, %dma_start3A_115] : memref<80x128xi32, #tpu.memory_space<vmem>> -> memref<1x128xi32, #tpu.memory_space<vmem>>
      %dma_start3A_117 = tpu.memref_squeeze %dma_start3A_116 : memref<1x128xi32, #tpu.memory_space<vmem>> -> memref<128xi32, #tpu.memory_space<vmem>>
      %dma_start3A_118 = arith.constant 0 : i32
      %dma_start3A_119 = arith.constant 0 : i32
      %dma_start3A_120 = tpu.memref_slice %arg23[%dma_start3A_118, %dma_start3A_119] : memref<10240x64xf32, #tpu.memory_space<vmem_shared>> -> memref<10240x64xf32, #tpu.memory_space<vmem_shared>>
      tpu.enqueue_indirect_dma source(%arg7 : memref<128x64xf32, #tpu.memory_space<vmem>>) target(%dma_start3A_120 : memref<10240x64xf32, #tpu.memory_space<vmem_shared>>) offsets(%dma_start3A_117 : memref<128xi32, #tpu.memory_space<vmem>>) semaphore(%arg18 : memref<!tpu.dma_semaphore, #tpu.memory_space<semaphore_mem>>) {add = true}
      %add3A_121 = arith.constant 1 : i32
      %add3A_122 = arith.addi %mul3A_105, %add3A_121 : i32
      %dma_wait3A_123 = arith.constant 0 : i32
      %dma_wait3A_124 = tpu.memref_slice %arg5[%add3A_122, %dma_wait3A_123] : memref<80x128xi32, #tpu.memory_space<vmem>> -> memref<1x128xi32, #tpu.memory_space<vmem>>
      %dma_wait3A_125 = tpu.memref_squeeze %dma_wait3A_124 : memref<1x128xi32, #tpu.memory_space<vmem>> -> memref<128xi32, #tpu.memory_space<vmem>>
      %dma_wait3A_126 = arith.constant 0 : i32
      %dma_wait3A_127 = arith.constant 0 : i32
      %dma_wait3A_128 = tpu.memref_slice %arg3[%dma_wait3A_126, %dma_wait3A_127] : memref<20000x64xf32, #tpu.memory_space<hbm>> -> memref<20000x64xf32, #tpu.memory_space<hbm>>
      tpu.wait_indirect_dma semaphore(%arg14 : memref<!tpu.dma_semaphore, #tpu.memory_space<semaphore_mem>>) src(%dma_wait3A_128 : memref<20000x64xf32, #tpu.memory_space<hbm>>) dst(%arg8 : memref<128x64xf32, #tpu.memory_space<vmem>>)
      %add3A_129 = arith.constant 1 : i32
      %add3A_130 = arith.addi %mul3A_105, %add3A_129 : i32
      %dma_start3A_131 = arith.constant 0 : i32
      %dma_start3A_132 = tpu.memref_slice %arg6[%add3A_130, %dma_start3A_131] : memref<80x128xi32, #tpu.memory_space<vmem>> -> memref<1x128xi32, #tpu.memory_space<vmem>>
      %dma_start3A_133 = tpu.memref_squeeze %dma_start3A_132 : memref<1x128xi32, #tpu.memory_space<vmem>> -> memref<128xi32, #tpu.memory_space<vmem>>
      %dma_start3A_134 = arith.constant 0 : i32
      %dma_start3A_135 = arith.constant 0 : i32
      %dma_start3A_136 = tpu.memref_slice %arg23[%dma_start3A_134, %dma_start3A_135] : memref<10240x64xf32, #tpu.memory_space<vmem_shared>> -> memref<10240x64xf32, #tpu.memory_space<vmem_shared>>
      tpu.enqueue_indirect_dma source(%arg8 : memref<128x64xf32, #tpu.memory_space<vmem>>) target(%dma_start3A_136 : memref<10240x64xf32, #tpu.memory_space<vmem_shared>>) offsets(%dma_start3A_133 : memref<128xi32, #tpu.memory_space<vmem>>) semaphore(%arg19 : memref<!tpu.dma_semaphore, #tpu.memory_space<semaphore_mem>>) {add = true}
      %add3A_137 = arith.constant 2 : i32
      %add3A_138 = arith.addi %mul3A_105, %add3A_137 : i32
      %dma_wait3A_139 = arith.constant 0 : i32
      %dma_wait3A_140 = tpu.memref_slice %arg5[%add3A_138, %dma_wait3A_139] : memref<80x128xi32, #tpu.memory_space<vmem>> -> memref<1x128xi32, #tpu.memory_space<vmem>>
      %dma_wait3A_141 = tpu.memref_squeeze %dma_wait3A_140 : memref<1x128xi32, #tpu.memory_space<vmem>> -> memref<128xi32, #tpu.memory_space<vmem>>
      %dma_wait3A_142 = arith.constant 0 : i32
      %dma_wait3A_143 = arith.constant 0 : i32
      %dma_wait3A_144 = tpu.memref_slice %arg3[%dma_wait3A_142, %dma_wait3A_143] : memref<20000x64xf32, #tpu.memory_space<hbm>> -> memref<20000x64xf32, #tpu.memory_space<hbm>>
      tpu.wait_indirect_dma semaphore(%arg15 : memref<!tpu.dma_semaphore, #tpu.memory_space<semaphore_mem>>) src(%dma_wait3A_144 : memref<20000x64xf32, #tpu.memory_space<hbm>>) dst(%arg9 : memref<128x64xf32, #tpu.memory_space<vmem>>)
      %add3A_145 = arith.constant 2 : i32
      %add3A_146 = arith.addi %mul3A_105, %add3A_145 : i32
      %dma_start3A_147 = arith.constant 0 : i32
      %dma_start3A_148 = tpu.memref_slice %arg6[%add3A_146, %dma_start3A_147] : memref<80x128xi32, #tpu.memory_space<vmem>> -> memref<1x128xi32, #tpu.memory_space<vmem>>
      %dma_start3A_149 = tpu.memref_squeeze %dma_start3A_148 : memref<1x128xi32, #tpu.memory_space<vmem>> -> memref<128xi32, #tpu.memory_space<vmem>>
      %dma_start3A_150 = arith.constant 0 : i32
      %dma_start3A_151 = arith.constant 0 : i32
      %dma_start3A_152 = tpu.memref_slice %arg23[%dma_start3A_150, %dma_start3A_151] : memref<10240x64xf32, #tpu.memory_space<vmem_shared>> -> memref<10240x64xf32, #tpu.memory_space<vmem_shared>>
      tpu.enqueue_indirect_dma source(%arg9 : memref<128x64xf32, #tpu.memory_space<vmem>>) target(%dma_start3A_152 : memref<10240x64xf32, #tpu.memory_space<vmem_shared>>) offsets(%dma_start3A_149 : memref<128xi32, #tpu.memory_space<vmem>>) semaphore(%arg20 : memref<!tpu.dma_semaphore, #tpu.memory_space<semaphore_mem>>) {add = true}
      %add3A_153 = arith.constant 3 : i32
      %add3A_154 = arith.addi %mul3A_105, %add3A_153 : i32
      %dma_wait3A_155 = arith.constant 0 : i32
      %dma_wait3A_156 = tpu.memref_slice %arg5[%add3A_154, %dma_wait3A_155] : memref<80x128xi32, #tpu.memory_space<vmem>> -> memref<1x128xi32, #tpu.memory_space<vmem>>
      %dma_wait3A_157 = tpu.memref_squeeze %dma_wait3A_156 : memref<1x128xi32, #tpu.memory_space<vmem>> -> memref<128xi32, #tpu.memory_space<vmem>>
      %dma_wait3A_158 = arith.constant 0 : i32
      %dma_wait3A_159 = arith.constant 0 : i32
      %dma_wait3A_160 = tpu.memref_slice %arg3[%dma_wait3A_158, %dma_wait3A_159] : memref<20000x64xf32, #tpu.memory_space<hbm>> -> memref<20000x64xf32, #tpu.memory_space<hbm>>
      tpu.wait_indirect_dma semaphore(%arg16 : memref<!tpu.dma_semaphore, #tpu.memory_space<semaphore_mem>>) src(%dma_wait3A_160 : memref<20000x64xf32, #tpu.memory_space<hbm>>) dst(%arg10 : memref<128x64xf32, #tpu.memory_space<vmem>>)
      %add3A_161 = arith.constant 3 : i32
      %add3A_162 = arith.addi %mul3A_105, %add3A_161 : i32
      %dma_start3A_163 = arith.constant 0 : i32
      %dma_start3A_164 = tpu.memref_slice %arg6[%add3A_162, %dma_start3A_163] : memref<80x128xi32, #tpu.memory_space<vmem>> -> memref<1x128xi32, #tpu.memory_space<vmem>>
      %dma_start3A_165 = tpu.memref_squeeze %dma_start3A_164 : memref<1x128xi32, #tpu.memory_space<vmem>> -> memref<128xi32, #tpu.memory_space<vmem>>
      %dma_start3A_166 = arith.constant 0 : i32
      %dma_start3A_167 = arith.constant 0 : i32
      %dma_start3A_168 = tpu.memref_slice %arg23[%dma_start3A_166, %dma_start3A_167] : memref<10240x64xf32, #tpu.memory_space<vmem_shared>> -> memref<10240x64xf32, #tpu.memory_space<vmem_shared>>
      tpu.enqueue_indirect_dma source(%arg10 : memref<128x64xf32, #tpu.memory_space<vmem>>) target(%dma_start3A_168 : memref<10240x64xf32, #tpu.memory_space<vmem_shared>>) offsets(%dma_start3A_165 : memref<128xi32, #tpu.memory_space<vmem>>) semaphore(%arg21 : memref<!tpu.dma_semaphore, #tpu.memory_space<semaphore_mem>>) {add = true}
      %add3A_169 = arith.constant 4 : i32
      %add3A_170 = arith.addi %mul3A_105, %add3A_169 : i32
      %dma_wait3A_171 = arith.constant 0 : i32
      %dma_wait3A_172 = tpu.memref_slice %arg5[%add3A_170, %dma_wait3A_171] : memref<80x128xi32, #tpu.memory_space<vmem>> -> memref<1x128xi32, #tpu.memory_space<vmem>>
      %dma_wait3A_173 = tpu.memref_squeeze %dma_wait3A_172 : memref<1x128xi32, #tpu.memory_space<vmem>> -> memref<128xi32, #tpu.memory_space<vmem>>
      %dma_wait3A_174 = arith.constant 0 : i32
      %dma_wait3A_175 = arith.constant 0 : i32
      %dma_wait3A_176 = tpu.memref_slice %arg3[%dma_wait3A_174, %dma_wait3A_175] : memref<20000x64xf32, #tpu.memory_space<hbm>> -> memref<20000x64xf32, #tpu.memory_space<hbm>>
      tpu.wait_indirect_dma semaphore(%arg17 : memref<!tpu.dma_semaphore, #tpu.memory_space<semaphore_mem>>) src(%dma_wait3A_176 : memref<20000x64xf32, #tpu.memory_space<hbm>>) dst(%arg11 : memref<128x64xf32, #tpu.memory_space<vmem>>)
      %add3A_177 = arith.constant 4 : i32
      %add3A_178 = arith.addi %mul3A_105, %add3A_177 : i32
      %dma_start3A_179 = arith.constant 0 : i32
      %dma_start3A_180 = tpu.memref_slice %arg6[%add3A_178, %dma_start3A_179] : memref<80x128xi32, #tpu.memory_space<vmem>> -> memref<1x128xi32, #tpu.memory_space<vmem>>
      %dma_start3A_181 = tpu.memref_squeeze %dma_start3A_180 : memref<1x128xi32, #tpu.memory_space<vmem>> -> memref<128xi32, #tpu.memory_space<vmem>>
      %dma_start3A_182 = arith.constant 0 : i32
      %dma_start3A_183 = arith.constant 0 : i32
      %dma_start3A_184 = tpu.memref_slice %arg23[%dma_start3A_182, %dma_start3A_183] : memref<10240x64xf32, #tpu.memory_space<vmem_shared>> -> memref<10240x64xf32, #tpu.memory_space<vmem_shared>>
      tpu.enqueue_indirect_dma source(%arg11 : memref<128x64xf32, #tpu.memory_space<vmem>>) target(%dma_start3A_184 : memref<10240x64xf32, #tpu.memory_space<vmem_shared>>) offsets(%dma_start3A_181 : memref<128xi32, #tpu.memory_space<vmem>>) semaphore(%arg22 : memref<!tpu.dma_semaphore, #tpu.memory_space<semaphore_mem>>) {add = true}
      %add3A_185 = arith.constant 0 : i32
      %add3A_186 = arith.addi %mul3A_105, %add3A_185 : i32
      %dma_wait3A_187 = arith.constant 0 : i32
      %dma_wait3A_188 = tpu.memref_slice %arg6[%add3A_186, %dma_wait3A_187] : memref<80x128xi32, #tpu.memory_space<vmem>> -> memref<1x128xi32, #tpu.memory_space<vmem>>
      %dma_wait3A_189 = tpu.memref_squeeze %dma_wait3A_188 : memref<1x128xi32, #tpu.memory_space<vmem>> -> memref<128xi32, #tpu.memory_space<vmem>>
      %dma_wait3A_190 = arith.constant 0 : i32
      %dma_wait3A_191 = arith.constant 0 : i32
      %dma_wait3A_192 = tpu.memref_slice %arg23[%dma_wait3A_190, %dma_wait3A_191] : memref<10240x64xf32, #tpu.memory_space<vmem_shared>> -> memref<10240x64xf32, #tpu.memory_space<vmem_shared>>
      tpu.wait_indirect_dma semaphore(%arg18 : memref<!tpu.dma_semaphore, #tpu.memory_space<semaphore_mem>>) src(%arg7 : memref<128x64xf32, #tpu.memory_space<vmem>>) dst(%dma_wait3A_192 : memref<10240x64xf32, #tpu.memory_space<vmem_shared>>)
      %add3A_193 = arith.constant 5 : i32
      %add3A_194 = arith.addi %mul3A_105, %add3A_193 : i32
      %add3A_195 = arith.constant 0 : i32
      %add3A_196 = arith.addi %add3A_194, %add3A_195 : i32
      %lt3A_197 = arith.cmpi slt, %add3A_196, %select_n3A : i32
      %convert_element_type3A_198 = arith.extui %lt3A_197 : i1 to i32
      %cond3A_199 = arith.constant 0 : i32
      %cond3A_200 = arith.cmpi ne, %convert_element_type3A_198, %cond3A_199 : i32
      scf.if %cond3A_200 {
        %add3A_265 = arith.constant 5 : i32
        %add3A_266 = arith.addi %mul3A_105, %add3A_265 : i32
        %add3A_267 = arith.constant 0 : i32
        %add3A_268 = arith.addi %add3A_266, %add3A_267 : i32
        %dma_start3A_269 = arith.constant 0 : i32
        %dma_start3A_270 = tpu.memref_slice %arg5[%add3A_268, %dma_start3A_269] : memref<80x128xi32, #tpu.memory_space<vmem>> -> memref<1x128xi32, #tpu.memory_space<vmem>>
        %dma_start3A_271 = tpu.memref_squeeze %dma_start3A_270 : memref<1x128xi32, #tpu.memory_space<vmem>> -> memref<128xi32, #tpu.memory_space<vmem>>
        %dma_start3A_272 = arith.constant 0 : i32
        %dma_start3A_273 = arith.constant 0 : i32
        %dma_start3A_274 = tpu.memref_slice %arg3[%dma_start3A_272, %dma_start3A_273] : memref<20000x64xf32, #tpu.memory_space<hbm>> -> memref<20000x64xf32, #tpu.memory_space<hbm>>
        tpu.enqueue_indirect_dma source(%dma_start3A_274 : memref<20000x64xf32, #tpu.memory_space<hbm>>) target(%arg7 : memref<128x64xf32, #tpu.memory_space<vmem>>) offsets(%dma_start3A_271 : memref<128xi32, #tpu.memory_space<vmem>>) semaphore(%arg13 : memref<!tpu.dma_semaphore, #tpu.memory_space<semaphore_mem>>)
      } else {
      }
      %add3A_201 = arith.constant 1 : i32
      %add3A_202 = arith.addi %mul3A_105, %add3A_201 : i32
      %dma_wait3A_203 = arith.constant 0 : i32
      %dma_wait3A_204 = tpu.memref_slice %arg6[%add3A_202, %dma_wait3A_203] : memref<80x128xi32, #tpu.memory_space<vmem>> -> memref<1x128xi32, #tpu.memory_space<vmem>>
      %dma_wait3A_205 = tpu.memref_squeeze %dma_wait3A_204 : memref<1x128xi32, #tpu.memory_space<vmem>> -> memref<128xi32, #tpu.memory_space<vmem>>
      %dma_wait3A_206 = arith.constant 0 : i32
      %dma_wait3A_207 = arith.constant 0 : i32
      %dma_wait3A_208 = tpu.memref_slice %arg23[%dma_wait3A_206, %dma_wait3A_207] : memref<10240x64xf32, #tpu.memory_space<vmem_shared>> -> memref<10240x64xf32, #tpu.memory_space<vmem_shared>>
      tpu.wait_indirect_dma semaphore(%arg19 : memref<!tpu.dma_semaphore, #tpu.memory_space<semaphore_mem>>) src(%arg8 : memref<128x64xf32, #tpu.memory_space<vmem>>) dst(%dma_wait3A_208 : memref<10240x64xf32, #tpu.memory_space<vmem_shared>>)
      %add3A_209 = arith.constant 5 : i32
      %add3A_210 = arith.addi %mul3A_105, %add3A_209 : i32
      %add3A_211 = arith.constant 1 : i32
      %add3A_212 = arith.addi %add3A_210, %add3A_211 : i32
      %lt3A_213 = arith.cmpi slt, %add3A_212, %select_n3A : i32
      %convert_element_type3A_214 = arith.extui %lt3A_213 : i1 to i32
      %cond3A_215 = arith.constant 0 : i32
      %cond3A_216 = arith.cmpi ne, %convert_element_type3A_214, %cond3A_215 : i32
      scf.if %cond3A_216 {
        %add3A_265 = arith.constant 5 : i32
        %add3A_266 = arith.addi %mul3A_105, %add3A_265 : i32
        %add3A_267 = arith.constant 1 : i32
        %add3A_268 = arith.addi %add3A_266, %add3A_267 : i32
        %dma_start3A_269 = arith.constant 0 : i32
        %dma_start3A_270 = tpu.memref_slice %arg5[%add3A_268, %dma_start3A_269] : memref<80x128xi32, #tpu.memory_space<vmem>> -> memref<1x128xi32, #tpu.memory_space<vmem>>
        %dma_start3A_271 = tpu.memref_squeeze %dma_start3A_270 : memref<1x128xi32, #tpu.memory_space<vmem>> -> memref<128xi32, #tpu.memory_space<vmem>>
        %dma_start3A_272 = arith.constant 0 : i32
        %dma_start3A_273 = arith.constant 0 : i32
        %dma_start3A_274 = tpu.memref_slice %arg3[%dma_start3A_272, %dma_start3A_273] : memref<20000x64xf32, #tpu.memory_space<hbm>> -> memref<20000x64xf32, #tpu.memory_space<hbm>>
        tpu.enqueue_indirect_dma source(%dma_start3A_274 : memref<20000x64xf32, #tpu.memory_space<hbm>>) target(%arg8 : memref<128x64xf32, #tpu.memory_space<vmem>>) offsets(%dma_start3A_271 : memref<128xi32, #tpu.memory_space<vmem>>) semaphore(%arg14 : memref<!tpu.dma_semaphore, #tpu.memory_space<semaphore_mem>>)
      } else {
      }
      %add3A_217 = arith.constant 2 : i32
      %add3A_218 = arith.addi %mul3A_105, %add3A_217 : i32
      %dma_wait3A_219 = arith.constant 0 : i32
      %dma_wait3A_220 = tpu.memref_slice %arg6[%add3A_218, %dma_wait3A_219] : memref<80x128xi32, #tpu.memory_space<vmem>> -> memref<1x128xi32, #tpu.memory_space<vmem>>
      %dma_wait3A_221 = tpu.memref_squeeze %dma_wait3A_220 : memref<1x128xi32, #tpu.memory_space<vmem>> -> memref<128xi32, #tpu.memory_space<vmem>>
      %dma_wait3A_222 = arith.constant 0 : i32
      %dma_wait3A_223 = arith.constant 0 : i32
      %dma_wait3A_224 = tpu.memref_slice %arg23[%dma_wait3A_222, %dma_wait3A_223] : memref<10240x64xf32, #tpu.memory_space<vmem_shared>> -> memref<10240x64xf32, #tpu.memory_space<vmem_shared>>
      tpu.wait_indirect_dma semaphore(%arg20 : memref<!tpu.dma_semaphore, #tpu.memory_space<semaphore_mem>>) src(%arg9 : memref<128x64xf32, #tpu.memory_space<vmem>>) dst(%dma_wait3A_224 : memref<10240x64xf32, #tpu.memory_space<vmem_shared>>)
      %add3A_225 = arith.constant 5 : i32
      %add3A_226 = arith.addi %mul3A_105, %add3A_225 : i32
      %add3A_227 = arith.constant 2 : i32
      %add3A_228 = arith.addi %add3A_226, %add3A_227 : i32
      %lt3A_229 = arith.cmpi slt, %add3A_228, %select_n3A : i32
      %convert_element_type3A_230 = arith.extui %lt3A_229 : i1 to i32
      %cond3A_231 = arith.constant 0 : i32
      %cond3A_232 = arith.cmpi ne, %convert_element_type3A_230, %cond3A_231 : i32
      scf.if %cond3A_232 {
        %add3A_265 = arith.constant 5 : i32
        %add3A_266 = arith.addi %mul3A_105, %add3A_265 : i32
        %add3A_267 = arith.constant 2 : i32
        %add3A_268 = arith.addi %add3A_266, %add3A_267 : i32
        %dma_start3A_269 = arith.constant 0 : i32
        %dma_start3A_270 = tpu.memref_slice %arg5[%add3A_268, %dma_start3A_269] : memref<80x128xi32, #tpu.memory_space<vmem>> -> memref<1x128xi32, #tpu.memory_space<vmem>>
        %dma_start3A_271 = tpu.memref_squeeze %dma_start3A_270 : memref<1x128xi32, #tpu.memory_space<vmem>> -> memref<128xi32, #tpu.memory_space<vmem>>
        %dma_start3A_272 = arith.constant 0 : i32
        %dma_start3A_273 = arith.constant 0 : i32
        %dma_start3A_274 = tpu.memref_slice %arg3[%dma_start3A_272, %dma_start3A_273] : memref<20000x64xf32, #tpu.memory_space<hbm>> -> memref<20000x64xf32, #tpu.memory_space<hbm>>
        tpu.enqueue_indirect_dma source(%dma_start3A_274 : memref<20000x64xf32, #tpu.memory_space<hbm>>) target(%arg9 : memref<128x64xf32, #tpu.memory_space<vmem>>) offsets(%dma_start3A_271 : memref<128xi32, #tpu.memory_space<vmem>>) semaphore(%arg15 : memref<!tpu.dma_semaphore, #tpu.memory_space<semaphore_mem>>)
      } else {
      }
      %add3A_233 = arith.constant 3 : i32
      %add3A_234 = arith.addi %mul3A_105, %add3A_233 : i32
      %dma_wait3A_235 = arith.constant 0 : i32
      %dma_wait3A_236 = tpu.memref_slice %arg6[%add3A_234, %dma_wait3A_235] : memref<80x128xi32, #tpu.memory_space<vmem>> -> memref<1x128xi32, #tpu.memory_space<vmem>>
      %dma_wait3A_237 = tpu.memref_squeeze %dma_wait3A_236 : memref<1x128xi32, #tpu.memory_space<vmem>> -> memref<128xi32, #tpu.memory_space<vmem>>
      %dma_wait3A_238 = arith.constant 0 : i32
      %dma_wait3A_239 = arith.constant 0 : i32
      %dma_wait3A_240 = tpu.memref_slice %arg23[%dma_wait3A_238, %dma_wait3A_239] : memref<10240x64xf32, #tpu.memory_space<vmem_shared>> -> memref<10240x64xf32, #tpu.memory_space<vmem_shared>>
      tpu.wait_indirect_dma semaphore(%arg21 : memref<!tpu.dma_semaphore, #tpu.memory_space<semaphore_mem>>) src(%arg10 : memref<128x64xf32, #tpu.memory_space<vmem>>) dst(%dma_wait3A_240 : memref<10240x64xf32, #tpu.memory_space<vmem_shared>>)
      %add3A_241 = arith.constant 5 : i32
      %add3A_242 = arith.addi %mul3A_105, %add3A_241 : i32
      %add3A_243 = arith.constant 3 : i32
      %add3A_244 = arith.addi %add3A_242, %add3A_243 : i32
      %lt3A_245 = arith.cmpi slt, %add3A_244, %select_n3A : i32
      %convert_element_type3A_246 = arith.extui %lt3A_245 : i1 to i32
      %cond3A_247 = arith.constant 0 : i32
      %cond3A_248 = arith.cmpi ne, %convert_element_type3A_246, %cond3A_247 : i32
      scf.if %cond3A_248 {
        %add3A_265 = arith.constant 5 : i32
        %add3A_266 = arith.addi %mul3A_105, %add3A_265 : i32
        %add3A_267 = arith.constant 3 : i32
        %add3A_268 = arith.addi %add3A_266, %add3A_267 : i32
        %dma_start3A_269 = arith.constant 0 : i32
        %dma_start3A_270 = tpu.memref_slice %arg5[%add3A_268, %dma_start3A_269] : memref<80x128xi32, #tpu.memory_space<vmem>> -> memref<1x128xi32, #tpu.memory_space<vmem>>
        %dma_start3A_271 = tpu.memref_squeeze %dma_start3A_270 : memref<1x128xi32, #tpu.memory_space<vmem>> -> memref<128xi32, #tpu.memory_space<vmem>>
        %dma_start3A_272 = arith.constant 0 : i32
        %dma_start3A_273 = arith.constant 0 : i32
        %dma_start3A_274 = tpu.memref_slice %arg3[%dma_start3A_272, %dma_start3A_273] : memref<20000x64xf32, #tpu.memory_space<hbm>> -> memref<20000x64xf32, #tpu.memory_space<hbm>>
        tpu.enqueue_indirect_dma source(%dma_start3A_274 : memref<20000x64xf32, #tpu.memory_space<hbm>>) target(%arg10 : memref<128x64xf32, #tpu.memory_space<vmem>>) offsets(%dma_start3A_271 : memref<128xi32, #tpu.memory_space<vmem>>) semaphore(%arg16 : memref<!tpu.dma_semaphore, #tpu.memory_space<semaphore_mem>>)
      } else {
      }
      %add3A_249 = arith.constant 4 : i32
      %add3A_250 = arith.addi %mul3A_105, %add3A_249 : i32
      %dma_wait3A_251 = arith.constant 0 : i32
      %dma_wait3A_252 = tpu.memref_slice %arg6[%add3A_250, %dma_wait3A_251] : memref<80x128xi32, #tpu.memory_space<vmem>> -> memref<1x128xi32, #tpu.memory_space<vmem>>
      %dma_wait3A_253 = tpu.memref_squeeze %dma_wait3A_252 : memref<1x128xi32, #tpu.memory_space<vmem>> -> memref<128xi32, #tpu.memory_space<vmem>>
      %dma_wait3A_254 = arith.constant 0 : i32
      %dma_wait3A_255 = arith.constant 0 : i32
      %dma_wait3A_256 = tpu.memref_slice %arg23[%dma_wait3A_254, %dma_wait3A_255] : memref<10240x64xf32, #tpu.memory_space<vmem_shared>> -> memref<10240x64xf32, #tpu.memory_space<vmem_shared>>
      tpu.wait_indirect_dma semaphore(%arg22 : memref<!tpu.dma_semaphore, #tpu.memory_space<semaphore_mem>>) src(%arg11 : memref<128x64xf32, #tpu.memory_space<vmem>>) dst(%dma_wait3A_256 : memref<10240x64xf32, #tpu.memory_space<vmem_shared>>)
      %add3A_257 = arith.constant 5 : i32
      %add3A_258 = arith.addi %mul3A_105, %add3A_257 : i32
      %add3A_259 = arith.constant 4 : i32
      %add3A_260 = arith.addi %add3A_258, %add3A_259 : i32
      %lt3A_261 = arith.cmpi slt, %add3A_260, %select_n3A : i32
      %convert_element_type3A_262 = arith.extui %lt3A_261 : i1 to i32
      %cond3A_263 = arith.constant 0 : i32
      %cond3A_264 = arith.cmpi ne, %convert_element_type3A_262, %cond3A_263 : i32
      scf.if %cond3A_264 {
        %add3A_265 = arith.constant 5 : i32
        %add3A_266 = arith.addi %mul3A_105, %add3A_265 : i32
        %add3A_267 = arith.constant 4 : i32
        %add3A_268 = arith.addi %add3A_266, %add3A_267 : i32
        %dma_start3A_269 = arith.constant 0 : i32
        %dma_start3A_270 = tpu.memref_slice %arg5[%add3A_268, %dma_start3A_269] : memref<80x128xi32, #tpu.memory_space<vmem>> -> memref<1x128xi32, #tpu.memory_space<vmem>>
        %dma_start3A_271 = tpu.memref_squeeze %dma_start3A_270 : memref<1x128xi32, #tpu.memory_space<vmem>> -> memref<128xi32, #tpu.memory_space<vmem>>
        %dma_start3A_272 = arith.constant 0 : i32
        %dma_start3A_273 = arith.constant 0 : i32
        %dma_start3A_274 = tpu.memref_slice %arg3[%dma_start3A_272, %dma_start3A_273] : memref<20000x64xf32, #tpu.memory_space<hbm>> -> memref<20000x64xf32, #tpu.memory_space<hbm>>
        tpu.enqueue_indirect_dma source(%dma_start3A_274 : memref<20000x64xf32, #tpu.memory_space<hbm>>) target(%arg11 : memref<128x64xf32, #tpu.memory_space<vmem>>) offsets(%dma_start3A_271 : memref<128xi32, #tpu.memory_space<vmem>>) semaphore(%arg17 : memref<!tpu.dma_semaphore, #tpu.memory_space<semaphore_mem>>)
      } else {
      }
    }
    %while3A_93 = arith.constant 1 : i32
    scf.for %while3A_103 = %while3A_91 to %while3A_87 step %while3A_93  : i32 {
      %mul3A_104 = arith.constant 5 : i32
      %mul3A_105 = arith.muli %mul3A_104, %while3A_103 : i32
      %add3A_106 = arith.constant 0 : i32
      %add3A_107 = arith.addi %mul3A_105, %add3A_106 : i32
      %dma_wait3A = arith.constant 0 : i32
      %dma_wait3A_108 = tpu.memref_slice %arg5[%add3A_107, %dma_wait3A] : memref<80x128xi32, #tpu.memory_space<vmem>> -> memref<1x128xi32, #tpu.memory_space<vmem>>
      %dma_wait3A_109 = tpu.memref_squeeze %dma_wait3A_108 : memref<1x128xi32, #tpu.memory_space<vmem>> -> memref<128xi32, #tpu.memory_space<vmem>>
      %dma_wait3A_110 = arith.constant 0 : i32
      %dma_wait3A_111 = arith.constant 0 : i32
      %dma_wait3A_112 = tpu.memref_slice %arg3[%dma_wait3A_110, %dma_wait3A_111] : memref<20000x64xf32, #tpu.memory_space<hbm>> -> memref<20000x64xf32, #tpu.memory_space<hbm>>
      tpu.wait_indirect_dma semaphore(%arg13 : memref<!tpu.dma_semaphore, #tpu.memory_space<semaphore_mem>>) src(%dma_wait3A_112 : memref<20000x64xf32, #tpu.memory_space<hbm>>) dst(%arg7 : memref<128x64xf32, #tpu.memory_space<vmem>>)
      %add3A_113 = arith.constant 0 : i32
      %add3A_114 = arith.addi %mul3A_105, %add3A_113 : i32
      %dma_start3A_115 = arith.constant 0 : i32
      %dma_start3A_116 = tpu.memref_slice %arg6[%add3A_114, %dma_start3A_115] : memref<80x128xi32, #tpu.memory_space<vmem>> -> memref<1x128xi32, #tpu.memory_space<vmem>>
      %dma_start3A_117 = tpu.memref_squeeze %dma_start3A_116 : memref<1x128xi32, #tpu.memory_space<vmem>> -> memref<128xi32, #tpu.memory_space<vmem>>
      %dma_start3A_118 = arith.constant 0 : i32
      %dma_start3A_119 = arith.constant 0 : i32
      %dma_start3A_120 = tpu.memref_slice %arg23[%dma_start3A_118, %dma_start3A_119] : memref<10240x64xf32, #tpu.memory_space<vmem_shared>> -> memref<10240x64xf32, #tpu.memory_space<vmem_shared>>
      tpu.enqueue_indirect_dma source(%arg7 : memref<128x64xf32, #tpu.memory_space<vmem>>) target(%dma_start3A_120 : memref<10240x64xf32, #tpu.memory_space<vmem_shared>>) offsets(%dma_start3A_117 : memref<128xi32, #tpu.memory_space<vmem>>) semaphore(%arg18 : memref<!tpu.dma_semaphore, #tpu.memory_space<semaphore_mem>>) {add = true}
      %add3A_121 = arith.constant 1 : i32
      %add3A_122 = arith.addi %mul3A_105, %add3A_121 : i32
      %dma_wait3A_123 = arith.constant 0 : i32
      %dma_wait3A_124 = tpu.memref_slice %arg5[%add3A_122, %dma_wait3A_123] : memref<80x128xi32, #tpu.memory_space<vmem>> -> memref<1x128xi32, #tpu.memory_space<vmem>>
      %dma_wait3A_125 = tpu.memref_squeeze %dma_wait3A_124 : memref<1x128xi32, #tpu.memory_space<vmem>> -> memref<128xi32, #tpu.memory_space<vmem>>
      %dma_wait3A_126 = arith.constant 0 : i32
      %dma_wait3A_127 = arith.constant 0 : i32
      %dma_wait3A_128 = tpu.memref_slice %arg3[%dma_wait3A_126, %dma_wait3A_127] : memref<20000x64xf32, #tpu.memory_space<hbm>> -> memref<20000x64xf32, #tpu.memory_space<hbm>>
      tpu.wait_indirect_dma semaphore(%arg14 : memref<!tpu.dma_semaphore, #tpu.memory_space<semaphore_mem>>) src(%dma_wait3A_128 : memref<20000x64xf32, #tpu.memory_space<hbm>>) dst(%arg8 : memref<128x64xf32, #tpu.memory_space<vmem>>)
      %add3A_129 = arith.constant 1 : i32
      %add3A_130 = arith.addi %mul3A_105, %add3A_129 : i32
      %dma_start3A_131 = arith.constant 0 : i32
      %dma_start3A_132 = tpu.memref_slice %arg6[%add3A_130, %dma_start3A_131] : memref<80x128xi32, #tpu.memory_space<vmem>> -> memref<1x128xi32, #tpu.memory_space<vmem>>
      %dma_start3A_133 = tpu.memref_squeeze %dma_start3A_132 : memref<1x128xi32, #tpu.memory_space<vmem>> -> memref<128xi32, #tpu.memory_space<vmem>>
      %dma_start3A_134 = arith.constant 0 : i32
      %dma_start3A_135 = arith.constant 0 : i32
      %dma_start3A_136 = tpu.memref_slice %arg23[%dma_start3A_134, %dma_start3A_135] : memref<10240x64xf32, #tpu.memory_space<vmem_shared>> -> memref<10240x64xf32, #tpu.memory_space<vmem_shared>>
      tpu.enqueue_indirect_dma source(%arg8 : memref<128x64xf32, #tpu.memory_space<vmem>>) target(%dma_start3A_136 : memref<10240x64xf32, #tpu.memory_space<vmem_shared>>) offsets(%dma_start3A_133 : memref<128xi32, #tpu.memory_space<vmem>>) semaphore(%arg19 : memref<!tpu.dma_semaphore, #tpu.memory_space<semaphore_mem>>) {add = true}
      %add3A_137 = arith.constant 2 : i32
      %add3A_138 = arith.addi %mul3A_105, %add3A_137 : i32
      %dma_wait3A_139 = arith.constant 0 : i32
      %dma_wait3A_140 = tpu.memref_slice %arg5[%add3A_138, %dma_wait3A_139] : memref<80x128xi32, #tpu.memory_space<vmem>> -> memref<1x128xi32, #tpu.memory_space<vmem>>
      %dma_wait3A_141 = tpu.memref_squeeze %dma_wait3A_140 : memref<1x128xi32, #tpu.memory_space<vmem>> -> memref<128xi32, #tpu.memory_space<vmem>>
      %dma_wait3A_142 = arith.constant 0 : i32
      %dma_wait3A_143 = arith.constant 0 : i32
      %dma_wait3A_144 = tpu.memref_slice %arg3[%dma_wait3A_142, %dma_wait3A_143] : memref<20000x64xf32, #tpu.memory_space<hbm>> -> memref<20000x64xf32, #tpu.memory_space<hbm>>
      tpu.wait_indirect_dma semaphore(%arg15 : memref<!tpu.dma_semaphore, #tpu.memory_space<semaphore_mem>>) src(%dma_wait3A_144 : memref<20000x64xf32, #tpu.memory_space<hbm>>) dst(%arg9 : memref<128x64xf32, #tpu.memory_space<vmem>>)
      %add3A_145 = arith.constant 2 : i32
      %add3A_146 = arith.addi %mul3A_105, %add3A_145 : i32
      %dma_start3A_147 = arith.constant 0 : i32
      %dma_start3A_148 = tpu.memref_slice %arg6[%add3A_146, %dma_start3A_147] : memref<80x128xi32, #tpu.memory_space<vmem>> -> memref<1x128xi32, #tpu.memory_space<vmem>>
      %dma_start3A_149 = tpu.memref_squeeze %dma_start3A_148 : memref<1x128xi32, #tpu.memory_space<vmem>> -> memref<128xi32, #tpu.memory_space<vmem>>
      %dma_start3A_150 = arith.constant 0 : i32
      %dma_start3A_151 = arith.constant 0 : i32
      %dma_start3A_152 = tpu.memref_slice %arg23[%dma_start3A_150, %dma_start3A_151] : memref<10240x64xf32, #tpu.memory_space<vmem_shared>> -> memref<10240x64xf32, #tpu.memory_space<vmem_shared>>
      tpu.enqueue_indirect_dma source(%arg9 : memref<128x64xf32, #tpu.memory_space<vmem>>) target(%dma_start3A_152 : memref<10240x64xf32, #tpu.memory_space<vmem_shared>>) offsets(%dma_start3A_149 : memref<128xi32, #tpu.memory_space<vmem>>) semaphore(%arg20 : memref<!tpu.dma_semaphore, #tpu.memory_space<semaphore_mem>>) {add = true}
      %add3A_153 = arith.constant 3 : i32
      %add3A_154 = arith.addi %mul3A_105, %add3A_153 : i32
      %dma_wait3A_155 = arith.constant 0 : i32
      %dma_wait3A_156 = tpu.memref_slice %arg5[%add3A_154, %dma_wait3A_155] : memref<80x128xi32, #tpu.memory_space<vmem>> -> memref<1x128xi32, #tpu.memory_space<vmem>>
      %dma_wait3A_157 = tpu.memref_squeeze %dma_wait3A_156 : memref<1x128xi32, #tpu.memory_space<vmem>> -> memref<128xi32, #tpu.memory_space<vmem>>
      %dma_wait3A_158 = arith.constant 0 : i32
      %dma_wait3A_159 = arith.constant 0 : i32
      %dma_wait3A_160 = tpu.memref_slice %arg3[%dma_wait3A_158, %dma_wait3A_159] : memref<20000x64xf32, #tpu.memory_space<hbm>> -> memref<20000x64xf32, #tpu.memory_space<hbm>>
      tpu.wait_indirect_dma semaphore(%arg16 : memref<!tpu.dma_semaphore, #tpu.memory_space<semaphore_mem>>) src(%dma_wait3A_160 : memref<20000x64xf32, #tpu.memory_space<hbm>>) dst(%arg10 : memref<128x64xf32, #tpu.memory_space<vmem>>)
      %add3A_161 = arith.constant 3 : i32
      %add3A_162 = arith.addi %mul3A_105, %add3A_161 : i32
      %dma_start3A_163 = arith.constant 0 : i32
      %dma_start3A_164 = tpu.memref_slice %arg6[%add3A_162, %dma_start3A_163] : memref<80x128xi32, #tpu.memory_space<vmem>> -> memref<1x128xi32, #tpu.memory_space<vmem>>
      %dma_start3A_165 = tpu.memref_squeeze %dma_start3A_164 : memref<1x128xi32, #tpu.memory_space<vmem>> -> memref<128xi32, #tpu.memory_space<vmem>>
      %dma_start3A_166 = arith.constant 0 : i32
      %dma_start3A_167 = arith.constant 0 : i32
      %dma_start3A_168 = tpu.memref_slice %arg23[%dma_start3A_166, %dma_start3A_167] : memref<10240x64xf32, #tpu.memory_space<vmem_shared>> -> memref<10240x64xf32, #tpu.memory_space<vmem_shared>>
      tpu.enqueue_indirect_dma source(%arg10 : memref<128x64xf32, #tpu.memory_space<vmem>>) target(%dma_start3A_168 : memref<10240x64xf32, #tpu.memory_space<vmem_shared>>) offsets(%dma_start3A_165 : memref<128xi32, #tpu.memory_space<vmem>>) semaphore(%arg21 : memref<!tpu.dma_semaphore, #tpu.memory_space<semaphore_mem>>) {add = true}
      %add3A_169 = arith.constant 4 : i32
      %add3A_170 = arith.addi %mul3A_105, %add3A_169 : i32
      %dma_wait3A_171 = arith.constant 0 : i32
      %dma_wait3A_172 = tpu.memref_slice %arg5[%add3A_170, %dma_wait3A_171] : memref<80x128xi32, #tpu.memory_space<vmem>> -> memref<1x128xi32, #tpu.memory_space<vmem>>
      %dma_wait3A_173 = tpu.memref_squeeze %dma_wait3A_172 : memref<1x128xi32, #tpu.memory_space<vmem>> -> memref<128xi32, #tpu.memory_space<vmem>>
      %dma_wait3A_174 = arith.constant 0 : i32
      %dma_wait3A_175 = arith.constant 0 : i32
      %dma_wait3A_176 = tpu.memref_slice %arg3[%dma_wait3A_174, %dma_wait3A_175] : memref<20000x64xf32, #tpu.memory_space<hbm>> -> memref<20000x64xf32, #tpu.memory_space<hbm>>
      tpu.wait_indirect_dma semaphore(%arg17 : memref<!tpu.dma_semaphore, #tpu.memory_space<semaphore_mem>>) src(%dma_wait3A_176 : memref<20000x64xf32, #tpu.memory_space<hbm>>) dst(%arg11 : memref<128x64xf32, #tpu.memory_space<vmem>>)
      %add3A_177 = arith.constant 4 : i32
      %add3A_178 = arith.addi %mul3A_105, %add3A_177 : i32
      %dma_start3A_179 = arith.constant 0 : i32
      %dma_start3A_180 = tpu.memref_slice %arg6[%add3A_178, %dma_start3A_179] : memref<80x128xi32, #tpu.memory_space<vmem>> -> memref<1x128xi32, #tpu.memory_space<vmem>>
      %dma_start3A_181 = tpu.memref_squeeze %dma_start3A_180 : memref<1x128xi32, #tpu.memory_space<vmem>> -> memref<128xi32, #tpu.memory_space<vmem>>
      %dma_start3A_182 = arith.constant 0 : i32
      %dma_start3A_183 = arith.constant 0 : i32
      %dma_start3A_184 = tpu.memref_slice %arg23[%dma_start3A_182, %dma_start3A_183] : memref<10240x64xf32, #tpu.memory_space<vmem_shared>> -> memref<10240x64xf32, #tpu.memory_space<vmem_shared>>
      tpu.enqueue_indirect_dma source(%arg11 : memref<128x64xf32, #tpu.memory_space<vmem>>) target(%dma_start3A_184 : memref<10240x64xf32, #tpu.memory_space<vmem_shared>>) offsets(%dma_start3A_181 : memref<128xi32, #tpu.memory_space<vmem>>) semaphore(%arg22 : memref<!tpu.dma_semaphore, #tpu.memory_space<semaphore_mem>>) {add = true}
      %add3A_185 = arith.constant 0 : i32
      %add3A_186 = arith.addi %mul3A_105, %add3A_185 : i32
      %dma_wait3A_187 = arith.constant 0 : i32
      %dma_wait3A_188 = tpu.memref_slice %arg6[%add3A_186, %dma_wait3A_187] : memref<80x128xi32, #tpu.memory_space<vmem>> -> memref<1x128xi32, #tpu.memory_space<vmem>>
      %dma_wait3A_189 = tpu.memref_squeeze %dma_wait3A_188 : memref<1x128xi32, #tpu.memory_space<vmem>> -> memref<128xi32, #tpu.memory_space<vmem>>
      %dma_wait3A_190 = arith.constant 0 : i32
      %dma_wait3A_191 = arith.constant 0 : i32
      %dma_wait3A_192 = tpu.memref_slice %arg23[%dma_wait3A_190, %dma_wait3A_191] : memref<10240x64xf32, #tpu.memory_space<vmem_shared>> -> memref<10240x64xf32, #tpu.memory_space<vmem_shared>>
      tpu.wait_indirect_dma semaphore(%arg18 : memref<!tpu.dma_semaphore, #tpu.memory_space<semaphore_mem>>) src(%arg7 : memref<128x64xf32, #tpu.memory_space<vmem>>) dst(%dma_wait3A_192 : memref<10240x64xf32, #tpu.memory_space<vmem_shared>>)
      %add3A_193 = arith.constant 5 : i32
      %add3A_194 = arith.addi %mul3A_105, %add3A_193 : i32
      %add3A_195 = arith.constant 0 : i32
      %add3A_196 = arith.addi %add3A_194, %add3A_195 : i32
      %lt3A_197 = arith.cmpi slt, %add3A_196, %select_n3A : i32
      %convert_element_type3A_198 = arith.extui %lt3A_197 : i1 to i32
      %cond3A_199 = arith.constant 0 : i32
      %cond3A_200 = arith.cmpi ne, %convert_element_type3A_198, %cond3A_199 : i32
      scf.if %cond3A_200 {
        %add3A_265 = arith.constant 5 : i32
        %add3A_266 = arith.addi %mul3A_105, %add3A_265 : i32
        %add3A_267 = arith.constant 0 : i32
        %add3A_268 = arith.addi %add3A_266, %add3A_267 : i32
        %dma_start3A_269 = arith.constant 0 : i32
        %dma_start3A_270 = tpu.memref_slice %arg5[%add3A_268, %dma_start3A_269] : memref<80x128xi32, #tpu.memory_space<vmem>> -> memref<1x128xi32, #tpu.memory_space<vmem>>
        %dma_start3A_271 = tpu.memref_squeeze %dma_start3A_270 : memref<1x128xi32, #tpu.memory_space<vmem>> -> memref<128xi32, #tpu.memory_space<vmem>>
        %dma_start3A_272 = arith.constant 0 : i32
        %dma_start3A_273 = arith.constant 0 : i32
        %dma_start3A_274 = tpu.memref_slice %arg3[%dma_start3A_272, %dma_start3A_273] : memref<20000x64xf32, #tpu.memory_space<hbm>> -> memref<20000x64xf32, #tpu.memory_space<hbm>>
        tpu.enqueue_indirect_dma source(%dma_start3A_274 : memref<20000x64xf32, #tpu.memory_space<hbm>>) target(%arg7 : memref<128x64xf32, #tpu.memory_space<vmem>>) offsets(%dma_start3A_271 : memref<128xi32, #tpu.memory_space<vmem>>) semaphore(%arg13 : memref<!tpu.dma_semaphore, #tpu.memory_space<semaphore_mem>>)
      } else {
      }
      %add3A_201 = arith.constant 1 : i32
      %add3A_202 = arith.addi %mul3A_105, %add3A_201 : i32
      %dma_wait3A_203 = arith.constant 0 : i32
      %dma_wait3A_204 = tpu.memref_slice %arg6[%add3A_202, %dma_wait3A_203] : memref<80x128xi32, #tpu.memory_space<vmem>> -> memref<1x128xi32, #tpu.memory_space<vmem>>
      %dma_wait3A_205 = tpu.memref_squeeze %dma_wait3A_204 : memref<1x128xi32, #tpu.memory_space<vmem>> -> memref<128xi32, #tpu.memory_space<vmem>>
      %dma_wait3A_206 = arith.constant 0 : i32
      %dma_wait3A_207 = arith.constant 0 : i32
      %dma_wait3A_208 = tpu.memref_slice %arg23[%dma_wait3A_206, %dma_wait3A_207] : memref<10240x64xf32, #tpu.memory_space<vmem_shared>> -> memref<10240x64xf32, #tpu.memory_space<vmem_shared>>
      tpu.wait_indirect_dma semaphore(%arg19 : memref<!tpu.dma_semaphore, #tpu.memory_space<semaphore_mem>>) src(%arg8 : memref<128x64xf32, #tpu.memory_space<vmem>>) dst(%dma_wait3A_208 : memref<10240x64xf32, #tpu.memory_space<vmem_shared>>)
      %add3A_209 = arith.constant 5 : i32
      %add3A_210 = arith.addi %mul3A_105, %add3A_209 : i32
      %add3A_211 = arith.constant 1 : i32
      %add3A_212 = arith.addi %add3A_210, %add3A_211 : i32
      %lt3A_213 = arith.cmpi slt, %add3A_212, %select_n3A : i32
      %convert_element_type3A_214 = arith.extui %lt3A_213 : i1 to i32
      %cond3A_215 = arith.constant 0 : i32
      %cond3A_216 = arith.cmpi ne, %convert_element_type3A_214, %cond3A_215 : i32
      scf.if %cond3A_216 {
        %add3A_265 = arith.constant 5 : i32
        %add3A_266 = arith.addi %mul3A_105, %add3A_265 : i32
        %add3A_267 = arith.constant 1 : i32
        %add3A_268 = arith.addi %add3A_266, %add3A_267 : i32
        %dma_start3A_269 = arith.constant 0 : i32
        %dma_start3A_270 = tpu.memref_slice %arg5[%add3A_268, %dma_start3A_269] : memref<80x128xi32, #tpu.memory_space<vmem>> -> memref<1x128xi32, #tpu.memory_space<vmem>>
        %dma_start3A_271 = tpu.memref_squeeze %dma_start3A_270 : memref<1x128xi32, #tpu.memory_space<vmem>> -> memref<128xi32, #tpu.memory_space<vmem>>
        %dma_start3A_272 = arith.constant 0 : i32
        %dma_start3A_273 = arith.constant 0 : i32
        %dma_start3A_274 = tpu.memref_slice %arg3[%dma_start3A_272, %dma_start3A_273] : memref<20000x64xf32, #tpu.memory_space<hbm>> -> memref<20000x64xf32, #tpu.memory_space<hbm>>
        tpu.enqueue_indirect_dma source(%dma_start3A_274 : memref<20000x64xf32, #tpu.memory_space<hbm>>) target(%arg8 : memref<128x64xf32, #tpu.memory_space<vmem>>) offsets(%dma_start3A_271 : memref<128xi32, #tpu.memory_space<vmem>>) semaphore(%arg14 : memref<!tpu.dma_semaphore, #tpu.memory_space<semaphore_mem>>)
      } else {
      }
      %add3A_217 = arith.constant 2 : i32
      %add3A_218 = arith.addi %mul3A_105, %add3A_217 : i32
      %dma_wait3A_219 = arith.constant 0 : i32
      %dma_wait3A_220 = tpu.memref_slice %arg6[%add3A_218, %dma_wait3A_219] : memref<80x128xi32, #tpu.memory_space<vmem>> -> memref<1x128xi32, #tpu.memory_space<vmem>>
      %dma_wait3A_221 = tpu.memref_squeeze %dma_wait3A_220 : memref<1x128xi32, #tpu.memory_space<vmem>> -> memref<128xi32, #tpu.memory_space<vmem>>
      %dma_wait3A_222 = arith.constant 0 : i32
      %dma_wait3A_223 = arith.constant 0 : i32
      %dma_wait3A_224 = tpu.memref_slice %arg23[%dma_wait3A_222, %dma_wait3A_223] : memref<10240x64xf32, #tpu.memory_space<vmem_shared>> -> memref<10240x64xf32, #tpu.memory_space<vmem_shared>>
      tpu.wait_indirect_dma semaphore(%arg20 : memref<!tpu.dma_semaphore, #tpu.memory_space<semaphore_mem>>) src(%arg9 : memref<128x64xf32, #tpu.memory_space<vmem>>) dst(%dma_wait3A_224 : memref<10240x64xf32, #tpu.memory_space<vmem_shared>>)
      %add3A_225 = arith.constant 5 : i32
      %add3A_226 = arith.addi %mul3A_105, %add3A_225 : i32
      %add3A_227 = arith.constant 2 : i32
      %add3A_228 = arith.addi %add3A_226, %add3A_227 : i32
      %lt3A_229 = arith.cmpi slt, %add3A_228, %select_n3A : i32
      %convert_element_type3A_230 = arith.extui %lt3A_229 : i1 to i32
      %cond3A_231 = arith.constant 0 : i32
      %cond3A_232 = arith.cmpi ne, %convert_element_type3A_230, %cond3A_231 : i32
      scf.if %cond3A_232 {
        %add3A_265 = arith.constant 5 : i32
        %add3A_266 = arith.addi %mul3A_105, %add3A_265 : i32
        %add3A_267 = arith.constant 2 : i32
        %add3A_268 = arith.addi %add3A_266, %add3A_267 : i32
        %dma_start3A_269 = arith.constant 0 : i32
        %dma_start3A_270 = tpu.memref_slice %arg5[%add3A_268, %dma_start3A_269] : memref<80x128xi32, #tpu.memory_space<vmem>> -> memref<1x128xi32, #tpu.memory_space<vmem>>
        %dma_start3A_271 = tpu.memref_squeeze %dma_start3A_270 : memref<1x128xi32, #tpu.memory_space<vmem>> -> memref<128xi32, #tpu.memory_space<vmem>>
        %dma_start3A_272 = arith.constant 0 : i32
        %dma_start3A_273 = arith.constant 0 : i32
        %dma_start3A_274 = tpu.memref_slice %arg3[%dma_start3A_272, %dma_start3A_273] : memref<20000x64xf32, #tpu.memory_space<hbm>> -> memref<20000x64xf32, #tpu.memory_space<hbm>>
        tpu.enqueue_indirect_dma source(%dma_start3A_274 : memref<20000x64xf32, #tpu.memory_space<hbm>>) target(%arg9 : memref<128x64xf32, #tpu.memory_space<vmem>>) offsets(%dma_start3A_271 : memref<128xi32, #tpu.memory_space<vmem>>) semaphore(%arg15 : memref<!tpu.dma_semaphore, #tpu.memory_space<semaphore_mem>>)
      } else {
      }
      %add3A_233 = arith.constant 3 : i32
      %add3A_234 = arith.addi %mul3A_105, %add3A_233 : i32
      %dma_wait3A_235 = arith.constant 0 : i32
      %dma_wait3A_236 = tpu.memref_slice %arg6[%add3A_234, %dma_wait3A_235] : memref<80x128xi32, #tpu.memory_space<vmem>> -> memref<1x128xi32, #tpu.memory_space<vmem>>
      %dma_wait3A_237 = tpu.memref_squeeze %dma_wait3A_236 : memref<1x128xi32, #tpu.memory_space<vmem>> -> memref<128xi32, #tpu.memory_space<vmem>>
      %dma_wait3A_238 = arith.constant 0 : i32
      %dma_wait3A_239 = arith.constant 0 : i32
      %dma_wait3A_240 = tpu.memref_slice %arg23[%dma_wait3A_238, %dma_wait3A_239] : memref<10240x64xf32, #tpu.memory_space<vmem_shared>> -> memref<10240x64xf32, #tpu.memory_space<vmem_shared>>
      tpu.wait_indirect_dma semaphore(%arg21 : memref<!tpu.dma_semaphore, #tpu.memory_space<semaphore_mem>>) src(%arg10 : memref<128x64xf32, #tpu.memory_space<vmem>>) dst(%dma_wait3A_240 : memref<10240x64xf32, #tpu.memory_space<vmem_shared>>)
      %add3A_241 = arith.constant 5 : i32
      %add3A_242 = arith.addi %mul3A_105, %add3A_241 : i32
      %add3A_243 = arith.constant 3 : i32
      %add3A_244 = arith.addi %add3A_242, %add3A_243 : i32
      %lt3A_245 = arith.cmpi slt, %add3A_244, %select_n3A : i32
      %convert_element_type3A_246 = arith.extui %lt3A_245 : i1 to i32
      %cond3A_247 = arith.constant 0 : i32
      %cond3A_248 = arith.cmpi ne, %convert_element_type3A_246, %cond3A_247 : i32
      scf.if %cond3A_248 {
        %add3A_265 = arith.constant 5 : i32
        %add3A_266 = arith.addi %mul3A_105, %add3A_265 : i32
        %add3A_267 = arith.constant 3 : i32
        %add3A_268 = arith.addi %add3A_266, %add3A_267 : i32
        %dma_start3A_269 = arith.constant 0 : i32
        %dma_start3A_270 = tpu.memref_slice %arg5[%add3A_268, %dma_start3A_269] : memref<80x128xi32, #tpu.memory_space<vmem>> -> memref<1x128xi32, #tpu.memory_space<vmem>>
        %dma_start3A_271 = tpu.memref_squeeze %dma_start3A_270 : memref<1x128xi32, #tpu.memory_space<vmem>> -> memref<128xi32, #tpu.memory_space<vmem>>
        %dma_start3A_272 = arith.constant 0 : i32
        %dma_start3A_273 = arith.constant 0 : i32
        %dma_start3A_274 = tpu.memref_slice %arg3[%dma_start3A_272, %dma_start3A_273] : memref<20000x64xf32, #tpu.memory_space<hbm>> -> memref<20000x64xf32, #tpu.memory_space<hbm>>
        tpu.enqueue_indirect_dma source(%dma_start3A_274 : memref<20000x64xf32, #tpu.memory_space<hbm>>) target(%arg10 : memref<128x64xf32, #tpu.memory_space<vmem>>) offsets(%dma_start3A_271 : memref<128xi32, #tpu.memory_space<vmem>>) semaphore(%arg16 : memref<!tpu.dma_semaphore, #tpu.memory_space<semaphore_mem>>)
      } else {
      }
      %add3A_249 = arith.constant 4 : i32
      %add3A_250 = arith.addi %mul3A_105, %add3A_249 : i32
      %dma_wait3A_251 = arith.constant 0 : i32
      %dma_wait3A_252 = tpu.memref_slice %arg6[%add3A_250, %dma_wait3A_251] : memref<80x128xi32, #tpu.memory_space<vmem>> -> memref<1x128xi32, #tpu.memory_space<vmem>>
      %dma_wait3A_253 = tpu.memref_squeeze %dma_wait3A_252 : memref<1x128xi32, #tpu.memory_space<vmem>> -> memref<128xi32, #tpu.memory_space<vmem>>
      %dma_wait3A_254 = arith.constant 0 : i32
      %dma_wait3A_255 = arith.constant 0 : i32
      %dma_wait3A_256 = tpu.memref_slice %arg23[%dma_wait3A_254, %dma_wait3A_255] : memref<10240x64xf32, #tpu.memory_space<vmem_shared>> -> memref<10240x64xf32, #tpu.memory_space<vmem_shared>>
      tpu.wait_indirect_dma semaphore(%arg22 : memref<!tpu.dma_semaphore, #tpu.memory_space<semaphore_mem>>) src(%arg11 : memref<128x64xf32, #tpu.memory_space<vmem>>) dst(%dma_wait3A_256 : memref<10240x64xf32, #tpu.memory_space<vmem_shared>>)
      %add3A_257 = arith.constant 5 : i32
      %add3A_258 = arith.addi %mul3A_105, %add3A_257 : i32
      %add3A_259 = arith.constant 4 : i32
      %add3A_260 = arith.addi %add3A_258, %add3A_259 : i32
      %lt3A_261 = arith.cmpi slt, %add3A_260, %select_n3A : i32
      %convert_element_type3A_262 = arith.extui %lt3A_261 : i1 to i32
      %cond3A_263 = arith.constant 0 : i32
      %cond3A_264 = arith.cmpi ne, %convert_element_type3A_262, %cond3A_263 : i32
      scf.if %cond3A_264 {
        %add3A_265 = arith.constant 5 : i32
        %add3A_266 = arith.addi %mul3A_105, %add3A_265 : i32
        %add3A_267 = arith.constant 4 : i32
        %add3A_268 = arith.addi %add3A_266, %add3A_267 : i32
        %dma_start3A_269 = arith.constant 0 : i32
        %dma_start3A_270 = tpu.memref_slice %arg5[%add3A_268, %dma_start3A_269] : memref<80x128xi32, #tpu.memory_space<vmem>> -> memref<1x128xi32, #tpu.memory_space<vmem>>
        %dma_start3A_271 = tpu.memref_squeeze %dma_start3A_270 : memref<1x128xi32, #tpu.memory_space<vmem>> -> memref<128xi32, #tpu.memory_space<vmem>>
        %dma_start3A_272 = arith.constant 0 : i32
        %dma_start3A_273 = arith.constant 0 : i32
        %dma_start3A_274 = tpu.memref_slice %arg3[%dma_start3A_272, %dma_start3A_273] : memref<20000x64xf32, #tpu.memory_space<hbm>> -> memref<20000x64xf32, #tpu.memory_space<hbm>>
        tpu.enqueue_indirect_dma source(%dma_start3A_274 : memref<20000x64xf32, #tpu.memory_space<hbm>>) target(%arg11 : memref<128x64xf32, #tpu.memory_space<vmem>>) offsets(%dma_start3A_271 : memref<128xi32, #tpu.memory_space<vmem>>) semaphore(%arg17 : memref<!tpu.dma_semaphore, #tpu.memory_space<semaphore_mem>>)
      } else {
      }
    }
    %barrier3A_94 = arith.constant 0 : index
    tpu.barrier barrier_id(%barrier3A_94)
    %add3A_95 = arith.constant 0 : i32
    %add3A_96 = arith.addi %multiple_of3A, %add3A_95 : i32
    "tpu.region"() ({
      %run_scoped3A = tpu.sem_alloc : memref<!tpu.dma_semaphore, #tpu.memory_space<semaphore_mem>>
      %dma_start3A_103 = arith.constant 0 : i32
      %dma_start3A_104 = tpu.memref_slice %arg23[%add3A_96, %dma_start3A_103] : memref<10240x64xf32, #tpu.memory_space<vmem_shared>> -> memref<320x64xf32, #tpu.memory_space<vmem_shared>>
      %dma_start3A_105 = arith.constant 0 : i32
      %dma_start3A_106 = tpu.memref_slice %arg23[%add3A_96, %dma_start3A_105] : memref<10240x64xf32, #tpu.memory_space<vmem_shared>> -> memref<320x64xf32, #tpu.memory_space<vmem_shared>>
      tpu.enqueue_dma source(%dma_start3A_106 : memref<320x64xf32, #tpu.memory_space<vmem_shared>>) target(%arg12 : memref<320x64xf32, #tpu.memory_space<vmem>>) target_semaphore(%run_scoped3A : memref<!tpu.dma_semaphore, #tpu.memory_space<semaphore_mem>>)
      %dma_wait3A = arith.constant 0 : i32
      %dma_wait3A_107 = tpu.memref_slice %arg23[%add3A_96, %dma_wait3A] : memref<10240x64xf32, #tpu.memory_space<vmem_shared>> -> memref<320x64xf32, #tpu.memory_space<vmem_shared>>
      %dma_wait3A_108 = arith.constant 0 : i32
      %dma_wait3A_109 = tpu.memref_slice %arg23[%add3A_96, %dma_wait3A_108] : memref<10240x64xf32, #tpu.memory_space<vmem_shared>> -> memref<320x64xf32, #tpu.memory_space<vmem_shared>>
      tpu.wait_dma2 semaphore(%run_scoped3A : memref<!tpu.dma_semaphore, #tpu.memory_space<semaphore_mem>>) src(%dma_wait3A_109 : memref<320x64xf32, #tpu.memory_space<vmem_shared>>) dst(%arg12 : memref<320x64xf32, #tpu.memory_space<vmem>>)
      tpu.yield
    }) : () -> ()
    %add3A_97 = arith.constant 0 : i32
    %add3A_98 = arith.addi %multiple_of3A, %add3A_97 : i32
    "tpu.region"() ({
      %run_scoped3A = tpu.sem_alloc : memref<!tpu.dma_semaphore, #tpu.memory_space<semaphore_mem>>
      %dma_start3A_103 = arith.constant 0 : i32
      %dma_start3A_104 = tpu.memref_slice %arg4[%arg0, %add3A_98, %dma_start3A_103] : memref<2x10240x128xf32, #tpu.memory_space<hbm>> -> memref<1x320x64xf32, #tpu.memory_space<hbm>>
      %dma_start3A_105 = tpu.memref_squeeze %dma_start3A_104 : memref<1x320x64xf32, #tpu.memory_space<hbm>> -> memref<320x64xf32, #tpu.memory_space<hbm>>
      %dma_start3A_106 = arith.constant 0 : i32
      %dma_start3A_107 = tpu.memref_slice %arg4[%arg0, %add3A_98, %dma_start3A_106] : memref<2x10240x128xf32, #tpu.memory_space<hbm>> -> memref<1x320x64xf32, #tpu.memory_space<hbm>>
      %dma_start3A_108 = tpu.memref_squeeze %dma_start3A_107 : memref<1x320x64xf32, #tpu.memory_space<hbm>> -> memref<320x64xf32, #tpu.memory_space<hbm>>
      tpu.enqueue_dma source(%arg12 : memref<320x64xf32, #tpu.memory_space<vmem>>) target(%dma_start3A_108 : memref<320x64xf32, #tpu.memory_space<hbm>>) target_semaphore(%run_scoped3A : memref<!tpu.dma_semaphore, #tpu.memory_space<semaphore_mem>>)
      %dma_wait3A = arith.constant 0 : i32
      %dma_wait3A_109 = tpu.memref_slice %arg4[%arg0, %add3A_98, %dma_wait3A] : memref<2x10240x128xf32, #tpu.memory_space<hbm>> -> memref<1x320x64xf32, #tpu.memory_space<hbm>>
      %dma_wait3A_110 = tpu.memref_squeeze %dma_wait3A_109 : memref<1x320x64xf32, #tpu.memory_space<hbm>> -> memref<320x64xf32, #tpu.memory_space<hbm>>
      %dma_wait3A_111 = arith.constant 0 : i32
      %dma_wait3A_112 = tpu.memref_slice %arg4[%arg0, %add3A_98, %dma_wait3A_111] : memref<2x10240x128xf32, #tpu.memory_space<hbm>> -> memref<1x320x64xf32, #tpu.memory_space<hbm>>
      %dma_wait3A_113 = tpu.memref_squeeze %dma_wait3A_112 : memref<1x320x64xf32, #tpu.memory_space<hbm>> -> memref<320x64xf32, #tpu.memory_space<hbm>>
      tpu.wait_dma2 semaphore(%run_scoped3A : memref<!tpu.dma_semaphore, #tpu.memory_space<semaphore_mem>>) src(%arg12 : memref<320x64xf32, #tpu.memory_space<vmem>>) dst(%dma_wait3A_113 : memref<320x64xf32, #tpu.memory_space<hbm>>)
      tpu.yield
    }) : () -> ()
    %add3A_99 = arith.constant 320 : i32
    %add3A_100 = arith.addi %multiple_of3A, %add3A_99 : i32
    "tpu.region"() ({
      %run_scoped3A = tpu.sem_alloc : memref<!tpu.dma_semaphore, #tpu.memory_space<semaphore_mem>>
      %dma_start3A_103 = arith.constant 0 : i32
      %dma_start3A_104 = tpu.memref_slice %arg23[%add3A_100, %dma_start3A_103] : memref<10240x64xf32, #tpu.memory_space<vmem_shared>> -> memref<320x64xf32, #tpu.memory_space<vmem_shared>>
      %dma_start3A_105 = arith.constant 0 : i32
      %dma_start3A_106 = tpu.memref_slice %arg23[%add3A_100, %dma_start3A_105] : memref<10240x64xf32, #tpu.memory_space<vmem_shared>> -> memref<320x64xf32, #tpu.memory_space<vmem_shared>>
      tpu.enqueue_dma source(%dma_start3A_106 : memref<320x64xf32, #tpu.memory_space<vmem_shared>>) target(%arg12 : memref<320x64xf32, #tpu.memory_space<vmem>>) target_semaphore(%run_scoped3A : memref<!tpu.dma_semaphore, #tpu.memory_space<semaphore_mem>>)
      %dma_wait3A = arith.constant 0 : i32
      %dma_wait3A_107 = tpu.memref_slice %arg23[%add3A_100, %dma_wait3A] : memref<10240x64xf32, #tpu.memory_space<vmem_shared>> -> memref<320x64xf32, #tpu.memory_space<vmem_shared>>
      %dma_wait3A_108 = arith.constant 0 : i32
      %dma_wait3A_109 = tpu.memref_slice %arg23[%add3A_100, %dma_wait3A_108] : memref<10240x64xf32, #tpu.memory_space<vmem_shared>> -> memref<320x64xf32, #tpu.memory_space<vmem_shared>>
      tpu.wait_dma2 semaphore(%run_scoped3A : memref<!tpu.dma_semaphore, #tpu.memory_space<semaphore_mem>>) src(%dma_wait3A_109 : memref<320x64xf32, #tpu.memory_space<vmem_shared>>) dst(%arg12 : memref<320x64xf32, #tpu.memory_space<vmem>>)
      tpu.yield
    }) : () -> ()
    %add3A_101 = arith.constant 320 : i32
    %add3A_102 = arith.addi %multiple_of3A, %add3A_101 : i32
    "tpu.region"() ({
      %run_scoped3A = tpu.sem_alloc : memref<!tpu.dma_semaphore, #tpu.memory_space<semaphore_mem>>
      %dma_start3A_103 = arith.constant 0 : i32
      %dma_start3A_104 = tpu.memref_slice %arg4[%arg0, %add3A_102, %dma_start3A_103] : memref<2x10240x128xf32, #tpu.memory_space<hbm>> -> memref<1x320x64xf32, #tpu.memory_space<hbm>>
      %dma_start3A_105 = tpu.memref_squeeze %dma_start3A_104 : memref<1x320x64xf32, #tpu.memory_space<hbm>> -> memref<320x64xf32, #tpu.memory_space<hbm>>
      %dma_start3A_106 = arith.constant 0 : i32
      %dma_start3A_107 = tpu.memref_slice %arg4[%arg0, %add3A_102, %dma_start3A_106] : memref<2x10240x128xf32, #tpu.memory_space<hbm>> -> memref<1x320x64xf32, #tpu.memory_space<hbm>>
      %dma_start3A_108 = tpu.memref_squeeze %dma_start3A_107 : memref<1x320x64xf32, #tpu.memory_space<hbm>> -> memref<320x64xf32, #tpu.memory_space<hbm>>
      tpu.enqueue_dma source(%arg12 : memref<320x64xf32, #tpu.memory_space<vmem>>) target(%dma_start3A_108 : memref<320x64xf32, #tpu.memory_space<hbm>>) target_semaphore(%run_scoped3A : memref<!tpu.dma_semaphore, #tpu.memory_space<semaphore_mem>>)
      %dma_wait3A = arith.constant 0 : i32
      %dma_wait3A_109 = tpu.memref_slice %arg4[%arg0, %add3A_102, %dma_wait3A] : memref<2x10240x128xf32, #tpu.memory_space<hbm>> -> memref<1x320x64xf32, #tpu.memory_space<hbm>>
      %dma_wait3A_110 = tpu.memref_squeeze %dma_wait3A_109 : memref<1x320x64xf32, #tpu.memory_space<hbm>> -> memref<320x64xf32, #tpu.memory_space<hbm>>
      %dma_wait3A_111 = arith.constant 0 : i32
      %dma_wait3A_112 = tpu.memref_slice %arg4[%arg0, %add3A_102, %dma_wait3A_111] : memref<2x10240x128xf32, #tpu.memory_space<hbm>> -> memref<1x320x64xf32, #tpu.memory_space<hbm>>
      %dma_wait3A_113 = tpu.memref_squeeze %dma_wait3A_112 : memref<1x320x64xf32, #tpu.memory_space<hbm>> -> memref<320x64xf32, #tpu.memory_space<hbm>>
      tpu.wait_dma2 semaphore(%run_scoped3A : memref<!tpu.dma_semaphore, #tpu.memory_space<semaphore_mem>>) src(%arg12 : memref<320x64xf32, #tpu.memory_space<vmem>>) dst(%dma_wait3A_113 : memref<320x64xf32, #tpu.memory_space<hbm>>)
      tpu.yield
    }) : () -> ()
    return
  }
}

module attributes {stable_mosaic.version = 14 : i64} {
  func.func @_enc1_tc(%arg0: i32, %arg1: memref<2000x1xf32, #tpu.memory_space<vmem>>, %arg2: memref<2000x128xf32, #tpu.memory_space<vmem>>, %arg3: memref<128x128xf32, #tpu.memory_space<vmem>>, %arg4: memref<1x128xf32, #tpu.memory_space<vmem>>, %arg5: memref<2000x128xf32, #tpu.memory_space<vmem>>, %arg6: memref<2000x1xf32, #tpu.memory_space<vmem>>) attributes {dimension_semantics = [#tpu.dimension_semantics<arbitrary>], iteration_bounds = array<i64: 5>, scalar_prefetch = 0 : i64, scratch_operands = 0 : i64, tpu.core_type = #tpu.core_type<tc>, window_params = [{transform_indices = @transform_0, window_bounds = array<i64: 2000, 1>}, {transform_indices = @transform_1, window_bounds = array<i64: 2000, 128>}, {pipeline_mode = #tpu.pipeline_mode<synchronous>, transform_indices = @transform_2, window_bounds = array<i64: 128, 128>}, {pipeline_mode = #tpu.pipeline_mode<synchronous>, transform_indices = @transform_3, window_bounds = array<i64: 1, 128>}, {transform_indices = @transform_4, window_bounds = array<i64: 2000, 128>}, {transform_indices = @transform_5, window_bounds = array<i64: 2000, 1>}]} {
    %get3A = arith.constant 0 : index
    %get3A_0 = arith.constant 0 : index
    %get3A_1 = vector.load %arg1[%get3A, %get3A_0] : memref<2000x1xf32, #tpu.memory_space<vmem>>, vector<2000x1xf32>
    %get3A_2 = arith.constant 0 : index
    %get3A_3 = arith.constant 0 : index
    %get3A_4 = vector.load %arg2[%get3A_2, %get3A_3] : memref<2000x128xf32, #tpu.memory_space<vmem>>, vector<2000x128xf32>
    %get3A_5 = arith.constant 0 : index
    %get3A_6 = arith.constant 0 : index
    %get3A_7 = vector.load %arg3[%get3A_5, %get3A_6] : memref<128x128xf32, #tpu.memory_space<vmem>>, vector<128x128xf32>
    %dot_general3A = arith.constant dense<0.000000e+00> : vector<2000x128xf32>
    %dot_general3A_8 = tpu.matmul %get3A_4, %get3A_7, %dot_general3A {dimension_numbers = #tpu.dot_dimension_numbers<[1], [0], [0], [1], [0, 0, 1, 1], [], []>, transpose_lhs_hint = false} : vector<2000x128xf32>, vector<128x128xf32>, vector<2000x128xf32> -> vector<2000x128xf32>
    %get3A_9 = arith.constant 0 : index
    %get3A_10 = arith.constant 0 : index
    %get3A_11 = vector.load %arg4[%get3A_9, %get3A_10] : memref<1x128xf32, #tpu.memory_space<vmem>>, vector<1x128xf32>
    %add3A = vector.broadcast %get3A_11 : vector<1x128xf32> to vector<2000x128xf32>
    %add3A_12 = arith.addf %dot_general3A_8, %add3A : vector<2000x128xf32>
    %mul3A = vector.broadcast %get3A_1 : vector<2000x1xf32> to vector<2000x128xf32>
    %mul3A_13 = arith.mulf %add3A_12, %mul3A : vector<2000x128xf32>
    %swap3A = arith.constant 0 : index
    %swap3A_14 = arith.constant 0 : index
    %swap3A_15 = vector.load %arg5[%swap3A, %swap3A_14] : memref<2000x128xf32, #tpu.memory_space<vmem>>, vector<2000x128xf32>
    tpu.vector_store %arg5[%swap3A, %swap3A_14], %mul3A_13 {strides = array<i32>} : memref<2000x128xf32, #tpu.memory_space<vmem>>, vector<2000x128xf32>,
    %reduce_sum3A = arith.constant dense<0.000000e+00> : vector<2000xf32>
    %reduce_sum3A_16 = vector.multi_reduction <add>, %get3A_4, %reduce_sum3A [1] : vector<2000x128xf32> to vector<2000xf32>
    %broadcast_in_dim3A = vector.shape_cast %reduce_sum3A_16 : vector<2000xf32> to vector<2000x1xf32>
    %swap3A_17 = arith.constant 0 : index
    %swap3A_18 = arith.constant 0 : index
    %swap3A_19 = vector.load %arg6[%swap3A_17, %swap3A_18] : memref<2000x1xf32, #tpu.memory_space<vmem>>, vector<2000x1xf32>
    tpu.vector_store %arg6[%swap3A_17, %swap3A_18], %broadcast_in_dim3A {strides = array<i32>} : memref<2000x1xf32, #tpu.memory_space<vmem>>, vector<2000x1xf32>,
    return
  }
  func.func @transform_0(%arg0: i32) -> (i32, i32) {
    %c0_i32 = arith.constant 0 : i32
    %c0_i32_0 = arith.constant 0 : i32
    return %arg0, %c0_i32 : i32, i32
  }
  func.func @transform_1(%arg0: i32) -> (i32, i32) {
    %c0_i32 = arith.constant 0 : i32
    %c0_i32_0 = arith.constant 0 : i32
    return %arg0, %c0_i32 : i32, i32
  }
  func.func @transform_2(%arg0: i32) -> (i32, i32) {
    %c0_i32 = arith.constant 0 : i32
    %c0_i32_0 = arith.constant 0 : i32
    %c0_i32_1 = arith.constant 0 : i32
    return %c0_i32, %c0_i32_0 : i32, i32
  }
  func.func @transform_3(%arg0: i32) -> (i32, i32) {
    %c0_i32 = arith.constant 0 : i32
    %c0_i32_0 = arith.constant 0 : i32
    %c0_i32_1 = arith.constant 0 : i32
    return %c0_i32, %c0_i32_0 : i32, i32
  }
  func.func @transform_4(%arg0: i32) -> (i32, i32) {
    %c0_i32 = arith.constant 0 : i32
    %c0_i32_0 = arith.constant 0 : i32
    return %arg0, %c0_i32 : i32, i32
  }
  func.func @transform_5(%arg0: i32) -> (i32, i32) {
    %c0_i32 = arith.constant 0 : i32
    %c0_i32_0 = arith.constant 0 : i32
    return %arg0, %c0_i32 : i32, i32
  }
}

module attributes {stable_mosaic.version = 14 : i64} {
  func.func @_enc2_tc(%arg0: i32, %arg1: memref<2x2000x128xf32, #tpu.memory_space<vmem>>, %arg2: memref<2x2000x128xf32, #tpu.memory_space<vmem>>, %arg3: memref<2000x128xf32, #tpu.memory_space<vmem>>, %arg4: memref<2000x1xf32, #tpu.memory_space<vmem>>, %arg5: memref<128x64xf32, #tpu.memory_space<vmem>>, %arg6: memref<1x64xf32, #tpu.memory_space<vmem>>, %arg7: memref<2000x128xf32, #tpu.memory_space<vmem>>) attributes {dimension_semantics = [#tpu.dimension_semantics<arbitrary>], iteration_bounds = array<i64: 5>, scalar_prefetch = 0 : i64, scratch_operands = 0 : i64, tpu.core_type = #tpu.core_type<tc>, window_params = [{transform_indices = @transform_0, window_bounds = array<i64: 2, 2000, 128>}, {transform_indices = @transform_1, window_bounds = array<i64: 2, 2000, 128>}, {transform_indices = @transform_2, window_bounds = array<i64: 2000, 128>}, {transform_indices = @transform_3, window_bounds = array<i64: 2000, 1>}, {pipeline_mode = #tpu.pipeline_mode<synchronous>, transform_indices = @transform_4, window_bounds = array<i64: 128, 64>}, {pipeline_mode = #tpu.pipeline_mode<synchronous>, transform_indices = @transform_5, window_bounds = array<i64: 1, 64>}, {transform_indices = @transform_6, window_bounds = array<i64: 2000, 128>}]} {
    %get3A = arith.constant 0 : index
    %get3A_0 = arith.constant 0 : index
    %get3A_1 = vector.load %arg4[%get3A, %get3A_0] : memref<2000x1xf32, #tpu.memory_space<vmem>>, vector<2000x1xf32>
    %get3A_2 = arith.constant 0 : index
    %get3A_3 = arith.constant 0 : index
    %get3A_4 = vector.load %arg3[%get3A_2, %get3A_3] : memref<2000x128xf32, #tpu.memory_space<vmem>>, vector<2000x128xf32>
    %get3A_5 = arith.constant 0 : index
    %get3A_6 = arith.constant 0 : index
    %get3A_7 = arith.constant 0 : index
    %get3A_8 = vector.load %arg1[%get3A_5, %get3A_6, %get3A_7] : memref<2x2000x128xf32, #tpu.memory_space<vmem>>, vector<1x2000x128xf32>
    %get3A_9 = vector.shape_cast %get3A_8 : vector<1x2000x128xf32> to vector<2000x128xf32>
    %slice3A = vector.extract_strided_slice %get3A_9 {offsets = [0, 0], sizes = [2000, 64], strides = [1, 1]} : vector<2000x128xf32> to vector<2000x64xf32>
    %get3A_10 = arith.constant 1 : index
    %get3A_11 = arith.constant 0 : index
    %get3A_12 = arith.constant 0 : index
    %get3A_13 = vector.load %arg1[%get3A_10, %get3A_11, %get3A_12] : memref<2x2000x128xf32, #tpu.memory_space<vmem>>, vector<1x2000x128xf32>
    %get3A_14 = vector.shape_cast %get3A_13 : vector<1x2000x128xf32> to vector<2000x128xf32>
    %slice3A_15 = vector.extract_strided_slice %get3A_14 {offsets = [0, 0], sizes = [2000, 64], strides = [1, 1]} : vector<2000x128xf32> to vector<2000x64xf32>
    %add3A = arith.addf %slice3A, %slice3A_15 : vector<2000x64xf32>
    %get3A_16 = arith.constant 0 : index
    %get3A_17 = arith.constant 0 : index
    %get3A_18 = arith.constant 0 : index
    %get3A_19 = vector.load %arg2[%get3A_16, %get3A_17, %get3A_18] : memref<2x2000x128xf32, #tpu.memory_space<vmem>>, vector<1x2000x128xf32>
    %get3A_20 = vector.shape_cast %get3A_19 : vector<1x2000x128xf32> to vector<2000x128xf32>
    %slice3A_21 = vector.extract_strided_slice %get3A_20 {offsets = [0, 0], sizes = [2000, 64], strides = [1, 1]} : vector<2000x128xf32> to vector<2000x64xf32>
    %get3A_22 = arith.constant 1 : index
    %get3A_23 = arith.constant 0 : index
    %get3A_24 = arith.constant 0 : index
    %get3A_25 = vector.load %arg2[%get3A_22, %get3A_23, %get3A_24] : memref<2x2000x128xf32, #tpu.memory_space<vmem>>, vector<1x2000x128xf32>
    %get3A_26 = vector.shape_cast %get3A_25 : vector<1x2000x128xf32> to vector<2000x128xf32>
    %slice3A_27 = vector.extract_strided_slice %get3A_26 {offsets = [0, 0], sizes = [2000, 64], strides = [1, 1]} : vector<2000x128xf32> to vector<2000x64xf32>
    %add3A_28 = arith.addf %slice3A_21, %slice3A_27 : vector<2000x64xf32>
    %slice3A_29 = vector.extract_strided_slice %get3A_4 {offsets = [0, 0], sizes = [2000, 64], strides = [1, 1]} : vector<2000x128xf32> to vector<2000x64xf32>
    %add3A_30 = arith.addf %add3A, %slice3A_29 : vector<2000x64xf32>
    %mul3A = vector.broadcast %get3A_1 : vector<2000x1xf32> to vector<2000x64xf32>
    %mul3A_31 = arith.mulf %add3A_30, %mul3A : vector<2000x64xf32>
    %slice3A_32 = vector.extract_strided_slice %get3A_4 {offsets = [0, 64], sizes = [2000, 64], strides = [1, 1]} : vector<2000x128xf32> to vector<2000x64xf32>
    %add3A_33 = arith.addf %add3A_28, %slice3A_32 : vector<2000x64xf32>
    %mul3A_34 = vector.broadcast %get3A_1 : vector<2000x1xf32> to vector<2000x64xf32>
    %mul3A_35 = arith.mulf %add3A_33, %mul3A_34 : vector<2000x64xf32>
    %concatenate3A = tpu.concatenate %mul3A_31, %mul3A_35 in 1 : vector<2000x64xf32>, vector<2000x64xf32> -> vector<2000x128xf32>
    %max3A = arith.constant 0.000000e+00 : f32
    %max3A_36 = vector.broadcast %max3A : f32 to vector<2000x128xf32>
    %max3A_37 = arith.maximumf %concatenate3A, %max3A_36 : vector<2000x128xf32>
    %get3A_38 = arith.constant 0 : index
    %get3A_39 = arith.constant 0 : index
    %get3A_40 = vector.load %arg5[%get3A_38, %get3A_39] : memref<128x64xf32, #tpu.memory_space<vmem>>, vector<128x64xf32>
    %dot_general3A = arith.constant dense<0.000000e+00> : vector<2000x64xf32>
    %dot_general3A_41 = tpu.matmul %max3A_37, %get3A_40, %dot_general3A {dimension_numbers = #tpu.dot_dimension_numbers<[1], [0], [0], [1], [0, 0, 1, 1], [], []>, transpose_lhs_hint = false} : vector<2000x128xf32>, vector<128x64xf32>, vector<2000x64xf32> -> vector<2000x64xf32>
    %get3A_42 = arith.constant 0 : index
    %get3A_43 = arith.constant 0 : index
    %get3A_44 = vector.load %arg6[%get3A_42, %get3A_43] : memref<1x64xf32, #tpu.memory_space<vmem>>, vector<1x64xf32>
    %add3A_45 = vector.broadcast %get3A_44 : vector<1x64xf32> to vector<2000x64xf32>
    %add3A_46 = arith.addf %dot_general3A_41, %add3A_45 : vector<2000x64xf32>
    %mul3A_47 = vector.broadcast %get3A_1 : vector<2000x1xf32> to vector<2000x64xf32>
    %mul3A_48 = arith.mulf %add3A_46, %mul3A_47 : vector<2000x64xf32>
    %concatenate3A_49 = tpu.concatenate %mul3A_48, %mul3A_48 in 1 : vector<2000x64xf32>, vector<2000x64xf32> -> vector<2000x128xf32>
    %swap3A = arith.constant 0 : index
    %swap3A_50 = arith.constant 0 : index
    %swap3A_51 = vector.load %arg7[%swap3A, %swap3A_50] : memref<2000x128xf32, #tpu.memory_space<vmem>>, vector<2000x128xf32>
    tpu.vector_store %arg7[%swap3A, %swap3A_50], %concatenate3A_49 {strides = array<i32>} : memref<2000x128xf32, #tpu.memory_space<vmem>>, vector<2000x128xf32>,
    return
  }
  func.func @transform_0(%arg0: i32) -> (i32, i32, i32) {
    %c0_i32 = arith.constant 0 : i32
    %c0_i32_0 = arith.constant 0 : i32
    %c0_i32_1 = arith.constant 0 : i32
    return %c0_i32, %arg0, %c0_i32_0 : i32, i32, i32
  }
  func.func @transform_1(%arg0: i32) -> (i32, i32, i32) {
    %c0_i32 = arith.constant 0 : i32
    %c0_i32_0 = arith.constant 0 : i32
    %c0_i32_1 = arith.constant 0 : i32
    return %c0_i32, %arg0, %c0_i32_0 : i32, i32, i32
  }
  func.func @transform_2(%arg0: i32) -> (i32, i32) {
    %c0_i32 = arith.constant 0 : i32
    %c0_i32_0 = arith.constant 0 : i32
    return %arg0, %c0_i32 : i32, i32
  }
  func.func @transform_3(%arg0: i32) -> (i32, i32) {
    %c0_i32 = arith.constant 0 : i32
    %c0_i32_0 = arith.constant 0 : i32
    return %arg0, %c0_i32 : i32, i32
  }
  func.func @transform_4(%arg0: i32) -> (i32, i32) {
    %c0_i32 = arith.constant 0 : i32
    %c0_i32_0 = arith.constant 0 : i32
    %c0_i32_1 = arith.constant 0 : i32
    return %c0_i32, %c0_i32_0 : i32, i32
  }
  func.func @transform_5(%arg0: i32) -> (i32, i32) {
    %c0_i32 = arith.constant 0 : i32
    %c0_i32_0 = arith.constant 0 : i32
    %c0_i32_1 = arith.constant 0 : i32
    return %c0_i32, %c0_i32_0 : i32, i32
  }
  func.func @transform_6(%arg0: i32) -> (i32, i32) {
    %c0_i32 = arith.constant 0 : i32
    %c0_i32_0 = arith.constant 0 : i32
    return %arg0, %c0_i32 : i32, i32
  }
}

module attributes {stable_mosaic.version = 14 : i64} {
  func.func @_dec_tc(%arg0: i32, %arg1: memref<2x2000x128xf32, #tpu.memory_space<vmem>>, %arg2: memref<2000x128xf32, #tpu.memory_space<vmem>>, %arg3: memref<2000x1xf32, #tpu.memory_space<vmem>>, %arg4: memref<2000x32xf32, #tpu.memory_space<vmem>>, %arg5: memref<2000x1xf32, #tpu.memory_space<vmem>>, %arg6: memref<32x128xf32, #tpu.memory_space<vmem>>, %arg7: memref<32x128xf32, #tpu.memory_space<vmem>>, %arg8: memref<32x128xf32, #tpu.memory_space<vmem>>, %arg9: memref<2000x32xf32, #tpu.memory_space<vmem>>, %arg10: memref<2000x32xf32, #tpu.memory_space<vmem>>, %arg11: memref<2000x32xf32, #tpu.memory_space<vmem>>, %arg12: memref<2000x32xf32, #tpu.memory_space<vmem>>, %arg13: memref<2000x128xf32, #tpu.memory_space<vmem>>, %arg14: memref<2000x128xf32, #tpu.memory_space<vmem>>) attributes {dimension_semantics = [#tpu.dimension_semantics<arbitrary>], iteration_bounds = array<i64: 5>, scalar_prefetch = 0 : i64, scratch_operands = 0 : i64, tpu.core_type = #tpu.core_type<tc>, window_params = [{transform_indices = @transform_0, window_bounds = array<i64: 2, 2000, 128>}, {transform_indices = @transform_1, window_bounds = array<i64: 2000, 128>}, {transform_indices = @transform_2, window_bounds = array<i64: 2000, 1>}, {transform_indices = @transform_3, window_bounds = array<i64: 2000, 32>}, {transform_indices = @transform_4, window_bounds = array<i64: 2000, 1>}, {pipeline_mode = #tpu.pipeline_mode<synchronous>, transform_indices = @transform_5, window_bounds = array<i64: 32, 128>}, {pipeline_mode = #tpu.pipeline_mode<synchronous>, transform_indices = @transform_6, window_bounds = array<i64: 32, 128>}, {pipeline_mode = #tpu.pipeline_mode<synchronous>, transform_indices = @transform_7, window_bounds = array<i64: 32, 128>}, {transform_indices = @transform_8, window_bounds = array<i64: 2000, 32>}, {transform_indices = @transform_9, window_bounds = array<i64: 2000, 32>}, {transform_indices = @transform_10, window_bounds = array<i64: 2000, 32>}, {transform_indices = @transform_11, window_bounds = array<i64: 2000, 32>}, {transform_indices = @transform_12, window_bounds = array<i64: 2000, 128>}, {transform_indices = @transform_13, window_bounds = array<i64: 2000, 128>}]} {
    %get3A = arith.constant 0 : index
    %get3A_0 = arith.constant 0 : index
    %get3A_1 = arith.constant 0 : index
    %get3A_2 = vector.load %arg1[%get3A, %get3A_0, %get3A_1] : memref<2x2000x128xf32, #tpu.memory_space<vmem>>, vector<1x2000x128xf32>
    %get3A_3 = vector.shape_cast %get3A_2 : vector<1x2000x128xf32> to vector<2000x128xf32>
    %slice3A = vector.extract_strided_slice %get3A_3 {offsets = [0, 0], sizes = [2000, 64], strides = [1, 1]} : vector<2000x128xf32> to vector<2000x64xf32>
    %get3A_4 = arith.constant 1 : index
    %get3A_5 = arith.constant 0 : index
    %get3A_6 = arith.constant 0 : index
    %get3A_7 = vector.load %arg1[%get3A_4, %get3A_5, %get3A_6] : memref<2x2000x128xf32, #tpu.memory_space<vmem>>, vector<1x2000x128xf32>
    %get3A_8 = vector.shape_cast %get3A_7 : vector<1x2000x128xf32> to vector<2000x128xf32>
    %slice3A_9 = vector.extract_strided_slice %get3A_8 {offsets = [0, 0], sizes = [2000, 64], strides = [1, 1]} : vector<2000x128xf32> to vector<2000x64xf32>
    %add3A = arith.addf %slice3A, %slice3A_9 : vector<2000x64xf32>
    %get3A_10 = arith.constant 0 : index
    %get3A_11 = arith.constant 0 : index
    %get3A_12 = vector.load %arg2[%get3A_10, %get3A_11] : memref<2000x128xf32, #tpu.memory_space<vmem>>, vector<2000x128xf32>
    %slice3A_13 = vector.extract_strided_slice %get3A_12 {offsets = [0, 0], sizes = [2000, 64], strides = [1, 1]} : vector<2000x128xf32> to vector<2000x64xf32>
    %add3A_14 = arith.addf %add3A, %slice3A_13 : vector<2000x64xf32>
    %get3A_15 = arith.constant 0 : index
    %get3A_16 = arith.constant 0 : index
    %get3A_17 = vector.load %arg3[%get3A_15, %get3A_16] : memref<2000x1xf32, #tpu.memory_space<vmem>>, vector<2000x1xf32>
    %mul3A = vector.broadcast %get3A_17 : vector<2000x1xf32> to vector<2000x64xf32>
    %mul3A_18 = arith.mulf %add3A_14, %mul3A : vector<2000x64xf32>
    %slice3A_19 = vector.extract_strided_slice %mul3A_18 {offsets = [0, 0], sizes = [2000, 32], strides = [1, 1]} : vector<2000x64xf32> to vector<2000x32xf32>
    %slice3A_20 = vector.extract_strided_slice %mul3A_18 {offsets = [0, 32], sizes = [2000, 32], strides = [1, 1]} : vector<2000x64xf32> to vector<2000x32xf32>
    %get3A_21 = arith.constant 0 : index
    %get3A_22 = arith.constant 0 : index
    %get3A_23 = vector.load %arg4[%get3A_21, %get3A_22] : memref<2000x32xf32, #tpu.memory_space<vmem>>, vector<2000x32xf32>
    %exp3A = math.exp %slice3A_20 : vector<2000x32xf32>
    %mul3A_24 = arith.mulf %get3A_23, %exp3A : vector<2000x32xf32>
    %add3A_25 = arith.addf %slice3A_19, %mul3A_24 : vector<2000x32xf32>
    %swap3A = arith.constant 0 : index
    %swap3A_26 = arith.constant 0 : index
    %swap3A_27 = vector.load %arg9[%swap3A, %swap3A_26] : memref<2000x32xf32, #tpu.memory_space<vmem>>, vector<2000x32xf32>
    tpu.vector_store %arg9[%swap3A, %swap3A_26], %slice3A_19 {strides = array<i32>} : memref<2000x32xf32, #tpu.memory_space<vmem>>, vector<2000x32xf32>,
    %swap3A_28 = arith.constant 0 : index
    %swap3A_29 = arith.constant 0 : index
    %swap3A_30 = vector.load %arg10[%swap3A_28, %swap3A_29] : memref<2000x32xf32, #tpu.memory_space<vmem>>, vector<2000x32xf32>
    tpu.vector_store %arg10[%swap3A_28, %swap3A_29], %slice3A_20 {strides = array<i32>} : memref<2000x32xf32, #tpu.memory_space<vmem>>, vector<2000x32xf32>,
    %swap3A_31 = arith.constant 0 : index
    %swap3A_32 = arith.constant 0 : index
    %swap3A_33 = vector.load %arg11[%swap3A_31, %swap3A_32] : memref<2000x32xf32, #tpu.memory_space<vmem>>, vector<2000x32xf32>
    tpu.vector_store %arg11[%swap3A_31, %swap3A_32], %add3A_25 {strides = array<i32>} : memref<2000x32xf32, #tpu.memory_space<vmem>>, vector<2000x32xf32>,
    %swap3A_34 = arith.constant 0 : index
    %swap3A_35 = arith.constant 0 : index
    %swap3A_36 = vector.load %arg12[%swap3A_34, %swap3A_35] : memref<2000x32xf32, #tpu.memory_space<vmem>>, vector<2000x32xf32>
    tpu.vector_store %arg12[%swap3A_34, %swap3A_35], %add3A_25 {strides = array<i32>} : memref<2000x32xf32, #tpu.memory_space<vmem>>, vector<2000x32xf32>,
    %get3A_37 = arith.constant 0 : index
    %get3A_38 = arith.constant 0 : index
    %get3A_39 = vector.load %arg6[%get3A_37, %get3A_38] : memref<32x128xf32, #tpu.memory_space<vmem>>, vector<32x128xf32>
    %get3A_40 = arith.constant 0 : index
    %get3A_41 = arith.constant 0 : index
    %get3A_42 = vector.load %arg8[%get3A_40, %get3A_41] : memref<32x128xf32, #tpu.memory_space<vmem>>, vector<32x128xf32>
    %mul3A_43 = arith.mulf %get3A_39, %get3A_42 : vector<32x128xf32>
    %get3A_44 = arith.constant 0 : index
    %get3A_45 = arith.constant 0 : index
    %get3A_46 = vector.load %arg7[%get3A_44, %get3A_45] : memref<32x128xf32, #tpu.memory_space<vmem>>, vector<32x128xf32>
    %get3A_47 = arith.constant 0 : index
    %get3A_48 = arith.constant 0 : index
    %get3A_49 = vector.load %arg8[%get3A_47, %get3A_48] : memref<32x128xf32, #tpu.memory_space<vmem>>, vector<32x128xf32>
    %mul3A_50 = arith.mulf %get3A_46, %get3A_49 : vector<32x128xf32>
    %dot_general3A = arith.constant dense<0.000000e+00> : vector<2000x128xf32>
    %dot_general3A_51 = tpu.matmul %add3A_25, %mul3A_43, %dot_general3A {dimension_numbers = #tpu.dot_dimension_numbers<[1], [0], [0], [1], [0, 0, 1, 1], [], []>, transpose_lhs_hint = false} : vector<2000x32xf32>, vector<32x128xf32>, vector<2000x128xf32> -> vector<2000x128xf32>
    %reduce_max3A = arith.constant dense<0xFF800000> : vector<2000xf32>
    %reduce_max3A_52 = vector.multi_reduction <maximumf>, %dot_general3A_51, %reduce_max3A [1] : vector<2000x128xf32> to vector<2000xf32>
    %broadcast_in_dim3A = vector.shape_cast %reduce_max3A_52 : vector<2000xf32> to vector<2000x1xf32>
    %sub3A = vector.broadcast %broadcast_in_dim3A : vector<2000x1xf32> to vector<2000x128xf32>
    %sub3A_53 = arith.subf %dot_general3A_51, %sub3A : vector<2000x128xf32>
    %exp3A_54 = math.exp %sub3A_53 : vector<2000x128xf32>
    %get3A_55 = arith.constant 0 : index
    %get3A_56 = arith.constant 0 : index
    %get3A_57 = vector.load %arg5[%get3A_55, %get3A_56] : memref<2000x1xf32, #tpu.memory_space<vmem>>, vector<2000x1xf32>
    %mul3A_58 = vector.broadcast %get3A_57 : vector<2000x1xf32> to vector<2000x128xf32>
    %mul3A_59 = arith.mulf %mul3A_58, %exp3A_54 : vector<2000x128xf32>
    %reduce_sum3A = arith.constant dense<0.000000e+00> : vector<2000xf32>
    %reduce_sum3A_60 = vector.multi_reduction <add>, %exp3A_54, %reduce_sum3A [1] : vector<2000x128xf32> to vector<2000xf32>
    %broadcast_in_dim3A_61 = vector.shape_cast %reduce_sum3A_60 : vector<2000xf32> to vector<2000x1xf32>
    %div3A = vector.broadcast %broadcast_in_dim3A_61 : vector<2000x1xf32> to vector<2000x128xf32>
    %div3A_62 = arith.divf %mul3A_59, %div3A : vector<2000x128xf32>
    %swap3A_63 = arith.constant 0 : index
    %swap3A_64 = arith.constant 0 : index
    %swap3A_65 = vector.load %arg13[%swap3A_63, %swap3A_64] : memref<2000x128xf32, #tpu.memory_space<vmem>>, vector<2000x128xf32>
    tpu.vector_store %arg13[%swap3A_63, %swap3A_64], %div3A_62 {strides = array<i32>} : memref<2000x128xf32, #tpu.memory_space<vmem>>, vector<2000x128xf32>,
    %dot_general3A_66 = arith.constant dense<0.000000e+00> : vector<2000x128xf32>
    %dot_general3A_67 = tpu.matmul %add3A_25, %mul3A_50, %dot_general3A_66 {dimension_numbers = #tpu.dot_dimension_numbers<[1], [0], [0], [1], [0, 0, 1, 1], [], []>, transpose_lhs_hint = false} : vector<2000x32xf32>, vector<32x128xf32>, vector<2000x128xf32> -> vector<2000x128xf32>
    %swap3A_68 = arith.constant 0 : index
    %swap3A_69 = arith.constant 0 : index
    %swap3A_70 = vector.load %arg14[%swap3A_68, %swap3A_69] : memref<2000x128xf32, #tpu.memory_space<vmem>>, vector<2000x128xf32>
    tpu.vector_store %arg14[%swap3A_68, %swap3A_69], %dot_general3A_67 {strides = array<i32>} : memref<2000x128xf32, #tpu.memory_space<vmem>>, vector<2000x128xf32>,
    return
  }
  func.func @transform_0(%arg0: i32) -> (i32, i32, i32) {
    %c0_i32 = arith.constant 0 : i32
    %c0_i32_0 = arith.constant 0 : i32
    %c0_i32_1 = arith.constant 0 : i32
    return %c0_i32, %arg0, %c0_i32_0 : i32, i32, i32
  }
  func.func @transform_1(%arg0: i32) -> (i32, i32) {
    %c0_i32 = arith.constant 0 : i32
    %c0_i32_0 = arith.constant 0 : i32
    return %arg0, %c0_i32 : i32, i32
  }
  func.func @transform_2(%arg0: i32) -> (i32, i32) {
    %c0_i32 = arith.constant 0 : i32
    %c0_i32_0 = arith.constant 0 : i32
    return %arg0, %c0_i32 : i32, i32
  }
  func.func @transform_3(%arg0: i32) -> (i32, i32) {
    %c0_i32 = arith.constant 0 : i32
    %c0_i32_0 = arith.constant 0 : i32
    return %arg0, %c0_i32 : i32, i32
  }
  func.func @transform_4(%arg0: i32) -> (i32, i32) {
    %c0_i32 = arith.constant 0 : i32
    %c0_i32_0 = arith.constant 0 : i32
    return %arg0, %c0_i32 : i32, i32
  }
  func.func @transform_5(%arg0: i32) -> (i32, i32) {
    %c0_i32 = arith.constant 0 : i32
    %c0_i32_0 = arith.constant 0 : i32
    %c0_i32_1 = arith.constant 0 : i32
    return %c0_i32, %c0_i32_0 : i32, i32
  }
  func.func @transform_6(%arg0: i32) -> (i32, i32) {
    %c0_i32 = arith.constant 0 : i32
    %c0_i32_0 = arith.constant 0 : i32
    %c0_i32_1 = arith.constant 0 : i32
    return %c0_i32, %c0_i32_0 : i32, i32
  }
  func.func @transform_7(%arg0: i32) -> (i32, i32) {
    %c0_i32 = arith.constant 0 : i32
    %c0_i32_0 = arith.constant 0 : i32
    %c0_i32_1 = arith.constant 0 : i32
    return %c0_i32, %c0_i32_0 : i32, i32
  }
  func.func @transform_8(%arg0: i32) -> (i32, i32) {
    %c0_i32 = arith.constant 0 : i32
    %c0_i32_0 = arith.constant 0 : i32
    return %arg0, %c0_i32 : i32, i32
  }
  func.func @transform_9(%arg0: i32) -> (i32, i32) {
    %c0_i32 = arith.constant 0 : i32
    %c0_i32_0 = arith.constant 0 : i32
    return %arg0, %c0_i32 : i32, i32
  }
  func.func @transform_10(%arg0: i32) -> (i32, i32) {
    %c0_i32 = arith.constant 0 : i32
    %c0_i32_0 = arith.constant 0 : i32
    return %arg0, %c0_i32 : i32, i32
  }
  func.func @transform_11(%arg0: i32) -> (i32, i32) {
    %c0_i32 = arith.constant 0 : i32
    %c0_i32_0 = arith.constant 0 : i32
    return %arg0, %c0_i32 : i32, i32
  }
  func.func @transform_12(%arg0: i32) -> (i32, i32) {
    %c0_i32 = arith.constant 0 : i32
    %c0_i32_0 = arith.constant 0 : i32
    return %arg0, %c0_i32 : i32, i32
  }
  func.func @transform_13(%arg0: i32) -> (i32, i32) {
    %c0_i32 = arith.constant 0 : i32
    %c0_i32_0 = arith.constant 0 : i32
    return %arg0, %c0_i32 : i32, i32
  }
}

module attributes {stable_mosaic.version = 14 : i64} {
  func.func @_adj_tc(%arg0: i32, %arg1: memref<200x32xf32, #tpu.memory_space<vmem>>, %arg2: memref<10000x32xf32, #tpu.memory_space<vmem>>, %arg3: memref<200x10000xf32, #tpu.memory_space<vmem>>) attributes {dimension_semantics = [#tpu.dimension_semantics<arbitrary>], iteration_bounds = array<i64: 50>, scalar_prefetch = 0 : i64, scratch_operands = 0 : i64, tpu.core_type = #tpu.core_type<tc>, window_params = [{transform_indices = @transform_0, window_bounds = array<i64: 200, 32>}, {pipeline_mode = #tpu.pipeline_mode<synchronous>, transform_indices = @transform_1, window_bounds = array<i64: 10000, 32>}, {transform_indices = @transform_2, window_bounds = array<i64: 200, 10000>}]} {
    %get3A = arith.constant 0 : index
    %get3A_0 = arith.constant 0 : index
    %get3A_1 = vector.load %arg1[%get3A, %get3A_0] : memref<200x32xf32, #tpu.memory_space<vmem>>, vector<200x32xf32>
    %get3A_2 = arith.constant 0 : index
    %get3A_3 = arith.constant 0 : index
    %get3A_4 = vector.load %arg2[%get3A_2, %get3A_3] : memref<10000x32xf32, #tpu.memory_space<vmem>>, vector<10000x32xf32>
    %dot_general3A = arith.constant dense<0.000000e+00> : vector<200x10000xf32>
    %dot_general3A_5 = tpu.matmul %get3A_1, %get3A_4, %dot_general3A {dimension_numbers = #tpu.dot_dimension_numbers<[1], [1], [0], [0], [0, 0, 1, 0], [], []>, transpose_lhs_hint = false} : vector<200x32xf32>, vector<10000x32xf32>, vector<200x10000xf32> -> vector<200x10000xf32>
    %swap3A = arith.constant 0 : index
    %swap3A_6 = arith.constant 0 : index
    %swap3A_7 = vector.load %arg3[%swap3A, %swap3A_6] : memref<200x10000xf32, #tpu.memory_space<vmem>>, vector<200x10000xf32>
    tpu.vector_store %arg3[%swap3A, %swap3A_6], %dot_general3A_5 {strides = array<i32>} : memref<200x10000xf32, #tpu.memory_space<vmem>>, vector<200x10000xf32>,
    return
  }
  func.func @transform_0(%arg0: i32) -> (i32, i32) {
    %c0_i32 = arith.constant 0 : i32
    %c0_i32_0 = arith.constant 0 : i32
    return %arg0, %c0_i32 : i32, i32
  }
  func.func @transform_1(%arg0: i32) -> (i32, i32) {
    %c0_i32 = arith.constant 0 : i32
    %c0_i32_0 = arith.constant 0 : i32
    %c0_i32_1 = arith.constant 0 : i32
    return %c0_i32, %c0_i32_0 : i32, i32
  }
  func.func @transform_2(%arg0: i32) -> (i32, i32) {
    %c0_i32 = arith.constant 0 : i32
    %c0_i32_0 = arith.constant 0 : i32
    return %arg0, %c0_i32 : i32, i32
  }
}

</mosaic_0001>

<sc_bundles>
// kernel: kernel.10.cloned.1.call-start
scs
__scs_entry_jumppad:
0x0: {  	(pc) =	sbr.rel $0x88, $3  }
0x1: {  	(tag) =	ssettag $0x0;
	lr =	simm.s32 $0x1  }
0x2: {  	[smem:$0x3F95] =	sst lr;
	_ =	strace $0xD0000000  }
0x3: {  	_ = 	snop  }
0x4: {  	_ = 	snop  }
0x5: {  	_ = 	snop  }
0x6: {  	_ = 	snop  }
0x7: {  	_ = 	snop  }
__scs_overlays_trampoline_lowered:
0x8: {  	[smem:$0x3FA4] =	sst s0  }
0x9: {  	[smem:$0x3FA5] =	sst s1  }
0xa: {  	[smem:$0x3FA6] =	sst s2  }
0xb: {  	[smem:$0x3FA7] =	sst s3  }
0xc: {  	[smem:$0x3FA8] =	sst s4  }
0xd: {  	[smem:$0x3FA9] =	sst s5  }
0xe: {  	[smem:$0x3FAA] =	sst s6  }
0xf: {  	[smem:$0x3FAB] =	sst s7  }
0x10: {  	[smem:$0x3FAC] =	sst s8  }
0x11: {  	[smem:$0x3FAD] =	sst s9;
	s0 =	simm.s32 @!p0 $0x0  }
0x12: {  	s1 =	sld [smem:$0x3F93];
	s0 =	simm.s32 @p0 $0x1  }
0x13: {  	[smem:$0x3FAE] =	sst s0;
	s0 =	simm.s32 @!p1 $0x0  }
0x14: {  	s2 =	sld [smem:$0x3F92];
	s0 =	simm.s32 @p1 $0x1  }
0x15: {  	[smem:$0x3FAF] =	sst s0;
	s0 =	simm.s32 @!p2 $0x0  }
0x16: {  	s3 =	sld [smem:$0x3FDB];
	s0 =	simm.s32 @p2 $0x1  }
0x17: {  	s4 =	simm.s32 $0x1BF5;
	[smem:$0x3FB1] =	sst s0  }
0x18: {  	s0 =	sld [smem:$0x3F94];
	_ =	swait.ge [sflag:s4], $0x0  }
0x19: {  	s7 =	sld [smem:$0x3F95]  }
0x1a: {  	s8 =	sadd.s32 $0xFFFFE003, lr  }
0x1b: {  	s9 =	sadd.s32 $0xFFFFFEF7, lr;
	s5 =	simm.s32 $0xFFFFFFFF;
	p2 =	slt.u32 s8, $0xFFFFF086  }
0x1c: {  	p1 =	slt.u32 s9, $0xF7A;
	s5 =	simm.s32 @!p2 $0x0  }
0x1d: {  	s5 =	simm.s32 @p1 $0x1;
	p0 =	seq.s32 s7, s2  }
0x1e: {  	s7 =	smul.u32 @!p0 $0xF7A, s2;
	p2 =	seq.s32 @!p0 s5, $0x0  }
0x1f: {  	s9 =	smul.u32 $0xF7A, s1;
	s8 =	simm.s32 @!p0 $0x1BF5;
	p2 =	por !p2, p0  }
0x20: {  	[sflag:s8] =	ssyncset.s32 @!p0 $0xFFFFF086;
	s6 =	sadd.s32 @!p0 s3, s7;
	s7 =	simm.s32 @!p0 $0x108  }
0x21: {  	s3 =	sadd.s32 s3, s9;
	s6 =	sadd.s32 @!p0 $0x88, s6;
	s7 =	simm.s32 @p2 $0x1082  }
0x22: {  	[simem:s7], [sflag:s8] =	dma.local @!p0 [hbm:s6], $0xF7A  }
0x23: {  	s9 =	sor.u32 $0xD0000000, s2;
	s6 =	simm.s32 $0x108;
	_ =	swait.ge @!p0 [sflag:s8], $0x0  }
0x24: {  	s3 =	sadd.s32 $0x88, s3;
	s6 =	simm.s32 @!p1 $0x1082;
	[sflag:s4] =	ssyncset.s32 $0xFFFFF086  }
0x25: {  	[simem:s6], [sflag:s4] =	dma.local [hbm:s3], $0xF7A  }
0x26: {  	[smem:$0x3F95] =	sst s1;
	(tag) =	ssettag s2;
	_ =	strace s9  }
0x27: {  	s1 =	sld [smem:$0x3FA5]  }
0x28: {  	s2 =	sld [smem:$0x3FA6]  }
0x29: {  	s4 =	sld [smem:$0x3FA8]  }
0x2a: {  	p0 =	seq.s32 s5, $0x0;
	s5 =	sld [smem:$0x3FA9]  }
0x2b: {  	s6 =	sld [smem:$0x3FAA]  }
0x2c: {  	s7 =	sld [smem:$0x3FAB]  }
0x2d: {  	s3 =	simm.s32 $0x108;
	s8 =	sld [smem:$0x3FAC]  }
0x2e: {  	s3 =	simm.s32 @!p0 $0x1082;
	s9 =	sld [smem:$0x3FAD]  }
0x2f: {  	lr =	sadd.s32 s0, s3;
	s0 =	sld [smem:$0x3FA4]  }
0x30: {  	s3 =	sld [smem:$0x3FA7]  }
0x31: {  	[smem:$0x3FB0] =	sst s10  }
0x32: {  	s10 =	sld [smem:$0x3FAE];
	_ =	sdelay $0x3  }
0x33: {  	p0 =	seq.s32 s10, $0x1;
	s10 =	sld [smem:$0x3FB0];
	_ =	sdelay $0x3  }
0x34: {  	[smem:$0x3FB0] =	sst s10  }
0x35: {  	s10 =	sld [smem:$0x3FAF];
	_ =	sdelay $0x3  }
0x36: {  	p1 =	seq.s32 s10, $0x1;
	s10 =	sld [smem:$0x3FB0];
	_ =	sdelay $0x3  }
0x37: {  	[smem:$0x3FB0] =	sst s10  }
0x38: {  	s10 =	sld [smem:$0x3FB1]  }
0x39: {  	_ = 	snop;
	(pc) =	sbr.ind lr, $3  }
0x3a: {  	_ = 	snop  }
0x3b: {  	_ = 	snop  }
0x3c: {  	p2 =	seq.s32 s10, $0x1;
	s10 =	sld [smem:$0x3FB0]  }
0x3d: {  	_ =	shalt  }
0x3e: {  	_ =	shalt  }
0x3f: {  	_ =	shalt  }
0x40: {  	_ =	shalt  }
0x41: {  	_ =	shalt  }
0x42: {  	_ =	shalt  }
0x43: {  	_ =	shalt  }
0x44: {  	_ =	shalt  }
0x45: {  	_ =	shalt  }
0x46: {  	_ =	shalt  }
0x47: {  	_ =	shalt  }
0x48: {  	_ =	shalt  }
0x49: {  	_ =	shalt  }
0x4a: {  	_ =	shalt  }
0x4b: {  	_ =	shalt  }
0x4c: {  	_ =	shalt  }
0x4d: {  	_ =	shalt  }
0x4e: {  	_ =	shalt  }
0x4f: {  	_ =	shalt  }
0x50: {  	_ =	shalt  }
0x51: {  	_ =	shalt  }
0x52: {  	_ =	shalt  }
0x53: {  	_ =	shalt  }
0x54: {  	_ =	shalt  }
0x55: {  	_ =	shalt  }
0x56: {  	_ =	shalt  }
0x57: {  	_ =	shalt  }
0x58: {  	_ =	shalt  }
0x59: {  	_ =	shalt  }
0x5a: {  	_ =	shalt  }
0x5b: {  	_ =	shalt  }
0x5c: {  	_ =	shalt  }
0x5d: {  	_ =	shalt  }
0x5e: {  	_ =	shalt  }
0x5f: {  	_ =	shalt  }
0x60: {  	_ =	shalt  }
0x61: {  	_ =	shalt  }
0x62: {  	_ =	shalt  }
0x63: {  	_ =	shalt  }
0x64: {  	_ =	shalt  }
0x65: {  	_ =	shalt  }
0x66: {  	_ =	shalt  }
0x67: {  	_ =	shalt  }
0x68: {  	_ =	shalt  }
0x69: {  	_ =	shalt  }
0x6a: {  	_ =	shalt  }
0x6b: {  	_ =	shalt  }
0x6c: {  	_ =	shalt  }
0x6d: {  	_ =	shalt  }
0x6e: {  	_ =	shalt  }
0x6f: {  	_ =	shalt  }
0x70: {  	_ =	shalt  }
0x71: {  	_ =	shalt  }
0x72: {  	_ =	shalt  }
0x73: {  	_ =	shalt  }
0x74: {  	_ =	shalt  }
0x75: {  	_ =	shalt  }
0x76: {  	_ =	shalt  }
0x77: {  	_ =	shalt  }
0x78: {  	_ =	shalt  }
0x79: {  	_ =	shalt  }
0x7a: {  	_ =	shalt  }
0x7b: {  	_ =	shalt  }
0x7c: {  	_ =	shalt  }
0x7d: {  	_ =	shalt  }
0x7e: {  	_ =	shalt  }
0x7f: {  	_ =	shalt  }
0x80: {  	_ =	shalt  }
0x81: {  	_ =	shalt  }
0x82: {  	_ =	shalt  }
0x83: {  	_ =	shalt  }
0x84: {  	_ =	shalt  }
0x85: {  	_ =	shalt  }
0x86: {  	_ =	shalt  }
0x87: {  	_ =	shalt  }
.Lfunc_end0:
.L_simem_size_0:
called_computation_lowered:
.L_overlay_start_0:
0x88: {  	s2 =	sld [smem:$0x3FD9]  }
0x89: {  	s3 =	sld [smem:$0x3FFE];
	_ =	sdelay $0x1  }
0x8a: {  	s1 =	srdreg.scid  }
0x8b: {  	s0 =	sand.u32 $0x1, s1  }
0x8c: {  	s15 =	sshll.u32 s0, $0xA;
	s2 =	sadd.s32 s3, s2  }
0x8d: {  	s2 =	sadd.s32 s2, s15  }
0x8e: {  	[smem:$0x3FBC] =	sst s2  }
0x8f: {  	_ = 	snop  }
0x90: {  	s2 =	sld [smem:$0x3FD0];
	_ =	sdelay $0x2  }
0x91: {  	s16 =	simm.s32 $0xB;
	s4 =	simm.s32 $0x10  }
0x92: {  	[smem:s4], [sflag:s16] =	dma.local [hbm:s2], $0x1  }
0x93: {  	_ =	swait.eq [sflag:s16], $0x1  }
0x94: {  	[sflag:s16] =	ssyncset.done $0x0  }
0x95: {  	s17 =	sld [smem:$0x11];
	[sflag:s16] =	ssyncadd.s32 $0xFFFFFFFF  }
0x96: {  	s18 =	sld [smem:$0x14];
	(tm) =	ssettm $0x1  }
0x97: {  	s19 =	sld [smem:$0x3FFB];
	_ =	sdelay $0x3  }
0x98: {  	_ =	strace s19  }
0x99: {  	s4 =	sld [smem:$0x3FFC];
	_ =	sdelay $0x3  }
0x9a: {  	_ =	strace s4  }
0x9b: {  	s4 =	sld [smem:$0x3FFD];
	_ =	sdelay $0x3  }
0x9c: {  	_ =	strace s4  }
0x9d: {  	_ =	strace $0x8FFFFFFF  }
0x9e: {  	s20 =	sld [smem:$0x3FDB];
	_ =	sdelay $0x1  }
0x9f: {  	s5 =	simm.s32 $_scs_section_size  }
0xa0: {  	s6 =	simm.s32 $_size__tile_overlayer_lowered;
	s7 =	simm.s32 $_tile_overlayer_lowered  }
0xa1: {  	s23 =	simm.s32 $0x1BFF;
	s22 =	sshll.u32 s7, $0x1;
	s4 =	sadd.s32 s5, s20  }
0xa2: {  	s8 =	simm.s32 $0x0;
	s21 =	sshll.u32 s6, $0x1;
	s6 =	sadd.s32 s22, s4  }
0xa3: {  	[timem:s8], [sflag:s23] =	dma.local [hbm:s6], s21  }
0xa4: {  	_ =	swait.ge [sflag:s23], s21  }
0xa5: {  	s5 =	ssub.s32 $0x0, s21;
	[sflag:s23] =	ssyncset.done $0x0  }
0xa6: {  	[sflag:s23] =	ssyncadd.s32 s5;
	_ =	sdelay $0x1  }
0xa7: {  	s24 =	simm.s32 $0x1B8B  }
0xa8: {  	_ =	swait.ge [sflag:s24], $0x1  }
0xa9: {  	[sflag:s24] =	ssyncset.done $0x0  }
0xaa: {  	s25 =	simm.s32 $0x1B8E;
	[sflag:s24] =	ssyncadd.s32 $0xFFFFFFFF  }
0xab: {  	s26 =	simm.s32 $execute0_lowered;
	[smem:$0x3FD2] =	sst s25  }
0xac: {  	s5 =	sshll.u32 s26, $0x1;
	_ =	strace $0x80000046;
	[dreg:$0x1] =	wrdreg $0xFFFFFFFF  }
0xad: {  	s28 =	simm.s32 $_size_execute0_lowered;
	s4 =	sadd.s32 s4, s5;
	[dreg:$0x0] =	wrdreg $0x0  }
0xae: {  	s5 =	sshll.u32 s28, $0x1;
	[dreg:$0x2] =	wrdreg s4  }
0xaf: {  	[dreg:$0x3] =	wrdreg s5  }
0xb0: {  	[dreg:$0x4] =	wrdreg $0xC0  }
0xb1: {  	_ =	task [dreg:s8], $0x5FFFF  }
0xb2: {  	[dreg:$0x1] =	wrdreg $0xFFFFFFFF  }
0xb3: {  	[dreg:$0x0] =	wrdreg $0x60  }
0xb4: {  	[dreg:$0x2] =	wrdreg s17  }
0xb5: {  	[dreg:$0x3] =	wrdreg s18  }
0xb6: {  	[dreg:$0x4] =	wrdreg $0x2B000  }
0xb7: {  	[dreg:$0x5] =	wrdreg $0x9  }
0xb8: {  	_ =	task.clear_ibuf [dreg:s8], $0x6FFFF;
	_ =	strace $0x90000046  }
0xb9: {  	s29 =	simm.s32 $0x9;
	_ =	strace $0x80000048  }
0xba: {  	_ =	swait.ge [sflag:s29], $0x1  }
0xbb: {  	[sflag:s29] =	ssyncadd.s32 $0xFFFFFFFF  }
0xbc: {  	_ =	strace $0x90000048  }
0xbd: {  	_ =	sfence  }
0xbe: {  	s30 =	sld [smem:$0x0];
	_ =	sdelay $0x2  }
0xbf: {  	s31 =	sshll.u32 s1, $0xD;
	s1 =	sshrl.u32 s1, $0x2  }
0xc0: {  	s3 =	sand.u32 $0x4000, s31;
	s1 =	sadd.s32 s1, s30  }
0xc1: {  	s0 =	sor.u32 s3, s0;
	s1 =	sshll.u32 s1, $0x11  }
0xc2: {  	s0 =	sor.u32 s1, s0  }
0xc3: {  	s0 =	sadd.s32 $0x8F2B, s0  }
0xc4: {  	[sflag:s0] =	ssyncadd.remote.s32 $0x1  }
0xc5: {  	_ =	sfence.sel $0xFFFF  }
0xc6: {  	[dreg:$0x0] =	wrdreg $0xFFFFFFFF;
	(pc) =	sbr.abs _section_cstart, $3  }
0xc7: {  	[dreg:$0x1] =	wrdreg $0xFFFFFFFF  }
0xc8: {  	_ =	task.clear_ibuf [dreg:s8], $0x2FFFF;
	_ =	strace $0x9FFFFFFF  }
0xc9: {  	(tm) =	ssettm $0x7FFFFFFF  }
tec
execute0_lowered:
.L_overlay_start_1:
0x0: {  	(tag) =	ssettag $0x1  }
0x1: {  	s7 =	rddreg [dreg:$0x0]  }
0x2: {  	s8 =	rddreg [dreg:$0x1]  }
0x3: {  	s2 =	rddreg [dreg:$0x2]  }
0x4: {  	s0 =	rddreg [dreg:$0x3]  }
0x5: {  	s4 =	srdreg.scid;
	s1 =	stileid.u32  }
0x6: {  	s3 =	simm.s32 $0x0;
	s12 =	simm.s32 $0x80;
	s13 =	simm.s32 $0x2800  }
0x7: {  	s14 =	simm.s32 $0x1;
	s15 =	simm.s32 $0x0;
	s4 =	sand.u32 $0x1, s4  }
0x8: {  	s5 =	sshll.u32 s1, $0x1;
	s9 =	smul.u32 $0x280, s1;
	[smem:$0x7FF] =	sst s3  }
0x9: {  	s6 =	ssub.s32 $0x2, s4;
	s5 =	sor.u32 s4, s5;
	s31 =	smul.u32 $0x2800, s4  }
0xa: {  	_ =	strace $0x80000047;
	s10 =	sshrl.u32 s6, $0x1;
	s11 =	smul.u32 $0x2800, s5  }
0xb: {  	s4 =	sadd.s32 s9, s2;
	p0 =	seq.s32 s5, $0x1F;
	s5 =	simm.s32 $0x14  }
0xc: {  	s10 =	ssub.s32 s6, s10;
	s9 =	sadd.s32 s9, s31;
	s11 =	sshrl.u32 s11, $0x3  }
0xd: {  	s5 =	simm.s32 @!p0 $0x50;
	s9 =	sshrl.u32 s9, $0x3;
	s11 =	sadd.s32 s7, s11  }
0xe: {  	s7 =	sadd.s32 $0x13740, s7;
	s8 =	sadd.s32 s8, s9;
	s9 =	smax.u32 s10, $0x1  }
0xf: {  	v0 =	vimm.f32 $0.0e+00;
	v1 =	vimm.f32 $1.000000000e+00;
	s10 =	simm.s32 $0x2880;
	s6 =	sadd.s32 $0x9C40, s11;
	s11 =	simm.s32 $0x2  }
.LBB2_1:
0x10: {  	[tilespmem:$0x2880] =	vst v0  }
0x11: {  	[tilespmem:$0x2890] =	vst v0  }
0x12: {  	[tilespmem:$0x28A0] =	vst v0  }
0x13: {  	[tilespmem:$0x28B0] =	vst v0  }
0x14: {  	[tilespmem:$0x28C0] =	vst v0  }
0x15: {  	[tilespmem:$0x28D0] =	vst v0  }
0x16: {  	[tilespmem:$0x28E0] =	vst v0  }
0x17: {  	[tilespmem:$0x28F0] =	vst v0  }
0x18: {  	[tilespmem:$0x2900] =	vst v0  }
0x19: {  	[tilespmem:$0x2910] =	vst v0  }
0x1a: {  	[tilespmem:$0x2920] =	vst v0  }
0x1b: {  	[tilespmem:$0x2930] =	vst v0  }
0x1c: {  	[tilespmem:$0x2940] =	vst v0  }
0x1d: {  	[tilespmem:$0x2950] =	vst v0  }
0x1e: {  	[tilespmem:$0x2960] =	vst v0  }
0x1f: {  	[tilespmem:$0x2970] =	vst v0  }
0x20: {  	[tilespmem:$0x2980] =	vst v0  }
0x21: {  	[tilespmem:$0x2990] =	vst v0  }
0x22: {  	[tilespmem:$0x29A0] =	vst v0  }
0x23: {  	[tilespmem:$0x29B0] =	vst v0  }
0x24: {  	[tilespmem:$0x29C0] =	vst v0  }
0x25: {  	[tilespmem:$0x29D0] =	vst v0  }
0x26: {  	[tilespmem:$0x29E0] =	vst v0  }
0x27: {  	[tilespmem:$0x29F0] =	vst v0  }
0x28: {  	[tilespmem:$0x2A00] =	vst v0  }
0x29: {  	[tilespmem:$0x2A10] =	vst v0  }
0x2a: {  	[tilespmem:$0x2A20] =	vst v0  }
0x2b: {  	[tilespmem:$0x2A30] =	vst v0  }
0x2c: {  	[tilespmem:$0x2A40] =	vst v0  }
0x2d: {  	[tilespmem:$0x2A50] =	vst v0  }
0x2e: {  	[tilespmem:$0x2A60] =	vst v0  }
0x2f: {  	[tilespmem:$0x2A70] =	vst v0  }
0x30: {  	[tilespmem:$0x2A80] =	vst v0  }
0x31: {  	[tilespmem:$0x2A90] =	vst v0  }
0x32: {  	[tilespmem:$0x2AA0] =	vst v0  }
0x33: {  	[tilespmem:$0x2AB0] =	vst v0  }
0x34: {  	[tilespmem:$0x2AC0] =	vst v0  }
0x35: {  	[tilespmem:$0x2AD0] =	vst v0  }
0x36: {  	[tilespmem:$0x2AE0] =	vst v0  }
0x37: {  	[tilespmem:$0x2AF0] =	vst v0  }
0x38: {  	[tilespmem:$0x2800] =	vst v1  }
0x39: {  	[tilespmem:$0x2810] =	vst v1  }
0x3a: {  	[tilespmem:$0x2820] =	vst v1  }
0x3b: {  	[tilespmem:$0x2830] =	vst v1  }
0x3c: {  	[tilespmem:$0x2840] =	vst v1  }
0x3d: {  	[tilespmem:$0x2850] =	vst v1  }
0x3e: {  	[tilespmem:$0x2860] =	vst v1  }
0x3f: {  	[tilespmem:$0x2870] =	vst v1  }
0x40: {  	[spmem:s4] =	stream.linear.scatter [tilespmem:s10], [sflag:$0x2], $0x280, $0x38;
	[tilespmem:$0x2D80] =	vst v63  }
0x41: {  	_ =	swait.ge [sflag:s11], $0x280  }
0x42: {  	[sflag:s11] =	ssyncset.done $0x0  }
0x43: {  	[sflag:s11] =	ssyncadd.s32 $0xFFFFFD80  }
0x44: {  	s16 =	simm.s32 @p0 $0x0;
	[bflag:$0x0] =	sbarrier.arrive $0xFFFF  }
0x45: {  	[tilespmem:s16], [sflag:$0x2] =	stream.linear.gather @p0 [hbm4b:s7+s16], $0xA00, $0x38;
	[tilespmem:$0x2D80] =	vst v63  }
0x46: {  	s16 =	simm.s32 @p0 $0x2  }
0x47: {  	_ =	swait.ge @p0 [sflag:s16], $0xA00  }
0x48: {  	[sflag:s16] =	ssyncset.done @p0 $0x0  }
0x49: {  	p1 =	sne.s32 s5, $0x1;
	[sflag:s16] =	ssyncadd.s32 @p0 $0xFFFFF600;
	s16 =	simm.s32 @!p0 $0x0  }
0x4a: {  	[tilespmem:s16], [sflag:$0x2] =	stream.linear.gather @!p0 [hbm4b:s6+s16], $0x2800, $0x38;
	[tilespmem:$0x2D80] =	vst v63  }
.Ltmp0:
0x4b: {  	s16 =	simm.s32 @!p0 $0x2;
	(pc) =	sbr.rel @!p1 .LBB2_3-.Ltmp0, $4  }
0x4c: {  	_ =	swait.ge @!p0 [sflag:s16], $0x2800  }
0x4d: {  	[sflag:s16] =	ssyncset.done @!p0 $0x0  }
0x4e: {  	s17 =	simm.s32 $0x0;
	[sflag:s16] =	ssyncadd.s32 @!p0 $0xFFFFD800;
	s16 =	sadd.s32 $0xFFFFFFFF, s5  }
0x4f: {  	[spmem:s2] =	stream.indirect.scatter.add.f32 [tilespmem:s13], [sflag:$0x1], $0x1, s3, s12, $0xb8;
	[tilespmem:$0x2D80] =	vst v63  }
.LBB2_2:
0x50: {  	p2 =	sne.s32 s16, $0x1  }
.Ltmp1:
0x51: {  	_ = 	snop;
	(pc) =	sbr.rel @p2 .LBB2_2-.Ltmp1, $3  }
0x52: {  	_ = 	snop  }
0x53: {  	s16 =	sadd.s32 $0xFFFFFFFF, s16;
	s17 =	sadd.s32 $0x80, s17;
	_ =	sdelay $0x1  }
0x54: {  	[spmem:s2] =	stream.indirect.scatter.add.f32 [tilespmem:s13], [sflag:$0x1], $0x1, s17, s12, $0xb8;
	[tilespmem:$0x2D80] =	vst v63  }
.LBB2_3:
.Ltmp2:
0x55: {  	(pc) =	sbr.rel @!p1 .LBB2_5-.Ltmp2, $3  }
0x56: {  	_ =	sdelay $0x1  }
0x57: {  	_ =	swait.ge [sflag:s14], $0x80  }
0x58: {  	s16 =	sadd.s32 $0xFFFFFFFF, s5;
	[sflag:s14] =	ssyncset.done $0x0  }
.LBB2_4:
0x59: {  	p1 =	sne.s32 s16, $0x1;
	s16 =	sadd.s32 $0xFFFFFFFF, s16;
	[sflag:s14] =	ssyncadd.s32 $0xFFFFFF80  }
.Ltmp3:
0x5a: {  	(pc) =	sbr.rel @p1 .LBB2_4-.Ltmp3, $3  }
0x5b: {  	_ =	sdelay $0x1  }
0x5c: {  	_ =	swait.ge [sflag:s14], $0x80  }
0x5d: {  	[sflag:s14] =	ssyncset.done $0x0  }
.LBB2_5:
0x5e: {  	[sflag:s14] =	ssyncadd.s32 $0xFFFFFF80  }
0x5f: {  	[bflag:$0x0] =	sbarrier.arrive $0xFFFF  }
0x60: {  	[tilespmem:s10], [sflag:$0x2] =	stream.linear.gather [spmem:s4], $0x280, $0x38;
	[tilespmem:$0x2D80] =	vst v63  }
0x61: {  	s15 =	sadd.s32 $0x1, s15;
	_ =	swait.ge [sflag:s11], $0x280  }
0x62: {  	p1 =	sne.s32 s15, s9;
	[sflag:s11] =	ssyncset.done $0x0  }
.Ltmp4:
0x63: {  	[sflag:s11] =	ssyncadd.s32 $0xFFFFFD80;
	(pc) =	sbr.rel @p1 .LBB2_1-.Ltmp4, $4  }
0x64: {  	[hbm4b:s8+s3] =	stream.linear.scatter [tilespmem:s10], [sflag:$0x2], $0x280, $0x38;
	[tilespmem:$0x2D80] =	vst v63  }
0x65: {  	_ =	swait.ge [sflag:s11], $0x280  }
0x66: {  	[sflag:s11] =	ssyncset.done $0x0  }
0x67: {  	[sflag:s11] =	ssyncadd.s32 $0xFFFFFD80  }
0x68: {  	_ =	sfence.sel $0x180000  }
0x69: {  	[bflag:$0x0] =	sbarrier.arrive $0xFFFF  }
0x6a: {  	p0 =	sne.s32 s1, $0x0;
	_ =	strace $0x90000047  }
0x6b: {  	s0 =	sadd.s32 @!p0 $0x100000, s0;
	[bflag:$0x2] =	sbarrier.arrive $0xFFFF  }
0x6c: {  	[sflag:s0] =	ssyncadd.tile.s32 @!p0 $0x1;
	_ =	shalt  }
.Lfunc_end2:
_tile_overlayer_lowered:
.L_overlay_start_2:
0x6d: {  	(tag) =	ssettag $0x2  }
0x6e: {  	s0 =	rddreg [dreg:$0x0];
	s2 =	stileid.u32  }
0x6f: {  	s1 =	rddreg [dreg:$0x1];
	p0 =	sne.s32 s2, $0x0  }
0x70: {  	s3 =	rddreg [dreg:$0x2];
	[bflag:$0x3] =	sbarrier.arrive $0xFFFF;
	s2 =	simm.s32 @!p0 $0x1C02  }
0x71: {  	[timem:s3], [sflag:s2] =	dma.local @!p0 [hbm:s0], s1  }
0x72: {  	s0 =	simm.s32 @!p0 $0x2  }
0x73: {  	_ =	swait.ge @!p0 [sflag:s0], s1  }
0x74: {  	s1 =	ssub.s32 @!p0 $0x0, s1;
	[sflag:s0] =	ssyncset.done @!p0 $0x0  }
0x75: {  	[sflag:s0] =	ssyncadd.s32 @!p0 s1  }
0x76: {  	[bflag:$0x3] =	sbarrier.arrive $0xFFFF  }
0x77: {  	_ =	shalt  }

// kernel: kernel.13.cloned.1.call-start
scs
__scs_entry_jumppad:
0x0: {  	(pc) =	sbr.rel $0x88, $3  }
0x1: {  	(tag) =	ssettag $0x0;
	lr =	simm.s32 $0x1  }
0x2: {  	[smem:$0x3F95] =	sst lr;
	_ =	strace $0xD0000000  }
0x3: {  	_ = 	snop  }
0x4: {  	_ = 	snop  }
0x5: {  	_ = 	snop  }
0x6: {  	_ = 	snop  }
0x7: {  	_ = 	snop  }
__scs_overlays_trampoline_lowered:
0x8: {  	[smem:$0x3FA4] =	sst s0  }
0x9: {  	[smem:$0x3FA5] =	sst s1  }
0xa: {  	[smem:$0x3FA6] =	sst s2  }
0xb: {  	[smem:$0x3FA7] =	sst s3  }
0xc: {  	[smem:$0x3FA8] =	sst s4  }
0xd: {  	[smem:$0x3FA9] =	sst s5  }
0xe: {  	[smem:$0x3FAA] =	sst s6  }
0xf: {  	[smem:$0x3FAB] =	sst s7  }
0x10: {  	[smem:$0x3FAC] =	sst s8  }
0x11: {  	[smem:$0x3FAD] =	sst s9;
	s0 =	simm.s32 @!p0 $0x0  }
0x12: {  	s1 =	sld [smem:$0x3F93];
	s0 =	simm.s32 @p0 $0x1  }
0x13: {  	[smem:$0x3FAE] =	sst s0;
	s0 =	simm.s32 @!p1 $0x0  }
0x14: {  	s2 =	sld [smem:$0x3F92];
	s0 =	simm.s32 @p1 $0x1  }
0x15: {  	[smem:$0x3FAF] =	sst s0;
	s0 =	simm.s32 @!p2 $0x0  }
0x16: {  	s3 =	sld [smem:$0x3FDB];
	s0 =	simm.s32 @p2 $0x1  }
0x17: {  	s4 =	simm.s32 $0x1BF5;
	[smem:$0x3FB1] =	sst s0  }
0x18: {  	s0 =	sld [smem:$0x3F94];
	_ =	swait.ge [sflag:s4], $0x0  }
0x19: {  	s7 =	sld [smem:$0x3F95]  }
0x1a: {  	s8 =	sadd.s32 $0xFFFFE003, lr  }
0x1b: {  	s9 =	sadd.s32 $0xFFFFFEF7, lr;
	s5 =	simm.s32 $0xFFFFFFFF;
	p2 =	slt.u32 s8, $0xFFFFF086  }
0x1c: {  	p1 =	slt.u32 s9, $0xF7A;
	s5 =	simm.s32 @!p2 $0x0  }
0x1d: {  	s5 =	simm.s32 @p1 $0x1;
	p0 =	seq.s32 s7, s2  }
0x1e: {  	s7 =	smul.u32 @!p0 $0xF7A, s2;
	p2 =	seq.s32 @!p0 s5, $0x0  }
0x1f: {  	s9 =	smul.u32 $0xF7A, s1;
	s8 =	simm.s32 @!p0 $0x1BF5;
	p2 =	por !p2, p0  }
0x20: {  	[sflag:s8] =	ssyncset.s32 @!p0 $0xFFFFF086;
	s6 =	sadd.s32 @!p0 s3, s7;
	s7 =	simm.s32 @!p0 $0x108  }
0x21: {  	s3 =	sadd.s32 s3, s9;
	s6 =	sadd.s32 @!p0 $0x88, s6;
	s7 =	simm.s32 @p2 $0x1082  }
0x22: {  	[simem:s7], [sflag:s8] =	dma.local @!p0 [hbm:s6], $0xF7A  }
0x23: {  	s9 =	sor.u32 $0xD0000000, s2;
	s6 =	simm.s32 $0x108;
	_ =	swait.ge @!p0 [sflag:s8], $0x0  }
0x24: {  	s3 =	sadd.s32 $0x88, s3;
	s6 =	simm.s32 @!p1 $0x1082;
	[sflag:s4] =	ssyncset.s32 $0xFFFFF086  }
0x25: {  	[simem:s6], [sflag:s4] =	dma.local [hbm:s3], $0xF7A  }
0x26: {  	[smem:$0x3F95] =	sst s1;
	(tag) =	ssettag s2;
	_ =	strace s9  }
0x27: {  	s1 =	sld [smem:$0x3FA5]  }
0x28: {  	s2 =	sld [smem:$0x3FA6]  }
0x29: {  	s4 =	sld [smem:$0x3FA8]  }
0x2a: {  	p0 =	seq.s32 s5, $0x0;
	s5 =	sld [smem:$0x3FA9]  }
0x2b: {  	s6 =	sld [smem:$0x3FAA]  }
0x2c: {  	s7 =	sld [smem:$0x3FAB]  }
0x2d: {  	s3 =	simm.s32 $0x108;
	s8 =	sld [smem:$0x3FAC]  }
0x2e: {  	s3 =	simm.s32 @!p0 $0x1082;
	s9 =	sld [smem:$0x3FAD]  }
0x2f: {  	lr =	sadd.s32 s0, s3;
	s0 =	sld [smem:$0x3FA4]  }
0x30: {  	s3 =	sld [smem:$0x3FA7]  }
0x31: {  	[smem:$0x3FB0] =	sst s10  }
0x32: {  	s10 =	sld [smem:$0x3FAE];
	_ =	sdelay $0x3  }
0x33: {  	p0 =	seq.s32 s10, $0x1;
	s10 =	sld [smem:$0x3FB0];
	_ =	sdelay $0x3  }
0x34: {  	[smem:$0x3FB0] =	sst s10  }
0x35: {  	s10 =	sld [smem:$0x3FAF];
	_ =	sdelay $0x3  }
0x36: {  	p1 =	seq.s32 s10, $0x1;
	s10 =	sld [smem:$0x3FB0];
	_ =	sdelay $0x3  }
0x37: {  	[smem:$0x3FB0] =	sst s10  }
0x38: {  	s10 =	sld [smem:$0x3FB1]  }
0x39: {  	_ = 	snop;
	(pc) =	sbr.ind lr, $3  }
0x3a: {  	_ = 	snop  }
0x3b: {  	_ = 	snop  }
0x3c: {  	p2 =	seq.s32 s10, $0x1;
	s10 =	sld [smem:$0x3FB0]  }
0x3d: {  	_ =	shalt  }
0x3e: {  	_ =	shalt  }
0x3f: {  	_ =	shalt  }
0x40: {  	_ =	shalt  }
0x41: {  	_ =	shalt  }
0x42: {  	_ =	shalt  }
0x43: {  	_ =	shalt  }
0x44: {  	_ =	shalt  }
0x45: {  	_ =	shalt  }
0x46: {  	_ =	shalt  }
0x47: {  	_ =	shalt  }
0x48: {  	_ =	shalt  }
0x49: {  	_ =	shalt  }
0x4a: {  	_ =	shalt  }
0x4b: {  	_ =	shalt  }
0x4c: {  	_ =	shalt  }
0x4d: {  	_ =	shalt  }
0x4e: {  	_ =	shalt  }
0x4f: {  	_ =	shalt  }
0x50: {  	_ =	shalt  }
0x51: {  	_ =	shalt  }
0x52: {  	_ =	shalt  }
0x53: {  	_ =	shalt  }
0x54: {  	_ =	shalt  }
0x55: {  	_ =	shalt  }
0x56: {  	_ =	shalt  }
0x57: {  	_ =	shalt  }
0x58: {  	_ =	shalt  }
0x59: {  	_ =	shalt  }
0x5a: {  	_ =	shalt  }
0x5b: {  	_ =	shalt  }
0x5c: {  	_ =	shalt  }
0x5d: {  	_ =	shalt  }
0x5e: {  	_ =	shalt  }
0x5f: {  	_ =	shalt  }
0x60: {  	_ =	shalt  }
0x61: {  	_ =	shalt  }
0x62: {  	_ =	shalt  }
0x63: {  	_ =	shalt  }
0x64: {  	_ =	shalt  }
0x65: {  	_ =	shalt  }
0x66: {  	_ =	shalt  }
0x67: {  	_ =	shalt  }
0x68: {  	_ =	shalt  }
0x69: {  	_ =	shalt  }
0x6a: {  	_ =	shalt  }
0x6b: {  	_ =	shalt  }
0x6c: {  	_ =	shalt  }
0x6d: {  	_ =	shalt  }
0x6e: {  	_ =	shalt  }
0x6f: {  	_ =	shalt  }
0x70: {  	_ =	shalt  }
0x71: {  	_ =	shalt  }
0x72: {  	_ =	shalt  }
0x73: {  	_ =	shalt  }
0x74: {  	_ =	shalt  }
0x75: {  	_ =	shalt  }
0x76: {  	_ =	shalt  }
0x77: {  	_ =	shalt  }
0x78: {  	_ =	shalt  }
0x79: {  	_ =	shalt  }
0x7a: {  	_ =	shalt  }
0x7b: {  	_ =	shalt  }
0x7c: {  	_ =	shalt  }
0x7d: {  	_ =	shalt  }
0x7e: {  	_ =	shalt  }
0x7f: {  	_ =	shalt  }
0x80: {  	_ =	shalt  }
0x81: {  	_ =	shalt  }
0x82: {  	_ =	shalt  }
0x83: {  	_ =	shalt  }
0x84: {  	_ =	shalt  }
0x85: {  	_ =	shalt  }
0x86: {  	_ =	shalt  }
0x87: {  	_ =	shalt  }
.Lfunc_end0:
.L_simem_size_0:
called_computation.1_lowered:
.L_overlay_start_0:
0x88: {  	s2 =	sld [smem:$0x3FD9]  }
0x89: {  	s3 =	sld [smem:$0x3FFE];
	_ =	sdelay $0x1  }
0x8a: {  	s1 =	srdreg.scid  }
0x8b: {  	s0 =	sand.u32 $0x1, s1  }
0x8c: {  	s16 =	sshll.u32 s0, $0xA;
	s2 =	sadd.s32 s3, s2  }
0x8d: {  	s2 =	sadd.s32 s2, s16  }
0x8e: {  	[smem:$0x3FBC] =	sst s2  }
0x8f: {  	_ = 	snop  }
0x90: {  	s2 =	sld [smem:$0x3FD0];
	_ =	sdelay $0x2  }
0x91: {  	s5 =	simm.s32 $0xB;
	s17 =	simm.s32 $0x10  }
0x92: {  	[smem:s17], [sflag:s5] =	dma.local [hbm:s2], $0x1  }
0x93: {  	_ =	swait.eq [sflag:s5], $0x1  }
0x94: {  	s18 =	sld [smem:$0x10];
	[sflag:s5] =	ssyncset.done $0x0  }
0x95: {  	s4 =	sld [smem:$0x11];
	[sflag:s5] =	ssyncadd.s32 $0xFFFFFFFF  }
0x96: {  	s19 =	sld [smem:$0x12];
	(tm) =	ssettm $0x1  }
0x97: {  	s20 =	sld [smem:$0x3FFB];
	_ =	sdelay $0x3  }
0x98: {  	_ =	strace s20  }
0x99: {  	s2 =	sld [smem:$0x3FFC];
	_ =	sdelay $0x3  }
0x9a: {  	_ =	strace s2  }
0x9b: {  	s2 =	sld [smem:$0x3FFD];
	_ =	sdelay $0x3  }
0x9c: {  	_ =	strace s2  }
0x9d: {  	_ =	strace $0x8FFFFFFF  }
0x9e: {  	s21 =	sld [smem:$0x3FDB];
	_ =	sdelay $0x1  }
0x9f: {  	s6 =	simm.s32 $_scs_section_size  }
0xa0: {  	s7 =	simm.s32 $_size__tile_overlayer_lowered;
	s8 =	simm.s32 $_tile_overlayer_lowered  }
0xa1: {  	s9 =	simm.s32 $0x1BFF;
	s22 =	sshll.u32 s8, $0x1;
	s6 =	sadd.s32 s6, s21  }
0xa2: {  	s23 =	simm.s32 $0x0;
	s7 =	sshll.u32 s7, $0x1;
	s8 =	sadd.s32 s22, s6  }
0xa3: {  	[timem:s23], [sflag:s9] =	dma.local [hbm:s8], s7  }
0xa4: {  	_ =	swait.ge [sflag:s9], s7  }
0xa5: {  	s7 =	ssub.s32 $0x0, s7;
	[sflag:s9] =	ssyncset.done $0x0  }
0xa6: {  	[sflag:s9] =	ssyncadd.s32 s7;
	_ =	sdelay $0x1  }
0xa7: {  	s24 =	simm.s32 $0x1B8B  }
0xa8: {  	_ =	swait.ge [sflag:s24], $0x1  }
0xa9: {  	[sflag:s24] =	ssyncset.done $0x0  }
0xaa: {  	[sflag:s24] =	ssyncadd.s32 $0xFFFFFFFF  }
0xab: {  	s7 =	sld [smem:$0x0]  }
0xac: {  	s8 =	sand.u32 $0xFFFFFFFE, s1  }
0xad: {  	p0 =	sne.s32 s1, s8  }
0xae: {  	s8 =	sshll.u32 @p0 s8, $0xE  }
0xaf: {  	s8 =	sadd.s32 @p0 $0x11B8D, s8;
	s9 =	sshll.u32 @p0 s7, $0x11  }
0xb0: {  	s8 =	sor.u32 @p0 s9, s8  }
0xb1: {  	[sflag:s8] =	ssyncadd.remote.s32 @p0 $0x1;
	_ =	sdelay $0x1  }
0xb2: {  	s8 =	simm.s32 @p0 $0x1B8D  }
0xb3: {  	_ =	swait.eq @p0 [sflag:s8], $0x1  }
0xb4: {  	[sflag:s8] =	ssyncadd.s32 @p0 $0xFFFFFFFF  }
0xb5: {  	s9 =	sshll.u32 @!p0 s1, $0xE  }
0xb6: {  	s9 =	sor.u32 @!p0 $0x4000, s9;
	s8 =	simm.s32 @!p0 $0x1B8D  }
0xb7: {  	s7 =	sshll.u32 @!p0 s7, $0x11;
	s9 =	sadd.s32 @!p0 $0x11B8D, s9;
	_ =	swait.eq @!p0 [sflag:s8], $0x1  }
0xb8: {  	s7 =	sor.u32 @!p0 s7, s9;
	[sflag:s8] =	ssyncadd.s32 @!p0 $0xFFFFFFFF  }
0xb9: {  	s25 =	simm.s32 $0x1B8E;
	[sflag:s7] =	ssyncadd.remote.s32 @!p0 $0x1  }
0xba: {  	s26 =	simm.s32 $execute0_lowered;
	[smem:$0x3FD2] =	sst s25  }
0xbb: {  	s7 =	sshll.u32 s26, $0x1;
	_ =	strace $0x8000004C;
	[dreg:$0x1] =	wrdreg $0xFFFFFFFF  }
0xbc: {  	s28 =	simm.s32 $_size_execute0_lowered;
	s6 =	sadd.s32 s6, s7;
	[dreg:$0x0] =	wrdreg $0x0  }
0xbd: {  	s7 =	sshll.u32 s28, $0x1;
	[dreg:$0x2] =	wrdreg s6  }
0xbe: {  	[dreg:$0x3] =	wrdreg s7  }
0xbf: {  	[dreg:$0x4] =	wrdreg $0xC0  }
0xc0: {  	_ =	task [dreg:s23], $0x5FFFF  }
0xc1: {  	[dreg:$0x1] =	wrdreg $0xFFFFFFFF  }
0xc2: {  	[dreg:$0x0] =	wrdreg $0x60  }
0xc3: {  	[dreg:$0x2] =	wrdreg s4  }
0xc4: {  	[dreg:$0x3] =	wrdreg s19  }
0xc5: {  	[dreg:$0x4] =	wrdreg s18  }
0xc6: {  	[dreg:$0x5] =	wrdreg $0x140000  }
0xc7: {  	[dreg:$0x6] =	wrdreg $0x9  }
0xc8: {  	_ =	task.clear_ibuf [dreg:s23], $0x7FFFF;
	_ =	strace $0x9000004C  }
0xc9: {  	s29 =	simm.s32 $0x9;
	_ =	strace $0x8000004E  }
0xca: {  	_ =	swait.ge [sflag:s29], $0x1  }
0xcb: {  	[sflag:s29] =	ssyncadd.s32 $0xFFFFFFFF  }
0xcc: {  	_ =	strace $0x9000004E  }
0xcd: {  	_ =	sfence  }
0xce: {  	s30 =	sld [smem:$0x0];
	_ =	sdelay $0x2  }
0xcf: {  	s31 =	sshll.u32 s1, $0xD;
	s1 =	sshrl.u32 s1, $0x2  }
0xd0: {  	s4 =	sand.u32 $0x4000, s31;
	s1 =	sadd.s32 s1, s30  }
0xd1: {  	s0 =	sor.u32 s4, s0;
	s1 =	sshll.u32 s1, $0x11  }
0xd2: {  	s0 =	sor.u32 s1, s0  }
0xd3: {  	s0 =	sadd.s32 $0x8F2B, s0  }
0xd4: {  	[sflag:s0] =	ssyncadd.remote.s32 $0x1  }
0xd5: {  	_ =	sfence.sel $0xFFFF  }
0xd6: {  	[dreg:$0x0] =	wrdreg $0xFFFFFFFF;
	(pc) =	sbr.abs _section_cstart, $3  }
0xd7: {  	[dreg:$0x1] =	wrdreg $0xFFFFFFFF  }
0xd8: {  	_ =	task.clear_ibuf [dreg:s23], $0x2FFFF;
	_ =	strace $0x9FFFFFFF  }
0xd9: {  	(tm) =	ssettm $0x7FFFFFFF  }
tec
execute0_lowered:
.L_overlay_start_1:
0x0: {  	(tag) =	ssettag $0x1  }
0x1: {  	s0 =	rddreg [dreg:$0x0]  }
0x2: {  	s1 =	rddreg [dreg:$0x1]  }
0x3: {  	s2 =	rddreg [dreg:$0x2]  }
0x4: {  	s3 =	rddreg [dreg:$0x3]  }
0x5: {  	s5 =	srdreg.scid;
	s4 =	simm.s32 $0x0;
	s11 =	stileid.u32  }
0x6: {  	s29 =	simm.s32 $0xD000;
	s30 =	simm.s32 $0x1;
	s31 =	simm.s32 $0x2  }
0x7: {  	s28 =	simm.s32 $0x7;
	s6 =	sand.u32 $0x1, s5;
	s7 =	smul.u32 $0x28000, s11  }
0x8: {  	[smem:$0x7FF] =	sst s4;
	s9 =	sshll.u32 s11, $0x1;
	s12 =	smul.u32 $0x280, s11  }
0x9: {  	s19 =	smul.u32 $0x14000, s11;
	s20 =	sadd.s32 $0x9B00, s0;
	s5 =	ssub.s32 $0x2, s6  }
0xa: {  	_ =	strace $0x8000004D;
	s9 =	sor.u32 s6, s9;
	s6 =	smul.u32 $0x140000, s6  }
0xb: {  	[dreg:$0xc] =	wrdreg s20;
	s20 =	simm.s32 $0xB;
	s8 =	sshrl.u32 s5, $0x1  }
0xc: {  	s7 =	sshrl.u32 s7, $0x2;
	s15 =	smul.u32 $0x2800, s9;
	p0 =	seq.s32 s9, $0x1F  }
0xd: {  	s12 =	sadd.s32 $0x140, s12;
	s8 =	ssub.s32 s5, s8;
	s5 =	sadd.s32 s7, s3  }
0xe: {  	s22 =	sadd.s32 s19, s6;
	s23 =	sshll.u32 s12, $0x7;
	s24 =	sshll.u32 s12, $0x6  }
0xf: {  	s19 =	simm.s32 $0x5000;
	s12 =	simm.s32 $0x40;
	s10 =	sadd.s32 $0x2000, s5  }
0x10: {  	s16 =	sadd.s32 $0x4000, s5;
	s17 =	sadd.s32 $0x6000, s5;
	[dreg:$0x6] =	wrdreg s10  }
0x11: {  	s18 =	sadd.s32 $0x8000, s5;
	s7 =	sshrl.u32 s15, $0x3;
	[dreg:$0x7] =	wrdreg s16  }
0x12: {  	s6 =	sadd.s32 s6, s23;
	s25 =	sadd.s32 s24, s3;
	[dreg:$0x8] =	wrdreg s17  }
0x13: {  	s24 =	simm.s32 $0x9000;
	s23 =	simm.s32 $0x5;
	[dreg:$0x9] =	wrdreg s18  }
0x14: {  	s10 =	simm.s32 $0x14;
	s7 =	sadd.s32 s0, s7;
	s0 =	sadd.s32 $0x13740, s0  }
0x15: {  	s6 =	sshrl.u32 s6, $0x3;
	[dreg:$0xf] =	wrdreg s25;
	s18 =	smax.u32 s8, $0x1  }
0x16: {  	s25 =	simm.s32 $0x6;
	s8 =	simm.s32 $0xA;
	[dreg:$0xa] =	wrdreg s7  }
0x17: {  	s10 =	simm.s32 @!p0 $0x50;
	s7 =	sadd.s32 $0x9C40, s7;
	[dreg:$0xd] =	wrdreg s0  }
0x18: {  	s0 =	sshrl.u32 s22, $0x3;
	s26 =	sadd.s32 s2, s6;
	s21 =	smul.u32 $0x67, s10  }
0x19: {  	s22 =	simm.s32 $0x7000;
	s6 =	simm.s32 $0x8;
	[dreg:$0xb] =	wrdreg s7  }
0x1a: {  	s0 =	sadd.s32 s2, s0;
	[dreg:$0x10] =	wrdreg s26;
	s9 =	sshrl.u32 s21, $0x9  }
0x1b: {  	s26 =	simm.s32 $0xB000;
	s2 =	simm.s32 $0x4;
	s9 =	smul.u32 $0xA00, s9  }
0x1c: {  	s7 =	simm.s32 $0x9;
	[dreg:$0xe] =	wrdreg s0;
	s0 =	simm.s32 $0x3  }
0x1d: {  	v0 =	vimm.f32 $0.0e+00;
	s21 =	simm.s32 $0x80;
	[dreg:$0x5] =	wrdreg s9;
	s9 =	simm.s32 $0xF000  }
.LBB2_1:
0x1e: {  	s14 =	simm.s32 $0x100;
	s13 =	simm.s32 $0x0  }
.LBB2_2:
0x1f: {  	p1 =	sne.s32 s14, $0x7F00;
	[tilespmem:s13+$0x5030] =	vst v0;
	s11 =	smov.u32 s14;
	s14 =	sadd.s32 $0x100, s14  }
.Ltmp0:
0x20: {  	[tilespmem:s13+$0x5020] =	vst v0;
	(pc) =	sbr.rel @p1 .LBB2_2-.Ltmp0, $3  }
0x21: {  	[tilespmem:s13+$0x5000] =	vst v0  }
0x22: {  	[tilespmem:s13+$0x5010] =	vst v0;
	_ =	sdelay $0x1  }
0x23: {  	s13 =	sshra.s32 s11, $0x2  }
0x24: {  	[tilespmem:s13+$0x5030] =	vst v0  }
0x25: {  	[tilespmem:s13+$0x5020] =	vst v0  }
0x26: {  	[tilespmem:s13+$0x5000] =	vst v0  }
0x27: {  	[tilespmem:s13+$0x5010] =	vst v0  }
0x28: {  	[spmem:s5] =	stream.linear.scatter [tilespmem:s19], [sflag:$0xB], $0x2000, $0x38;
	[tilespmem:$0x1E000] =	vst v63  }
0x29: {  	_ =	swait.ge [sflag:s20], $0x2000  }
0x2a: {  	[sflag:s20] =	ssyncset.done $0x0  }
0x2b: {  	s11 =	rddreg [dreg:$0x6];
	[sflag:s20] =	ssyncadd.s32 $0xFFFFE000  }
0x2c: {  	[spmem:s11] =	stream.linear.scatter [tilespmem:s19], [sflag:$0xB], $0x2000, $0x38;
	[tilespmem:$0x1E000] =	vst v63  }
0x2d: {  	_ =	swait.ge [sflag:s20], $0x2000  }
0x2e: {  	[sflag:s20] =	ssyncset.done $0x0  }
0x2f: {  	s15 =	rddreg [dreg:$0x7];
	[sflag:s20] =	ssyncadd.s32 $0xFFFFE000  }
0x30: {  	[spmem:s15] =	stream.linear.scatter [tilespmem:s19], [sflag:$0xB], $0x2000, $0x38;
	[tilespmem:$0x1E000] =	vst v63  }
0x31: {  	_ =	swait.ge [sflag:s20], $0x2000  }
0x32: {  	[sflag:s20] =	ssyncset.done $0x0  }
0x33: {  	s16 =	rddreg [dreg:$0x8];
	[sflag:s20] =	ssyncadd.s32 $0xFFFFE000  }
0x34: {  	[spmem:s16] =	stream.linear.scatter [tilespmem:s19], [sflag:$0xB], $0x2000, $0x38;
	[tilespmem:$0x1E000] =	vst v63  }
0x35: {  	_ =	swait.ge [sflag:s20], $0x2000  }
0x36: {  	[sflag:s20] =	ssyncset.done $0x0  }
0x37: {  	s17 =	rddreg [dreg:$0x9];
	[sflag:s20] =	ssyncadd.s32 $0xFFFFE000  }
0x38: {  	[spmem:s17] =	stream.linear.scatter [tilespmem:s19], [sflag:$0xB], $0x2000, $0x38;
	[tilespmem:$0x1E000] =	vst v63  }
0x39: {  	_ =	swait.ge [sflag:s20], $0x2000  }
0x3a: {  	[sflag:s20] =	ssyncset.done $0x0  }
0x3b: {  	[sflag:s20] =	ssyncadd.s32 $0xFFFFE000  }
0x3c: {  	[bflag:$0x0] =	sbarrier.arrive $0xFFFF  }
0x3d: {  	s11 =	simm.s32 @p0 $0x0;
	s13 =	rddreg [dreg:$0xc]  }
0x3e: {  	[tilespmem:s11], [sflag:$0xB] =	stream.linear.gather @p0 [hbm4b:s13+s11], $0xA00, $0x38;
	[tilespmem:$0x1E000] =	vst v63  }
0x3f: {  	s13 =	simm.s32 @p0 $0xB  }
0x40: {  	_ =	swait.ge @p0 [sflag:s13], $0xA00  }
0x41: {  	[sflag:s13] =	ssyncset.done @p0 $0x0  }
0x42: {  	s14 =	simm.s32 @p0 $0x2800;
	s15 =	rddreg [dreg:$0xd];
	[sflag:s13] =	ssyncadd.s32 @p0 $0xFFFFF600  }
0x43: {  	[tilespmem:s14], [sflag:$0xB] =	stream.linear.gather @p0 [hbm4b:s15+s11], $0xA00, $0x38;
	[tilespmem:$0x1E000] =	vst v63  }
0x44: {  	_ =	swait.ge @p0 [sflag:s13], $0xA00  }
0x45: {  	[sflag:s13] =	ssyncset.done @p0 $0x0  }
0x46: {  	s11 =	simm.s32 @!p0 $0x0;
	[sflag:s13] =	ssyncadd.s32 @p0 $0xFFFFF600;
	s13 =	rddreg [dreg:$0xa]  }
0x47: {  	[tilespmem:s11], [sflag:$0xB] =	stream.linear.gather @!p0 [hbm4b:s13+s11], $0x2800, $0x38;
	[tilespmem:$0x1E000] =	vst v63  }
0x48: {  	s13 =	simm.s32 @!p0 $0xB  }
0x49: {  	_ =	swait.ge @!p0 [sflag:s13], $0x2800  }
0x4a: {  	[sflag:s13] =	ssyncset.done @!p0 $0x0  }
0x4b: {  	s14 =	simm.s32 @!p0 $0x2800;
	s15 =	rddreg [dreg:$0xb];
	[sflag:s13] =	ssyncadd.s32 @!p0 $0xFFFFD800  }
0x4c: {  	[tilespmem:s14], [sflag:$0xB] =	stream.linear.gather @!p0 [hbm4b:s15+s11], $0x2800, $0x38;
	[tilespmem:$0x1E000] =	vst v63  }
0x4d: {  	_ =	swait.ge @!p0 [sflag:s13], $0x2800  }
0x4e: {  	[sflag:s13] =	ssyncset.done @!p0 $0x0  }
0x4f: {  	[sflag:s13] =	ssyncadd.s32 @!p0 $0xFFFFD800;
	s13 =	simm.s32 $0x0  }
0x50: {  	v3 =	vld [tilespmem:s13+$0x0]  }
0x51: {  	v5 =	vld [tilespmem:s13+$0x10]  }
0x52: {  	v4 =	vld [tilespmem:s13+$0x20]  }
0x53: {  	v2 =	vld [tilespmem:s13+$0x30]  }
0x54: {  	v1 =	vld [tilespmem:s13+$0x40]  }
0x55: {  	v6 =	vshll.u32 v3, $0x1;
	v3 =	vld [tilespmem:s13+$0x50]  }
0x56: {  	s14 =	simm.s32 $0x200;
	[tilespmem:s13+$0x0] =	vst v6;
	v6 =	vshll.u32 v5, $0x1;
	v5 =	vld [tilespmem:s13+$0x60]  }
.LBB2_4:
0x57: {  	s11 =	sshra.s32 s14, $0x2;
	p1 =	sne.s32 s14, $0x9E00;
	[tilespmem:s13+$0x10] =	vst v6;
	v4 =	vshll.u32 v4, $0x1;
	v6 =	vld [tilespmem:s13+$0x70]  }
0x58: {  	v7 =	vld [tilespmem:s11+$0x0];
	[tilespmem:s13+$0x20] =	vst v4;
	v2 =	vshll.u32 v2, $0x1  }
0x59: {  	v8 =	vld [tilespmem:s11+$0x10];
	[tilespmem:s13+$0x30] =	vst v2;
	v1 =	vshll.u32 v1, $0x1  }
.Ltmp1:
0x5a: {  	v4 =	vld [tilespmem:s11+$0x20];
	[tilespmem:s13+$0x40] =	vst v1;
	v1 =	vshll.u32 v3, $0x1;
	(pc) =	sbr.rel @p1 .LBB2_4-.Ltmp1, $4  }
0x5b: {  	v2 =	vld [tilespmem:s11+$0x30];
	[tilespmem:s13+$0x50] =	vst v1;
	v3 =	vshll.u32 v5, $0x1  }
0x5c: {  	v1 =	vld [tilespmem:s11+$0x40];
	[tilespmem:s13+$0x60] =	vst v3;
	v5 =	vshll.u32 v6, $0x1  }
0x5d: {  	v6 =	vshll.u32 v7, $0x1;
	v3 =	vld [tilespmem:s11+$0x50];
	[tilespmem:s13+$0x70] =	vst v5;
	s13 =	smov.u32 s11  }
0x5e: {  	s14 =	sadd.s32 $0x200, s14;
	[tilespmem:s13+$0x0] =	vst v6;
	v6 =	vshll.u32 v8, $0x1;
	v5 =	vld [tilespmem:s13+$0x60]  }
0x5f: {  	[tilespmem:s13+$0x10] =	vst v6;
	v4 =	vshll.u32 v4, $0x1;
	v63 =	vld [tilespmem:s13+$0x70]  }
0x60: {  	[tilespmem:s13+$0x20] =	vst v4;
	v2 =	vshll.u32 v2, $0x1  }
0x61: {  	[tilespmem:s13+$0x30] =	vst v2;
	v1 =	vshll.u32 v1, $0x1  }
0x62: {  	[tilespmem:s13+$0x40] =	vst v1;
	v1 =	vshll.u32 v3, $0x1  }
0x63: {  	[tilespmem:s13+$0x50] =	vst v1;
	v1 =	vshll.u32 v5, $0x1  }
0x64: {  	[tilespmem:s13+$0x60] =	vst v1;
	v1 =	vshll.u32 v63, $0x1  }
0x65: {  	[tilespmem:s13+$0x70] =	vst v1;
	s13 =	simm.s32 $0x0  }
0x66: {  	[tilespmem:s19], [sflag:$0x1] =	stream.indirect.gather [hbm4b:s1+s21], $0x40, s13, s21, $0xb8;
	[tilespmem:$0x1E000] =	vst v63  }
0x67: {  	_ = 	snop  }
0x68: {  	[tilespmem:s22], [sflag:$0x2] =	stream.indirect.gather [hbm4b:s1+s21], $0x40, s21, s21, $0xb8;
	[tilespmem:$0x1E000] =	vst v63  }
0x69: {  	s11 =	simm.s32 $0x100  }
0x6a: {  	[tilespmem:s24], [sflag:$0x3] =	stream.indirect.gather [hbm4b:s1+s21], $0x40, s11, s21, $0xb8;
	[tilespmem:$0x1E000] =	vst v63  }
0x6b: {  	s16 =	simm.s32 $0x180  }
0x6c: {  	[tilespmem:s26], [sflag:$0x4] =	stream.indirect.gather [hbm4b:s1+s21], $0x40, s16, s21, $0xb8;
	[tilespmem:$0x1E000] =	vst v63  }
0x6d: {  	s17 =	simm.s32 $0x200;
	s14 =	simm.s32 $0x9  }
0x6e: {  	[tilespmem:s29], [sflag:$0x5] =	stream.indirect.gather [hbm4b:s1+s21], $0x40, s17, s21, $0xb8;
	[tilespmem:$0x1E000] =	vst v63  }
.LBB2_6:
0x6f: {  	_ =	swait.ge [sflag:s30], $0x2000  }
0x70: {  	s11 =	sshra.s32 s13, $0x2;
	[sflag:s30] =	ssyncset.done $0x0  }
0x71: {  	s15 =	sadd.s32 $0x2800, s11;
	[sflag:s30] =	ssyncadd.s32 $0xFFFFE000  }
0x72: {  	[spmem:s3] =	stream.indirect.scatter.add.f32 [tilespmem:s19], [sflag:$0x6], $0x40, s15, s21, $0xb8;
	[tilespmem:$0x1E000] =	vst v63  }
0x73: {  	_ =	swait.ge [sflag:s31], $0x2000  }
0x74: {  	[sflag:s31] =	ssyncset.done $0x0  }
0x75: {  	s16 =	sadd.s32 $0x2880, s11;
	[sflag:s31] =	ssyncadd.s32 $0xFFFFE000  }
0x76: {  	[spmem:s3] =	stream.indirect.scatter.add.f32 [tilespmem:s22], [sflag:$0x7], $0x40, s16, s21, $0xb8;
	[tilespmem:$0x1E000] =	vst v63  }
0x77: {  	_ =	swait.ge [sflag:s0], $0x2000  }
0x78: {  	[sflag:s0] =	ssyncset.done $0x0  }
0x79: {  	s17 =	sadd.s32 $0x2900, s11;
	[sflag:s0] =	ssyncadd.s32 $0xFFFFE000  }
0x7a: {  	[spmem:s3] =	stream.indirect.scatter.add.f32 [tilespmem:s24], [sflag:$0x8], $0x40, s17, s21, $0xb8;
	[tilespmem:$0x1E000] =	vst v63  }
0x7b: {  	_ =	swait.ge [sflag:s2], $0x2000  }
0x7c: {  	[sflag:s2] =	ssyncset.done $0x0  }
0x7d: {  	s16 =	sadd.s32 $0x2980, s11;
	[sflag:s2] =	ssyncadd.s32 $0xFFFFE000  }
0x7e: {  	[spmem:s3] =	stream.indirect.scatter.add.f32 [tilespmem:s26], [sflag:$0x9], $0x40, s16, s21, $0xb8;
	[tilespmem:$0x1E000] =	vst v63  }
0x7f: {  	_ =	swait.ge [sflag:s23], $0x2000  }
0x80: {  	[sflag:s23] =	ssyncset.done $0x0  }
0x81: {  	s11 =	sadd.s32 $0x2A00, s11;
	s17 =	sadd.s32 $0xFFFFFFFC, s14;
	[sflag:s23] =	ssyncadd.s32 $0xFFFFE000  }
0x82: {  	[spmem:s3] =	stream.indirect.scatter.add.f32 [tilespmem:s29], [sflag:$0xA], $0x40, s11, s21, $0xb8;
	[tilespmem:$0x1E000] =	vst v63  }
0x83: {  	p1 =	sge.u32 s17, s10;
	_ =	swait.ge [sflag:s25], $0x2000  }
0x84: {  	s15 =	simm.s32 @!p1 $0x80;
	s11 =	sshra.s32 @!p1 s13, $0x2;
	[sflag:s25] =	ssyncset.done $0x0  }
0x85: {  	s16 =	simm.s32 @!p1 $0x5000;
	s11 =	sadd.s32 @!p1 $0x280, s11;
	[sflag:s25] =	ssyncadd.s32 $0xFFFFE000  }
0x86: {  	[tilespmem:s16], [sflag:$0x1] =	stream.indirect.gather @!p1 [hbm4b:s1+s15], $0x40, s11, s15, $0xb8;
	[tilespmem:$0x1E000] =	vst v63  }
0x87: {  	s15 =	sadd.s32 $0xFFFFFFFD, s14  }
0x88: {  	_ =	swait.ge [sflag:s28], $0x2000;
	p1 =	sge.u32 s15, s10  }
0x89: {  	[sflag:s28] =	ssyncset.done $0x0;
	s11 =	sshra.s32 @!p1 s13, $0x2;
	s15 =	simm.s32 @!p1 $0x80  }
0x8a: {  	s16 =	simm.s32 @!p1 $0x7000;
	[sflag:s28] =	ssyncadd.s32 $0xFFFFE000;
	s11 =	sadd.s32 @!p1 $0x300, s11  }
0x8b: {  	[tilespmem:s16], [sflag:$0x2] =	stream.indirect.gather @!p1 [hbm4b:s1+s15], $0x40, s11, s15, $0xb8;
	[tilespmem:$0x1E000] =	vst v63  }
0x8c: {  	s16 =	sadd.s32 $0xFFFFFFFE, s14  }
0x8d: {  	s17 =	sadd.s32 $0xFFFFFFFF, s14;
	_ =	swait.ge [sflag:s6], $0x2000;
	p1 =	sge.u32 s16, s10  }
0x8e: {  	[sflag:s6] =	ssyncset.done $0x0;
	s11 =	sshra.s32 @!p1 s13, $0x2;
	s15 =	simm.s32 @!p1 $0x80  }
0x8f: {  	s16 =	simm.s32 @!p1 $0x9000;
	[sflag:s6] =	ssyncadd.s32 $0xFFFFE000;
	s11 =	sadd.s32 @!p1 $0x380, s11  }
0x90: {  	[tilespmem:s16], [sflag:$0x3] =	stream.indirect.gather @!p1 [hbm4b:s1+s15], $0x40, s11, s15, $0xb8;
	[tilespmem:$0x1E000] =	vst v63  }
0x91: {  	p1 =	sge.u32 s17, s10;
	_ =	swait.ge [sflag:s7], $0x2000  }
0x92: {  	s11 =	sshra.s32 @!p1 s13, $0x2;
	s15 =	simm.s32 @!p1 $0x80;
	[sflag:s7] =	ssyncset.done $0x0  }
0x93: {  	s16 =	simm.s32 @!p1 $0xB000;
	s11 =	sadd.s32 @!p1 $0x400, s11;
	[sflag:s7] =	ssyncadd.s32 $0xFFFFE000  }
0x94: {  	[tilespmem:s16], [sflag:$0x4] =	stream.indirect.gather @!p1 [hbm4b:s1+s15], $0x40, s11, s15, $0xb8;
	[tilespmem:$0x1E000] =	vst v63  }
0x95: {  	p1 =	sge.u32 s14, s10  }
0x96: {  	_ =	swait.ge [sflag:s8], $0x2000;
	s11 =	sshra.s32 @!p1 s13, $0x2;
	s15 =	simm.s32 @!p1 $0x80  }
0x97: {  	s16 =	simm.s32 @!p1 $0xD000;
	s13 =	sadd.s32 $0xA00, s13;
	[sflag:s8] =	ssyncset.done $0x0  }
0x98: {  	s11 =	sadd.s32 @!p1 $0x480, s11;
	s17 =	rddreg [dreg:$0x5];
	[sflag:s8] =	ssyncadd.s32 $0xFFFFE000  }
0x99: {  	[tilespmem:s16], [sflag:$0x5] =	stream.indirect.gather @!p1 [hbm4b:s1+s15], $0x40, s11, s15, $0xb8;
	[tilespmem:$0x1E000] =	vst v63  }
0x9a: {  	p1 =	sne.s32 s17, s13  }
.Ltmp2:
0x9b: {  	_ = 	snop;
	(pc) =	sbr.rel @p1 .LBB2_6-.Ltmp2, $2  }
0x9c: {  	_ =	sdelay $0x2  }
0x9d: {  	s14 =	sadd.s32 $0x5, s14  }
0x9e: {  	[bflag:$0x0] =	sbarrier.arrive $0xFFFF  }
0x9f: {  	[tilespmem:s9], [sflag:$0xB] =	stream.linear.gather [spmem:s5], $0x5000, $0x38;
	[tilespmem:$0x1E000] =	vst v63  }
0xa0: {  	_ =	swait.ge [sflag:s20], $0x5000  }
0xa1: {  	[sflag:s20] =	ssyncset.done $0x0  }
0xa2: {  	s11 =	rddreg [dreg:$0xe];
	[sflag:s20] =	ssyncadd.s32 $0xFFFFB000  }
0xa3: {  	[hbm4b:s11+s12] =	stream.strided.scatter [tilespmem:s9], [sflag:$0xB], $0x5000, s21, s12, $0x38;
	[tilespmem:$0x1E000] =	vst v63  }
0xa4: {  	_ =	swait.ge [sflag:s20], $0x5000  }
0xa5: {  	[sflag:s20] =	ssyncset.done $0x0  }
0xa6: {  	s16 =	rddreg [dreg:$0xf];
	[sflag:s20] =	ssyncadd.s32 $0xFFFFB000  }
0xa7: {  	[tilespmem:s9], [sflag:$0xB] =	stream.linear.gather [spmem:s16], $0x5000, $0x38;
	[tilespmem:$0x1E000] =	vst v63  }
0xa8: {  	s4 =	sadd.s32 $0x1, s4;
	_ =	swait.ge [sflag:s20], $0x5000  }
0xa9: {  	p1 =	sne.s32 s4, s18;
	[sflag:s20] =	ssyncset.done $0x0  }
.Ltmp3:
0xaa: {  	s17 =	rddreg [dreg:$0x10];
	[sflag:s20] =	ssyncadd.s32 $0xFFFFB000;
	(pc) =	sbr.rel @p1 .LBB2_1-.Ltmp3, $4  }
0xab: {  	[hbm4b:s17+s12] =	stream.strided.scatter [tilespmem:s9], [sflag:$0xB], $0x5000, s21, s12, $0x38;
	[tilespmem:$0x1E000] =	vst v63  }
0xac: {  	_ =	swait.ge [sflag:s20], $0x5000  }
0xad: {  	[sflag:s20] =	ssyncset.done $0x0  }
0xae: {  	[sflag:s20] =	ssyncadd.s32 $0xFFFFB000  }
0xaf: {  	_ =	sfence.sel $0x180000  }
0xb0: {  	[bflag:$0x0] =	sbarrier.arrive $0xFFFF  }
0xb1: {  	_ =	strace $0x9000004D  }
0xb2: {  	s0 =	stileid.u32;
	[bflag:$0x2] =	sbarrier.arrive $0xFFFF  }
0xb3: {  	p0 =	sne.s32 s0, $0x0;
	s0 =	rddreg [dreg:$0x4]  }
0xb4: {  	s0 =	sadd.s32 @!p0 $0x100000, s0  }
0xb5: {  	[sflag:s0] =	ssyncadd.tile.s32 @!p0 $0x1;
	_ =	shalt  }
.Lfunc_end2:
_tile_overlayer_lowered:
.L_overlay_start_2:
0xb6: {  	(tag) =	ssettag $0x2  }
0xb7: {  	s0 =	rddreg [dreg:$0x0];
	s2 =	stileid.u32  }
0xb8: {  	s1 =	rddreg [dreg:$0x1];
	p0 =	sne.s32 s2, $0x0  }
0xb9: {  	s3 =	rddreg [dreg:$0x2];
	[bflag:$0x3] =	sbarrier.arrive $0xFFFF;
	s2 =	simm.s32 @!p0 $0x1C0B  }
0xba: {  	[timem:s3], [sflag:s2] =	dma.local @!p0 [hbm:s0], s1  }
0xbb: {  	s0 =	simm.s32 @!p0 $0xB  }
0xbc: {  	_ =	swait.ge @!p0 [sflag:s0], s1  }
0xbd: {  	s1 =	ssub.s32 @!p0 $0x0, s1;
	[sflag:s0] =	ssyncset.done @!p0 $0x0  }
0xbe: {  	[sflag:s0] =	ssyncadd.s32 @!p0 s1  }
0xbf: {  	[bflag:$0x3] =	sbarrier.arrive $0xFFFF  }
0xc0: {  	_ =	shalt  }

// kernel: kernel.16.cloned.1.call-start
scs
__scs_entry_jumppad:
0x0: {  	(pc) =	sbr.rel $0x88, $3  }
0x1: {  	(tag) =	ssettag $0x0;
	lr =	simm.s32 $0x1  }
0x2: {  	[smem:$0x3F95] =	sst lr;
	_ =	strace $0xD0000000  }
0x3: {  	_ = 	snop  }
0x4: {  	_ = 	snop  }
0x5: {  	_ = 	snop  }
0x6: {  	_ = 	snop  }
0x7: {  	_ = 	snop  }
__scs_overlays_trampoline_lowered:
0x8: {  	[smem:$0x3FA4] =	sst s0  }
0x9: {  	[smem:$0x3FA5] =	sst s1  }
0xa: {  	[smem:$0x3FA6] =	sst s2  }
0xb: {  	[smem:$0x3FA7] =	sst s3  }
0xc: {  	[smem:$0x3FA8] =	sst s4  }
0xd: {  	[smem:$0x3FA9] =	sst s5  }
0xe: {  	[smem:$0x3FAA] =	sst s6  }
0xf: {  	[smem:$0x3FAB] =	sst s7  }
0x10: {  	[smem:$0x3FAC] =	sst s8  }
0x11: {  	[smem:$0x3FAD] =	sst s9;
	s0 =	simm.s32 @!p0 $0x0  }
0x12: {  	s1 =	sld [smem:$0x3F93];
	s0 =	simm.s32 @p0 $0x1  }
0x13: {  	[smem:$0x3FAE] =	sst s0;
	s0 =	simm.s32 @!p1 $0x0  }
0x14: {  	s2 =	sld [smem:$0x3F92];
	s0 =	simm.s32 @p1 $0x1  }
0x15: {  	[smem:$0x3FAF] =	sst s0;
	s0 =	simm.s32 @!p2 $0x0  }
0x16: {  	s3 =	sld [smem:$0x3FDB];
	s0 =	simm.s32 @p2 $0x1  }
0x17: {  	s4 =	simm.s32 $0x1BF5;
	[smem:$0x3FB1] =	sst s0  }
0x18: {  	s0 =	sld [smem:$0x3F94];
	_ =	swait.ge [sflag:s4], $0x0  }
0x19: {  	s7 =	sld [smem:$0x3F95]  }
0x1a: {  	s8 =	sadd.s32 $0xFFFFE003, lr  }
0x1b: {  	s9 =	sadd.s32 $0xFFFFFEF7, lr;
	s5 =	simm.s32 $0xFFFFFFFF;
	p2 =	slt.u32 s8, $0xFFFFF086  }
0x1c: {  	p1 =	slt.u32 s9, $0xF7A;
	s5 =	simm.s32 @!p2 $0x0  }
0x1d: {  	s5 =	simm.s32 @p1 $0x1;
	p0 =	seq.s32 s7, s2  }
0x1e: {  	s7 =	smul.u32 @!p0 $0xF7A, s2;
	p2 =	seq.s32 @!p0 s5, $0x0  }
0x1f: {  	s9 =	smul.u32 $0xF7A, s1;
	s8 =	simm.s32 @!p0 $0x1BF5;
	p2 =	por !p2, p0  }
0x20: {  	[sflag:s8] =	ssyncset.s32 @!p0 $0xFFFFF086;
	s6 =	sadd.s32 @!p0 s3, s7;
	s7 =	simm.s32 @!p0 $0x108  }
0x21: {  	s3 =	sadd.s32 s3, s9;
	s6 =	sadd.s32 @!p0 $0x88, s6;
	s7 =	simm.s32 @p2 $0x1082  }
0x22: {  	[simem:s7], [sflag:s8] =	dma.local @!p0 [hbm:s6], $0xF7A  }
0x23: {  	s9 =	sor.u32 $0xD0000000, s2;
	s6 =	simm.s32 $0x108;
	_ =	swait.ge @!p0 [sflag:s8], $0x0  }
0x24: {  	s3 =	sadd.s32 $0x88, s3;
	s6 =	simm.s32 @!p1 $0x1082;
	[sflag:s4] =	ssyncset.s32 $0xFFFFF086  }
0x25: {  	[simem:s6], [sflag:s4] =	dma.local [hbm:s3], $0xF7A  }
0x26: {  	[smem:$0x3F95] =	sst s1;
	(tag) =	ssettag s2;
	_ =	strace s9  }
0x27: {  	s1 =	sld [smem:$0x3FA5]  }
0x28: {  	s2 =	sld [smem:$0x3FA6]  }
0x29: {  	s4 =	sld [smem:$0x3FA8]  }
0x2a: {  	p0 =	seq.s32 s5, $0x0;
	s5 =	sld [smem:$0x3FA9]  }
0x2b: {  	s6 =	sld [smem:$0x3FAA]  }
0x2c: {  	s7 =	sld [smem:$0x3FAB]  }
0x2d: {  	s3 =	simm.s32 $0x108;
	s8 =	sld [smem:$0x3FAC]  }
0x2e: {  	s3 =	simm.s32 @!p0 $0x1082;
	s9 =	sld [smem:$0x3FAD]  }
0x2f: {  	lr =	sadd.s32 s0, s3;
	s0 =	sld [smem:$0x3FA4]  }
0x30: {  	s3 =	sld [smem:$0x3FA7]  }
0x31: {  	[smem:$0x3FB0] =	sst s10  }
0x32: {  	s10 =	sld [smem:$0x3FAE];
	_ =	sdelay $0x3  }
0x33: {  	p0 =	seq.s32 s10, $0x1;
	s10 =	sld [smem:$0x3FB0];
	_ =	sdelay $0x3  }
0x34: {  	[smem:$0x3FB0] =	sst s10  }
0x35: {  	s10 =	sld [smem:$0x3FAF];
	_ =	sdelay $0x3  }
0x36: {  	p1 =	seq.s32 s10, $0x1;
	s10 =	sld [smem:$0x3FB0];
	_ =	sdelay $0x3  }
0x37: {  	[smem:$0x3FB0] =	sst s10  }
0x38: {  	s10 =	sld [smem:$0x3FB1]  }
0x39: {  	_ = 	snop;
	(pc) =	sbr.ind lr, $3  }
0x3a: {  	_ = 	snop  }
0x3b: {  	_ = 	snop  }
0x3c: {  	p2 =	seq.s32 s10, $0x1;
	s10 =	sld [smem:$0x3FB0]  }
0x3d: {  	_ =	shalt  }
0x3e: {  	_ =	shalt  }
0x3f: {  	_ =	shalt  }
0x40: {  	_ =	shalt  }
0x41: {  	_ =	shalt  }
0x42: {  	_ =	shalt  }
0x43: {  	_ =	shalt  }
0x44: {  	_ =	shalt  }
0x45: {  	_ =	shalt  }
0x46: {  	_ =	shalt  }
0x47: {  	_ =	shalt  }
0x48: {  	_ =	shalt  }
0x49: {  	_ =	shalt  }
0x4a: {  	_ =	shalt  }
0x4b: {  	_ =	shalt  }
0x4c: {  	_ =	shalt  }
0x4d: {  	_ =	shalt  }
0x4e: {  	_ =	shalt  }
0x4f: {  	_ =	shalt  }
0x50: {  	_ =	shalt  }
0x51: {  	_ =	shalt  }
0x52: {  	_ =	shalt  }
0x53: {  	_ =	shalt  }
0x54: {  	_ =	shalt  }
0x55: {  	_ =	shalt  }
0x56: {  	_ =	shalt  }
0x57: {  	_ =	shalt  }
0x58: {  	_ =	shalt  }
0x59: {  	_ =	shalt  }
0x5a: {  	_ =	shalt  }
0x5b: {  	_ =	shalt  }
0x5c: {  	_ =	shalt  }
0x5d: {  	_ =	shalt  }
0x5e: {  	_ =	shalt  }
0x5f: {  	_ =	shalt  }
0x60: {  	_ =	shalt  }
0x61: {  	_ =	shalt  }
0x62: {  	_ =	shalt  }
0x63: {  	_ =	shalt  }
0x64: {  	_ =	shalt  }
0x65: {  	_ =	shalt  }
0x66: {  	_ =	shalt  }
0x67: {  	_ =	shalt  }
0x68: {  	_ =	shalt  }
0x69: {  	_ =	shalt  }
0x6a: {  	_ =	shalt  }
0x6b: {  	_ =	shalt  }
0x6c: {  	_ =	shalt  }
0x6d: {  	_ =	shalt  }
0x6e: {  	_ =	shalt  }
0x6f: {  	_ =	shalt  }
0x70: {  	_ =	shalt  }
0x71: {  	_ =	shalt  }
0x72: {  	_ =	shalt  }
0x73: {  	_ =	shalt  }
0x74: {  	_ =	shalt  }
0x75: {  	_ =	shalt  }
0x76: {  	_ =	shalt  }
0x77: {  	_ =	shalt  }
0x78: {  	_ =	shalt  }
0x79: {  	_ =	shalt  }
0x7a: {  	_ =	shalt  }
0x7b: {  	_ =	shalt  }
0x7c: {  	_ =	shalt  }
0x7d: {  	_ =	shalt  }
0x7e: {  	_ =	shalt  }
0x7f: {  	_ =	shalt  }
0x80: {  	_ =	shalt  }
0x81: {  	_ =	shalt  }
0x82: {  	_ =	shalt  }
0x83: {  	_ =	shalt  }
0x84: {  	_ =	shalt  }
0x85: {  	_ =	shalt  }
0x86: {  	_ =	shalt  }
0x87: {  	_ =	shalt  }
.Lfunc_end0:
.L_simem_size_0:
called_computation.2_lowered:
.L_overlay_start_0:
0x88: {  	s2 =	sld [smem:$0x3FD9]  }
0x89: {  	s3 =	sld [smem:$0x3FFE];
	_ =	sdelay $0x1  }
0x8a: {  	s1 =	srdreg.scid  }
0x8b: {  	s0 =	sand.u32 $0x1, s1  }
0x8c: {  	s14 =	sshll.u32 s0, $0xA;
	s2 =	sadd.s32 s3, s2  }
0x8d: {  	s2 =	sadd.s32 s2, s14  }
0x8e: {  	[smem:$0x3FBC] =	sst s2  }
0x8f: {  	_ = 	snop  }
0x90: {  	s2 =	sld [smem:$0x3FD0];
	_ =	sdelay $0x2  }
0x91: {  	s15 =	simm.s32 $0xB;
	s4 =	simm.s32 $0x10  }
0x92: {  	[smem:s4], [sflag:s15] =	dma.local [hbm:s2], $0x1  }
0x93: {  	_ =	swait.eq [sflag:s15], $0x1  }
0x94: {  	[sflag:s15] =	ssyncset.done $0x0  }
0x95: {  	s16 =	sld [smem:$0x11];
	[sflag:s15] =	ssyncadd.s32 $0xFFFFFFFF  }
0x96: {  	s17 =	sld [smem:$0x12];
	(tm) =	ssettm $0x1  }
0x97: {  	s18 =	sld [smem:$0x3FFB];
	_ =	sdelay $0x3  }
0x98: {  	_ =	strace s18  }
0x99: {  	s4 =	sld [smem:$0x3FFC];
	_ =	sdelay $0x3  }
0x9a: {  	_ =	strace s4  }
0x9b: {  	s4 =	sld [smem:$0x3FFD];
	_ =	sdelay $0x3  }
0x9c: {  	_ =	strace s4  }
0x9d: {  	_ =	strace $0x8FFFFFFF  }
0x9e: {  	s19 =	sld [smem:$0x3FDB];
	_ =	sdelay $0x1  }
0x9f: {  	s5 =	simm.s32 $_scs_section_size  }
0xa0: {  	s6 =	simm.s32 $_size__tile_overlayer_lowered;
	s7 =	simm.s32 $_tile_overlayer_lowered  }
0xa1: {  	s22 =	simm.s32 $0x1BFF;
	s21 =	sshll.u32 s7, $0x1;
	s4 =	sadd.s32 s5, s19  }
0xa2: {  	s8 =	simm.s32 $0x0;
	s20 =	sshll.u32 s6, $0x1;
	s6 =	sadd.s32 s21, s4  }
0xa3: {  	[timem:s8], [sflag:s22] =	dma.local [hbm:s6], s20  }
0xa4: {  	_ =	swait.ge [sflag:s22], s20  }
0xa5: {  	s5 =	ssub.s32 $0x0, s20;
	[sflag:s22] =	ssyncset.done $0x0  }
0xa6: {  	[sflag:s22] =	ssyncadd.s32 s5;
	_ =	sdelay $0x1  }
0xa7: {  	s23 =	simm.s32 $0x1B8B  }
0xa8: {  	_ =	swait.ge [sflag:s23], $0x1  }
0xa9: {  	[sflag:s23] =	ssyncset.done $0x0  }
0xaa: {  	s25 =	simm.s32 $0x1B8E;
	s24 =	sld [smem:$0x3FFE];
	[sflag:s23] =	ssyncadd.s32 $0xFFFFFFFF  }
0xab: {  	s26 =	simm.s32 $execute0_lowered;
	[smem:$0x3FD2] =	sst s25  }
0xac: {  	s6 =	sshll.u32 s26, $0x1;
	_ =	strace $0x80000049;
	[dreg:$0x1] =	wrdreg $0xFFFFFFFF  }
0xad: {  	s28 =	simm.s32 $_size_execute0_lowered;
	s4 =	sadd.s32 s4, s6;
	[dreg:$0x0] =	wrdreg $0x0  }
0xae: {  	s6 =	sshll.u32 s28, $0x1;
	[dreg:$0x2] =	wrdreg s4  }
0xaf: {  	[dreg:$0x3] =	wrdreg s6  }
0xb0: {  	[dreg:$0x4] =	wrdreg $0xC0  }
0xb1: {  	_ =	task [dreg:s8], $0x5FFFF  }
0xb2: {  	[dreg:$0x1] =	wrdreg $0xFFFFFFFF  }
0xb3: {  	[dreg:$0x0] =	wrdreg $0x60  }
0xb4: {  	[dreg:$0x2] =	wrdreg s16  }
0xb5: {  	[dreg:$0x3] =	wrdreg s17  }
0xb6: {  	[dreg:$0x4] =	wrdreg s24  }
0xb7: {  	[dreg:$0x5] =	wrdreg $0x140000  }
0xb8: {  	[dreg:$0x6] =	wrdreg $0xA  }
0xb9: {  	_ =	task.clear_ibuf [dreg:s8], $0x7FFFF;
	_ =	strace $0x90000049  }
0xba: {  	s29 =	simm.s32 $0xA;
	_ =	strace $0x8000004B  }
0xbb: {  	_ =	swait.ge [sflag:s29], $0x1  }
0xbc: {  	[sflag:s29] =	ssyncadd.s32 $0xFFFFFFFF  }
0xbd: {  	_ =	strace $0x9000004B  }
0xbe: {  	_ =	sfence  }
0xbf: {  	s30 =	sld [smem:$0x0];
	_ =	sdelay $0x2  }
0xc0: {  	s31 =	sshll.u32 s1, $0xD;
	s1 =	sshrl.u32 s1, $0x2  }
0xc1: {  	s3 =	sand.u32 $0x4000, s31;
	s1 =	sadd.s32 s1, s30  }
0xc2: {  	s0 =	sor.u32 s3, s0;
	s1 =	sshll.u32 s1, $0x11  }
0xc3: {  	s0 =	sor.u32 s1, s0  }
0xc4: {  	s0 =	sadd.s32 $0x8F2B, s0  }
0xc5: {  	[sflag:s0] =	ssyncadd.remote.s32 $0x1  }
0xc6: {  	_ =	sfence.sel $0xFFFF  }
0xc7: {  	[dreg:$0x0] =	wrdreg $0xFFFFFFFF;
	(pc) =	sbr.abs _section_cstart, $3  }
0xc8: {  	[dreg:$0x1] =	wrdreg $0xFFFFFFFF  }
0xc9: {  	_ =	task.clear_ibuf [dreg:s8], $0x2FFFF;
	_ =	strace $0x9FFFFFFF  }
0xca: {  	(tm) =	ssettm $0x7FFFFFFF  }
0xcb: {  	_ =	shalt  }
tec
execute0_lowered:
.L_overlay_start_1:
0x0: {  	(tag) =	ssettag $0x1  }
0x1: {  	s0 =	rddreg [dreg:$0x0]  }
0x2: {  	s1 =	rddreg [dreg:$0x1]  }
0x3: {  	s3 =	rddreg [dreg:$0x2]  }
0x4: {  	s2 =	rddreg [dreg:$0x3];
	s4 =	simm.s32 $0x0  }
0x5: {  	s5 =	srdreg.scid;
	s11 =	stileid.u32;
	s29 =	simm.s32 $0xD000  }
0x6: {  	s30 =	simm.s32 $0x1;
	s31 =	simm.s32 $0x2;
	s28 =	simm.s32 $0x7  }
0x7: {  	[smem:$0x7FF] =	sst s4;
	s6 =	sand.u32 $0x1, s5;
	s7 =	smul.u32 $0x28000, s11  }
0x8: {  	s3 =	sadd.s32 $0x52400, s3;
	s9 =	sshll.u32 s11, $0x1;
	s12 =	smul.u32 $0x280, s11  }
0x9: {  	s19 =	smul.u32 $0x14000, s11;
	s20 =	sadd.s32 $0x9B00, s0;
	_ =	strace $0x8000004A  }
0xa: {  	s5 =	ssub.s32 $0x2, s6;
	s9 =	sor.u32 s6, s9;
	s6 =	smul.u32 $0x140000, s6  }
0xb: {  	[dreg:$0xc] =	wrdreg s20;
	s20 =	simm.s32 $0xB;
	s8 =	sshrl.u32 s5, $0x1  }
0xc: {  	s7 =	sshrl.u32 s7, $0x2;
	s15 =	smul.u32 $0x2800, s9;
	p0 =	seq.s32 s9, $0x1F  }
0xd: {  	s12 =	sadd.s32 $0x140, s12;
	s8 =	ssub.s32 s5, s8;
	s5 =	sadd.s32 s7, s2  }
0xe: {  	s22 =	sadd.s32 s19, s6;
	s23 =	sshll.u32 s12, $0x7;
	s24 =	sshll.u32 s12, $0x6  }
0xf: {  	s19 =	simm.s32 $0x5000;
	s12 =	simm.s32 $0x40;
	s10 =	sadd.s32 $0x2000, s5  }
0x10: {  	s16 =	sadd.s32 $0x4000, s5;
	s17 =	sadd.s32 $0x6000, s5;
	[dreg:$0x6] =	wrdreg s10  }
0x11: {  	s18 =	sadd.s32 $0x8000, s5;
	s7 =	sshrl.u32 s15, $0x3;
	[dreg:$0x7] =	wrdreg s16  }
0x12: {  	s6 =	sadd.s32 s6, s23;
	s25 =	sadd.s32 s24, s2;
	[dreg:$0x8] =	wrdreg s17  }
0x13: {  	s24 =	simm.s32 $0x9000;
	s23 =	simm.s32 $0x5;
	[dreg:$0x9] =	wrdreg s18  }
0x14: {  	s10 =	simm.s32 $0x14;
	s7 =	sadd.s32 s0, s7;
	s0 =	sadd.s32 $0x13740, s0  }
0x15: {  	s6 =	sshrl.u32 s6, $0x3;
	[dreg:$0xf] =	wrdreg s25;
	s18 =	smax.u32 s8, $0x1  }
0x16: {  	s25 =	simm.s32 $0x6;
	s8 =	simm.s32 $0xA;
	[dreg:$0xa] =	wrdreg s7  }
0x17: {  	s10 =	simm.s32 @!p0 $0x50;
	s7 =	sadd.s32 $0x9C40, s7;
	[dreg:$0xd] =	wrdreg s0  }
0x18: {  	s0 =	sshrl.u32 s22, $0x3;
	s26 =	sadd.s32 s3, s6;
	s21 =	smul.u32 $0x67, s10  }
0x19: {  	s22 =	simm.s32 $0x7000;
	s6 =	simm.s32 $0x8;
	[dreg:$0xb] =	wrdreg s7  }
0x1a: {  	s0 =	sadd.s32 s3, s0;
	[dreg:$0x10] =	wrdreg s26;
	s9 =	sshrl.u32 s21, $0x9  }
0x1b: {  	s26 =	simm.s32 $0xB000;
	s3 =	simm.s32 $0x4;
	s9 =	smul.u32 $0xA00, s9  }
0x1c: {  	s7 =	simm.s32 $0x9;
	[dreg:$0xe] =	wrdreg s0;
	s0 =	simm.s32 $0x3  }
0x1d: {  	v0 =	vimm.f32 $0.0e+00;
	s21 =	simm.s32 $0x80;
	[dreg:$0x5] =	wrdreg s9;
	s9 =	simm.s32 $0xF000  }
.LBB2_1:
0x1e: {  	s14 =	simm.s32 $0x100;
	s13 =	simm.s32 $0x0  }
.LBB2_2:
0x1f: {  	p1 =	sne.s32 s14, $0x7F00;
	[tilespmem:s13+$0x5030] =	vst v0;
	s11 =	smov.u32 s14;
	s14 =	sadd.s32 $0x100, s14  }
.Ltmp0:
0x20: {  	[tilespmem:s13+$0x5020] =	vst v0;
	(pc) =	sbr.rel @p1 .LBB2_2-.Ltmp0, $3  }
0x21: {  	[tilespmem:s13+$0x5000] =	vst v0  }
0x22: {  	[tilespmem:s13+$0x5010] =	vst v0;
	_ =	sdelay $0x1  }
0x23: {  	s13 =	sshra.s32 s11, $0x2  }
0x24: {  	[tilespmem:s13+$0x5030] =	vst v0  }
0x25: {  	[tilespmem:s13+$0x5020] =	vst v0  }
0x26: {  	[tilespmem:s13+$0x5000] =	vst v0  }
0x27: {  	[tilespmem:s13+$0x5010] =	vst v0  }
0x28: {  	[spmem:s5] =	stream.linear.scatter [tilespmem:s19], [sflag:$0xB], $0x2000, $0x38;
	[tilespmem:$0x1E000] =	vst v63  }
0x29: {  	_ =	swait.ge [sflag:s20], $0x2000  }
0x2a: {  	[sflag:s20] =	ssyncset.done $0x0  }
0x2b: {  	s11 =	rddreg [dreg:$0x6];
	[sflag:s20] =	ssyncadd.s32 $0xFFFFE000  }
0x2c: {  	[spmem:s11] =	stream.linear.scatter [tilespmem:s19], [sflag:$0xB], $0x2000, $0x38;
	[tilespmem:$0x1E000] =	vst v63  }
0x2d: {  	_ =	swait.ge [sflag:s20], $0x2000  }
0x2e: {  	[sflag:s20] =	ssyncset.done $0x0  }
0x2f: {  	s15 =	rddreg [dreg:$0x7];
	[sflag:s20] =	ssyncadd.s32 $0xFFFFE000  }
0x30: {  	[spmem:s15] =	stream.linear.scatter [tilespmem:s19], [sflag:$0xB], $0x2000, $0x38;
	[tilespmem:$0x1E000] =	vst v63  }
0x31: {  	_ =	swait.ge [sflag:s20], $0x2000  }
0x32: {  	[sflag:s20] =	ssyncset.done $0x0  }
0x33: {  	s16 =	rddreg [dreg:$0x8];
	[sflag:s20] =	ssyncadd.s32 $0xFFFFE000  }
0x34: {  	[spmem:s16] =	stream.linear.scatter [tilespmem:s19], [sflag:$0xB], $0x2000, $0x38;
	[tilespmem:$0x1E000] =	vst v63  }
0x35: {  	_ =	swait.ge [sflag:s20], $0x2000  }
0x36: {  	[sflag:s20] =	ssyncset.done $0x0  }
0x37: {  	s17 =	rddreg [dreg:$0x9];
	[sflag:s20] =	ssyncadd.s32 $0xFFFFE000  }
0x38: {  	[spmem:s17] =	stream.linear.scatter [tilespmem:s19], [sflag:$0xB], $0x2000, $0x38;
	[tilespmem:$0x1E000] =	vst v63  }
0x39: {  	_ =	swait.ge [sflag:s20], $0x2000  }
0x3a: {  	[sflag:s20] =	ssyncset.done $0x0  }
0x3b: {  	[sflag:s20] =	ssyncadd.s32 $0xFFFFE000  }
0x3c: {  	[bflag:$0x0] =	sbarrier.arrive $0xFFFF  }
0x3d: {  	s11 =	simm.s32 @p0 $0x0;
	s13 =	rddreg [dreg:$0xc]  }
0x3e: {  	[tilespmem:s11], [sflag:$0xB] =	stream.linear.gather @p0 [hbm4b:s13+s11], $0xA00, $0x38;
	[tilespmem:$0x1E000] =	vst v63  }
0x3f: {  	s13 =	simm.s32 @p0 $0xB  }
0x40: {  	_ =	swait.ge @p0 [sflag:s13], $0xA00  }
0x41: {  	[sflag:s13] =	ssyncset.done @p0 $0x0  }
0x42: {  	s14 =	simm.s32 @p0 $0x2800;
	s15 =	rddreg [dreg:$0xd];
	[sflag:s13] =	ssyncadd.s32 @p0 $0xFFFFF600  }
0x43: {  	[tilespmem:s14], [sflag:$0xB] =	stream.linear.gather @p0 [hbm4b:s15+s11], $0xA00, $0x38;
	[tilespmem:$0x1E000] =	vst v63  }
0x44: {  	_ =	swait.ge @p0 [sflag:s13], $0xA00  }
0x45: {  	[sflag:s13] =	ssyncset.done @p0 $0x0  }
0x46: {  	s11 =	simm.s32 @!p0 $0x0;
	[sflag:s13] =	ssyncadd.s32 @p0 $0xFFFFF600;
	s13 =	rddreg [dreg:$0xa]  }
0x47: {  	[tilespmem:s11], [sflag:$0xB] =	stream.linear.gather @!p0 [hbm4b:s13+s11], $0x2800, $0x38;
	[tilespmem:$0x1E000] =	vst v63  }
0x48: {  	s13 =	simm.s32 @!p0 $0xB  }
0x49: {  	_ =	swait.ge @!p0 [sflag:s13], $0x2800  }
0x4a: {  	[sflag:s13] =	ssyncset.done @!p0 $0x0  }
0x4b: {  	s14 =	simm.s32 @!p0 $0x2800;
	s15 =	rddreg [dreg:$0xb];
	[sflag:s13] =	ssyncadd.s32 @!p0 $0xFFFFD800  }
0x4c: {  	[tilespmem:s14], [sflag:$0xB] =	stream.linear.gather @!p0 [hbm4b:s15+s11], $0x2800, $0x38;
	[tilespmem:$0x1E000] =	vst v63  }
0x4d: {  	_ =	swait.ge @!p0 [sflag:s13], $0x2800  }
0x4e: {  	[sflag:s13] =	ssyncset.done @!p0 $0x0  }
0x4f: {  	[sflag:s13] =	ssyncadd.s32 @!p0 $0xFFFFD800;
	s13 =	simm.s32 $0x0  }
0x50: {  	v2 =	vld [tilespmem:s13+$0x0]  }
0x51: {  	v3 =	vld [tilespmem:s13+$0x10]  }
0x52: {  	v5 =	vld [tilespmem:s13+$0x20]  }
0x53: {  	v4 =	vld [tilespmem:s13+$0x30]  }
0x54: {  	v1 =	vld [tilespmem:s13+$0x40]  }
0x55: {  	v6 =	vshll.u32 v2, $0x1;
	v2 =	vld [tilespmem:s13+$0x50]  }
0x56: {  	s14 =	simm.s32 $0x200;
	v7 =	vshll.u32 v3, $0x1;
	v3 =	vld [tilespmem:s13+$0x60];
	v6 =	vor.u32 $0x1, v6  }
.LBB2_4:
0x57: {  	s11 =	sshra.s32 s14, $0x2;
	p1 =	sne.s32 s14, $0x9E00;
	[tilespmem:s13+$0x0] =	vst v6;
	v6 =	vor.u32 $0x1, v7;
	v5 =	vshll.u32 v5, $0x1;
	v7 =	vld [tilespmem:s13+$0x70]  }
0x58: {  	v8 =	vld [tilespmem:s11+$0x0];
	[tilespmem:s13+$0x10] =	vst v6;
	v5 =	vor.u32 $0x1, v5;
	v4 =	vshll.u32 v4, $0x1  }
0x59: {  	v9 =	vld [tilespmem:s11+$0x10];
	[tilespmem:s13+$0x20] =	vst v5;
	v4 =	vor.u32 $0x1, v4;
	v1 =	vshll.u32 v1, $0x1  }
.Ltmp1:
0x5a: {  	v5 =	vld [tilespmem:s11+$0x20];
	[tilespmem:s13+$0x30] =	vst v4;
	v1 =	vor.u32 $0x1, v1;
	v2 =	vshll.u32 v2, $0x1;
	(pc) =	sbr.rel @p1 .LBB2_4-.Ltmp1, $4  }
0x5b: {  	v4 =	vld [tilespmem:s11+$0x30];
	[tilespmem:s13+$0x40] =	vst v1;
	v2 =	vor.u32 $0x1, v2;
	v3 =	vshll.u32 v3, $0x1  }
0x5c: {  	v1 =	vld [tilespmem:s11+$0x40];
	[tilespmem:s13+$0x50] =	vst v2;
	v3 =	vor.u32 $0x1, v3;
	v6 =	vshll.u32 v7, $0x1  }
0x5d: {  	v7 =	vshll.u32 v8, $0x1;
	v2 =	vld [tilespmem:s11+$0x50];
	[tilespmem:s13+$0x60] =	vst v3;
	v8 =	vor.u32 $0x1, v6  }
0x5e: {  	s14 =	sadd.s32 $0x200, s14;
	v6 =	vor.u32 $0x1, v7;
	v7 =	vshll.u32 v9, $0x1;
	v3 =	vld [tilespmem:s11+$0x60];
	[tilespmem:s13+$0x70] =	vst v8;
	s13 =	smov.u32 s11  }
0x5f: {  	[tilespmem:s13+$0x0] =	vst v6;
	v62 =	vor.u32 $0x1, v7;
	v5 =	vshll.u32 v5, $0x1;
	v63 =	vld [tilespmem:s13+$0x70]  }
0x60: {  	[tilespmem:s13+$0x10] =	vst v62;
	v5 =	vor.u32 $0x1, v5;
	v4 =	vshll.u32 v4, $0x1  }
0x61: {  	[tilespmem:s13+$0x20] =	vst v5;
	v4 =	vor.u32 $0x1, v4;
	v1 =	vshll.u32 v1, $0x1  }
0x62: {  	[tilespmem:s13+$0x30] =	vst v4;
	v1 =	vor.u32 $0x1, v1;
	v2 =	vshll.u32 v2, $0x1  }
0x63: {  	[tilespmem:s13+$0x40] =	vst v1;
	v1 =	vor.u32 $0x1, v2;
	v2 =	vshll.u32 v3, $0x1  }
0x64: {  	[tilespmem:s13+$0x50] =	vst v1;
	v1 =	vor.u32 $0x1, v2;
	v2 =	vshll.u32 v63, $0x1  }
0x65: {  	[tilespmem:s13+$0x60] =	vst v1;
	v1 =	vor.u32 $0x1, v2  }
0x66: {  	[tilespmem:s13+$0x70] =	vst v1;
	s13 =	simm.s32 $0x0  }
0x67: {  	[tilespmem:s19], [sflag:$0x1] =	stream.indirect.gather [hbm4b:s1+s21], $0x40, s13, s21, $0xb8;
	[tilespmem:$0x1E000] =	vst v63  }
0x68: {  	_ = 	snop  }
0x69: {  	[tilespmem:s22], [sflag:$0x2] =	stream.indirect.gather [hbm4b:s1+s21], $0x40, s21, s21, $0xb8;
	[tilespmem:$0x1E000] =	vst v63  }
0x6a: {  	s11 =	simm.s32 $0x100  }
0x6b: {  	[tilespmem:s24], [sflag:$0x3] =	stream.indirect.gather [hbm4b:s1+s21], $0x40, s11, s21, $0xb8;
	[tilespmem:$0x1E000] =	vst v63  }
0x6c: {  	s16 =	simm.s32 $0x180  }
0x6d: {  	[tilespmem:s26], [sflag:$0x4] =	stream.indirect.gather [hbm4b:s1+s21], $0x40, s16, s21, $0xb8;
	[tilespmem:$0x1E000] =	vst v63  }
0x6e: {  	s17 =	simm.s32 $0x200;
	s14 =	simm.s32 $0x9  }
0x6f: {  	[tilespmem:s29], [sflag:$0x5] =	stream.indirect.gather [hbm4b:s1+s21], $0x40, s17, s21, $0xb8;
	[tilespmem:$0x1E000] =	vst v63  }
.LBB2_6:
0x70: {  	_ =	swait.ge [sflag:s30], $0x2000  }
0x71: {  	s11 =	sshra.s32 s13, $0x2;
	[sflag:s30] =	ssyncset.done $0x0  }
0x72: {  	s15 =	sadd.s32 $0x2800, s11;
	[sflag:s30] =	ssyncadd.s32 $0xFFFFE000  }
0x73: {  	[spmem:s2] =	stream.indirect.scatter.add.f32 [tilespmem:s19], [sflag:$0x6], $0x40, s15, s21, $0xb8;
	[tilespmem:$0x1E000] =	vst v63  }
0x74: {  	_ =	swait.ge [sflag:s31], $0x2000  }
0x75: {  	[sflag:s31] =	ssyncset.done $0x0  }
0x76: {  	s16 =	sadd.s32 $0x2880, s11;
	[sflag:s31] =	ssyncadd.s32 $0xFFFFE000  }
0x77: {  	[spmem:s2] =	stream.indirect.scatter.add.f32 [tilespmem:s22], [sflag:$0x7], $0x40, s16, s21, $0xb8;
	[tilespmem:$0x1E000] =	vst v63  }
0x78: {  	_ =	swait.ge [sflag:s0], $0x2000  }
0x79: {  	[sflag:s0] =	ssyncset.done $0x0  }
0x7a: {  	s17 =	sadd.s32 $0x2900, s11;
	[sflag:s0] =	ssyncadd.s32 $0xFFFFE000  }
0x7b: {  	[spmem:s2] =	stream.indirect.scatter.add.f32 [tilespmem:s24], [sflag:$0x8], $0x40, s17, s21, $0xb8;
	[tilespmem:$0x1E000] =	vst v63  }
0x7c: {  	_ =	swait.ge [sflag:s3], $0x2000  }
0x7d: {  	[sflag:s3] =	ssyncset.done $0x0  }
0x7e: {  	s16 =	sadd.s32 $0x2980, s11;
	[sflag:s3] =	ssyncadd.s32 $0xFFFFE000  }
0x7f: {  	[spmem:s2] =	stream.indirect.scatter.add.f32 [tilespmem:s26], [sflag:$0x9], $0x40, s16, s21, $0xb8;
	[tilespmem:$0x1E000] =	vst v63  }
0x80: {  	_ =	swait.ge [sflag:s23], $0x2000  }
0x81: {  	[sflag:s23] =	ssyncset.done $0x0  }
0x82: {  	s11 =	sadd.s32 $0x2A00, s11;
	s17 =	sadd.s32 $0xFFFFFFFC, s14;
	[sflag:s23] =	ssyncadd.s32 $0xFFFFE000  }
0x83: {  	[spmem:s2] =	stream.indirect.scatter.add.f32 [tilespmem:s29], [sflag:$0xA], $0x40, s11, s21, $0xb8;
	[tilespmem:$0x1E000] =	vst v63  }
0x84: {  	p1 =	sge.u32 s17, s10;
	_ =	swait.ge [sflag:s25], $0x2000  }
0x85: {  	s15 =	simm.s32 @!p1 $0x80;
	s11 =	sshra.s32 @!p1 s13, $0x2;
	[sflag:s25] =	ssyncset.done $0x0  }
0x86: {  	s16 =	simm.s32 @!p1 $0x5000;
	s11 =	sadd.s32 @!p1 $0x280, s11;
	[sflag:s25] =	ssyncadd.s32 $0xFFFFE000  }
0x87: {  	[tilespmem:s16], [sflag:$0x1] =	stream.indirect.gather @!p1 [hbm4b:s1+s15], $0x40, s11, s15, $0xb8;
	[tilespmem:$0x1E000] =	vst v63  }
0x88: {  	s15 =	sadd.s32 $0xFFFFFFFD, s14  }
0x89: {  	_ =	swait.ge [sflag:s28], $0x2000;
	p1 =	sge.u32 s15, s10  }
0x8a: {  	[sflag:s28] =	ssyncset.done $0x0;
	s11 =	sshra.s32 @!p1 s13, $0x2;
	s15 =	simm.s32 @!p1 $0x80  }
0x8b: {  	s16 =	simm.s32 @!p1 $0x7000;
	[sflag:s28] =	ssyncadd.s32 $0xFFFFE000;
	s11 =	sadd.s32 @!p1 $0x300, s11  }
0x8c: {  	[tilespmem:s16], [sflag:$0x2] =	stream.indirect.gather @!p1 [hbm4b:s1+s15], $0x40, s11, s15, $0xb8;
	[tilespmem:$0x1E000] =	vst v63  }
0x8d: {  	s16 =	sadd.s32 $0xFFFFFFFE, s14  }
0x8e: {  	s17 =	sadd.s32 $0xFFFFFFFF, s14;
	_ =	swait.ge [sflag:s6], $0x2000;
	p1 =	sge.u32 s16, s10  }
0x8f: {  	[sflag:s6] =	ssyncset.done $0x0;
	s11 =	sshra.s32 @!p1 s13, $0x2;
	s15 =	simm.s32 @!p1 $0x80  }
0x90: {  	s16 =	simm.s32 @!p1 $0x9000;
	[sflag:s6] =	ssyncadd.s32 $0xFFFFE000;
	s11 =	sadd.s32 @!p1 $0x380, s11  }
0x91: {  	[tilespmem:s16], [sflag:$0x3] =	stream.indirect.gather @!p1 [hbm4b:s1+s15], $0x40, s11, s15, $0xb8;
	[tilespmem:$0x1E000] =	vst v63  }
0x92: {  	p1 =	sge.u32 s17, s10;
	_ =	swait.ge [sflag:s7], $0x2000  }
0x93: {  	s11 =	sshra.s32 @!p1 s13, $0x2;
	s15 =	simm.s32 @!p1 $0x80;
	[sflag:s7] =	ssyncset.done $0x0  }
0x94: {  	s16 =	simm.s32 @!p1 $0xB000;
	s11 =	sadd.s32 @!p1 $0x400, s11;
	[sflag:s7] =	ssyncadd.s32 $0xFFFFE000  }
0x95: {  	[tilespmem:s16], [sflag:$0x4] =	stream.indirect.gather @!p1 [hbm4b:s1+s15], $0x40, s11, s15, $0xb8;
	[tilespmem:$0x1E000] =	vst v63  }
0x96: {  	p1 =	sge.u32 s14, s10  }
0x97: {  	_ =	swait.ge [sflag:s8], $0x2000;
	s11 =	sshra.s32 @!p1 s13, $0x2;
	s15 =	simm.s32 @!p1 $0x80  }
0x98: {  	s16 =	simm.s32 @!p1 $0xD000;
	s13 =	sadd.s32 $0xA00, s13;
	[sflag:s8] =	ssyncset.done $0x0  }
0x99: {  	s11 =	sadd.s32 @!p1 $0x480, s11;
	s17 =	rddreg [dreg:$0x5];
	[sflag:s8] =	ssyncadd.s32 $0xFFFFE000  }
0x9a: {  	[tilespmem:s16], [sflag:$0x5] =	stream.indirect.gather @!p1 [hbm4b:s1+s15], $0x40, s11, s15, $0xb8;
	[tilespmem:$0x1E000] =	vst v63  }
0x9b: {  	p1 =	sne.s32 s17, s13  }
.Ltmp2:
0x9c: {  	_ = 	snop;
	(pc) =	sbr.rel @p1 .LBB2_6-.Ltmp2, $2  }
0x9d: {  	_ =	sdelay $0x2  }
0x9e: {  	s14 =	sadd.s32 $0x5, s14  }
0x9f: {  	[bflag:$0x0] =	sbarrier.arrive $0xFFFF  }
0xa0: {  	[tilespmem:s9], [sflag:$0xB] =	stream.linear.gather [spmem:s5], $0x5000, $0x38;
	[tilespmem:$0x1E000] =	vst v63  }
0xa1: {  	_ =	swait.ge [sflag:s20], $0x5000  }
0xa2: {  	[sflag:s20] =	ssyncset.done $0x0  }
0xa3: {  	s11 =	rddreg [dreg:$0xe];
	[sflag:s20] =	ssyncadd.s32 $0xFFFFB000  }
0xa4: {  	[hbm4b:s11+s12] =	stream.strided.scatter [tilespmem:s9], [sflag:$0xB], $0x5000, s21, s12, $0x38;
	[tilespmem:$0x1E000] =	vst v63  }
0xa5: {  	_ =	swait.ge [sflag:s20], $0x5000  }
0xa6: {  	[sflag:s20] =	ssyncset.done $0x0  }
0xa7: {  	s16 =	rddreg [dreg:$0xf];
	[sflag:s20] =	ssyncadd.s32 $0xFFFFB000  }
0xa8: {  	[tilespmem:s9], [sflag:$0xB] =	stream.linear.gather [spmem:s16], $0x5000, $0x38;
	[tilespmem:$0x1E000] =	vst v63  }
0xa9: {  	s4 =	sadd.s32 $0x1, s4;
	_ =	swait.ge [sflag:s20], $0x5000  }
0xaa: {  	p1 =	sne.s32 s4, s18;
	[sflag:s20] =	ssyncset.done $0x0  }
.Ltmp3:
0xab: {  	s17 =	rddreg [dreg:$0x10];
	[sflag:s20] =	ssyncadd.s32 $0xFFFFB000;
	(pc) =	sbr.rel @p1 .LBB2_1-.Ltmp3, $4  }
0xac: {  	[hbm4b:s17+s12] =	stream.strided.scatter [tilespmem:s9], [sflag:$0xB], $0x5000, s21, s12, $0x38;
	[tilespmem:$0x1E000] =	vst v63  }
0xad: {  	_ =	swait.ge [sflag:s20], $0x5000  }
0xae: {  	[sflag:s20] =	ssyncset.done $0x0  }
0xaf: {  	[sflag:s20] =	ssyncadd.s32 $0xFFFFB000  }
0xb0: {  	_ =	sfence.sel $0x180000  }
0xb1: {  	[bflag:$0x0] =	sbarrier.arrive $0xFFFF  }
0xb2: {  	_ =	strace $0x9000004A  }
0xb3: {  	s0 =	stileid.u32;
	[bflag:$0x2] =	sbarrier.arrive $0xFFFF  }
0xb4: {  	p0 =	sne.s32 s0, $0x0;
	s0 =	rddreg [dreg:$0x4]  }
0xb5: {  	s0 =	sadd.s32 @!p0 $0x100000, s0  }
0xb6: {  	[sflag:s0] =	ssyncadd.tile.s32 @!p0 $0x1;
	_ =	shalt  }
.Lfunc_end2:
_tile_overlayer_lowered:
.L_overlay_start_2:
0xb7: {  	(tag) =	ssettag $0x2  }
0xb8: {  	s0 =	rddreg [dreg:$0x0];
	s2 =	stileid.u32  }
0xb9: {  	s1 =	rddreg [dreg:$0x1];
	p0 =	sne.s32 s2, $0x0  }
0xba: {  	s3 =	rddreg [dreg:$0x2];
	[bflag:$0x3] =	sbarrier.arrive $0xFFFF;
	s2 =	simm.s32 @!p0 $0x1C0B  }
0xbb: {  	[timem:s3], [sflag:s2] =	dma.local @!p0 [hbm:s0], s1  }
0xbc: {  	s0 =	simm.s32 @!p0 $0xB  }
0xbd: {  	_ =	swait.ge @!p0 [sflag:s0], s1  }
0xbe: {  	s1 =	ssub.s32 @!p0 $0x0, s1;
	[sflag:s0] =	ssyncset.done @!p0 $0x0  }
0xbf: {  	[sflag:s0] =	ssyncadd.s32 @!p0 s1  }
0xc0: {  	[bflag:$0x3] =	sbarrier.arrive $0xFFFF  }
0xc1: {  	_ =	shalt  }

// kernel: kernel.19.cloned.1.call-start
scs
__scs_entry_jumppad:
0x0: {  	(pc) =	sbr.rel $0x88, $3  }
0x1: {  	(tag) =	ssettag $0x0;
	lr =	simm.s32 $0x1  }
0x2: {  	[smem:$0x3F95] =	sst lr;
	_ =	strace $0xD0000000  }
0x3: {  	_ = 	snop  }
0x4: {  	_ = 	snop  }
0x5: {  	_ = 	snop  }
0x6: {  	_ = 	snop  }
0x7: {  	_ = 	snop  }
__scs_overlays_trampoline_lowered:
0x8: {  	[smem:$0x3FA4] =	sst s0  }
0x9: {  	[smem:$0x3FA5] =	sst s1  }
0xa: {  	[smem:$0x3FA6] =	sst s2  }
0xb: {  	[smem:$0x3FA7] =	sst s3  }
0xc: {  	[smem:$0x3FA8] =	sst s4  }
0xd: {  	[smem:$0x3FA9] =	sst s5  }
0xe: {  	[smem:$0x3FAA] =	sst s6  }
0xf: {  	[smem:$0x3FAB] =	sst s7  }
0x10: {  	[smem:$0x3FAC] =	sst s8  }
0x11: {  	[smem:$0x3FAD] =	sst s9;
	s0 =	simm.s32 @!p0 $0x0  }
0x12: {  	s1 =	sld [smem:$0x3F93];
	s0 =	simm.s32 @p0 $0x1  }
0x13: {  	[smem:$0x3FAE] =	sst s0;
	s0 =	simm.s32 @!p1 $0x0  }
0x14: {  	s2 =	sld [smem:$0x3F92];
	s0 =	simm.s32 @p1 $0x1  }
0x15: {  	[smem:$0x3FAF] =	sst s0;
	s0 =	simm.s32 @!p2 $0x0  }
0x16: {  	s3 =	sld [smem:$0x3FDB];
	s0 =	simm.s32 @p2 $0x1  }
0x17: {  	s4 =	simm.s32 $0x1BF5;
	[smem:$0x3FB1] =	sst s0  }
0x18: {  	s0 =	sld [smem:$0x3F94];
	_ =	swait.ge [sflag:s4], $0x0  }
0x19: {  	s7 =	sld [smem:$0x3F95]  }
0x1a: {  	s8 =	sadd.s32 $0xFFFFE003, lr  }
0x1b: {  	s9 =	sadd.s32 $0xFFFFFEF7, lr;
	s5 =	simm.s32 $0xFFFFFFFF;
	p2 =	slt.u32 s8, $0xFFFFF086  }
0x1c: {  	p1 =	slt.u32 s9, $0xF7A;
	s5 =	simm.s32 @!p2 $0x0  }
0x1d: {  	s5 =	simm.s32 @p1 $0x1;
	p0 =	seq.s32 s7, s2  }
0x1e: {  	s7 =	smul.u32 @!p0 $0xF7A, s2;
	p2 =	seq.s32 @!p0 s5, $0x0  }
0x1f: {  	s9 =	smul.u32 $0xF7A, s1;
	s8 =	simm.s32 @!p0 $0x1BF5;
	p2 =	por !p2, p0  }
0x20: {  	[sflag:s8] =	ssyncset.s32 @!p0 $0xFFFFF086;
	s6 =	sadd.s32 @!p0 s3, s7;
	s7 =	simm.s32 @!p0 $0x108  }
0x21: {  	s3 =	sadd.s32 s3, s9;
	s6 =	sadd.s32 @!p0 $0x88, s6;
	s7 =	simm.s32 @p2 $0x1082  }
0x22: {  	[simem:s7], [sflag:s8] =	dma.local @!p0 [hbm:s6], $0xF7A  }
0x23: {  	s9 =	sor.u32 $0xD0000000, s2;
	s6 =	simm.s32 $0x108;
	_ =	swait.ge @!p0 [sflag:s8], $0x0  }
0x24: {  	s3 =	sadd.s32 $0x88, s3;
	s6 =	simm.s32 @!p1 $0x1082;
	[sflag:s4] =	ssyncset.s32 $0xFFFFF086  }
0x25: {  	[simem:s6], [sflag:s4] =	dma.local [hbm:s3], $0xF7A  }
0x26: {  	[smem:$0x3F95] =	sst s1;
	(tag) =	ssettag s2;
	_ =	strace s9  }
0x27: {  	s1 =	sld [smem:$0x3FA5]  }
0x28: {  	s2 =	sld [smem:$0x3FA6]  }
0x29: {  	s4 =	sld [smem:$0x3FA8]  }
0x2a: {  	p0 =	seq.s32 s5, $0x0;
	s5 =	sld [smem:$0x3FA9]  }
0x2b: {  	s6 =	sld [smem:$0x3FAA]  }
0x2c: {  	s7 =	sld [smem:$0x3FAB]  }
0x2d: {  	s3 =	simm.s32 $0x108;
	s8 =	sld [smem:$0x3FAC]  }
0x2e: {  	s3 =	simm.s32 @!p0 $0x1082;
	s9 =	sld [smem:$0x3FAD]  }
0x2f: {  	lr =	sadd.s32 s0, s3;
	s0 =	sld [smem:$0x3FA4]  }
0x30: {  	s3 =	sld [smem:$0x3FA7]  }
0x31: {  	[smem:$0x3FB0] =	sst s10  }
0x32: {  	s10 =	sld [smem:$0x3FAE];
	_ =	sdelay $0x3  }
0x33: {  	p0 =	seq.s32 s10, $0x1;
	s10 =	sld [smem:$0x3FB0];
	_ =	sdelay $0x3  }
0x34: {  	[smem:$0x3FB0] =	sst s10  }
0x35: {  	s10 =	sld [smem:$0x3FAF];
	_ =	sdelay $0x3  }
0x36: {  	p1 =	seq.s32 s10, $0x1;
	s10 =	sld [smem:$0x3FB0];
	_ =	sdelay $0x3  }
0x37: {  	[smem:$0x3FB0] =	sst s10  }
0x38: {  	s10 =	sld [smem:$0x3FB1]  }
0x39: {  	_ = 	snop;
	(pc) =	sbr.ind lr, $3  }
0x3a: {  	_ = 	snop  }
0x3b: {  	_ = 	snop  }
0x3c: {  	p2 =	seq.s32 s10, $0x1;
	s10 =	sld [smem:$0x3FB0]  }
0x3d: {  	_ =	shalt  }
0x3e: {  	_ =	shalt  }
0x3f: {  	_ =	shalt  }
0x40: {  	_ =	shalt  }
0x41: {  	_ =	shalt  }
0x42: {  	_ =	shalt  }
0x43: {  	_ =	shalt  }
0x44: {  	_ =	shalt  }
0x45: {  	_ =	shalt  }
0x46: {  	_ =	shalt  }
0x47: {  	_ =	shalt  }
0x48: {  	_ =	shalt  }
0x49: {  	_ =	shalt  }
0x4a: {  	_ =	shalt  }
0x4b: {  	_ =	shalt  }
0x4c: {  	_ =	shalt  }
0x4d: {  	_ =	shalt  }
0x4e: {  	_ =	shalt  }
0x4f: {  	_ =	shalt  }
0x50: {  	_ =	shalt  }
0x51: {  	_ =	shalt  }
0x52: {  	_ =	shalt  }
0x53: {  	_ =	shalt  }
0x54: {  	_ =	shalt  }
0x55: {  	_ =	shalt  }
0x56: {  	_ =	shalt  }
0x57: {  	_ =	shalt  }
0x58: {  	_ =	shalt  }
0x59: {  	_ =	shalt  }
0x5a: {  	_ =	shalt  }
0x5b: {  	_ =	shalt  }
0x5c: {  	_ =	shalt  }
0x5d: {  	_ =	shalt  }
0x5e: {  	_ =	shalt  }
0x5f: {  	_ =	shalt  }
0x60: {  	_ =	shalt  }
0x61: {  	_ =	shalt  }
0x62: {  	_ =	shalt  }
0x63: {  	_ =	shalt  }
0x64: {  	_ =	shalt  }
0x65: {  	_ =	shalt  }
0x66: {  	_ =	shalt  }
0x67: {  	_ =	shalt  }
0x68: {  	_ =	shalt  }
0x69: {  	_ =	shalt  }
0x6a: {  	_ =	shalt  }
0x6b: {  	_ =	shalt  }
0x6c: {  	_ =	shalt  }
0x6d: {  	_ =	shalt  }
0x6e: {  	_ =	shalt  }
0x6f: {  	_ =	shalt  }
0x70: {  	_ =	shalt  }
0x71: {  	_ =	shalt  }
0x72: {  	_ =	shalt  }
0x73: {  	_ =	shalt  }
0x74: {  	_ =	shalt  }
0x75: {  	_ =	shalt  }
0x76: {  	_ =	shalt  }
0x77: {  	_ =	shalt  }
0x78: {  	_ =	shalt  }
0x79: {  	_ =	shalt  }
0x7a: {  	_ =	shalt  }
0x7b: {  	_ =	shalt  }
0x7c: {  	_ =	shalt  }
0x7d: {  	_ =	shalt  }
0x7e: {  	_ =	shalt  }
0x7f: {  	_ =	shalt  }
0x80: {  	_ =	shalt  }
0x81: {  	_ =	shalt  }
0x82: {  	_ =	shalt  }
0x83: {  	_ =	shalt  }
0x84: {  	_ =	shalt  }
0x85: {  	_ =	shalt  }
0x86: {  	_ =	shalt  }
0x87: {  	_ =	shalt  }
.Lfunc_end0:
.L_simem_size_0:
called_computation.3_lowered:
.L_overlay_start_0:
0x88: {  	s2 =	sld [smem:$0x3FD9]  }
0x89: {  	s3 =	sld [smem:$0x3FFE];
	_ =	sdelay $0x1  }
0x8a: {  	s1 =	srdreg.scid  }
0x8b: {  	s0 =	sand.u32 $0x1, s1  }
0x8c: {  	s14 =	sshll.u32 s0, $0xA;
	s2 =	sadd.s32 s3, s2  }
0x8d: {  	s2 =	sadd.s32 s2, s14  }
0x8e: {  	[smem:$0x3FBC] =	sst s2  }
0x8f: {  	_ = 	snop  }
0x90: {  	s2 =	sld [smem:$0x3FD0];
	_ =	sdelay $0x2  }
0x91: {  	s15 =	simm.s32 $0xB;
	s4 =	simm.s32 $0x10  }
0x92: {  	[smem:s4], [sflag:s15] =	dma.local [hbm:s2], $0x1  }
0x93: {  	_ =	swait.eq [sflag:s15], $0x1  }
0x94: {  	[sflag:s15] =	ssyncset.done $0x0  }
0x95: {  	s16 =	sld [smem:$0x10];
	[sflag:s15] =	ssyncadd.s32 $0xFFFFFFFF  }
0x96: {  	s17 =	sld [smem:$0x11];
	(tm) =	ssettm $0x1  }
0x97: {  	s18 =	sld [smem:$0x3FFB];
	_ =	sdelay $0x3  }
0x98: {  	_ =	strace s18  }
0x99: {  	s4 =	sld [smem:$0x3FFC];
	_ =	sdelay $0x3  }
0x9a: {  	_ =	strace s4  }
0x9b: {  	s4 =	sld [smem:$0x3FFD];
	_ =	sdelay $0x3  }
0x9c: {  	_ =	strace s4  }
0x9d: {  	_ =	strace $0x8FFFFFFF  }
0x9e: {  	s19 =	sld [smem:$0x3FDB];
	_ =	sdelay $0x1  }
0x9f: {  	s5 =	simm.s32 $_scs_section_size  }
0xa0: {  	s6 =	simm.s32 $_size__tile_overlayer_lowered;
	s7 =	simm.s32 $_tile_overlayer_lowered  }
0xa1: {  	s22 =	simm.s32 $0x1BFF;
	s21 =	sshll.u32 s7, $0x1;
	s4 =	sadd.s32 s5, s19  }
0xa2: {  	s8 =	simm.s32 $0x0;
	s20 =	sshll.u32 s6, $0x1;
	s6 =	sadd.s32 s21, s4  }
0xa3: {  	[timem:s8], [sflag:s22] =	dma.local [hbm:s6], s20  }
0xa4: {  	_ =	swait.ge [sflag:s22], s20  }
0xa5: {  	s5 =	ssub.s32 $0x0, s20;
	[sflag:s22] =	ssyncset.done $0x0  }
0xa6: {  	[sflag:s22] =	ssyncadd.s32 s5;
	_ =	sdelay $0x1  }
0xa7: {  	s23 =	simm.s32 $0x1B8B  }
0xa8: {  	_ =	swait.ge [sflag:s23], $0x1  }
0xa9: {  	[sflag:s23] =	ssyncset.done $0x0  }
0xaa: {  	s25 =	simm.s32 $0x1B8E;
	s24 =	sld [smem:$0x3FFE];
	[sflag:s23] =	ssyncadd.s32 $0xFFFFFFFF  }
0xab: {  	s26 =	simm.s32 $execute0_lowered;
	[smem:$0x3FD2] =	sst s25  }
0xac: {  	s6 =	sshll.u32 s26, $0x1;
	_ =	strace $0x8000004F;
	[dreg:$0x1] =	wrdreg $0xFFFFFFFF  }
0xad: {  	s28 =	simm.s32 $_size_execute0_lowered;
	s4 =	sadd.s32 s4, s6;
	[dreg:$0x0] =	wrdreg $0x0  }
0xae: {  	s6 =	sshll.u32 s28, $0x1;
	[dreg:$0x2] =	wrdreg s4  }
0xaf: {  	[dreg:$0x3] =	wrdreg s6  }
0xb0: {  	[dreg:$0x4] =	wrdreg $0xC0  }
0xb1: {  	_ =	task [dreg:s8], $0x5FFFF  }
0xb2: {  	[dreg:$0x1] =	wrdreg $0xFFFFFFFF  }
0xb3: {  	[dreg:$0x0] =	wrdreg $0x60  }
0xb4: {  	[dreg:$0x2] =	wrdreg s17  }
0xb5: {  	[dreg:$0x3] =	wrdreg s24  }
0xb6: {  	[dreg:$0x4] =	wrdreg s16  }
0xb7: {  	[dreg:$0x5] =	wrdreg $0x140000  }
0xb8: {  	[dreg:$0x6] =	wrdreg $0x9  }
0xb9: {  	_ =	task.clear_ibuf [dreg:s8], $0x7FFFF;
	_ =	strace $0x9000004F  }
0xba: {  	s29 =	simm.s32 $0x9;
	_ =	strace $0x80000051  }
0xbb: {  	_ =	swait.ge [sflag:s29], $0x1  }
0xbc: {  	[sflag:s29] =	ssyncadd.s32 $0xFFFFFFFF  }
0xbd: {  	_ =	strace $0x90000051  }
0xbe: {  	_ =	sfence  }
0xbf: {  	s30 =	sld [smem:$0x0];
	_ =	sdelay $0x2  }
0xc0: {  	s31 =	sshll.u32 s1, $0xD;
	s1 =	sshrl.u32 s1, $0x2  }
0xc1: {  	s3 =	sand.u32 $0x4000, s31;
	s1 =	sadd.s32 s1, s30  }
0xc2: {  	s0 =	sor.u32 s3, s0;
	s1 =	sshll.u32 s1, $0x11  }
0xc3: {  	s0 =	sor.u32 s1, s0  }
0xc4: {  	s0 =	sadd.s32 $0x8F2B, s0  }
0xc5: {  	[sflag:s0] =	ssyncadd.remote.s32 $0x1  }
0xc6: {  	_ =	sfence.sel $0xFFFF  }
0xc7: {  	[dreg:$0x0] =	wrdreg $0xFFFFFFFF;
	(pc) =	sbr.abs _section_cstart, $3  }
0xc8: {  	[dreg:$0x1] =	wrdreg $0xFFFFFFFF  }
0xc9: {  	_ =	task.clear_ibuf [dreg:s8], $0x2FFFF;
	_ =	strace $0x9FFFFFFF  }
0xca: {  	(tm) =	ssettm $0x7FFFFFFF  }
0xcb: {  	_ =	shalt  }
tec
execute0_lowered:
.L_overlay_start_1:
0x0: {  	(tag) =	ssettag $0x1  }
0x1: {  	s0 =	rddreg [dreg:$0x0]  }
0x2: {  	s2 =	rddreg [dreg:$0x1]  }
0x3: {  	s6 =	rddreg [dreg:$0x2]  }
0x4: {  	s1 =	rddreg [dreg:$0x3];
	s3 =	simm.s32 $0x0  }
0x5: {  	s4 =	srdreg.scid;
	s11 =	stileid.u32;
	s29 =	simm.s32 $0xD000  }
0x6: {  	s30 =	simm.s32 $0x1;
	s31 =	simm.s32 $0x2;
	s28 =	simm.s32 $0x7  }
0x7: {  	[smem:$0x7FF] =	sst s3;
	s7 =	sand.u32 $0x1, s4;
	s8 =	smul.u32 $0x28000, s11  }
0x8: {  	s4 =	sadd.s32 $0x52400, s2;
	s9 =	sshll.u32 s11, $0x1;
	s12 =	smul.u32 $0x280, s11  }
0x9: {  	s19 =	smul.u32 $0x14000, s11;
	s20 =	sadd.s32 $0x9B00, s0;
	_ =	strace $0x80000050  }
0xa: {  	s5 =	ssub.s32 $0x2, s7;
	s9 =	sor.u32 s7, s9;
	s7 =	smul.u32 $0x140000, s7  }
0xb: {  	[dreg:$0xc] =	wrdreg s20;
	s20 =	simm.s32 $0xB;
	s14 =	sshrl.u32 s5, $0x1  }
0xc: {  	s8 =	sshrl.u32 s8, $0x2;
	s15 =	smul.u32 $0x2800, s9;
	p0 =	seq.s32 s9, $0x1F  }
0xd: {  	s12 =	sadd.s32 $0x140, s12;
	s2 =	ssub.s32 s5, s14;
	s5 =	sadd.s32 s8, s1  }
0xe: {  	s22 =	sadd.s32 s19, s7;
	s23 =	sshll.u32 s12, $0x7;
	s24 =	sshll.u32 s12, $0x6  }
0xf: {  	s19 =	simm.s32 $0x5000;
	s12 =	simm.s32 $0x40;
	s10 =	sadd.s32 $0x2000, s5  }
0x10: {  	s16 =	sadd.s32 $0x4000, s5;
	s17 =	sadd.s32 $0x6000, s5;
	[dreg:$0x6] =	wrdreg s10  }
0x11: {  	s18 =	sadd.s32 $0x8000, s5;
	s8 =	sshrl.u32 s15, $0x3;
	[dreg:$0x7] =	wrdreg s16  }
0x12: {  	s7 =	sadd.s32 s7, s23;
	s25 =	sadd.s32 s24, s1;
	[dreg:$0x8] =	wrdreg s17  }
0x13: {  	s24 =	simm.s32 $0x9000;
	s23 =	simm.s32 $0x5;
	[dreg:$0x9] =	wrdreg s18  }
0x14: {  	s10 =	simm.s32 $0x14;
	s8 =	sadd.s32 s0, s8;
	s0 =	sadd.s32 $0x13740, s0  }
0x15: {  	s7 =	sshrl.u32 s7, $0x3;
	[dreg:$0xf] =	wrdreg s25;
	s18 =	smax.u32 s2, $0x1  }
0x16: {  	s2 =	simm.s32 $0x4;
	s25 =	simm.s32 $0x6;
	[dreg:$0xa] =	wrdreg s8  }
0x17: {  	s10 =	simm.s32 @!p0 $0x50;
	s8 =	sadd.s32 $0x9C40, s8;
	[dreg:$0xd] =	wrdreg s0  }
0x18: {  	s0 =	sshrl.u32 s22, $0x3;
	s26 =	sadd.s32 s6, s7;
	s21 =	smul.u32 $0x67, s10  }
0x19: {  	s22 =	simm.s32 $0x7000;
	s7 =	simm.s32 $0x9;
	[dreg:$0xb] =	wrdreg s8  }
0x1a: {  	s0 =	sadd.s32 s6, s0;
	[dreg:$0x10] =	wrdreg s26;
	s9 =	sshrl.u32 s21, $0x9  }
0x1b: {  	s26 =	simm.s32 $0xB000;
	s6 =	simm.s32 $0x8;
	s9 =	smul.u32 $0xA00, s9  }
0x1c: {  	s8 =	simm.s32 $0xA;
	[dreg:$0xe] =	wrdreg s0;
	s0 =	simm.s32 $0x3  }
0x1d: {  	v0 =	vimm.f32 $0.0e+00;
	s21 =	simm.s32 $0x80;
	[dreg:$0x5] =	wrdreg s9;
	s9 =	simm.s32 $0xF000  }
.LBB2_1:
0x1e: {  	s14 =	simm.s32 $0x100;
	s13 =	simm.s32 $0x0  }
.LBB2_2:
0x1f: {  	p1 =	sne.s32 s14, $0x7F00;
	[tilespmem:s13+$0x5030] =	vst v0;
	s11 =	smov.u32 s14;
	s14 =	sadd.s32 $0x100, s14  }
.Ltmp0:
0x20: {  	[tilespmem:s13+$0x5020] =	vst v0;
	(pc) =	sbr.rel @p1 .LBB2_2-.Ltmp0, $3  }
0x21: {  	[tilespmem:s13+$0x5000] =	vst v0  }
0x22: {  	[tilespmem:s13+$0x5010] =	vst v0;
	_ =	sdelay $0x1  }
0x23: {  	s13 =	sshra.s32 s11, $0x2  }
0x24: {  	[tilespmem:s13+$0x5030] =	vst v0  }
0x25: {  	[tilespmem:s13+$0x5020] =	vst v0  }
0x26: {  	[tilespmem:s13+$0x5000] =	vst v0  }
0x27: {  	[tilespmem:s13+$0x5010] =	vst v0  }
0x28: {  	[spmem:s5] =	stream.linear.scatter [tilespmem:s19], [sflag:$0xB], $0x2000, $0x38;
	[tilespmem:$0x1E000] =	vst v63  }
0x29: {  	_ =	swait.ge [sflag:s20], $0x2000  }
0x2a: {  	[sflag:s20] =	ssyncset.done $0x0  }
0x2b: {  	s11 =	rddreg [dreg:$0x6];
	[sflag:s20] =	ssyncadd.s32 $0xFFFFE000  }
0x2c: {  	[spmem:s11] =	stream.linear.scatter [tilespmem:s19], [sflag:$0xB], $0x2000, $0x38;
	[tilespmem:$0x1E000] =	vst v63  }
0x2d: {  	_ =	swait.ge [sflag:s20], $0x2000  }
0x2e: {  	[sflag:s20] =	ssyncset.done $0x0  }
0x2f: {  	s15 =	rddreg [dreg:$0x7];
	[sflag:s20] =	ssyncadd.s32 $0xFFFFE000  }
0x30: {  	[spmem:s15] =	stream.linear.scatter [tilespmem:s19], [sflag:$0xB], $0x2000, $0x38;
	[tilespmem:$0x1E000] =	vst v63  }
0x31: {  	_ =	swait.ge [sflag:s20], $0x2000  }
0x32: {  	[sflag:s20] =	ssyncset.done $0x0  }
0x33: {  	s16 =	rddreg [dreg:$0x8];
	[sflag:s20] =	ssyncadd.s32 $0xFFFFE000  }
0x34: {  	[spmem:s16] =	stream.linear.scatter [tilespmem:s19], [sflag:$0xB], $0x2000, $0x38;
	[tilespmem:$0x1E000] =	vst v63  }
0x35: {  	_ =	swait.ge [sflag:s20], $0x2000  }
0x36: {  	[sflag:s20] =	ssyncset.done $0x0  }
0x37: {  	s17 =	rddreg [dreg:$0x9];
	[sflag:s20] =	ssyncadd.s32 $0xFFFFE000  }
0x38: {  	[spmem:s17] =	stream.linear.scatter [tilespmem:s19], [sflag:$0xB], $0x2000, $0x38;
	[tilespmem:$0x1E000] =	vst v63  }
0x39: {  	_ =	swait.ge [sflag:s20], $0x2000  }
0x3a: {  	[sflag:s20] =	ssyncset.done $0x0  }
0x3b: {  	[sflag:s20] =	ssyncadd.s32 $0xFFFFE000  }
0x3c: {  	[bflag:$0x0] =	sbarrier.arrive $0xFFFF  }
0x3d: {  	s11 =	simm.s32 @p0 $0x0;
	s13 =	rddreg [dreg:$0xc]  }
0x3e: {  	[tilespmem:s11], [sflag:$0xB] =	stream.linear.gather @p0 [hbm4b:s13+s11], $0xA00, $0x38;
	[tilespmem:$0x1E000] =	vst v63  }
0x3f: {  	s13 =	simm.s32 @p0 $0xB  }
0x40: {  	_ =	swait.ge @p0 [sflag:s13], $0xA00  }
0x41: {  	[sflag:s13] =	ssyncset.done @p0 $0x0  }
0x42: {  	s14 =	simm.s32 @p0 $0x2800;
	s15 =	rddreg [dreg:$0xd];
	[sflag:s13] =	ssyncadd.s32 @p0 $0xFFFFF600  }
0x43: {  	[tilespmem:s14], [sflag:$0xB] =	stream.linear.gather @p0 [hbm4b:s15+s11], $0xA00, $0x38;
	[tilespmem:$0x1E000] =	vst v63  }
0x44: {  	_ =	swait.ge @p0 [sflag:s13], $0xA00  }
0x45: {  	[sflag:s13] =	ssyncset.done @p0 $0x0  }
0x46: {  	s11 =	simm.s32 @!p0 $0x0;
	[sflag:s13] =	ssyncadd.s32 @p0 $0xFFFFF600;
	s13 =	rddreg [dreg:$0xa]  }
0x47: {  	[tilespmem:s11], [sflag:$0xB] =	stream.linear.gather @!p0 [hbm4b:s13+s11], $0x2800, $0x38;
	[tilespmem:$0x1E000] =	vst v63  }
0x48: {  	s13 =	simm.s32 @!p0 $0xB  }
0x49: {  	_ =	swait.ge @!p0 [sflag:s13], $0x2800  }
0x4a: {  	[sflag:s13] =	ssyncset.done @!p0 $0x0  }
0x4b: {  	s14 =	simm.s32 @!p0 $0x2800;
	s15 =	rddreg [dreg:$0xb];
	[sflag:s13] =	ssyncadd.s32 @!p0 $0xFFFFD800  }
0x4c: {  	[tilespmem:s14], [sflag:$0xB] =	stream.linear.gather @!p0 [hbm4b:s15+s11], $0x2800, $0x38;
	[tilespmem:$0x1E000] =	vst v63  }
0x4d: {  	_ =	swait.ge @!p0 [sflag:s13], $0x2800  }
0x4e: {  	[sflag:s13] =	ssyncset.done @!p0 $0x0  }
0x4f: {  	[sflag:s13] =	ssyncadd.s32 @!p0 $0xFFFFD800;
	s13 =	simm.s32 $0x0  }
0x50: {  	v3 =	vld [tilespmem:s13+$0x0]  }
0x51: {  	v5 =	vld [tilespmem:s13+$0x10]  }
0x52: {  	v4 =	vld [tilespmem:s13+$0x20]  }
0x53: {  	v2 =	vld [tilespmem:s13+$0x30]  }
0x54: {  	v1 =	vld [tilespmem:s13+$0x40]  }
0x55: {  	v6 =	vshll.u32 v3, $0x1;
	v3 =	vld [tilespmem:s13+$0x50]  }
0x56: {  	s14 =	simm.s32 $0x200;
	[tilespmem:s13+$0x0] =	vst v6;
	v6 =	vshll.u32 v5, $0x1;
	v5 =	vld [tilespmem:s13+$0x60]  }
.LBB2_4:
0x57: {  	s11 =	sshra.s32 s14, $0x2;
	p1 =	sne.s32 s14, $0x9E00;
	[tilespmem:s13+$0x10] =	vst v6;
	v4 =	vshll.u32 v4, $0x1;
	v6 =	vld [tilespmem:s13+$0x70]  }
0x58: {  	v7 =	vld [tilespmem:s11+$0x0];
	[tilespmem:s13+$0x20] =	vst v4;
	v2 =	vshll.u32 v2, $0x1  }
0x59: {  	v8 =	vld [tilespmem:s11+$0x10];
	[tilespmem:s13+$0x30] =	vst v2;
	v1 =	vshll.u32 v1, $0x1  }
.Ltmp1:
0x5a: {  	v4 =	vld [tilespmem:s11+$0x20];
	[tilespmem:s13+$0x40] =	vst v1;
	v1 =	vshll.u32 v3, $0x1;
	(pc) =	sbr.rel @p1 .LBB2_4-.Ltmp1, $4  }
0x5b: {  	v2 =	vld [tilespmem:s11+$0x30];
	[tilespmem:s13+$0x50] =	vst v1;
	v3 =	vshll.u32 v5, $0x1  }
0x5c: {  	v1 =	vld [tilespmem:s11+$0x40];
	[tilespmem:s13+$0x60] =	vst v3;
	v5 =	vshll.u32 v6, $0x1  }
0x5d: {  	v6 =	vshll.u32 v7, $0x1;
	v3 =	vld [tilespmem:s11+$0x50];
	[tilespmem:s13+$0x70] =	vst v5;
	s13 =	smov.u32 s11  }
0x5e: {  	s14 =	sadd.s32 $0x200, s14;
	[tilespmem:s13+$0x0] =	vst v6;
	v6 =	vshll.u32 v8, $0x1;
	v5 =	vld [tilespmem:s13+$0x60]  }
0x5f: {  	[tilespmem:s13+$0x10] =	vst v6;
	v4 =	vshll.u32 v4, $0x1;
	v63 =	vld [tilespmem:s13+$0x70]  }
0x60: {  	[tilespmem:s13+$0x20] =	vst v4;
	v2 =	vshll.u32 v2, $0x1  }
0x61: {  	[tilespmem:s13+$0x30] =	vst v2;
	v1 =	vshll.u32 v1, $0x1  }
0x62: {  	[tilespmem:s13+$0x40] =	vst v1;
	v1 =	vshll.u32 v3, $0x1  }
0x63: {  	[tilespmem:s13+$0x50] =	vst v1;
	v1 =	vshll.u32 v5, $0x1  }
0x64: {  	[tilespmem:s13+$0x60] =	vst v1;
	v1 =	vshll.u32 v63, $0x1  }
0x65: {  	[tilespmem:s13+$0x70] =	vst v1;
	s13 =	simm.s32 $0x0  }
0x66: {  	[tilespmem:s19], [sflag:$0x1] =	stream.indirect.gather [hbm4b:s4+s21], $0x40, s13, s21, $0xb8;
	[tilespmem:$0x1E000] =	vst v63  }
0x67: {  	_ = 	snop  }
0x68: {  	[tilespmem:s22], [sflag:$0x2] =	stream.indirect.gather [hbm4b:s4+s21], $0x40, s21, s21, $0xb8;
	[tilespmem:$0x1E000] =	vst v63  }
0x69: {  	s11 =	simm.s32 $0x100  }
0x6a: {  	[tilespmem:s24], [sflag:$0x3] =	stream.indirect.gather [hbm4b:s4+s21], $0x40, s11, s21, $0xb8;
	[tilespmem:$0x1E000] =	vst v63  }
0x6b: {  	s16 =	simm.s32 $0x180  }
0x6c: {  	[tilespmem:s26], [sflag:$0x4] =	stream.indirect.gather [hbm4b:s4+s21], $0x40, s16, s21, $0xb8;
	[tilespmem:$0x1E000] =	vst v63  }
0x6d: {  	s17 =	simm.s32 $0x200;
	s14 =	simm.s32 $0x9  }
0x6e: {  	[tilespmem:s29], [sflag:$0x5] =	stream.indirect.gather [hbm4b:s4+s21], $0x40, s17, s21, $0xb8;
	[tilespmem:$0x1E000] =	vst v63  }
.LBB2_6:
0x6f: {  	_ =	swait.ge [sflag:s30], $0x2000  }
0x70: {  	s11 =	sshra.s32 s13, $0x2;
	[sflag:s30] =	ssyncset.done $0x0  }
0x71: {  	s15 =	sadd.s32 $0x2800, s11;
	[sflag:s30] =	ssyncadd.s32 $0xFFFFE000  }
0x72: {  	[spmem:s1] =	stream.indirect.scatter.add.f32 [tilespmem:s19], [sflag:$0x6], $0x40, s15, s21, $0xb8;
	[tilespmem:$0x1E000] =	vst v63  }
0x73: {  	_ =	swait.ge [sflag:s31], $0x2000  }
0x74: {  	[sflag:s31] =	ssyncset.done $0x0  }
0x75: {  	s16 =	sadd.s32 $0x2880, s11;
	[sflag:s31] =	ssyncadd.s32 $0xFFFFE000  }
0x76: {  	[spmem:s1] =	stream.indirect.scatter.add.f32 [tilespmem:s22], [sflag:$0x7], $0x40, s16, s21, $0xb8;
	[tilespmem:$0x1E000] =	vst v63  }
0x77: {  	_ =	swait.ge [sflag:s0], $0x2000  }
0x78: {  	[sflag:s0] =	ssyncset.done $0x0  }
0x79: {  	s17 =	sadd.s32 $0x2900, s11;
	[sflag:s0] =	ssyncadd.s32 $0xFFFFE000  }
0x7a: {  	[spmem:s1] =	stream.indirect.scatter.add.f32 [tilespmem:s24], [sflag:$0x8], $0x40, s17, s21, $0xb8;
	[tilespmem:$0x1E000] =	vst v63  }
0x7b: {  	_ =	swait.ge [sflag:s2], $0x2000  }
0x7c: {  	[sflag:s2] =	ssyncset.done $0x0  }
0x7d: {  	s16 =	sadd.s32 $0x2980, s11;
	[sflag:s2] =	ssyncadd.s32 $0xFFFFE000  }
0x7e: {  	[spmem:s1] =	stream.indirect.scatter.add.f32 [tilespmem:s26], [sflag:$0x9], $0x40, s16, s21, $0xb8;
	[tilespmem:$0x1E000] =	vst v63  }
0x7f: {  	_ =	swait.ge [sflag:s23], $0x2000  }
0x80: {  	[sflag:s23] =	ssyncset.done $0x0  }
0x81: {  	s11 =	sadd.s32 $0x2A00, s11;
	s17 =	sadd.s32 $0xFFFFFFFC, s14;
	[sflag:s23] =	ssyncadd.s32 $0xFFFFE000  }
0x82: {  	[spmem:s1] =	stream.indirect.scatter.add.f32 [tilespmem:s29], [sflag:$0xA], $0x40, s11, s21, $0xb8;
	[tilespmem:$0x1E000] =	vst v63  }
0x83: {  	p1 =	sge.u32 s17, s10;
	_ =	swait.ge [sflag:s25], $0x2000  }
0x84: {  	s15 =	simm.s32 @!p1 $0x80;
	s11 =	sshra.s32 @!p1 s13, $0x2;
	[sflag:s25] =	ssyncset.done $0x0  }
0x85: {  	s16 =	simm.s32 @!p1 $0x5000;
	s11 =	sadd.s32 @!p1 $0x280, s11;
	[sflag:s25] =	ssyncadd.s32 $0xFFFFE000  }
0x86: {  	[tilespmem:s16], [sflag:$0x1] =	stream.indirect.gather @!p1 [hbm4b:s4+s15], $0x40, s11, s15, $0xb8;
	[tilespmem:$0x1E000] =	vst v63  }
0x87: {  	s15 =	sadd.s32 $0xFFFFFFFD, s14  }
0x88: {  	_ =	swait.ge [sflag:s28], $0x2000;
	p1 =	sge.u32 s15, s10  }
0x89: {  	[sflag:s28] =	ssyncset.done $0x0;
	s11 =	sshra.s32 @!p1 s13, $0x2;
	s15 =	simm.s32 @!p1 $0x80  }
0x8a: {  	s16 =	simm.s32 @!p1 $0x7000;
	[sflag:s28] =	ssyncadd.s32 $0xFFFFE000;
	s11 =	sadd.s32 @!p1 $0x300, s11  }
0x8b: {  	[tilespmem:s16], [sflag:$0x2] =	stream.indirect.gather @!p1 [hbm4b:s4+s15], $0x40, s11, s15, $0xb8;
	[tilespmem:$0x1E000] =	vst v63  }
0x8c: {  	s16 =	sadd.s32 $0xFFFFFFFE, s14  }
0x8d: {  	s17 =	sadd.s32 $0xFFFFFFFF, s14;
	_ =	swait.ge [sflag:s6], $0x2000;
	p1 =	sge.u32 s16, s10  }
0x8e: {  	[sflag:s6] =	ssyncset.done $0x0;
	s11 =	sshra.s32 @!p1 s13, $0x2;
	s15 =	simm.s32 @!p1 $0x80  }
0x8f: {  	s16 =	simm.s32 @!p1 $0x9000;
	[sflag:s6] =	ssyncadd.s32 $0xFFFFE000;
	s11 =	sadd.s32 @!p1 $0x380, s11  }
0x90: {  	[tilespmem:s16], [sflag:$0x3] =	stream.indirect.gather @!p1 [hbm4b:s4+s15], $0x40, s11, s15, $0xb8;
	[tilespmem:$0x1E000] =	vst v63  }
0x91: {  	p1 =	sge.u32 s17, s10;
	_ =	swait.ge [sflag:s7], $0x2000  }
0x92: {  	s11 =	sshra.s32 @!p1 s13, $0x2;
	s15 =	simm.s32 @!p1 $0x80;
	[sflag:s7] =	ssyncset.done $0x0  }
0x93: {  	s16 =	simm.s32 @!p1 $0xB000;
	s11 =	sadd.s32 @!p1 $0x400, s11;
	[sflag:s7] =	ssyncadd.s32 $0xFFFFE000  }
0x94: {  	[tilespmem:s16], [sflag:$0x4] =	stream.indirect.gather @!p1 [hbm4b:s4+s15], $0x40, s11, s15, $0xb8;
	[tilespmem:$0x1E000] =	vst v63  }
0x95: {  	p1 =	sge.u32 s14, s10  }
0x96: {  	_ =	swait.ge [sflag:s8], $0x2000;
	s11 =	sshra.s32 @!p1 s13, $0x2;
	s15 =	simm.s32 @!p1 $0x80  }
0x97: {  	s16 =	simm.s32 @!p1 $0xD000;
	s13 =	sadd.s32 $0xA00, s13;
	[sflag:s8] =	ssyncset.done $0x0  }
0x98: {  	s11 =	sadd.s32 @!p1 $0x480, s11;
	s17 =	rddreg [dreg:$0x5];
	[sflag:s8] =	ssyncadd.s32 $0xFFFFE000  }
0x99: {  	[tilespmem:s16], [sflag:$0x5] =	stream.indirect.gather @!p1 [hbm4b:s4+s15], $0x40, s11, s15, $0xb8;
	[tilespmem:$0x1E000] =	vst v63  }
0x9a: {  	p1 =	sne.s32 s17, s13  }
.Ltmp2:
0x9b: {  	_ = 	snop;
	(pc) =	sbr.rel @p1 .LBB2_6-.Ltmp2, $2  }
0x9c: {  	_ =	sdelay $0x2  }
0x9d: {  	s14 =	sadd.s32 $0x5, s14  }
0x9e: {  	[bflag:$0x0] =	sbarrier.arrive $0xFFFF  }
0x9f: {  	[tilespmem:s9], [sflag:$0xB] =	stream.linear.gather [spmem:s5], $0x5000, $0x38;
	[tilespmem:$0x1E000] =	vst v63  }
0xa0: {  	_ =	swait.ge [sflag:s20], $0x5000  }
0xa1: {  	[sflag:s20] =	ssyncset.done $0x0  }
0xa2: {  	s11 =	rddreg [dreg:$0xe];
	[sflag:s20] =	ssyncadd.s32 $0xFFFFB000  }
0xa3: {  	[hbm4b:s11+s12] =	stream.strided.scatter [tilespmem:s9], [sflag:$0xB], $0x5000, s21, s12, $0x38;
	[tilespmem:$0x1E000] =	vst v63  }
0xa4: {  	_ =	swait.ge [sflag:s20], $0x5000  }
0xa5: {  	[sflag:s20] =	ssyncset.done $0x0  }
0xa6: {  	s16 =	rddreg [dreg:$0xf];
	[sflag:s20] =	ssyncadd.s32 $0xFFFFB000  }
0xa7: {  	[tilespmem:s9], [sflag:$0xB] =	stream.linear.gather [spmem:s16], $0x5000, $0x38;
	[tilespmem:$0x1E000] =	vst v63  }
0xa8: {  	s3 =	sadd.s32 $0x1, s3;
	_ =	swait.ge [sflag:s20], $0x5000  }
0xa9: {  	p1 =	sne.s32 s3, s18;
	[sflag:s20] =	ssyncset.done $0x0  }
.Ltmp3:
0xaa: {  	s17 =	rddreg [dreg:$0x10];
	[sflag:s20] =	ssyncadd.s32 $0xFFFFB000;
	(pc) =	sbr.rel @p1 .LBB2_1-.Ltmp3, $4  }
0xab: {  	[hbm4b:s17+s12] =	stream.strided.scatter [tilespmem:s9], [sflag:$0xB], $0x5000, s21, s12, $0x38;
	[tilespmem:$0x1E000] =	vst v63  }
0xac: {  	_ =	swait.ge [sflag:s20], $0x5000  }
0xad: {  	[sflag:s20] =	ssyncset.done $0x0  }
0xae: {  	[sflag:s20] =	ssyncadd.s32 $0xFFFFB000  }
0xaf: {  	_ =	sfence.sel $0x180000  }
0xb0: {  	[bflag:$0x0] =	sbarrier.arrive $0xFFFF  }
0xb1: {  	_ =	strace $0x90000050  }
0xb2: {  	s0 =	stileid.u32;
	[bflag:$0x2] =	sbarrier.arrive $0xFFFF  }
0xb3: {  	p0 =	sne.s32 s0, $0x0;
	s0 =	rddreg [dreg:$0x4]  }
0xb4: {  	s0 =	sadd.s32 @!p0 $0x100000, s0  }
0xb5: {  	[sflag:s0] =	ssyncadd.tile.s32 @!p0 $0x1;
	_ =	shalt  }
.Lfunc_end2:
_tile_overlayer_lowered:
.L_overlay_start_2:
0xb6: {  	(tag) =	ssettag $0x2  }
0xb7: {  	s0 =	rddreg [dreg:$0x0];
	s2 =	stileid.u32  }
0xb8: {  	s1 =	rddreg [dreg:$0x1];
	p0 =	sne.s32 s2, $0x0  }
0xb9: {  	s3 =	rddreg [dreg:$0x2];
	[bflag:$0x3] =	sbarrier.arrive $0xFFFF;
	s2 =	simm.s32 @!p0 $0x1C0B  }
0xba: {  	[timem:s3], [sflag:s2] =	dma.local @!p0 [hbm:s0], s1  }
0xbb: {  	s0 =	simm.s32 @!p0 $0xB  }
0xbc: {  	_ =	swait.ge @!p0 [sflag:s0], s1  }
0xbd: {  	s1 =	ssub.s32 @!p0 $0x0, s1;
	[sflag:s0] =	ssyncset.done @!p0 $0x0  }
0xbe: {  	[sflag:s0] =	ssyncadd.s32 @!p0 s1  }
0xbf: {  	[bflag:$0x3] =	sbarrier.arrive $0xFFFF  }
0xc0: {  	_ =	shalt  }

</sc_bundles>
